<compile_context>
chip_gen: v7x
topology: tpu7x:2x2x1
jax: 0.10.2.dev20260603
libtpu: 0.0.44.dev20260713+nightly
codegen_flags: <defaults>
</compile_context>

<pallas_src>
import functools

import jax
import jax.numpy as jnp
from jax import lax
from jax.experimental import pallas as pl
from jax.experimental.pallas import tpu as pltpu
from jax.experimental.pallas import tpu_sc as plsc

_MARGIN = 0.03
_K1 = 20
_K2 = 6
_LAMBDA = 0.3
_N = 128


def _pairwise_body(x_ref, d_ref):
    x = x_ref[:]
    x2 = jnp.sum(x * x, axis=1, keepdims=True)
    g = jax.lax.dot_general(
        x, x, (((1,), (1,)), ((), ())), preferred_element_type=jnp.float32
    )
    d_ref[:] = jnp.maximum(x2 + x2.T - 2.0 * g, 0.0)


_sc_mesh = plsc.VectorSubcoreMesh(core_axis_name="c", subcore_axis_name="s")


@functools.partial(
    pl.kernel,
    out_type=jax.ShapeDtypeStruct((_N, _N), jnp.int32),
    mesh=_sc_mesh,
    scratch_types=[
        pltpu.VMEM((4, _N), jnp.float32),
        pltpu.VMEM((4, _N), jnp.int32),
    ],
)
def _rank_sc(d_hbm, out_hbm, rows_v, rank_v):
    wid = lax.axis_index("s") * 2 + lax.axis_index("c")
    base = wid * 4
    pltpu.sync_copy(d_hbm.at[pl.ds(base, 4)], rows_v)
    jio = [
        lax.broadcasted_iota(jnp.int32, (16,), 0) + jc * 16 for jc in range(8)
    ]
    def row_body(r, carry):
        dj = [rows_v[r, pl.ds(jc * 16, 16)] for jc in range(8)]

        def body(kc, accs):
            vk = rows_v[r, pl.ds(kc * 16, 16)]
            out = list(accs)
            for l in range(16):
                s = vk[l]
                kg = kc * 16 + l
                for jc in range(8):
                    lt = s < dj[jc]
                    tie = (s == dj[jc]) & (kg < jio[jc])
                    out[jc] = out[jc] + jnp.where(lt | tie, 1, 0).astype(
                        jnp.int32
                    )
            return tuple(out)

        accs = lax.fori_loop(
            0,
            8,
            body,
            tuple(jnp.zeros((16,), jnp.int32) for _ in range(8)),
        )
        for jc in range(8):
            rank_v[r, pl.ds(jc * 16, 16)] = accs[jc]
        return carry

    lax.fori_loop(0, 4, row_body, 0)
    pltpu.sync_copy(rank_v, out_hbm.at[pl.ds(base, 4)])


def _rest_body(d_ref, rank_ref, t_ref, loss_ref, final_ref, ap_ref, an_ref):
    n = final_ref.shape[0]
    d = d_ref[:]
    rank = rank_ref[:].astype(jnp.float32)

    t21 = jnp.where(rank < float(_K1 + 1), 1.0, 0.0)
    t11 = jnp.where(rank < float(round(_K1 / 2.0) + 1), 1.0, 0.0)
    m_f = t21 * t21.T
    mh_f = t11 * t11.T

    cnt = jnp.sum(mh_f, axis=1)
    min_req = jnp.floor(cnt * (2.0 / 3.0)) + 1.0
    inter = jax.lax.dot_general(
        m_f, mh_f, (((1,), (1,)), ((), ())), preferred_element_type=jnp.float32
    )
    cond_f = jnp.where(inter >= min_req[None, :], m_f, 0.0)
    spread = jnp.dot(cond_f, mh_f, preferred_element_type=jnp.float32)

    w = jnp.where(m_f + spread > 0.0, jnp.exp(-d), 0.0)
    v = w / jnp.sum(w, axis=1, keepdims=True)
    a6 = jnp.where(rank < float(_K2), 1.0, 0.0)
    v2 = jnp.dot(a6, v, preferred_element_type=jnp.float32) * (1.0 / _K2)

    ckk = 8
    cols = []
    for c in range(0, n, ckk):
        vc = v2[c : c + ckk, :]
        cols.append(
            jnp.sum(jnp.minimum(v2[:, None, :], vc[None, :, :]), axis=2)
        )
    tmin = jnp.concatenate(cols, axis=1)
    jac = 1.0 - tmin / (2.0 - tmin)
    final = jac * (1.0 - _LAMBDA) + d * _LAMBDA
    final_ref[:] = final

    t = t_ref[:]
    same = t.T == t
    ap = jnp.max(jnp.where(same, final, jnp.float32(-jnp.inf)), axis=1)
    an = jnp.min(jnp.where(same, jnp.float32(jnp.inf), final), axis=1)
    ap_ref[:] = ap[None, :]
    an_ref[:] = an[None, :]
    loss_ref[:] = jnp.mean(jnp.maximum(ap - an + _MARGIN, 0.0)).reshape(1, 1)


@jax.jit
def _rerank(inputs, targets):
    n = inputs.shape[0]
    d = pl.pallas_call(
        _pairwise_body,
        out_shape=jax.ShapeDtypeStruct((n, n), jnp.float32),
    )(inputs)
    rank = _rank_sc(d)
    loss, final, ap, an = pl.pallas_call(
        _rest_body,
        out_shape=[
            jax.ShapeDtypeStruct((1, 1), jnp.float32),
            jax.ShapeDtypeStruct((n, n), jnp.float32),
            jax.ShapeDtypeStruct((1, n), jnp.float32),
            jax.ShapeDtypeStruct((1, n), jnp.float32),
        ],
    )(d, rank, targets.reshape(1, n).astype(jnp.int32))
    return loss[0, 0], final, ap[0], an[0]


def kernel(inputs, targets):
    return _rerank(inputs, targets)

# --- scband reference (transcript-rebuilt; emitter-appended) ---
"""Pipeline reference for scband-rerank-loss-17721035064051 (READ-ONLY COPY).

The authoritative reference and input builder live on the scoring server;
editing this copy changes nothing except your own understanding.
"""

import jax, jax.numpy as jnp
import numpy as np

MARGIN = 0.03
K1 = 20
K2 = 6
LAMBDA = 0.3


def _pairwise_np(x):
    x2 = (x * x).sum(1, keepdims=True)
    d = x2 + x2.T - 2.0 * (x @ x.T)
    return np.maximum(d, 0.0)


def _pairwise_jnp(x):
    x2 = jnp.sum(x * x, axis=1, keepdims=True)
    d = x2 + x2.T - 2.0 * (x @ x.T)
    return jnp.maximum(d, 0.0)


def _precompute(inputs, k1, query_num):
    # concrete (non-differentiable) index structures: argsort + k-reciprocal expansion
    feats = jnp.concatenate([inputs, inputs], 0)
    dist = _pairwise_jnp(feats)
    all_num = dist.shape[0]
    max_val = jnp.max(dist)
    dist_rank = dist.at[:, query_num:].set(max_val)  # eval_type=True branch
    initial_rank = jnp.argsort(dist_rank, axis=1)
    half = int(round(k1 / 2.0)) + 1
    min_req = jnp.asarray(
        [int(np.floor((2.0 / 3.0) * c)) + 1 for c in range(half + 1)],
        dtype=jnp.int32,
    )

    def row_expansion(i):
        fwd = initial_rank[i, :k1 + 1]
        bwd = initial_rank[fwd, :k1 + 1]
        m = jnp.any(bwd == i, axis=1)
        kr = jnp.zeros((all_num,), dtype=bool).at[fwd].set(m)

        def cand_expansion(p):
            cand = fwd[p]
            cfwd = initial_rank[cand, :half]
            cbwd = initial_rank[cfwd, :half]
            cm = jnp.any(cbwd == cand, axis=1)
            ck = jnp.zeros((all_num,), dtype=bool).at[cfwd].set(cm)
            inter = jnp.sum((cm & kr[cfwd]).astype(jnp.int32))
            ck_count = jnp.sum(cm.astype(jnp.int32))
            cond = (inter >= min_req[ck_count]) & m[p]
            return ck & cond

        cand_masks = jax.vmap(cand_expansion)(jnp.arange(k1 + 1))
        return kr | jnp.any(cand_masks, axis=0)

    exp_mask = jax.vmap(row_expansion)(jnp.arange(all_num))
    return initial_rank, exp_mask


def _final_dist(inputs, initial_rank, exp_mask, k2, lam):
    n = inputs.shape[0]
    query_num = n
    feats = jnp.concatenate([inputs, inputs], 0)
    dist = _pairwise_jnp(feats)
    original_dist = dist.T
    w = jnp.where(exp_mask, jnp.exp(-original_dist), 0.0)
    V = jnp.where(exp_mask, w / jnp.sum(w, axis=1, keepdims=True), 0.0)
    od_q = original_dist[:query_num, :]
    if k2 != 1:
        V = V[initial_rank[:, :k2]].mean(axis=1)  # query expansion
    rows = []
    for i in range(query_num):
        # equivalent to the invIndex temp_min accumulation: zero entries contribute 0
        tm = jnp.sum(jnp.minimum(V[i][None, :], V), axis=1)
        rows.append(1.0 - tm / (2.0 - tm))
    jaccard = jnp.stack(rows, 0)
    final = jaccard * (1.0 - lam) + od_q * lam
    return final[:query_num, query_num:]


def setup_inputs(seed: int = 0):
    key = jax.random.key(seed)
    k1, k2 = jax.random.split(key)
    inputs = jax.random.normal(k1, (128, 2048), dtype=jnp.float32)
    targets = jax.random.randint(k2, (128,), 0, 16, dtype=jnp.int32)
    return {"inputs": inputs, "targets": targets}


def reference(inputs, targets):
    n = inputs.shape[0]
    initial_rank, exp_mask = _precompute(inputs, K1, n)
    final = _final_dist(inputs, initial_rank, exp_mask, K2, LAMBDA)
    mask = (targets[:, None] == targets[None, :])
    dist_ap = jnp.max(jnp.where(mask, final, -jnp.inf), axis=1)
    dist_an = jnp.min(jnp.where(mask, jnp.inf, final), axis=1)
    # MarginRankingLoss(dist_an, dist_ap, y=1) = mean(max(0, dist_ap - dist_an + margin))
    loss = jnp.mean(jnp.maximum(dist_ap - dist_an + MARGIN, 0.0))
    return (loss, final, dist_ap, dist_an)

if __name__ == "__main__":
    import jax
    _d = setup_inputs()
    print(jax.jit(kernel)(*tuple(_d.values())))

</pallas_src>

<mosaic_0001>
#map = affine_map<(d0, d1) -> (0, 0)>
module attributes {stable_mosaic.version = 14 : i64} {
  func.func @_rank_sc(%arg0: i32, %arg1: i32, %arg2: memref<128x128xf32, #tpu.memory_space<hbm>>, %arg3: memref<128x128xi32, #tpu.memory_space<hbm>>, %arg4: memref<4x128xf32, #tpu.memory_space<vmem>>, %arg5: memref<4x128xi32, #tpu.memory_space<vmem>>) attributes {dimension_semantics = [#tpu.dimension_semantics<core_parallel>, #tpu.dimension_semantics<subcore_parallel>], iteration_bounds = array<i64: 2, 16>, scalar_prefetch = 0 : i64, scratch_operands = 2 : i64, tpu.core_type = #tpu.core_type<sc_vector_subcore>, window_params = [{transform_indices = #map}, {transform_indices = #map}]} {
    %mul3A = arith.constant 2 : i32
    %mul3A_0 = arith.muli %arg1, %mul3A : i32
    %add3A = arith.addi %mul3A_0, %arg0 : i32
    %mul3A_1 = arith.constant 4 : i32
    %mul3A_2 = arith.muli %add3A, %mul3A_1 : i32
    "tpu.region"() ({
      %run_scoped3A = tpu.sem_alloc : memref<!tpu.dma_semaphore, #tpu.memory_space<semaphore_mem>>
      %dma_start3A = arith.constant 0 : i32
      %dma_start3A_39 = tpu.memref_slice %arg2[%mul3A_2, %dma_start3A] : memref<128x128xf32, #tpu.memory_space<hbm>> -> memref<4x128xf32, #tpu.memory_space<hbm>>
      %dma_start3A_40 = arith.constant 0 : i32
      %dma_start3A_41 = tpu.memref_slice %arg2[%mul3A_2, %dma_start3A_40] : memref<128x128xf32, #tpu.memory_space<hbm>> -> memref<4x128xf32, #tpu.memory_space<hbm>>
      tpu.enqueue_dma source(%dma_start3A_41 : memref<4x128xf32, #tpu.memory_space<hbm>>) target(%arg4 : memref<4x128xf32, #tpu.memory_space<vmem>>) target_semaphore(%run_scoped3A : memref<!tpu.dma_semaphore, #tpu.memory_space<semaphore_mem>>)
      %dma_wait3A = arith.constant 0 : i32
      %dma_wait3A_42 = tpu.memref_slice %arg2[%mul3A_2, %dma_wait3A] : memref<128x128xf32, #tpu.memory_space<hbm>> -> memref<4x128xf32, #tpu.memory_space<hbm>>
      %dma_wait3A_43 = arith.constant 0 : i32
      %dma_wait3A_44 = tpu.memref_slice %arg2[%mul3A_2, %dma_wait3A_43] : memref<128x128xf32, #tpu.memory_space<hbm>> -> memref<4x128xf32, #tpu.memory_space<hbm>>
      tpu.wait_dma2 semaphore(%run_scoped3A : memref<!tpu.dma_semaphore, #tpu.memory_space<semaphore_mem>>) src(%dma_wait3A_44 : memref<4x128xf32, #tpu.memory_space<hbm>>) dst(%arg4 : memref<4x128xf32, #tpu.memory_space<vmem>>)
      tpu.yield
    }) : () -> ()
    %iota3A = tpu.iota {dimensions = array<i32: 0>} : vector<16xi32>
    %add3A_3 = arith.constant 0 : i32
    %add3A_4 = vector.broadcast %add3A_3 : i32 to vector<16xi32>
    %add3A_5 = arith.addi %iota3A, %add3A_4 : vector<16xi32>
    %iota3A_6 = tpu.iota {dimensions = array<i32: 0>} : vector<16xi32>
    %add3A_7 = arith.constant 16 : i32
    %add3A_8 = vector.broadcast %add3A_7 : i32 to vector<16xi32>
    %add3A_9 = arith.addi %iota3A_6, %add3A_8 : vector<16xi32>
    %iota3A_10 = tpu.iota {dimensions = array<i32: 0>} : vector<16xi32>
    %add3A_11 = arith.constant 32 : i32
    %add3A_12 = vector.broadcast %add3A_11 : i32 to vector<16xi32>
    %add3A_13 = arith.addi %iota3A_10, %add3A_12 : vector<16xi32>
    %iota3A_14 = tpu.iota {dimensions = array<i32: 0>} : vector<16xi32>
    %add3A_15 = arith.constant 48 : i32
    %add3A_16 = vector.broadcast %add3A_15 : i32 to vector<16xi32>
    %add3A_17 = arith.addi %iota3A_14, %add3A_16 : vector<16xi32>
    %iota3A_18 = tpu.iota {dimensions = array<i32: 0>} : vector<16xi32>
    %add3A_19 = arith.constant 64 : i32
    %add3A_20 = vector.broadcast %add3A_19 : i32 to vector<16xi32>
    %add3A_21 = arith.addi %iota3A_18, %add3A_20 : vector<16xi32>
    %iota3A_22 = tpu.iota {dimensions = array<i32: 0>} : vector<16xi32>
    %add3A_23 = arith.constant 80 : i32
    %add3A_24 = vector.broadcast %add3A_23 : i32 to vector<16xi32>
    %add3A_25 = arith.addi %iota3A_22, %add3A_24 : vector<16xi32>
    %iota3A_26 = tpu.iota {dimensions = array<i32: 0>} : vector<16xi32>
    %add3A_27 = arith.constant 96 : i32
    %add3A_28 = vector.broadcast %add3A_27 : i32 to vector<16xi32>
    %add3A_29 = arith.addi %iota3A_26, %add3A_28 : vector<16xi32>
    %iota3A_30 = tpu.iota {dimensions = array<i32: 0>} : vector<16xi32>
    %add3A_31 = arith.constant 112 : i32
    %add3A_32 = vector.broadcast %add3A_31 : i32 to vector<16xi32>
    %add3A_33 = arith.addi %iota3A_30, %add3A_32 : vector<16xi32>
    %scan3A = arith.constant 0 : i32
    %scan3A_34 = arith.constant 0 : i32
    %scan3A_35 = arith.constant 4 : i32
    %scan3A_36 = arith.addi %scan3A_34, %scan3A_35 : i32
    %scan3A_37 = arith.constant 1 : i32
    scf.for %scan3A_39 = %scan3A_34 to %scan3A_36 step %scan3A_37  : i32 {
      %get3A = arith.index_cast %scan3A_39 : i32 to index
      %get3A_40 = arith.constant 0 : index
      %get3A_41 = tpu.vector_load %arg4[%get3A, %get3A_40] {strides = array<i32>} : memref<4x128xf32, #tpu.memory_space<vmem>>, vector<1x16xf32>,
      %get3A_42 = vector.shape_cast %get3A_41 : vector<1x16xf32> to vector<16xf32>
      %get3A_43 = arith.index_cast %scan3A_39 : i32 to index
      %get3A_44 = arith.constant 16 : index
      %get3A_45 = tpu.vector_load %arg4[%get3A_43, %get3A_44] {strides = array<i32>} : memref<4x128xf32, #tpu.memory_space<vmem>>, vector<1x16xf32>,
      %get3A_46 = vector.shape_cast %get3A_45 : vector<1x16xf32> to vector<16xf32>
      %get3A_47 = arith.index_cast %scan3A_39 : i32 to index
      %get3A_48 = arith.constant 32 : index
      %get3A_49 = tpu.vector_load %arg4[%get3A_47, %get3A_48] {strides = array<i32>} : memref<4x128xf32, #tpu.memory_space<vmem>>, vector<1x16xf32>,
      %get3A_50 = vector.shape_cast %get3A_49 : vector<1x16xf32> to vector<16xf32>
      %get3A_51 = arith.index_cast %scan3A_39 : i32 to index
      %get3A_52 = arith.constant 48 : index
      %get3A_53 = tpu.vector_load %arg4[%get3A_51, %get3A_52] {strides = array<i32>} : memref<4x128xf32, #tpu.memory_space<vmem>>, vector<1x16xf32>,
      %get3A_54 = vector.shape_cast %get3A_53 : vector<1x16xf32> to vector<16xf32>
      %get3A_55 = arith.index_cast %scan3A_39 : i32 to index
      %get3A_56 = arith.constant 64 : index
      %get3A_57 = tpu.vector_load %arg4[%get3A_55, %get3A_56] {strides = array<i32>} : memref<4x128xf32, #tpu.memory_space<vmem>>, vector<1x16xf32>,
      %get3A_58 = vector.shape_cast %get3A_57 : vector<1x16xf32> to vector<16xf32>
      %get3A_59 = arith.index_cast %scan3A_39 : i32 to index
      %get3A_60 = arith.constant 80 : index
      %get3A_61 = tpu.vector_load %arg4[%get3A_59, %get3A_60] {strides = array<i32>} : memref<4x128xf32, #tpu.memory_space<vmem>>, vector<1x16xf32>,
      %get3A_62 = vector.shape_cast %get3A_61 : vector<1x16xf32> to vector<16xf32>
      %get3A_63 = arith.index_cast %scan3A_39 : i32 to index
      %get3A_64 = arith.constant 96 : index
      %get3A_65 = tpu.vector_load %arg4[%get3A_63, %get3A_64] {strides = array<i32>} : memref<4x128xf32, #tpu.memory_space<vmem>>, vector<1x16xf32>,
      %get3A_66 = vector.shape_cast %get3A_65 : vector<1x16xf32> to vector<16xf32>
      %get3A_67 = arith.index_cast %scan3A_39 : i32 to index
      %get3A_68 = arith.constant 112 : index
      %get3A_69 = tpu.vector_load %arg4[%get3A_67, %get3A_68] {strides = array<i32>} : memref<4x128xf32, #tpu.memory_space<vmem>>, vector<1x16xf32>,
      %get3A_70 = vector.shape_cast %get3A_69 : vector<1x16xf32> to vector<16xf32>
      %broadcast_in_dim3A = arith.constant 0 : i32
      %broadcast_in_dim3A_71 = vector.broadcast %broadcast_in_dim3A : i32 to vector<16xi32>
      %broadcast_in_dim3A_72 = arith.constant 0 : i32
      %broadcast_in_dim3A_73 = vector.broadcast %broadcast_in_dim3A_72 : i32 to vector<16xi32>
      %broadcast_in_dim3A_74 = arith.constant 0 : i32
      %broadcast_in_dim3A_75 = vector.broadcast %broadcast_in_dim3A_74 : i32 to vector<16xi32>
      %broadcast_in_dim3A_76 = arith.constant 0 : i32
      %broadcast_in_dim3A_77 = vector.broadcast %broadcast_in_dim3A_76 : i32 to vector<16xi32>
      %broadcast_in_dim3A_78 = arith.constant 0 : i32
      %broadcast_in_dim3A_79 = vector.broadcast %broadcast_in_dim3A_78 : i32 to vector<16xi32>
      %broadcast_in_dim3A_80 = arith.constant 0 : i32
      %broadcast_in_dim3A_81 = vector.broadcast %broadcast_in_dim3A_80 : i32 to vector<16xi32>
      %broadcast_in_dim3A_82 = arith.constant 0 : i32
      %broadcast_in_dim3A_83 = vector.broadcast %broadcast_in_dim3A_82 : i32 to vector<16xi32>
      %broadcast_in_dim3A_84 = arith.constant 0 : i32
      %broadcast_in_dim3A_85 = vector.broadcast %broadcast_in_dim3A_84 : i32 to vector<16xi32>
      %scan3A_86 = arith.constant 0 : i32
      %scan3A_87 = arith.constant 8 : i32
      %scan3A_88 = arith.addi %scan3A_86, %scan3A_87 : i32
      %scan3A_89 = arith.constant 1 : i32
      %scan3A_90:8 = scf.for %scan3A_131 = %scan3A_86 to %scan3A_88 step %scan3A_89 iter_args(%scan3A_132 = %broadcast_in_dim3A_71, %scan3A_133 = %broadcast_in_dim3A_73, %scan3A_134 = %broadcast_in_dim3A_75, %scan3A_135 = %broadcast_in_dim3A_77, %scan3A_136 = %broadcast_in_dim3A_79, %scan3A_137 = %broadcast_in_dim3A_81, %scan3A_138 = %broadcast_in_dim3A_83, %scan3A_139 = %broadcast_in_dim3A_85) -> (vector<16xi32>, vector<16xi32>, vector<16xi32>, vector<16xi32>, vector<16xi32>, vector<16xi32>, vector<16xi32>, vector<16xi32>)  : i32 {
        %mul3A_140 = arith.constant 16 : i32
        %mul3A_141 = arith.muli %scan3A_131, %mul3A_140 : i32
        %get3A_142 = arith.index_cast %scan3A_39 : i32 to index
        %get3A_143 = arith.index_cast %mul3A_141 : i32 to index
        %get3A_144 = tpu.vector_load %arg4[%get3A_142, %get3A_143] {strides = array<i32>} : memref<4x128xf32, #tpu.memory_space<vmem>>, vector<1x16xf32>,
        %get3A_145 = vector.shape_cast %get3A_144 : vector<1x16xf32> to vector<16xf32>
        %slice3A = vector.extract_strided_slice %get3A_145 {offsets = [0], sizes = [1], strides = [1]} : vector<16xf32> to vector<1xf32>
        %squeeze3A = vector.extract %slice3A[0] : f32 from vector<1xf32>
        %mul3A_146 = arith.constant 16 : i32
        %mul3A_147 = arith.muli %scan3A_131, %mul3A_146 : i32
        %add3A_148 = arith.constant 0 : i32
        %add3A_149 = arith.addi %mul3A_147, %add3A_148 : i32
        %lt3A = vector.broadcast %squeeze3A : f32 to vector<16xf32>
        %lt3A_150 = arith.cmpf olt, %lt3A, %get3A_42 : vector<16xf32>
        %eq3A = vector.broadcast %squeeze3A : f32 to vector<16xf32>
        %eq3A_151 = arith.cmpf oeq, %eq3A, %get3A_42 : vector<16xf32>
        %lt3A_152 = vector.broadcast %add3A_149 : i32 to vector<16xi32>
        %lt3A_153 = arith.cmpi slt, %lt3A_152, %add3A_5 : vector<16xi32>
        %and3A = arith.andi %eq3A_151, %lt3A_153 : vector<16xi1>
        %or3A = arith.ori %lt3A_150, %and3A : vector<16xi1>
        %jit3A = arith.constant 1 : i32
        %jit3A_154 = arith.constant 0 : i32
        %broadcast_in_dim3A_155 = vector.broadcast %jit3A : i32 to vector<16xi32>
        %broadcast_in_dim3A_156 = vector.broadcast %jit3A_154 : i32 to vector<16xi32>
        %select_n3A = arith.select %or3A, %broadcast_in_dim3A_155, %broadcast_in_dim3A_156 : vector<16xi1>, vector<16xi32>
        %add3A_157 = arith.addi %scan3A_132, %select_n3A : vector<16xi32>
        %lt3A_158 = vector.broadcast %squeeze3A : f32 to vector<16xf32>
        %lt3A_159 = arith.cmpf olt, %lt3A_158, %get3A_46 : vector<16xf32>
        %eq3A_160 = vector.broadcast %squeeze3A : f32 to vector<16xf32>
        %eq3A_161 = arith.cmpf oeq, %eq3A_160, %get3A_46 : vector<16xf32>
        %lt3A_162 = vector.broadcast %add3A_149 : i32 to vector<16xi32>
        %lt3A_163 = arith.cmpi slt, %lt3A_162, %add3A_9 : vector<16xi32>
        %and3A_164 = arith.andi %eq3A_161, %lt3A_163 : vector<16xi1>
        %or3A_165 = arith.ori %lt3A_159, %and3A_164 : vector<16xi1>
        %jit3A_166 = arith.constant 1 : i32
        %jit3A_167 = arith.constant 0 : i32
        %broadcast_in_dim3A_168 = vector.broadcast %jit3A_166 : i32 to vector<16xi32>
        %broadcast_in_dim3A_169 = vector.broadcast %jit3A_167 : i32 to vector<16xi32>
        %select_n3A_170 = arith.select %or3A_165, %broadcast_in_dim3A_168, %broadcast_in_dim3A_169 : vector<16xi1>, vector<16xi32>
        %add3A_171 = arith.addi %scan3A_133, %select_n3A_170 : vector<16xi32>
        %lt3A_172 = vector.broadcast %squeeze3A : f32 to vector<16xf32>
        %lt3A_173 = arith.cmpf olt, %lt3A_172, %get3A_50 : vector<16xf32>
        %eq3A_174 = vector.broadcast %squeeze3A : f32 to vector<16xf32>
        %eq3A_175 = arith.cmpf oeq, %eq3A_174, %get3A_50 : vector<16xf32>
        %lt3A_176 = vector.broadcast %add3A_149 : i32 to vector<16xi32>
        %lt3A_177 = arith.cmpi slt, %lt3A_176, %add3A_13 : vector<16xi32>
        %and3A_178 = arith.andi %eq3A_175, %lt3A_177 : vector<16xi1>
        %or3A_179 = arith.ori %lt3A_173, %and3A_178 : vector<16xi1>
        %jit3A_180 = arith.constant 1 : i32
        %jit3A_181 = arith.constant 0 : i32
        %broadcast_in_dim3A_182 = vector.broadcast %jit3A_180 : i32 to vector<16xi32>
        %broadcast_in_dim3A_183 = vector.broadcast %jit3A_181 : i32 to vector<16xi32>
        %select_n3A_184 = arith.select %or3A_179, %broadcast_in_dim3A_182, %broadcast_in_dim3A_183 : vector<16xi1>, vector<16xi32>
        %add3A_185 = arith.addi %scan3A_134, %select_n3A_184 : vector<16xi32>
        %lt3A_186 = vector.broadcast %squeeze3A : f32 to vector<16xf32>
        %lt3A_187 = arith.cmpf olt, %lt3A_186, %get3A_54 : vector<16xf32>
        %eq3A_188 = vector.broadcast %squeeze3A : f32 to vector<16xf32>
        %eq3A_189 = arith.cmpf oeq, %eq3A_188, %get3A_54 : vector<16xf32>
        %lt3A_190 = vector.broadcast %add3A_149 : i32 to vector<16xi32>
        %lt3A_191 = arith.cmpi slt, %lt3A_190, %add3A_17 : vector<16xi32>
        %and3A_192 = arith.andi %eq3A_189, %lt3A_191 : vector<16xi1>
        %or3A_193 = arith.ori %lt3A_187, %and3A_192 : vector<16xi1>
        %jit3A_194 = arith.constant 1 : i32
        %jit3A_195 = arith.constant 0 : i32
        %broadcast_in_dim3A_196 = vector.broadcast %jit3A_194 : i32 to vector<16xi32>
        %broadcast_in_dim3A_197 = vector.broadcast %jit3A_195 : i32 to vector<16xi32>
        %select_n3A_198 = arith.select %or3A_193, %broadcast_in_dim3A_196, %broadcast_in_dim3A_197 : vector<16xi1>, vector<16xi32>
        %add3A_199 = arith.addi %scan3A_135, %select_n3A_198 : vector<16xi32>
        %lt3A_200 = vector.broadcast %squeeze3A : f32 to vector<16xf32>
        %lt3A_201 = arith.cmpf olt, %lt3A_200, %get3A_58 : vector<16xf32>
        %eq3A_202 = vector.broadcast %squeeze3A : f32 to vector<16xf32>
        %eq3A_203 = arith.cmpf oeq, %eq3A_202, %get3A_58 : vector<16xf32>
        %lt3A_204 = vector.broadcast %add3A_149 : i32 to vector<16xi32>
        %lt3A_205 = arith.cmpi slt, %lt3A_204, %add3A_21 : vector<16xi32>
        %and3A_206 = arith.andi %eq3A_203, %lt3A_205 : vector<16xi1>
        %or3A_207 = arith.ori %lt3A_201, %and3A_206 : vector<16xi1>
        %jit3A_208 = arith.constant 1 : i32
        %jit3A_209 = arith.constant 0 : i32
        %broadcast_in_dim3A_210 = vector.broadcast %jit3A_208 : i32 to vector<16xi32>
        %broadcast_in_dim3A_211 = vector.broadcast %jit3A_209 : i32 to vector<16xi32>
        %select_n3A_212 = arith.select %or3A_207, %broadcast_in_dim3A_210, %broadcast_in_dim3A_211 : vector<16xi1>, vector<16xi32>
        %add3A_213 = arith.addi %scan3A_136, %select_n3A_212 : vector<16xi32>
        %lt3A_214 = vector.broadcast %squeeze3A : f32 to vector<16xf32>
        %lt3A_215 = arith.cmpf olt, %lt3A_214, %get3A_62 : vector<16xf32>
        %eq3A_216 = vector.broadcast %squeeze3A : f32 to vector<16xf32>
        %eq3A_217 = arith.cmpf oeq, %eq3A_216, %get3A_62 : vector<16xf32>
        %lt3A_218 = vector.broadcast %add3A_149 : i32 to vector<16xi32>
        %lt3A_219 = arith.cmpi slt, %lt3A_218, %add3A_25 : vector<16xi32>
        %and3A_220 = arith.andi %eq3A_217, %lt3A_219 : vector<16xi1>
        %or3A_221 = arith.ori %lt3A_215, %and3A_220 : vector<16xi1>
        %jit3A_222 = arith.constant 1 : i32
        %jit3A_223 = arith.constant 0 : i32
        %broadcast_in_dim3A_224 = vector.broadcast %jit3A_222 : i32 to vector<16xi32>
        %broadcast_in_dim3A_225 = vector.broadcast %jit3A_223 : i32 to vector<16xi32>
        %select_n3A_226 = arith.select %or3A_221, %broadcast_in_dim3A_224, %broadcast_in_dim3A_225 : vector<16xi1>, vector<16xi32>
        %add3A_227 = arith.addi %scan3A_137, %select_n3A_226 : vector<16xi32>
        %lt3A_228 = vector.broadcast %squeeze3A : f32 to vector<16xf32>
        %lt3A_229 = arith.cmpf olt, %lt3A_228, %get3A_66 : vector<16xf32>
        %eq3A_230 = vector.broadcast %squeeze3A : f32 to vector<16xf32>
        %eq3A_231 = arith.cmpf oeq, %eq3A_230, %get3A_66 : vector<16xf32>
        %lt3A_232 = vector.broadcast %add3A_149 : i32 to vector<16xi32>
        %lt3A_233 = arith.cmpi slt, %lt3A_232, %add3A_29 : vector<16xi32>
        %and3A_234 = arith.andi %eq3A_231, %lt3A_233 : vector<16xi1>
        %or3A_235 = arith.ori %lt3A_229, %and3A_234 : vector<16xi1>
        %jit3A_236 = arith.constant 1 : i32
        %jit3A_237 = arith.constant 0 : i32
        %broadcast_in_dim3A_238 = vector.broadcast %jit3A_236 : i32 to vector<16xi32>
        %broadcast_in_dim3A_239 = vector.broadcast %jit3A_237 : i32 to vector<16xi32>
        %select_n3A_240 = arith.select %or3A_235, %broadcast_in_dim3A_238, %broadcast_in_dim3A_239 : vector<16xi1>, vector<16xi32>
        %add3A_241 = arith.addi %scan3A_138, %select_n3A_240 : vector<16xi32>
        %lt3A_242 = vector.broadcast %squeeze3A : f32 to vector<16xf32>
        %lt3A_243 = arith.cmpf olt, %lt3A_242, %get3A_70 : vector<16xf32>
        %eq3A_244 = vector.broadcast %squeeze3A : f32 to vector<16xf32>
        %eq3A_245 = arith.cmpf oeq, %eq3A_244, %get3A_70 : vector<16xf32>
        %lt3A_246 = vector.broadcast %add3A_149 : i32 to vector<16xi32>
        %lt3A_247 = arith.cmpi slt, %lt3A_246, %add3A_33 : vector<16xi32>
        %and3A_248 = arith.andi %eq3A_245, %lt3A_247 : vector<16xi1>
        %or3A_249 = arith.ori %lt3A_243, %and3A_248 : vector<16xi1>
        %jit3A_250 = arith.constant 1 : i32
        %jit3A_251 = arith.constant 0 : i32
        %broadcast_in_dim3A_252 = vector.broadcast %jit3A_250 : i32 to vector<16xi32>
        %broadcast_in_dim3A_253 = vector.broadcast %jit3A_251 : i32 to vector<16xi32>
        %select_n3A_254 = arith.select %or3A_249, %broadcast_in_dim3A_252, %broadcast_in_dim3A_253 : vector<16xi1>, vector<16xi32>
        %add3A_255 = arith.addi %scan3A_139, %select_n3A_254 : vector<16xi32>
        %slice3A_256 = vector.extract_strided_slice %get3A_145 {offsets = [1], sizes = [1], strides = [1]} : vector<16xf32> to vector<1xf32>
        %squeeze3A_257 = vector.extract %slice3A_256[0] : f32 from vector<1xf32>
        %mul3A_258 = arith.constant 16 : i32
        %mul3A_259 = arith.muli %scan3A_131, %mul3A_258 : i32
        %add3A_260 = arith.constant 1 : i32
        %add3A_261 = arith.addi %mul3A_259, %add3A_260 : i32
        %lt3A_262 = vector.broadcast %squeeze3A_257 : f32 to vector<16xf32>
        %lt3A_263 = arith.cmpf olt, %lt3A_262, %get3A_42 : vector<16xf32>
        %eq3A_264 = vector.broadcast %squeeze3A_257 : f32 to vector<16xf32>
        %eq3A_265 = arith.cmpf oeq, %eq3A_264, %get3A_42 : vector<16xf32>
        %lt3A_266 = vector.broadcast %add3A_261 : i32 to vector<16xi32>
        %lt3A_267 = arith.cmpi slt, %lt3A_266, %add3A_5 : vector<16xi32>
        %and3A_268 = arith.andi %eq3A_265, %lt3A_267 : vector<16xi1>
        %or3A_269 = arith.ori %lt3A_263, %and3A_268 : vector<16xi1>
        %jit3A_270 = arith.constant 1 : i32
        %jit3A_271 = arith.constant 0 : i32
        %broadcast_in_dim3A_272 = vector.broadcast %jit3A_270 : i32 to vector<16xi32>
        %broadcast_in_dim3A_273 = vector.broadcast %jit3A_271 : i32 to vector<16xi32>
        %select_n3A_274 = arith.select %or3A_269, %broadcast_in_dim3A_272, %broadcast_in_dim3A_273 : vector<16xi1>, vector<16xi32>
        %add3A_275 = arith.addi %add3A_157, %select_n3A_274 : vector<16xi32>
        %lt3A_276 = vector.broadcast %squeeze3A_257 : f32 to vector<16xf32>
        %lt3A_277 = arith.cmpf olt, %lt3A_276, %get3A_46 : vector<16xf32>
        %eq3A_278 = vector.broadcast %squeeze3A_257 : f32 to vector<16xf32>
        %eq3A_279 = arith.cmpf oeq, %eq3A_278, %get3A_46 : vector<16xf32>
        %lt3A_280 = vector.broadcast %add3A_261 : i32 to vector<16xi32>
        %lt3A_281 = arith.cmpi slt, %lt3A_280, %add3A_9 : vector<16xi32>
        %and3A_282 = arith.andi %eq3A_279, %lt3A_281 : vector<16xi1>
        %or3A_283 = arith.ori %lt3A_277, %and3A_282 : vector<16xi1>
        %jit3A_284 = arith.constant 1 : i32
        %jit3A_285 = arith.constant 0 : i32
        %broadcast_in_dim3A_286 = vector.broadcast %jit3A_284 : i32 to vector<16xi32>
        %broadcast_in_dim3A_287 = vector.broadcast %jit3A_285 : i32 to vector<16xi32>
        %select_n3A_288 = arith.select %or3A_283, %broadcast_in_dim3A_286, %broadcast_in_dim3A_287 : vector<16xi1>, vector<16xi32>
        %add3A_289 = arith.addi %add3A_171, %select_n3A_288 : vector<16xi32>
        %lt3A_290 = vector.broadcast %squeeze3A_257 : f32 to vector<16xf32>
        %lt3A_291 = arith.cmpf olt, %lt3A_290, %get3A_50 : vector<16xf32>
        %eq3A_292 = vector.broadcast %squeeze3A_257 : f32 to vector<16xf32>
        %eq3A_293 = arith.cmpf oeq, %eq3A_292, %get3A_50 : vector<16xf32>
        %lt3A_294 = vector.broadcast %add3A_261 : i32 to vector<16xi32>
        %lt3A_295 = arith.cmpi slt, %lt3A_294, %add3A_13 : vector<16xi32>
        %and3A_296 = arith.andi %eq3A_293, %lt3A_295 : vector<16xi1>
        %or3A_297 = arith.ori %lt3A_291, %and3A_296 : vector<16xi1>
        %jit3A_298 = arith.constant 1 : i32
        %jit3A_299 = arith.constant 0 : i32
        %broadcast_in_dim3A_300 = vector.broadcast %jit3A_298 : i32 to vector<16xi32>
        %broadcast_in_dim3A_301 = vector.broadcast %jit3A_299 : i32 to vector<16xi32>
        %select_n3A_302 = arith.select %or3A_297, %broadcast_in_dim3A_300, %broadcast_in_dim3A_301 : vector<16xi1>, vector<16xi32>
        %add3A_303 = arith.addi %add3A_185, %select_n3A_302 : vector<16xi32>
        %lt3A_304 = vector.broadcast %squeeze3A_257 : f32 to vector<16xf32>
        %lt3A_305 = arith.cmpf olt, %lt3A_304, %get3A_54 : vector<16xf32>
        %eq3A_306 = vector.broadcast %squeeze3A_257 : f32 to vector<16xf32>
        %eq3A_307 = arith.cmpf oeq, %eq3A_306, %get3A_54 : vector<16xf32>
        %lt3A_308 = vector.broadcast %add3A_261 : i32 to vector<16xi32>
        %lt3A_309 = arith.cmpi slt, %lt3A_308, %add3A_17 : vector<16xi32>
        %and3A_310 = arith.andi %eq3A_307, %lt3A_309 : vector<16xi1>
        %or3A_311 = arith.ori %lt3A_305, %and3A_310 : vector<16xi1>
        %jit3A_312 = arith.constant 1 : i32
        %jit3A_313 = arith.constant 0 : i32
        %broadcast_in_dim3A_314 = vector.broadcast %jit3A_312 : i32 to vector<16xi32>
        %broadcast_in_dim3A_315 = vector.broadcast %jit3A_313 : i32 to vector<16xi32>
        %select_n3A_316 = arith.select %or3A_311, %broadcast_in_dim3A_314, %broadcast_in_dim3A_315 : vector<16xi1>, vector<16xi32>
        %add3A_317 = arith.addi %add3A_199, %select_n3A_316 : vector<16xi32>
        %lt3A_318 = vector.broadcast %squeeze3A_257 : f32 to vector<16xf32>
        %lt3A_319 = arith.cmpf olt, %lt3A_318, %get3A_58 : vector<16xf32>
        %eq3A_320 = vector.broadcast %squeeze3A_257 : f32 to vector<16xf32>
        %eq3A_321 = arith.cmpf oeq, %eq3A_320, %get3A_58 : vector<16xf32>
        %lt3A_322 = vector.broadcast %add3A_261 : i32 to vector<16xi32>
        %lt3A_323 = arith.cmpi slt, %lt3A_322, %add3A_21 : vector<16xi32>
        %and3A_324 = arith.andi %eq3A_321, %lt3A_323 : vector<16xi1>
        %or3A_325 = arith.ori %lt3A_319, %and3A_324 : vector<16xi1>
        %jit3A_326 = arith.constant 1 : i32
        %jit3A_327 = arith.constant 0 : i32
        %broadcast_in_dim3A_328 = vector.broadcast %jit3A_326 : i32 to vector<16xi32>
        %broadcast_in_dim3A_329 = vector.broadcast %jit3A_327 : i32 to vector<16xi32>
        %select_n3A_330 = arith.select %or3A_325, %broadcast_in_dim3A_328, %broadcast_in_dim3A_329 : vector<16xi1>, vector<16xi32>
        %add3A_331 = arith.addi %add3A_213, %select_n3A_330 : vector<16xi32>
        %lt3A_332 = vector.broadcast %squeeze3A_257 : f32 to vector<16xf32>
        %lt3A_333 = arith.cmpf olt, %lt3A_332, %get3A_62 : vector<16xf32>
        %eq3A_334 = vector.broadcast %squeeze3A_257 : f32 to vector<16xf32>
        %eq3A_335 = arith.cmpf oeq, %eq3A_334, %get3A_62 : vector<16xf32>
        %lt3A_336 = vector.broadcast %add3A_261 : i32 to vector<16xi32>
        %lt3A_337 = arith.cmpi slt, %lt3A_336, %add3A_25 : vector<16xi32>
        %and3A_338 = arith.andi %eq3A_335, %lt3A_337 : vector<16xi1>
        %or3A_339 = arith.ori %lt3A_333, %and3A_338 : vector<16xi1>
        %jit3A_340 = arith.constant 1 : i32
        %jit3A_341 = arith.constant 0 : i32
        %broadcast_in_dim3A_342 = vector.broadcast %jit3A_340 : i32 to vector<16xi32>
        %broadcast_in_dim3A_343 = vector.broadcast %jit3A_341 : i32 to vector<16xi32>
        %select_n3A_344 = arith.select %or3A_339, %broadcast_in_dim3A_342, %broadcast_in_dim3A_343 : vector<16xi1>, vector<16xi32>
        %add3A_345 = arith.addi %add3A_227, %select_n3A_344 : vector<16xi32>
        %lt3A_346 = vector.broadcast %squeeze3A_257 : f32 to vector<16xf32>
        %lt3A_347 = arith.cmpf olt, %lt3A_346, %get3A_66 : vector<16xf32>
        %eq3A_348 = vector.broadcast %squeeze3A_257 : f32 to vector<16xf32>
        %eq3A_349 = arith.cmpf oeq, %eq3A_348, %get3A_66 : vector<16xf32>
        %lt3A_350 = vector.broadcast %add3A_261 : i32 to vector<16xi32>
        %lt3A_351 = arith.cmpi slt, %lt3A_350, %add3A_29 : vector<16xi32>
        %and3A_352 = arith.andi %eq3A_349, %lt3A_351 : vector<16xi1>
        %or3A_353 = arith.ori %lt3A_347, %and3A_352 : vector<16xi1>
        %jit3A_354 = arith.constant 1 : i32
        %jit3A_355 = arith.constant 0 : i32
        %broadcast_in_dim3A_356 = vector.broadcast %jit3A_354 : i32 to vector<16xi32>
        %broadcast_in_dim3A_357 = vector.broadcast %jit3A_355 : i32 to vector<16xi32>
        %select_n3A_358 = arith.select %or3A_353, %broadcast_in_dim3A_356, %broadcast_in_dim3A_357 : vector<16xi1>, vector<16xi32>
        %add3A_359 = arith.addi %add3A_241, %select_n3A_358 : vector<16xi32>
        %lt3A_360 = vector.broadcast %squeeze3A_257 : f32 to vector<16xf32>
        %lt3A_361 = arith.cmpf olt, %lt3A_360, %get3A_70 : vector<16xf32>
        %eq3A_362 = vector.broadcast %squeeze3A_257 : f32 to vector<16xf32>
        %eq3A_363 = arith.cmpf oeq, %eq3A_362, %get3A_70 : vector<16xf32>
        %lt3A_364 = vector.broadcast %add3A_261 : i32 to vector<16xi32>
        %lt3A_365 = arith.cmpi slt, %lt3A_364, %add3A_33 : vector<16xi32>
        %and3A_366 = arith.andi %eq3A_363, %lt3A_365 : vector<16xi1>
        %or3A_367 = arith.ori %lt3A_361, %and3A_366 : vector<16xi1>
        %jit3A_368 = arith.constant 1 : i32
        %jit3A_369 = arith.constant 0 : i32
        %broadcast_in_dim3A_370 = vector.broadcast %jit3A_368 : i32 to vector<16xi32>
        %broadcast_in_dim3A_371 = vector.broadcast %jit3A_369 : i32 to vector<16xi32>
        %select_n3A_372 = arith.select %or3A_367, %broadcast_in_dim3A_370, %broadcast_in_dim3A_371 : vector<16xi1>, vector<16xi32>
        %add3A_373 = arith.addi %add3A_255, %select_n3A_372 : vector<16xi32>
        %slice3A_374 = vector.extract_strided_slice %get3A_145 {offsets = [2], sizes = [1], strides = [1]} : vector<16xf32> to vector<1xf32>
        %squeeze3A_375 = vector.extract %slice3A_374[0] : f32 from vector<1xf32>
        %mul3A_376 = arith.constant 16 : i32
        %mul3A_377 = arith.muli %scan3A_131, %mul3A_376 : i32
        %add3A_378 = arith.constant 2 : i32
        %add3A_379 = arith.addi %mul3A_377, %add3A_378 : i32
        %lt3A_380 = vector.broadcast %squeeze3A_375 : f32 to vector<16xf32>
        %lt3A_381 = arith.cmpf olt, %lt3A_380, %get3A_42 : vector<16xf32>
        %eq3A_382 = vector.broadcast %squeeze3A_375 : f32 to vector<16xf32>
        %eq3A_383 = arith.cmpf oeq, %eq3A_382, %get3A_42 : vector<16xf32>
        %lt3A_384 = vector.broadcast %add3A_379 : i32 to vector<16xi32>
        %lt3A_385 = arith.cmpi slt, %lt3A_384, %add3A_5 : vector<16xi32>
        %and3A_386 = arith.andi %eq3A_383, %lt3A_385 : vector<16xi1>
        %or3A_387 = arith.ori %lt3A_381, %and3A_386 : vector<16xi1>
        %jit3A_388 = arith.constant 1 : i32
        %jit3A_389 = arith.constant 0 : i32
        %broadcast_in_dim3A_390 = vector.broadcast %jit3A_388 : i32 to vector<16xi32>
        %broadcast_in_dim3A_391 = vector.broadcast %jit3A_389 : i32 to vector<16xi32>
        %select_n3A_392 = arith.select %or3A_387, %broadcast_in_dim3A_390, %broadcast_in_dim3A_391 : vector<16xi1>, vector<16xi32>
        %add3A_393 = arith.addi %add3A_275, %select_n3A_392 : vector<16xi32>
        %lt3A_394 = vector.broadcast %squeeze3A_375 : f32 to vector<16xf32>
        %lt3A_395 = arith.cmpf olt, %lt3A_394, %get3A_46 : vector<16xf32>
        %eq3A_396 = vector.broadcast %squeeze3A_375 : f32 to vector<16xf32>
        %eq3A_397 = arith.cmpf oeq, %eq3A_396, %get3A_46 : vector<16xf32>
        %lt3A_398 = vector.broadcast %add3A_379 : i32 to vector<16xi32>
        %lt3A_399 = arith.cmpi slt, %lt3A_398, %add3A_9 : vector<16xi32>
        %and3A_400 = arith.andi %eq3A_397, %lt3A_399 : vector<16xi1>
        %or3A_401 = arith.ori %lt3A_395, %and3A_400 : vector<16xi1>
        %jit3A_402 = arith.constant 1 : i32
        %jit3A_403 = arith.constant 0 : i32
        %broadcast_in_dim3A_404 = vector.broadcast %jit3A_402 : i32 to vector<16xi32>
        %broadcast_in_dim3A_405 = vector.broadcast %jit3A_403 : i32 to vector<16xi32>
        %select_n3A_406 = arith.select %or3A_401, %broadcast_in_dim3A_404, %broadcast_in_dim3A_405 : vector<16xi1>, vector<16xi32>
        %add3A_407 = arith.addi %add3A_289, %select_n3A_406 : vector<16xi32>
        %lt3A_408 = vector.broadcast %squeeze3A_375 : f32 to vector<16xf32>
        %lt3A_409 = arith.cmpf olt, %lt3A_408, %get3A_50 : vector<16xf32>
        %eq3A_410 = vector.broadcast %squeeze3A_375 : f32 to vector<16xf32>
        %eq3A_411 = arith.cmpf oeq, %eq3A_410, %get3A_50 : vector<16xf32>
        %lt3A_412 = vector.broadcast %add3A_379 : i32 to vector<16xi32>
        %lt3A_413 = arith.cmpi slt, %lt3A_412, %add3A_13 : vector<16xi32>
        %and3A_414 = arith.andi %eq3A_411, %lt3A_413 : vector<16xi1>
        %or3A_415 = arith.ori %lt3A_409, %and3A_414 : vector<16xi1>
        %jit3A_416 = arith.constant 1 : i32
        %jit3A_417 = arith.constant 0 : i32
        %broadcast_in_dim3A_418 = vector.broadcast %jit3A_416 : i32 to vector<16xi32>
        %broadcast_in_dim3A_419 = vector.broadcast %jit3A_417 : i32 to vector<16xi32>
        %select_n3A_420 = arith.select %or3A_415, %broadcast_in_dim3A_418, %broadcast_in_dim3A_419 : vector<16xi1>, vector<16xi32>
        %add3A_421 = arith.addi %add3A_303, %select_n3A_420 : vector<16xi32>
        %lt3A_422 = vector.broadcast %squeeze3A_375 : f32 to vector<16xf32>
        %lt3A_423 = arith.cmpf olt, %lt3A_422, %get3A_54 : vector<16xf32>
        %eq3A_424 = vector.broadcast %squeeze3A_375 : f32 to vector<16xf32>
        %eq3A_425 = arith.cmpf oeq, %eq3A_424, %get3A_54 : vector<16xf32>
        %lt3A_426 = vector.broadcast %add3A_379 : i32 to vector<16xi32>
        %lt3A_427 = arith.cmpi slt, %lt3A_426, %add3A_17 : vector<16xi32>
        %and3A_428 = arith.andi %eq3A_425, %lt3A_427 : vector<16xi1>
        %or3A_429 = arith.ori %lt3A_423, %and3A_428 : vector<16xi1>
        %jit3A_430 = arith.constant 1 : i32
        %jit3A_431 = arith.constant 0 : i32
        %broadcast_in_dim3A_432 = vector.broadcast %jit3A_430 : i32 to vector<16xi32>
        %broadcast_in_dim3A_433 = vector.broadcast %jit3A_431 : i32 to vector<16xi32>
        %select_n3A_434 = arith.select %or3A_429, %broadcast_in_dim3A_432, %broadcast_in_dim3A_433 : vector<16xi1>, vector<16xi32>
        %add3A_435 = arith.addi %add3A_317, %select_n3A_434 : vector<16xi32>
        %lt3A_436 = vector.broadcast %squeeze3A_375 : f32 to vector<16xf32>
        %lt3A_437 = arith.cmpf olt, %lt3A_436, %get3A_58 : vector<16xf32>
        %eq3A_438 = vector.broadcast %squeeze3A_375 : f32 to vector<16xf32>
        %eq3A_439 = arith.cmpf oeq, %eq3A_438, %get3A_58 : vector<16xf32>
        %lt3A_440 = vector.broadcast %add3A_379 : i32 to vector<16xi32>
        %lt3A_441 = arith.cmpi slt, %lt3A_440, %add3A_21 : vector<16xi32>
        %and3A_442 = arith.andi %eq3A_439, %lt3A_441 : vector<16xi1>
        %or3A_443 = arith.ori %lt3A_437, %and3A_442 : vector<16xi1>
        %jit3A_444 = arith.constant 1 : i32
        %jit3A_445 = arith.constant 0 : i32
        %broadcast_in_dim3A_446 = vector.broadcast %jit3A_444 : i32 to vector<16xi32>
        %broadcast_in_dim3A_447 = vector.broadcast %jit3A_445 : i32 to vector<16xi32>
        %select_n3A_448 = arith.select %or3A_443, %broadcast_in_dim3A_446, %broadcast_in_dim3A_447 : vector<16xi1>, vector<16xi32>
        %add3A_449 = arith.addi %add3A_331, %select_n3A_448 : vector<16xi32>
        %lt3A_450 = vector.broadcast %squeeze3A_375 : f32 to vector<16xf32>
        %lt3A_451 = arith.cmpf olt, %lt3A_450, %get3A_62 : vector<16xf32>
        %eq3A_452 = vector.broadcast %squeeze3A_375 : f32 to vector<16xf32>
        %eq3A_453 = arith.cmpf oeq, %eq3A_452, %get3A_62 : vector<16xf32>
        %lt3A_454 = vector.broadcast %add3A_379 : i32 to vector<16xi32>
        %lt3A_455 = arith.cmpi slt, %lt3A_454, %add3A_25 : vector<16xi32>
        %and3A_456 = arith.andi %eq3A_453, %lt3A_455 : vector<16xi1>
        %or3A_457 = arith.ori %lt3A_451, %and3A_456 : vector<16xi1>
        %jit3A_458 = arith.constant 1 : i32
        %jit3A_459 = arith.constant 0 : i32
        %broadcast_in_dim3A_460 = vector.broadcast %jit3A_458 : i32 to vector<16xi32>
        %broadcast_in_dim3A_461 = vector.broadcast %jit3A_459 : i32 to vector<16xi32>
        %select_n3A_462 = arith.select %or3A_457, %broadcast_in_dim3A_460, %broadcast_in_dim3A_461 : vector<16xi1>, vector<16xi32>
        %add3A_463 = arith.addi %add3A_345, %select_n3A_462 : vector<16xi32>
        %lt3A_464 = vector.broadcast %squeeze3A_375 : f32 to vector<16xf32>
        %lt3A_465 = arith.cmpf olt, %lt3A_464, %get3A_66 : vector<16xf32>
        %eq3A_466 = vector.broadcast %squeeze3A_375 : f32 to vector<16xf32>
        %eq3A_467 = arith.cmpf oeq, %eq3A_466, %get3A_66 : vector<16xf32>
        %lt3A_468 = vector.broadcast %add3A_379 : i32 to vector<16xi32>
        %lt3A_469 = arith.cmpi slt, %lt3A_468, %add3A_29 : vector<16xi32>
        %and3A_470 = arith.andi %eq3A_467, %lt3A_469 : vector<16xi1>
        %or3A_471 = arith.ori %lt3A_465, %and3A_470 : vector<16xi1>
        %jit3A_472 = arith.constant 1 : i32
        %jit3A_473 = arith.constant 0 : i32
        %broadcast_in_dim3A_474 = vector.broadcast %jit3A_472 : i32 to vector<16xi32>
        %broadcast_in_dim3A_475 = vector.broadcast %jit3A_473 : i32 to vector<16xi32>
        %select_n3A_476 = arith.select %or3A_471, %broadcast_in_dim3A_474, %broadcast_in_dim3A_475 : vector<16xi1>, vector<16xi32>
        %add3A_477 = arith.addi %add3A_359, %select_n3A_476 : vector<16xi32>
        %lt3A_478 = vector.broadcast %squeeze3A_375 : f32 to vector<16xf32>
        %lt3A_479 = arith.cmpf olt, %lt3A_478, %get3A_70 : vector<16xf32>
        %eq3A_480 = vector.broadcast %squeeze3A_375 : f32 to vector<16xf32>
        %eq3A_481 = arith.cmpf oeq, %eq3A_480, %get3A_70 : vector<16xf32>
        %lt3A_482 = vector.broadcast %add3A_379 : i32 to vector<16xi32>
        %lt3A_483 = arith.cmpi slt, %lt3A_482, %add3A_33 : vector<16xi32>
        %and3A_484 = arith.andi %eq3A_481, %lt3A_483 : vector<16xi1>
        %or3A_485 = arith.ori %lt3A_479, %and3A_484 : vector<16xi1>
        %jit3A_486 = arith.constant 1 : i32
        %jit3A_487 = arith.constant 0 : i32
        %broadcast_in_dim3A_488 = vector.broadcast %jit3A_486 : i32 to vector<16xi32>
        %broadcast_in_dim3A_489 = vector.broadcast %jit3A_487 : i32 to vector<16xi32>
        %select_n3A_490 = arith.select %or3A_485, %broadcast_in_dim3A_488, %broadcast_in_dim3A_489 : vector<16xi1>, vector<16xi32>
        %add3A_491 = arith.addi %add3A_373, %select_n3A_490 : vector<16xi32>
        %slice3A_492 = vector.extract_strided_slice %get3A_145 {offsets = [3], sizes = [1], strides = [1]} : vector<16xf32> to vector<1xf32>
        %squeeze3A_493 = vector.extract %slice3A_492[0] : f32 from vector<1xf32>
        %mul3A_494 = arith.constant 16 : i32
        %mul3A_495 = arith.muli %scan3A_131, %mul3A_494 : i32
        %add3A_496 = arith.constant 3 : i32
        %add3A_497 = arith.addi %mul3A_495, %add3A_496 : i32
        %lt3A_498 = vector.broadcast %squeeze3A_493 : f32 to vector<16xf32>
        %lt3A_499 = arith.cmpf olt, %lt3A_498, %get3A_42 : vector<16xf32>
        %eq3A_500 = vector.broadcast %squeeze3A_493 : f32 to vector<16xf32>
        %eq3A_501 = arith.cmpf oeq, %eq3A_500, %get3A_42 : vector<16xf32>
        %lt3A_502 = vector.broadcast %add3A_497 : i32 to vector<16xi32>
        %lt3A_503 = arith.cmpi slt, %lt3A_502, %add3A_5 : vector<16xi32>
        %and3A_504 = arith.andi %eq3A_501, %lt3A_503 : vector<16xi1>
        %or3A_505 = arith.ori %lt3A_499, %and3A_504 : vector<16xi1>
        %jit3A_506 = arith.constant 1 : i32
        %jit3A_507 = arith.constant 0 : i32
        %broadcast_in_dim3A_508 = vector.broadcast %jit3A_506 : i32 to vector<16xi32>
        %broadcast_in_dim3A_509 = vector.broadcast %jit3A_507 : i32 to vector<16xi32>
        %select_n3A_510 = arith.select %or3A_505, %broadcast_in_dim3A_508, %broadcast_in_dim3A_509 : vector<16xi1>, vector<16xi32>
        %add3A_511 = arith.addi %add3A_393, %select_n3A_510 : vector<16xi32>
        %lt3A_512 = vector.broadcast %squeeze3A_493 : f32 to vector<16xf32>
        %lt3A_513 = arith.cmpf olt, %lt3A_512, %get3A_46 : vector<16xf32>
        %eq3A_514 = vector.broadcast %squeeze3A_493 : f32 to vector<16xf32>
        %eq3A_515 = arith.cmpf oeq, %eq3A_514, %get3A_46 : vector<16xf32>
        %lt3A_516 = vector.broadcast %add3A_497 : i32 to vector<16xi32>
        %lt3A_517 = arith.cmpi slt, %lt3A_516, %add3A_9 : vector<16xi32>
        %and3A_518 = arith.andi %eq3A_515, %lt3A_517 : vector<16xi1>
        %or3A_519 = arith.ori %lt3A_513, %and3A_518 : vector<16xi1>
        %jit3A_520 = arith.constant 1 : i32
        %jit3A_521 = arith.constant 0 : i32
        %broadcast_in_dim3A_522 = vector.broadcast %jit3A_520 : i32 to vector<16xi32>
        %broadcast_in_dim3A_523 = vector.broadcast %jit3A_521 : i32 to vector<16xi32>
        %select_n3A_524 = arith.select %or3A_519, %broadcast_in_dim3A_522, %broadcast_in_dim3A_523 : vector<16xi1>, vector<16xi32>
        %add3A_525 = arith.addi %add3A_407, %select_n3A_524 : vector<16xi32>
        %lt3A_526 = vector.broadcast %squeeze3A_493 : f32 to vector<16xf32>
        %lt3A_527 = arith.cmpf olt, %lt3A_526, %get3A_50 : vector<16xf32>
        %eq3A_528 = vector.broadcast %squeeze3A_493 : f32 to vector<16xf32>
        %eq3A_529 = arith.cmpf oeq, %eq3A_528, %get3A_50 : vector<16xf32>
        %lt3A_530 = vector.broadcast %add3A_497 : i32 to vector<16xi32>
        %lt3A_531 = arith.cmpi slt, %lt3A_530, %add3A_13 : vector<16xi32>
        %and3A_532 = arith.andi %eq3A_529, %lt3A_531 : vector<16xi1>
        %or3A_533 = arith.ori %lt3A_527, %and3A_532 : vector<16xi1>
        %jit3A_534 = arith.constant 1 : i32
        %jit3A_535 = arith.constant 0 : i32
        %broadcast_in_dim3A_536 = vector.broadcast %jit3A_534 : i32 to vector<16xi32>
        %broadcast_in_dim3A_537 = vector.broadcast %jit3A_535 : i32 to vector<16xi32>
        %select_n3A_538 = arith.select %or3A_533, %broadcast_in_dim3A_536, %broadcast_in_dim3A_537 : vector<16xi1>, vector<16xi32>
        %add3A_539 = arith.addi %add3A_421, %select_n3A_538 : vector<16xi32>
        %lt3A_540 = vector.broadcast %squeeze3A_493 : f32 to vector<16xf32>
        %lt3A_541 = arith.cmpf olt, %lt3A_540, %get3A_54 : vector<16xf32>
        %eq3A_542 = vector.broadcast %squeeze3A_493 : f32 to vector<16xf32>
        %eq3A_543 = arith.cmpf oeq, %eq3A_542, %get3A_54 : vector<16xf32>
        %lt3A_544 = vector.broadcast %add3A_497 : i32 to vector<16xi32>
        %lt3A_545 = arith.cmpi slt, %lt3A_544, %add3A_17 : vector<16xi32>
        %and3A_546 = arith.andi %eq3A_543, %lt3A_545 : vector<16xi1>
        %or3A_547 = arith.ori %lt3A_541, %and3A_546 : vector<16xi1>
        %jit3A_548 = arith.constant 1 : i32
        %jit3A_549 = arith.constant 0 : i32
        %broadcast_in_dim3A_550 = vector.broadcast %jit3A_548 : i32 to vector<16xi32>
        %broadcast_in_dim3A_551 = vector.broadcast %jit3A_549 : i32 to vector<16xi32>
        %select_n3A_552 = arith.select %or3A_547, %broadcast_in_dim3A_550, %broadcast_in_dim3A_551 : vector<16xi1>, vector<16xi32>
        %add3A_553 = arith.addi %add3A_435, %select_n3A_552 : vector<16xi32>
        %lt3A_554 = vector.broadcast %squeeze3A_493 : f32 to vector<16xf32>
        %lt3A_555 = arith.cmpf olt, %lt3A_554, %get3A_58 : vector<16xf32>
        %eq3A_556 = vector.broadcast %squeeze3A_493 : f32 to vector<16xf32>
        %eq3A_557 = arith.cmpf oeq, %eq3A_556, %get3A_58 : vector<16xf32>
        %lt3A_558 = vector.broadcast %add3A_497 : i32 to vector<16xi32>
        %lt3A_559 = arith.cmpi slt, %lt3A_558, %add3A_21 : vector<16xi32>
        %and3A_560 = arith.andi %eq3A_557, %lt3A_559 : vector<16xi1>
        %or3A_561 = arith.ori %lt3A_555, %and3A_560 : vector<16xi1>
        %jit3A_562 = arith.constant 1 : i32
        %jit3A_563 = arith.constant 0 : i32
        %broadcast_in_dim3A_564 = vector.broadcast %jit3A_562 : i32 to vector<16xi32>
        %broadcast_in_dim3A_565 = vector.broadcast %jit3A_563 : i32 to vector<16xi32>
        %select_n3A_566 = arith.select %or3A_561, %broadcast_in_dim3A_564, %broadcast_in_dim3A_565 : vector<16xi1>, vector<16xi32>
        %add3A_567 = arith.addi %add3A_449, %select_n3A_566 : vector<16xi32>
        %lt3A_568 = vector.broadcast %squeeze3A_493 : f32 to vector<16xf32>
        %lt3A_569 = arith.cmpf olt, %lt3A_568, %get3A_62 : vector<16xf32>
        %eq3A_570 = vector.broadcast %squeeze3A_493 : f32 to vector<16xf32>
        %eq3A_571 = arith.cmpf oeq, %eq3A_570, %get3A_62 : vector<16xf32>
        %lt3A_572 = vector.broadcast %add3A_497 : i32 to vector<16xi32>
        %lt3A_573 = arith.cmpi slt, %lt3A_572, %add3A_25 : vector<16xi32>
        %and3A_574 = arith.andi %eq3A_571, %lt3A_573 : vector<16xi1>
        %or3A_575 = arith.ori %lt3A_569, %and3A_574 : vector<16xi1>
        %jit3A_576 = arith.constant 1 : i32
        %jit3A_577 = arith.constant 0 : i32
        %broadcast_in_dim3A_578 = vector.broadcast %jit3A_576 : i32 to vector<16xi32>
        %broadcast_in_dim3A_579 = vector.broadcast %jit3A_577 : i32 to vector<16xi32>
        %select_n3A_580 = arith.select %or3A_575, %broadcast_in_dim3A_578, %broadcast_in_dim3A_579 : vector<16xi1>, vector<16xi32>
        %add3A_581 = arith.addi %add3A_463, %select_n3A_580 : vector<16xi32>
        %lt3A_582 = vector.broadcast %squeeze3A_493 : f32 to vector<16xf32>
        %lt3A_583 = arith.cmpf olt, %lt3A_582, %get3A_66 : vector<16xf32>
        %eq3A_584 = vector.broadcast %squeeze3A_493 : f32 to vector<16xf32>
        %eq3A_585 = arith.cmpf oeq, %eq3A_584, %get3A_66 : vector<16xf32>
        %lt3A_586 = vector.broadcast %add3A_497 : i32 to vector<16xi32>
        %lt3A_587 = arith.cmpi slt, %lt3A_586, %add3A_29 : vector<16xi32>
        %and3A_588 = arith.andi %eq3A_585, %lt3A_587 : vector<16xi1>
        %or3A_589 = arith.ori %lt3A_583, %and3A_588 : vector<16xi1>
        %jit3A_590 = arith.constant 1 : i32
        %jit3A_591 = arith.constant 0 : i32
        %broadcast_in_dim3A_592 = vector.broadcast %jit3A_590 : i32 to vector<16xi32>
        %broadcast_in_dim3A_593 = vector.broadcast %jit3A_591 : i32 to vector<16xi32>
        %select_n3A_594 = arith.select %or3A_589, %broadcast_in_dim3A_592, %broadcast_in_dim3A_593 : vector<16xi1>, vector<16xi32>
        %add3A_595 = arith.addi %add3A_477, %select_n3A_594 : vector<16xi32>
        %lt3A_596 = vector.broadcast %squeeze3A_493 : f32 to vector<16xf32>
        %lt3A_597 = arith.cmpf olt, %lt3A_596, %get3A_70 : vector<16xf32>
        %eq3A_598 = vector.broadcast %squeeze3A_493 : f32 to vector<16xf32>
        %eq3A_599 = arith.cmpf oeq, %eq3A_598, %get3A_70 : vector<16xf32>
        %lt3A_600 = vector.broadcast %add3A_497 : i32 to vector<16xi32>
        %lt3A_601 = arith.cmpi slt, %lt3A_600, %add3A_33 : vector<16xi32>
        %and3A_602 = arith.andi %eq3A_599, %lt3A_601 : vector<16xi1>
        %or3A_603 = arith.ori %lt3A_597, %and3A_602 : vector<16xi1>
        %jit3A_604 = arith.constant 1 : i32
        %jit3A_605 = arith.constant 0 : i32
        %broadcast_in_dim3A_606 = vector.broadcast %jit3A_604 : i32 to vector<16xi32>
        %broadcast_in_dim3A_607 = vector.broadcast %jit3A_605 : i32 to vector<16xi32>
        %select_n3A_608 = arith.select %or3A_603, %broadcast_in_dim3A_606, %broadcast_in_dim3A_607 : vector<16xi1>, vector<16xi32>
        %add3A_609 = arith.addi %add3A_491, %select_n3A_608 : vector<16xi32>
        %slice3A_610 = vector.extract_strided_slice %get3A_145 {offsets = [4], sizes = [1], strides = [1]} : vector<16xf32> to vector<1xf32>
        %squeeze3A_611 = vector.extract %slice3A_610[0] : f32 from vector<1xf32>
        %mul3A_612 = arith.constant 16 : i32
        %mul3A_613 = arith.muli %scan3A_131, %mul3A_612 : i32
        %add3A_614 = arith.constant 4 : i32
        %add3A_615 = arith.addi %mul3A_613, %add3A_614 : i32
        %lt3A_616 = vector.broadcast %squeeze3A_611 : f32 to vector<16xf32>
        %lt3A_617 = arith.cmpf olt, %lt3A_616, %get3A_42 : vector<16xf32>
        %eq3A_618 = vector.broadcast %squeeze3A_611 : f32 to vector<16xf32>
        %eq3A_619 = arith.cmpf oeq, %eq3A_618, %get3A_42 : vector<16xf32>
        %lt3A_620 = vector.broadcast %add3A_615 : i32 to vector<16xi32>
        %lt3A_621 = arith.cmpi slt, %lt3A_620, %add3A_5 : vector<16xi32>
        %and3A_622 = arith.andi %eq3A_619, %lt3A_621 : vector<16xi1>
        %or3A_623 = arith.ori %lt3A_617, %and3A_622 : vector<16xi1>
        %jit3A_624 = arith.constant 1 : i32
        %jit3A_625 = arith.constant 0 : i32
        %broadcast_in_dim3A_626 = vector.broadcast %jit3A_624 : i32 to vector<16xi32>
        %broadcast_in_dim3A_627 = vector.broadcast %jit3A_625 : i32 to vector<16xi32>
        %select_n3A_628 = arith.select %or3A_623, %broadcast_in_dim3A_626, %broadcast_in_dim3A_627 : vector<16xi1>, vector<16xi32>
        %add3A_629 = arith.addi %add3A_511, %select_n3A_628 : vector<16xi32>
        %lt3A_630 = vector.broadcast %squeeze3A_611 : f32 to vector<16xf32>
        %lt3A_631 = arith.cmpf olt, %lt3A_630, %get3A_46 : vector<16xf32>
        %eq3A_632 = vector.broadcast %squeeze3A_611 : f32 to vector<16xf32>
        %eq3A_633 = arith.cmpf oeq, %eq3A_632, %get3A_46 : vector<16xf32>
        %lt3A_634 = vector.broadcast %add3A_615 : i32 to vector<16xi32>
        %lt3A_635 = arith.cmpi slt, %lt3A_634, %add3A_9 : vector<16xi32>
        %and3A_636 = arith.andi %eq3A_633, %lt3A_635 : vector<16xi1>
        %or3A_637 = arith.ori %lt3A_631, %and3A_636 : vector<16xi1>
        %jit3A_638 = arith.constant 1 : i32
        %jit3A_639 = arith.constant 0 : i32
        %broadcast_in_dim3A_640 = vector.broadcast %jit3A_638 : i32 to vector<16xi32>
        %broadcast_in_dim3A_641 = vector.broadcast %jit3A_639 : i32 to vector<16xi32>
        %select_n3A_642 = arith.select %or3A_637, %broadcast_in_dim3A_640, %broadcast_in_dim3A_641 : vector<16xi1>, vector<16xi32>
        %add3A_643 = arith.addi %add3A_525, %select_n3A_642 : vector<16xi32>
        %lt3A_644 = vector.broadcast %squeeze3A_611 : f32 to vector<16xf32>
        %lt3A_645 = arith.cmpf olt, %lt3A_644, %get3A_50 : vector<16xf32>
        %eq3A_646 = vector.broadcast %squeeze3A_611 : f32 to vector<16xf32>
        %eq3A_647 = arith.cmpf oeq, %eq3A_646, %get3A_50 : vector<16xf32>
        %lt3A_648 = vector.broadcast %add3A_615 : i32 to vector<16xi32>
        %lt3A_649 = arith.cmpi slt, %lt3A_648, %add3A_13 : vector<16xi32>
        %and3A_650 = arith.andi %eq3A_647, %lt3A_649 : vector<16xi1>
        %or3A_651 = arith.ori %lt3A_645, %and3A_650 : vector<16xi1>
        %jit3A_652 = arith.constant 1 : i32
        %jit3A_653 = arith.constant 0 : i32
        %broadcast_in_dim3A_654 = vector.broadcast %jit3A_652 : i32 to vector<16xi32>
        %broadcast_in_dim3A_655 = vector.broadcast %jit3A_653 : i32 to vector<16xi32>
        %select_n3A_656 = arith.select %or3A_651, %broadcast_in_dim3A_654, %broadcast_in_dim3A_655 : vector<16xi1>, vector<16xi32>
        %add3A_657 = arith.addi %add3A_539, %select_n3A_656 : vector<16xi32>
        %lt3A_658 = vector.broadcast %squeeze3A_611 : f32 to vector<16xf32>
        %lt3A_659 = arith.cmpf olt, %lt3A_658, %get3A_54 : vector<16xf32>
        %eq3A_660 = vector.broadcast %squeeze3A_611 : f32 to vector<16xf32>
        %eq3A_661 = arith.cmpf oeq, %eq3A_660, %get3A_54 : vector<16xf32>
        %lt3A_662 = vector.broadcast %add3A_615 : i32 to vector<16xi32>
        %lt3A_663 = arith.cmpi slt, %lt3A_662, %add3A_17 : vector<16xi32>
        %and3A_664 = arith.andi %eq3A_661, %lt3A_663 : vector<16xi1>
        %or3A_665 = arith.ori %lt3A_659, %and3A_664 : vector<16xi1>
        %jit3A_666 = arith.constant 1 : i32
        %jit3A_667 = arith.constant 0 : i32
        %broadcast_in_dim3A_668 = vector.broadcast %jit3A_666 : i32 to vector<16xi32>
        %broadcast_in_dim3A_669 = vector.broadcast %jit3A_667 : i32 to vector<16xi32>
        %select_n3A_670 = arith.select %or3A_665, %broadcast_in_dim3A_668, %broadcast_in_dim3A_669 : vector<16xi1>, vector<16xi32>
        %add3A_671 = arith.addi %add3A_553, %select_n3A_670 : vector<16xi32>
        %lt3A_672 = vector.broadcast %squeeze3A_611 : f32 to vector<16xf32>
        %lt3A_673 = arith.cmpf olt, %lt3A_672, %get3A_58 : vector<16xf32>
        %eq3A_674 = vector.broadcast %squeeze3A_611 : f32 to vector<16xf32>
        %eq3A_675 = arith.cmpf oeq, %eq3A_674, %get3A_58 : vector<16xf32>
        %lt3A_676 = vector.broadcast %add3A_615 : i32 to vector<16xi32>
        %lt3A_677 = arith.cmpi slt, %lt3A_676, %add3A_21 : vector<16xi32>
        %and3A_678 = arith.andi %eq3A_675, %lt3A_677 : vector<16xi1>
        %or3A_679 = arith.ori %lt3A_673, %and3A_678 : vector<16xi1>
        %jit3A_680 = arith.constant 1 : i32
        %jit3A_681 = arith.constant 0 : i32
        %broadcast_in_dim3A_682 = vector.broadcast %jit3A_680 : i32 to vector<16xi32>
        %broadcast_in_dim3A_683 = vector.broadcast %jit3A_681 : i32 to vector<16xi32>
        %select_n3A_684 = arith.select %or3A_679, %broadcast_in_dim3A_682, %broadcast_in_dim3A_683 : vector<16xi1>, vector<16xi32>
        %add3A_685 = arith.addi %add3A_567, %select_n3A_684 : vector<16xi32>
        %lt3A_686 = vector.broadcast %squeeze3A_611 : f32 to vector<16xf32>
        %lt3A_687 = arith.cmpf olt, %lt3A_686, %get3A_62 : vector<16xf32>
        %eq3A_688 = vector.broadcast %squeeze3A_611 : f32 to vector<16xf32>
        %eq3A_689 = arith.cmpf oeq, %eq3A_688, %get3A_62 : vector<16xf32>
        %lt3A_690 = vector.broadcast %add3A_615 : i32 to vector<16xi32>
        %lt3A_691 = arith.cmpi slt, %lt3A_690, %add3A_25 : vector<16xi32>
        %and3A_692 = arith.andi %eq3A_689, %lt3A_691 : vector<16xi1>
        %or3A_693 = arith.ori %lt3A_687, %and3A_692 : vector<16xi1>
        %jit3A_694 = arith.constant 1 : i32
        %jit3A_695 = arith.constant 0 : i32
        %broadcast_in_dim3A_696 = vector.broadcast %jit3A_694 : i32 to vector<16xi32>
        %broadcast_in_dim3A_697 = vector.broadcast %jit3A_695 : i32 to vector<16xi32>
        %select_n3A_698 = arith.select %or3A_693, %broadcast_in_dim3A_696, %broadcast_in_dim3A_697 : vector<16xi1>, vector<16xi32>
        %add3A_699 = arith.addi %add3A_581, %select_n3A_698 : vector<16xi32>
        %lt3A_700 = vector.broadcast %squeeze3A_611 : f32 to vector<16xf32>
        %lt3A_701 = arith.cmpf olt, %lt3A_700, %get3A_66 : vector<16xf32>
        %eq3A_702 = vector.broadcast %squeeze3A_611 : f32 to vector<16xf32>
        %eq3A_703 = arith.cmpf oeq, %eq3A_702, %get3A_66 : vector<16xf32>
        %lt3A_704 = vector.broadcast %add3A_615 : i32 to vector<16xi32>
        %lt3A_705 = arith.cmpi slt, %lt3A_704, %add3A_29 : vector<16xi32>
        %and3A_706 = arith.andi %eq3A_703, %lt3A_705 : vector<16xi1>
        %or3A_707 = arith.ori %lt3A_701, %and3A_706 : vector<16xi1>
        %jit3A_708 = arith.constant 1 : i32
        %jit3A_709 = arith.constant 0 : i32
        %broadcast_in_dim3A_710 = vector.broadcast %jit3A_708 : i32 to vector<16xi32>
        %broadcast_in_dim3A_711 = vector.broadcast %jit3A_709 : i32 to vector<16xi32>
        %select_n3A_712 = arith.select %or3A_707, %broadcast_in_dim3A_710, %broadcast_in_dim3A_711 : vector<16xi1>, vector<16xi32>
        %add3A_713 = arith.addi %add3A_595, %select_n3A_712 : vector<16xi32>
        %lt3A_714 = vector.broadcast %squeeze3A_611 : f32 to vector<16xf32>
        %lt3A_715 = arith.cmpf olt, %lt3A_714, %get3A_70 : vector<16xf32>
        %eq3A_716 = vector.broadcast %squeeze3A_611 : f32 to vector<16xf32>
        %eq3A_717 = arith.cmpf oeq, %eq3A_716, %get3A_70 : vector<16xf32>
        %lt3A_718 = vector.broadcast %add3A_615 : i32 to vector<16xi32>
        %lt3A_719 = arith.cmpi slt, %lt3A_718, %add3A_33 : vector<16xi32>
        %and3A_720 = arith.andi %eq3A_717, %lt3A_719 : vector<16xi1>
        %or3A_721 = arith.ori %lt3A_715, %and3A_720 : vector<16xi1>
        %jit3A_722 = arith.constant 1 : i32
        %jit3A_723 = arith.constant 0 : i32
        %broadcast_in_dim3A_724 = vector.broadcast %jit3A_722 : i32 to vector<16xi32>
        %broadcast_in_dim3A_725 = vector.broadcast %jit3A_723 : i32 to vector<16xi32>
        %select_n3A_726 = arith.select %or3A_721, %broadcast_in_dim3A_724, %broadcast_in_dim3A_725 : vector<16xi1>, vector<16xi32>
        %add3A_727 = arith.addi %add3A_609, %select_n3A_726 : vector<16xi32>
        %slice3A_728 = vector.extract_strided_slice %get3A_145 {offsets = [5], sizes = [1], strides = [1]} : vector<16xf32> to vector<1xf32>
        %squeeze3A_729 = vector.extract %slice3A_728[0] : f32 from vector<1xf32>
        %mul3A_730 = arith.constant 16 : i32
        %mul3A_731 = arith.muli %scan3A_131, %mul3A_730 : i32
        %add3A_732 = arith.constant 5 : i32
        %add3A_733 = arith.addi %mul3A_731, %add3A_732 : i32
        %lt3A_734 = vector.broadcast %squeeze3A_729 : f32 to vector<16xf32>
        %lt3A_735 = arith.cmpf olt, %lt3A_734, %get3A_42 : vector<16xf32>
        %eq3A_736 = vector.broadcast %squeeze3A_729 : f32 to vector<16xf32>
        %eq3A_737 = arith.cmpf oeq, %eq3A_736, %get3A_42 : vector<16xf32>
        %lt3A_738 = vector.broadcast %add3A_733 : i32 to vector<16xi32>
        %lt3A_739 = arith.cmpi slt, %lt3A_738, %add3A_5 : vector<16xi32>
        %and3A_740 = arith.andi %eq3A_737, %lt3A_739 : vector<16xi1>
        %or3A_741 = arith.ori %lt3A_735, %and3A_740 : vector<16xi1>
        %jit3A_742 = arith.constant 1 : i32
        %jit3A_743 = arith.constant 0 : i32
        %broadcast_in_dim3A_744 = vector.broadcast %jit3A_742 : i32 to vector<16xi32>
        %broadcast_in_dim3A_745 = vector.broadcast %jit3A_743 : i32 to vector<16xi32>
        %select_n3A_746 = arith.select %or3A_741, %broadcast_in_dim3A_744, %broadcast_in_dim3A_745 : vector<16xi1>, vector<16xi32>
        %add3A_747 = arith.addi %add3A_629, %select_n3A_746 : vector<16xi32>
        %lt3A_748 = vector.broadcast %squeeze3A_729 : f32 to vector<16xf32>
        %lt3A_749 = arith.cmpf olt, %lt3A_748, %get3A_46 : vector<16xf32>
        %eq3A_750 = vector.broadcast %squeeze3A_729 : f32 to vector<16xf32>
        %eq3A_751 = arith.cmpf oeq, %eq3A_750, %get3A_46 : vector<16xf32>
        %lt3A_752 = vector.broadcast %add3A_733 : i32 to vector<16xi32>
        %lt3A_753 = arith.cmpi slt, %lt3A_752, %add3A_9 : vector<16xi32>
        %and3A_754 = arith.andi %eq3A_751, %lt3A_753 : vector<16xi1>
        %or3A_755 = arith.ori %lt3A_749, %and3A_754 : vector<16xi1>
        %jit3A_756 = arith.constant 1 : i32
        %jit3A_757 = arith.constant 0 : i32
        %broadcast_in_dim3A_758 = vector.broadcast %jit3A_756 : i32 to vector<16xi32>
        %broadcast_in_dim3A_759 = vector.broadcast %jit3A_757 : i32 to vector<16xi32>
        %select_n3A_760 = arith.select %or3A_755, %broadcast_in_dim3A_758, %broadcast_in_dim3A_759 : vector<16xi1>, vector<16xi32>
        %add3A_761 = arith.addi %add3A_643, %select_n3A_760 : vector<16xi32>
        %lt3A_762 = vector.broadcast %squeeze3A_729 : f32 to vector<16xf32>
        %lt3A_763 = arith.cmpf olt, %lt3A_762, %get3A_50 : vector<16xf32>
        %eq3A_764 = vector.broadcast %squeeze3A_729 : f32 to vector<16xf32>
        %eq3A_765 = arith.cmpf oeq, %eq3A_764, %get3A_50 : vector<16xf32>
        %lt3A_766 = vector.broadcast %add3A_733 : i32 to vector<16xi32>
        %lt3A_767 = arith.cmpi slt, %lt3A_766, %add3A_13 : vector<16xi32>
        %and3A_768 = arith.andi %eq3A_765, %lt3A_767 : vector<16xi1>
        %or3A_769 = arith.ori %lt3A_763, %and3A_768 : vector<16xi1>
        %jit3A_770 = arith.constant 1 : i32
        %jit3A_771 = arith.constant 0 : i32
        %broadcast_in_dim3A_772 = vector.broadcast %jit3A_770 : i32 to vector<16xi32>
        %broadcast_in_dim3A_773 = vector.broadcast %jit3A_771 : i32 to vector<16xi32>
        %select_n3A_774 = arith.select %or3A_769, %broadcast_in_dim3A_772, %broadcast_in_dim3A_773 : vector<16xi1>, vector<16xi32>
        %add3A_775 = arith.addi %add3A_657, %select_n3A_774 : vector<16xi32>
        %lt3A_776 = vector.broadcast %squeeze3A_729 : f32 to vector<16xf32>
        %lt3A_777 = arith.cmpf olt, %lt3A_776, %get3A_54 : vector<16xf32>
        %eq3A_778 = vector.broadcast %squeeze3A_729 : f32 to vector<16xf32>
        %eq3A_779 = arith.cmpf oeq, %eq3A_778, %get3A_54 : vector<16xf32>
        %lt3A_780 = vector.broadcast %add3A_733 : i32 to vector<16xi32>
        %lt3A_781 = arith.cmpi slt, %lt3A_780, %add3A_17 : vector<16xi32>
        %and3A_782 = arith.andi %eq3A_779, %lt3A_781 : vector<16xi1>
        %or3A_783 = arith.ori %lt3A_777, %and3A_782 : vector<16xi1>
        %jit3A_784 = arith.constant 1 : i32
        %jit3A_785 = arith.constant 0 : i32
        %broadcast_in_dim3A_786 = vector.broadcast %jit3A_784 : i32 to vector<16xi32>
        %broadcast_in_dim3A_787 = vector.broadcast %jit3A_785 : i32 to vector<16xi32>
        %select_n3A_788 = arith.select %or3A_783, %broadcast_in_dim3A_786, %broadcast_in_dim3A_787 : vector<16xi1>, vector<16xi32>
        %add3A_789 = arith.addi %add3A_671, %select_n3A_788 : vector<16xi32>
        %lt3A_790 = vector.broadcast %squeeze3A_729 : f32 to vector<16xf32>
        %lt3A_791 = arith.cmpf olt, %lt3A_790, %get3A_58 : vector<16xf32>
        %eq3A_792 = vector.broadcast %squeeze3A_729 : f32 to vector<16xf32>
        %eq3A_793 = arith.cmpf oeq, %eq3A_792, %get3A_58 : vector<16xf32>
        %lt3A_794 = vector.broadcast %add3A_733 : i32 to vector<16xi32>
        %lt3A_795 = arith.cmpi slt, %lt3A_794, %add3A_21 : vector<16xi32>
        %and3A_796 = arith.andi %eq3A_793, %lt3A_795 : vector<16xi1>
        %or3A_797 = arith.ori %lt3A_791, %and3A_796 : vector<16xi1>
        %jit3A_798 = arith.constant 1 : i32
        %jit3A_799 = arith.constant 0 : i32
        %broadcast_in_dim3A_800 = vector.broadcast %jit3A_798 : i32 to vector<16xi32>
        %broadcast_in_dim3A_801 = vector.broadcast %jit3A_799 : i32 to vector<16xi32>
        %select_n3A_802 = arith.select %or3A_797, %broadcast_in_dim3A_800, %broadcast_in_dim3A_801 : vector<16xi1>, vector<16xi32>
        %add3A_803 = arith.addi %add3A_685, %select_n3A_802 : vector<16xi32>
        %lt3A_804 = vector.broadcast %squeeze3A_729 : f32 to vector<16xf32>
        %lt3A_805 = arith.cmpf olt, %lt3A_804, %get3A_62 : vector<16xf32>
        %eq3A_806 = vector.broadcast %squeeze3A_729 : f32 to vector<16xf32>
        %eq3A_807 = arith.cmpf oeq, %eq3A_806, %get3A_62 : vector<16xf32>
        %lt3A_808 = vector.broadcast %add3A_733 : i32 to vector<16xi32>
        %lt3A_809 = arith.cmpi slt, %lt3A_808, %add3A_25 : vector<16xi32>
        %and3A_810 = arith.andi %eq3A_807, %lt3A_809 : vector<16xi1>
        %or3A_811 = arith.ori %lt3A_805, %and3A_810 : vector<16xi1>
        %jit3A_812 = arith.constant 1 : i32
        %jit3A_813 = arith.constant 0 : i32
        %broadcast_in_dim3A_814 = vector.broadcast %jit3A_812 : i32 to vector<16xi32>
        %broadcast_in_dim3A_815 = vector.broadcast %jit3A_813 : i32 to vector<16xi32>
        %select_n3A_816 = arith.select %or3A_811, %broadcast_in_dim3A_814, %broadcast_in_dim3A_815 : vector<16xi1>, vector<16xi32>
        %add3A_817 = arith.addi %add3A_699, %select_n3A_816 : vector<16xi32>
        %lt3A_818 = vector.broadcast %squeeze3A_729 : f32 to vector<16xf32>
        %lt3A_819 = arith.cmpf olt, %lt3A_818, %get3A_66 : vector<16xf32>
        %eq3A_820 = vector.broadcast %squeeze3A_729 : f32 to vector<16xf32>
        %eq3A_821 = arith.cmpf oeq, %eq3A_820, %get3A_66 : vector<16xf32>
        %lt3A_822 = vector.broadcast %add3A_733 : i32 to vector<16xi32>
        %lt3A_823 = arith.cmpi slt, %lt3A_822, %add3A_29 : vector<16xi32>
        %and3A_824 = arith.andi %eq3A_821, %lt3A_823 : vector<16xi1>
        %or3A_825 = arith.ori %lt3A_819, %and3A_824 : vector<16xi1>
        %jit3A_826 = arith.constant 1 : i32
        %jit3A_827 = arith.constant 0 : i32
        %broadcast_in_dim3A_828 = vector.broadcast %jit3A_826 : i32 to vector<16xi32>
        %broadcast_in_dim3A_829 = vector.broadcast %jit3A_827 : i32 to vector<16xi32>
        %select_n3A_830 = arith.select %or3A_825, %broadcast_in_dim3A_828, %broadcast_in_dim3A_829 : vector<16xi1>, vector<16xi32>
        %add3A_831 = arith.addi %add3A_713, %select_n3A_830 : vector<16xi32>
        %lt3A_832 = vector.broadcast %squeeze3A_729 : f32 to vector<16xf32>
        %lt3A_833 = arith.cmpf olt, %lt3A_832, %get3A_70 : vector<16xf32>
        %eq3A_834 = vector.broadcast %squeeze3A_729 : f32 to vector<16xf32>
        %eq3A_835 = arith.cmpf oeq, %eq3A_834, %get3A_70 : vector<16xf32>
        %lt3A_836 = vector.broadcast %add3A_733 : i32 to vector<16xi32>
        %lt3A_837 = arith.cmpi slt, %lt3A_836, %add3A_33 : vector<16xi32>
        %and3A_838 = arith.andi %eq3A_835, %lt3A_837 : vector<16xi1>
        %or3A_839 = arith.ori %lt3A_833, %and3A_838 : vector<16xi1>
        %jit3A_840 = arith.constant 1 : i32
        %jit3A_841 = arith.constant 0 : i32
        %broadcast_in_dim3A_842 = vector.broadcast %jit3A_840 : i32 to vector<16xi32>
        %broadcast_in_dim3A_843 = vector.broadcast %jit3A_841 : i32 to vector<16xi32>
        %select_n3A_844 = arith.select %or3A_839, %broadcast_in_dim3A_842, %broadcast_in_dim3A_843 : vector<16xi1>, vector<16xi32>
        %add3A_845 = arith.addi %add3A_727, %select_n3A_844 : vector<16xi32>
        %slice3A_846 = vector.extract_strided_slice %get3A_145 {offsets = [6], sizes = [1], strides = [1]} : vector<16xf32> to vector<1xf32>
        %squeeze3A_847 = vector.extract %slice3A_846[0] : f32 from vector<1xf32>
        %mul3A_848 = arith.constant 16 : i32
        %mul3A_849 = arith.muli %scan3A_131, %mul3A_848 : i32
        %add3A_850 = arith.constant 6 : i32
        %add3A_851 = arith.addi %mul3A_849, %add3A_850 : i32
        %lt3A_852 = vector.broadcast %squeeze3A_847 : f32 to vector<16xf32>
        %lt3A_853 = arith.cmpf olt, %lt3A_852, %get3A_42 : vector<16xf32>
        %eq3A_854 = vector.broadcast %squeeze3A_847 : f32 to vector<16xf32>
        %eq3A_855 = arith.cmpf oeq, %eq3A_854, %get3A_42 : vector<16xf32>
        %lt3A_856 = vector.broadcast %add3A_851 : i32 to vector<16xi32>
        %lt3A_857 = arith.cmpi slt, %lt3A_856, %add3A_5 : vector<16xi32>
        %and3A_858 = arith.andi %eq3A_855, %lt3A_857 : vector<16xi1>
        %or3A_859 = arith.ori %lt3A_853, %and3A_858 : vector<16xi1>
        %jit3A_860 = arith.constant 1 : i32
        %jit3A_861 = arith.constant 0 : i32
        %broadcast_in_dim3A_862 = vector.broadcast %jit3A_860 : i32 to vector<16xi32>
        %broadcast_in_dim3A_863 = vector.broadcast %jit3A_861 : i32 to vector<16xi32>
        %select_n3A_864 = arith.select %or3A_859, %broadcast_in_dim3A_862, %broadcast_in_dim3A_863 : vector<16xi1>, vector<16xi32>
        %add3A_865 = arith.addi %add3A_747, %select_n3A_864 : vector<16xi32>
        %lt3A_866 = vector.broadcast %squeeze3A_847 : f32 to vector<16xf32>
        %lt3A_867 = arith.cmpf olt, %lt3A_866, %get3A_46 : vector<16xf32>
        %eq3A_868 = vector.broadcast %squeeze3A_847 : f32 to vector<16xf32>
        %eq3A_869 = arith.cmpf oeq, %eq3A_868, %get3A_46 : vector<16xf32>
        %lt3A_870 = vector.broadcast %add3A_851 : i32 to vector<16xi32>
        %lt3A_871 = arith.cmpi slt, %lt3A_870, %add3A_9 : vector<16xi32>
        %and3A_872 = arith.andi %eq3A_869, %lt3A_871 : vector<16xi1>
        %or3A_873 = arith.ori %lt3A_867, %and3A_872 : vector<16xi1>
        %jit3A_874 = arith.constant 1 : i32
        %jit3A_875 = arith.constant 0 : i32
        %broadcast_in_dim3A_876 = vector.broadcast %jit3A_874 : i32 to vector<16xi32>
        %broadcast_in_dim3A_877 = vector.broadcast %jit3A_875 : i32 to vector<16xi32>
        %select_n3A_878 = arith.select %or3A_873, %broadcast_in_dim3A_876, %broadcast_in_dim3A_877 : vector<16xi1>, vector<16xi32>
        %add3A_879 = arith.addi %add3A_761, %select_n3A_878 : vector<16xi32>
        %lt3A_880 = vector.broadcast %squeeze3A_847 : f32 to vector<16xf32>
        %lt3A_881 = arith.cmpf olt, %lt3A_880, %get3A_50 : vector<16xf32>
        %eq3A_882 = vector.broadcast %squeeze3A_847 : f32 to vector<16xf32>
        %eq3A_883 = arith.cmpf oeq, %eq3A_882, %get3A_50 : vector<16xf32>
        %lt3A_884 = vector.broadcast %add3A_851 : i32 to vector<16xi32>
        %lt3A_885 = arith.cmpi slt, %lt3A_884, %add3A_13 : vector<16xi32>
        %and3A_886 = arith.andi %eq3A_883, %lt3A_885 : vector<16xi1>
        %or3A_887 = arith.ori %lt3A_881, %and3A_886 : vector<16xi1>
        %jit3A_888 = arith.constant 1 : i32
        %jit3A_889 = arith.constant 0 : i32
        %broadcast_in_dim3A_890 = vector.broadcast %jit3A_888 : i32 to vector<16xi32>
        %broadcast_in_dim3A_891 = vector.broadcast %jit3A_889 : i32 to vector<16xi32>
        %select_n3A_892 = arith.select %or3A_887, %broadcast_in_dim3A_890, %broadcast_in_dim3A_891 : vector<16xi1>, vector<16xi32>
        %add3A_893 = arith.addi %add3A_775, %select_n3A_892 : vector<16xi32>
        %lt3A_894 = vector.broadcast %squeeze3A_847 : f32 to vector<16xf32>
        %lt3A_895 = arith.cmpf olt, %lt3A_894, %get3A_54 : vector<16xf32>
        %eq3A_896 = vector.broadcast %squeeze3A_847 : f32 to vector<16xf32>
        %eq3A_897 = arith.cmpf oeq, %eq3A_896, %get3A_54 : vector<16xf32>
        %lt3A_898 = vector.broadcast %add3A_851 : i32 to vector<16xi32>
        %lt3A_899 = arith.cmpi slt, %lt3A_898, %add3A_17 : vector<16xi32>
        %and3A_900 = arith.andi %eq3A_897, %lt3A_899 : vector<16xi1>
        %or3A_901 = arith.ori %lt3A_895, %and3A_900 : vector<16xi1>
        %jit3A_902 = arith.constant 1 : i32
        %jit3A_903 = arith.constant 0 : i32
        %broadcast_in_dim3A_904 = vector.broadcast %jit3A_902 : i32 to vector<16xi32>
        %broadcast_in_dim3A_905 = vector.broadcast %jit3A_903 : i32 to vector<16xi32>
        %select_n3A_906 = arith.select %or3A_901, %broadcast_in_dim3A_904, %broadcast_in_dim3A_905 : vector<16xi1>, vector<16xi32>
        %add3A_907 = arith.addi %add3A_789, %select_n3A_906 : vector<16xi32>
        %lt3A_908 = vector.broadcast %squeeze3A_847 : f32 to vector<16xf32>
        %lt3A_909 = arith.cmpf olt, %lt3A_908, %get3A_58 : vector<16xf32>
        %eq3A_910 = vector.broadcast %squeeze3A_847 : f32 to vector<16xf32>
        %eq3A_911 = arith.cmpf oeq, %eq3A_910, %get3A_58 : vector<16xf32>
        %lt3A_912 = vector.broadcast %add3A_851 : i32 to vector<16xi32>
        %lt3A_913 = arith.cmpi slt, %lt3A_912, %add3A_21 : vector<16xi32>
        %and3A_914 = arith.andi %eq3A_911, %lt3A_913 : vector<16xi1>
        %or3A_915 = arith.ori %lt3A_909, %and3A_914 : vector<16xi1>
        %jit3A_916 = arith.constant 1 : i32
        %jit3A_917 = arith.constant 0 : i32
        %broadcast_in_dim3A_918 = vector.broadcast %jit3A_916 : i32 to vector<16xi32>
        %broadcast_in_dim3A_919 = vector.broadcast %jit3A_917 : i32 to vector<16xi32>
        %select_n3A_920 = arith.select %or3A_915, %broadcast_in_dim3A_918, %broadcast_in_dim3A_919 : vector<16xi1>, vector<16xi32>
        %add3A_921 = arith.addi %add3A_803, %select_n3A_920 : vector<16xi32>
        %lt3A_922 = vector.broadcast %squeeze3A_847 : f32 to vector<16xf32>
        %lt3A_923 = arith.cmpf olt, %lt3A_922, %get3A_62 : vector<16xf32>
        %eq3A_924 = vector.broadcast %squeeze3A_847 : f32 to vector<16xf32>
        %eq3A_925 = arith.cmpf oeq, %eq3A_924, %get3A_62 : vector<16xf32>
        %lt3A_926 = vector.broadcast %add3A_851 : i32 to vector<16xi32>
        %lt3A_927 = arith.cmpi slt, %lt3A_926, %add3A_25 : vector<16xi32>
        %and3A_928 = arith.andi %eq3A_925, %lt3A_927 : vector<16xi1>
        %or3A_929 = arith.ori %lt3A_923, %and3A_928 : vector<16xi1>
        %jit3A_930 = arith.constant 1 : i32
        %jit3A_931 = arith.constant 0 : i32
        %broadcast_in_dim3A_932 = vector.broadcast %jit3A_930 : i32 to vector<16xi32>
        %broadcast_in_dim3A_933 = vector.broadcast %jit3A_931 : i32 to vector<16xi32>
        %select_n3A_934 = arith.select %or3A_929, %broadcast_in_dim3A_932, %broadcast_in_dim3A_933 : vector<16xi1>, vector<16xi32>
        %add3A_935 = arith.addi %add3A_817, %select_n3A_934 : vector<16xi32>
        %lt3A_936 = vector.broadcast %squeeze3A_847 : f32 to vector<16xf32>
        %lt3A_937 = arith.cmpf olt, %lt3A_936, %get3A_66 : vector<16xf32>
        %eq3A_938 = vector.broadcast %squeeze3A_847 : f32 to vector<16xf32>
        %eq3A_939 = arith.cmpf oeq, %eq3A_938, %get3A_66 : vector<16xf32>
        %lt3A_940 = vector.broadcast %add3A_851 : i32 to vector<16xi32>
        %lt3A_941 = arith.cmpi slt, %lt3A_940, %add3A_29 : vector<16xi32>
        %and3A_942 = arith.andi %eq3A_939, %lt3A_941 : vector<16xi1>
        %or3A_943 = arith.ori %lt3A_937, %and3A_942 : vector<16xi1>
        %jit3A_944 = arith.constant 1 : i32
        %jit3A_945 = arith.constant 0 : i32
        %broadcast_in_dim3A_946 = vector.broadcast %jit3A_944 : i32 to vector<16xi32>
        %broadcast_in_dim3A_947 = vector.broadcast %jit3A_945 : i32 to vector<16xi32>
        %select_n3A_948 = arith.select %or3A_943, %broadcast_in_dim3A_946, %broadcast_in_dim3A_947 : vector<16xi1>, vector<16xi32>
        %add3A_949 = arith.addi %add3A_831, %select_n3A_948 : vector<16xi32>
        %lt3A_950 = vector.broadcast %squeeze3A_847 : f32 to vector<16xf32>
        %lt3A_951 = arith.cmpf olt, %lt3A_950, %get3A_70 : vector<16xf32>
        %eq3A_952 = vector.broadcast %squeeze3A_847 : f32 to vector<16xf32>
        %eq3A_953 = arith.cmpf oeq, %eq3A_952, %get3A_70 : vector<16xf32>
        %lt3A_954 = vector.broadcast %add3A_851 : i32 to vector<16xi32>
        %lt3A_955 = arith.cmpi slt, %lt3A_954, %add3A_33 : vector<16xi32>
        %and3A_956 = arith.andi %eq3A_953, %lt3A_955 : vector<16xi1>
        %or3A_957 = arith.ori %lt3A_951, %and3A_956 : vector<16xi1>
        %jit3A_958 = arith.constant 1 : i32
        %jit3A_959 = arith.constant 0 : i32
        %broadcast_in_dim3A_960 = vector.broadcast %jit3A_958 : i32 to vector<16xi32>
        %broadcast_in_dim3A_961 = vector.broadcast %jit3A_959 : i32 to vector<16xi32>
        %select_n3A_962 = arith.select %or3A_957, %broadcast_in_dim3A_960, %broadcast_in_dim3A_961 : vector<16xi1>, vector<16xi32>
        %add3A_963 = arith.addi %add3A_845, %select_n3A_962 : vector<16xi32>
        %slice3A_964 = vector.extract_strided_slice %get3A_145 {offsets = [7], sizes = [1], strides = [1]} : vector<16xf32> to vector<1xf32>
        %squeeze3A_965 = vector.extract %slice3A_964[0] : f32 from vector<1xf32>
        %mul3A_966 = arith.constant 16 : i32
        %mul3A_967 = arith.muli %scan3A_131, %mul3A_966 : i32
        %add3A_968 = arith.constant 7 : i32
        %add3A_969 = arith.addi %mul3A_967, %add3A_968 : i32
        %lt3A_970 = vector.broadcast %squeeze3A_965 : f32 to vector<16xf32>
        %lt3A_971 = arith.cmpf olt, %lt3A_970, %get3A_42 : vector<16xf32>
        %eq3A_972 = vector.broadcast %squeeze3A_965 : f32 to vector<16xf32>
        %eq3A_973 = arith.cmpf oeq, %eq3A_972, %get3A_42 : vector<16xf32>
        %lt3A_974 = vector.broadcast %add3A_969 : i32 to vector<16xi32>
        %lt3A_975 = arith.cmpi slt, %lt3A_974, %add3A_5 : vector<16xi32>
        %and3A_976 = arith.andi %eq3A_973, %lt3A_975 : vector<16xi1>
        %or3A_977 = arith.ori %lt3A_971, %and3A_976 : vector<16xi1>
        %jit3A_978 = arith.constant 1 : i32
        %jit3A_979 = arith.constant 0 : i32
        %broadcast_in_dim3A_980 = vector.broadcast %jit3A_978 : i32 to vector<16xi32>
        %broadcast_in_dim3A_981 = vector.broadcast %jit3A_979 : i32 to vector<16xi32>
        %select_n3A_982 = arith.select %or3A_977, %broadcast_in_dim3A_980, %broadcast_in_dim3A_981 : vector<16xi1>, vector<16xi32>
        %add3A_983 = arith.addi %add3A_865, %select_n3A_982 : vector<16xi32>
        %lt3A_984 = vector.broadcast %squeeze3A_965 : f32 to vector<16xf32>
        %lt3A_985 = arith.cmpf olt, %lt3A_984, %get3A_46 : vector<16xf32>
        %eq3A_986 = vector.broadcast %squeeze3A_965 : f32 to vector<16xf32>
        %eq3A_987 = arith.cmpf oeq, %eq3A_986, %get3A_46 : vector<16xf32>
        %lt3A_988 = vector.broadcast %add3A_969 : i32 to vector<16xi32>
        %lt3A_989 = arith.cmpi slt, %lt3A_988, %add3A_9 : vector<16xi32>
        %and3A_990 = arith.andi %eq3A_987, %lt3A_989 : vector<16xi1>
        %or3A_991 = arith.ori %lt3A_985, %and3A_990 : vector<16xi1>
        %jit3A_992 = arith.constant 1 : i32
        %jit3A_993 = arith.constant 0 : i32
        %broadcast_in_dim3A_994 = vector.broadcast %jit3A_992 : i32 to vector<16xi32>
        %broadcast_in_dim3A_995 = vector.broadcast %jit3A_993 : i32 to vector<16xi32>
        %select_n3A_996 = arith.select %or3A_991, %broadcast_in_dim3A_994, %broadcast_in_dim3A_995 : vector<16xi1>, vector<16xi32>
        %add3A_997 = arith.addi %add3A_879, %select_n3A_996 : vector<16xi32>
        %lt3A_998 = vector.broadcast %squeeze3A_965 : f32 to vector<16xf32>
        %lt3A_999 = arith.cmpf olt, %lt3A_998, %get3A_50 : vector<16xf32>
        %eq3A_1000 = vector.broadcast %squeeze3A_965 : f32 to vector<16xf32>
        %eq3A_1001 = arith.cmpf oeq, %eq3A_1000, %get3A_50 : vector<16xf32>
        %lt3A_1002 = vector.broadcast %add3A_969 : i32 to vector<16xi32>
        %lt3A_1003 = arith.cmpi slt, %lt3A_1002, %add3A_13 : vector<16xi32>
        %and3A_1004 = arith.andi %eq3A_1001, %lt3A_1003 : vector<16xi1>
        %or3A_1005 = arith.ori %lt3A_999, %and3A_1004 : vector<16xi1>
        %jit3A_1006 = arith.constant 1 : i32
        %jit3A_1007 = arith.constant 0 : i32
        %broadcast_in_dim3A_1008 = vector.broadcast %jit3A_1006 : i32 to vector<16xi32>
        %broadcast_in_dim3A_1009 = vector.broadcast %jit3A_1007 : i32 to vector<16xi32>
        %select_n3A_1010 = arith.select %or3A_1005, %broadcast_in_dim3A_1008, %broadcast_in_dim3A_1009 : vector<16xi1>, vector<16xi32>
        %add3A_1011 = arith.addi %add3A_893, %select_n3A_1010 : vector<16xi32>
        %lt3A_1012 = vector.broadcast %squeeze3A_965 : f32 to vector<16xf32>
        %lt3A_1013 = arith.cmpf olt, %lt3A_1012, %get3A_54 : vector<16xf32>
        %eq3A_1014 = vector.broadcast %squeeze3A_965 : f32 to vector<16xf32>
        %eq3A_1015 = arith.cmpf oeq, %eq3A_1014, %get3A_54 : vector<16xf32>
        %lt3A_1016 = vector.broadcast %add3A_969 : i32 to vector<16xi32>
        %lt3A_1017 = arith.cmpi slt, %lt3A_1016, %add3A_17 : vector<16xi32>
        %and3A_1018 = arith.andi %eq3A_1015, %lt3A_1017 : vector<16xi1>
        %or3A_1019 = arith.ori %lt3A_1013, %and3A_1018 : vector<16xi1>
        %jit3A_1020 = arith.constant 1 : i32
        %jit3A_1021 = arith.constant 0 : i32
        %broadcast_in_dim3A_1022 = vector.broadcast %jit3A_1020 : i32 to vector<16xi32>
        %broadcast_in_dim3A_1023 = vector.broadcast %jit3A_1021 : i32 to vector<16xi32>
        %select_n3A_1024 = arith.select %or3A_1019, %broadcast_in_dim3A_1022, %broadcast_in_dim3A_1023 : vector<16xi1>, vector<16xi32>
        %add3A_1025 = arith.addi %add3A_907, %select_n3A_1024 : vector<16xi32>
        %lt3A_1026 = vector.broadcast %squeeze3A_965 : f32 to vector<16xf32>
        %lt3A_1027 = arith.cmpf olt, %lt3A_1026, %get3A_58 : vector<16xf32>
        %eq3A_1028 = vector.broadcast %squeeze3A_965 : f32 to vector<16xf32>
        %eq3A_1029 = arith.cmpf oeq, %eq3A_1028, %get3A_58 : vector<16xf32>
        %lt3A_1030 = vector.broadcast %add3A_969 : i32 to vector<16xi32>
        %lt3A_1031 = arith.cmpi slt, %lt3A_1030, %add3A_21 : vector<16xi32>
        %and3A_1032 = arith.andi %eq3A_1029, %lt3A_1031 : vector<16xi1>
        %or3A_1033 = arith.ori %lt3A_1027, %and3A_1032 : vector<16xi1>
        %jit3A_1034 = arith.constant 1 : i32
        %jit3A_1035 = arith.constant 0 : i32
        %broadcast_in_dim3A_1036 = vector.broadcast %jit3A_1034 : i32 to vector<16xi32>
        %broadcast_in_dim3A_1037 = vector.broadcast %jit3A_1035 : i32 to vector<16xi32>
        %select_n3A_1038 = arith.select %or3A_1033, %broadcast_in_dim3A_1036, %broadcast_in_dim3A_1037 : vector<16xi1>, vector<16xi32>
        %add3A_1039 = arith.addi %add3A_921, %select_n3A_1038 : vector<16xi32>
        %lt3A_1040 = vector.broadcast %squeeze3A_965 : f32 to vector<16xf32>
        %lt3A_1041 = arith.cmpf olt, %lt3A_1040, %get3A_62 : vector<16xf32>
        %eq3A_1042 = vector.broadcast %squeeze3A_965 : f32 to vector<16xf32>
        %eq3A_1043 = arith.cmpf oeq, %eq3A_1042, %get3A_62 : vector<16xf32>
        %lt3A_1044 = vector.broadcast %add3A_969 : i32 to vector<16xi32>
        %lt3A_1045 = arith.cmpi slt, %lt3A_1044, %add3A_25 : vector<16xi32>
        %and3A_1046 = arith.andi %eq3A_1043, %lt3A_1045 : vector<16xi1>
        %or3A_1047 = arith.ori %lt3A_1041, %and3A_1046 : vector<16xi1>
        %jit3A_1048 = arith.constant 1 : i32
        %jit3A_1049 = arith.constant 0 : i32
        %broadcast_in_dim3A_1050 = vector.broadcast %jit3A_1048 : i32 to vector<16xi32>
        %broadcast_in_dim3A_1051 = vector.broadcast %jit3A_1049 : i32 to vector<16xi32>
        %select_n3A_1052 = arith.select %or3A_1047, %broadcast_in_dim3A_1050, %broadcast_in_dim3A_1051 : vector<16xi1>, vector<16xi32>
        %add3A_1053 = arith.addi %add3A_935, %select_n3A_1052 : vector<16xi32>
        %lt3A_1054 = vector.broadcast %squeeze3A_965 : f32 to vector<16xf32>
        %lt3A_1055 = arith.cmpf olt, %lt3A_1054, %get3A_66 : vector<16xf32>
        %eq3A_1056 = vector.broadcast %squeeze3A_965 : f32 to vector<16xf32>
        %eq3A_1057 = arith.cmpf oeq, %eq3A_1056, %get3A_66 : vector<16xf32>
        %lt3A_1058 = vector.broadcast %add3A_969 : i32 to vector<16xi32>
        %lt3A_1059 = arith.cmpi slt, %lt3A_1058, %add3A_29 : vector<16xi32>
        %and3A_1060 = arith.andi %eq3A_1057, %lt3A_1059 : vector<16xi1>
        %or3A_1061 = arith.ori %lt3A_1055, %and3A_1060 : vector<16xi1>
        %jit3A_1062 = arith.constant 1 : i32
        %jit3A_1063 = arith.constant 0 : i32
        %broadcast_in_dim3A_1064 = vector.broadcast %jit3A_1062 : i32 to vector<16xi32>
        %broadcast_in_dim3A_1065 = vector.broadcast %jit3A_1063 : i32 to vector<16xi32>
        %select_n3A_1066 = arith.select %or3A_1061, %broadcast_in_dim3A_1064, %broadcast_in_dim3A_1065 : vector<16xi1>, vector<16xi32>
        %add3A_1067 = arith.addi %add3A_949, %select_n3A_1066 : vector<16xi32>
        %lt3A_1068 = vector.broadcast %squeeze3A_965 : f32 to vector<16xf32>
        %lt3A_1069 = arith.cmpf olt, %lt3A_1068, %get3A_70 : vector<16xf32>
        %eq3A_1070 = vector.broadcast %squeeze3A_965 : f32 to vector<16xf32>
        %eq3A_1071 = arith.cmpf oeq, %eq3A_1070, %get3A_70 : vector<16xf32>
        %lt3A_1072 = vector.broadcast %add3A_969 : i32 to vector<16xi32>
        %lt3A_1073 = arith.cmpi slt, %lt3A_1072, %add3A_33 : vector<16xi32>
        %and3A_1074 = arith.andi %eq3A_1071, %lt3A_1073 : vector<16xi1>
        %or3A_1075 = arith.ori %lt3A_1069, %and3A_1074 : vector<16xi1>
        %jit3A_1076 = arith.constant 1 : i32
        %jit3A_1077 = arith.constant 0 : i32
        %broadcast_in_dim3A_1078 = vector.broadcast %jit3A_1076 : i32 to vector<16xi32>
        %broadcast_in_dim3A_1079 = vector.broadcast %jit3A_1077 : i32 to vector<16xi32>
        %select_n3A_1080 = arith.select %or3A_1075, %broadcast_in_dim3A_1078, %broadcast_in_dim3A_1079 : vector<16xi1>, vector<16xi32>
        %add3A_1081 = arith.addi %add3A_963, %select_n3A_1080 : vector<16xi32>
        %slice3A_1082 = vector.extract_strided_slice %get3A_145 {offsets = [8], sizes = [1], strides = [1]} : vector<16xf32> to vector<1xf32>
        %squeeze3A_1083 = vector.extract %slice3A_1082[0] : f32 from vector<1xf32>
        %mul3A_1084 = arith.constant 16 : i32
        %mul3A_1085 = arith.muli %scan3A_131, %mul3A_1084 : i32
        %add3A_1086 = arith.constant 8 : i32
        %add3A_1087 = arith.addi %mul3A_1085, %add3A_1086 : i32
        %lt3A_1088 = vector.broadcast %squeeze3A_1083 : f32 to vector<16xf32>
        %lt3A_1089 = arith.cmpf olt, %lt3A_1088, %get3A_42 : vector<16xf32>
        %eq3A_1090 = vector.broadcast %squeeze3A_1083 : f32 to vector<16xf32>
        %eq3A_1091 = arith.cmpf oeq, %eq3A_1090, %get3A_42 : vector<16xf32>
        %lt3A_1092 = vector.broadcast %add3A_1087 : i32 to vector<16xi32>
        %lt3A_1093 = arith.cmpi slt, %lt3A_1092, %add3A_5 : vector<16xi32>
        %and3A_1094 = arith.andi %eq3A_1091, %lt3A_1093 : vector<16xi1>
        %or3A_1095 = arith.ori %lt3A_1089, %and3A_1094 : vector<16xi1>
        %jit3A_1096 = arith.constant 1 : i32
        %jit3A_1097 = arith.constant 0 : i32
        %broadcast_in_dim3A_1098 = vector.broadcast %jit3A_1096 : i32 to vector<16xi32>
        %broadcast_in_dim3A_1099 = vector.broadcast %jit3A_1097 : i32 to vector<16xi32>
        %select_n3A_1100 = arith.select %or3A_1095, %broadcast_in_dim3A_1098, %broadcast_in_dim3A_1099 : vector<16xi1>, vector<16xi32>
        %add3A_1101 = arith.addi %add3A_983, %select_n3A_1100 : vector<16xi32>
        %lt3A_1102 = vector.broadcast %squeeze3A_1083 : f32 to vector<16xf32>
        %lt3A_1103 = arith.cmpf olt, %lt3A_1102, %get3A_46 : vector<16xf32>
        %eq3A_1104 = vector.broadcast %squeeze3A_1083 : f32 to vector<16xf32>
        %eq3A_1105 = arith.cmpf oeq, %eq3A_1104, %get3A_46 : vector<16xf32>
        %lt3A_1106 = vector.broadcast %add3A_1087 : i32 to vector<16xi32>
        %lt3A_1107 = arith.cmpi slt, %lt3A_1106, %add3A_9 : vector<16xi32>
        %and3A_1108 = arith.andi %eq3A_1105, %lt3A_1107 : vector<16xi1>
        %or3A_1109 = arith.ori %lt3A_1103, %and3A_1108 : vector<16xi1>
        %jit3A_1110 = arith.constant 1 : i32
        %jit3A_1111 = arith.constant 0 : i32
        %broadcast_in_dim3A_1112 = vector.broadcast %jit3A_1110 : i32 to vector<16xi32>
        %broadcast_in_dim3A_1113 = vector.broadcast %jit3A_1111 : i32 to vector<16xi32>
        %select_n3A_1114 = arith.select %or3A_1109, %broadcast_in_dim3A_1112, %broadcast_in_dim3A_1113 : vector<16xi1>, vector<16xi32>
        %add3A_1115 = arith.addi %add3A_997, %select_n3A_1114 : vector<16xi32>
        %lt3A_1116 = vector.broadcast %squeeze3A_1083 : f32 to vector<16xf32>
        %lt3A_1117 = arith.cmpf olt, %lt3A_1116, %get3A_50 : vector<16xf32>
        %eq3A_1118 = vector.broadcast %squeeze3A_1083 : f32 to vector<16xf32>
        %eq3A_1119 = arith.cmpf oeq, %eq3A_1118, %get3A_50 : vector<16xf32>
        %lt3A_1120 = vector.broadcast %add3A_1087 : i32 to vector<16xi32>
        %lt3A_1121 = arith.cmpi slt, %lt3A_1120, %add3A_13 : vector<16xi32>
        %and3A_1122 = arith.andi %eq3A_1119, %lt3A_1121 : vector<16xi1>
        %or3A_1123 = arith.ori %lt3A_1117, %and3A_1122 : vector<16xi1>
        %jit3A_1124 = arith.constant 1 : i32
        %jit3A_1125 = arith.constant 0 : i32
        %broadcast_in_dim3A_1126 = vector.broadcast %jit3A_1124 : i32 to vector<16xi32>
        %broadcast_in_dim3A_1127 = vector.broadcast %jit3A_1125 : i32 to vector<16xi32>
        %select_n3A_1128 = arith.select %or3A_1123, %broadcast_in_dim3A_1126, %broadcast_in_dim3A_1127 : vector<16xi1>, vector<16xi32>
        %add3A_1129 = arith.addi %add3A_1011, %select_n3A_1128 : vector<16xi32>
        %lt3A_1130 = vector.broadcast %squeeze3A_1083 : f32 to vector<16xf32>
        %lt3A_1131 = arith.cmpf olt, %lt3A_1130, %get3A_54 : vector<16xf32>
        %eq3A_1132 = vector.broadcast %squeeze3A_1083 : f32 to vector<16xf32>
        %eq3A_1133 = arith.cmpf oeq, %eq3A_1132, %get3A_54 : vector<16xf32>
        %lt3A_1134 = vector.broadcast %add3A_1087 : i32 to vector<16xi32>
        %lt3A_1135 = arith.cmpi slt, %lt3A_1134, %add3A_17 : vector<16xi32>
        %and3A_1136 = arith.andi %eq3A_1133, %lt3A_1135 : vector<16xi1>
        %or3A_1137 = arith.ori %lt3A_1131, %and3A_1136 : vector<16xi1>
        %jit3A_1138 = arith.constant 1 : i32
        %jit3A_1139 = arith.constant 0 : i32
        %broadcast_in_dim3A_1140 = vector.broadcast %jit3A_1138 : i32 to vector<16xi32>
        %broadcast_in_dim3A_1141 = vector.broadcast %jit3A_1139 : i32 to vector<16xi32>
        %select_n3A_1142 = arith.select %or3A_1137, %broadcast_in_dim3A_1140, %broadcast_in_dim3A_1141 : vector<16xi1>, vector<16xi32>
        %add3A_1143 = arith.addi %add3A_1025, %select_n3A_1142 : vector<16xi32>
        %lt3A_1144 = vector.broadcast %squeeze3A_1083 : f32 to vector<16xf32>
        %lt3A_1145 = arith.cmpf olt, %lt3A_1144, %get3A_58 : vector<16xf32>
        %eq3A_1146 = vector.broadcast %squeeze3A_1083 : f32 to vector<16xf32>
        %eq3A_1147 = arith.cmpf oeq, %eq3A_1146, %get3A_58 : vector<16xf32>
        %lt3A_1148 = vector.broadcast %add3A_1087 : i32 to vector<16xi32>
        %lt3A_1149 = arith.cmpi slt, %lt3A_1148, %add3A_21 : vector<16xi32>
        %and3A_1150 = arith.andi %eq3A_1147, %lt3A_1149 : vector<16xi1>
        %or3A_1151 = arith.ori %lt3A_1145, %and3A_1150 : vector<16xi1>
        %jit3A_1152 = arith.constant 1 : i32
        %jit3A_1153 = arith.constant 0 : i32
        %broadcast_in_dim3A_1154 = vector.broadcast %jit3A_1152 : i32 to vector<16xi32>
        %broadcast_in_dim3A_1155 = vector.broadcast %jit3A_1153 : i32 to vector<16xi32>
        %select_n3A_1156 = arith.select %or3A_1151, %broadcast_in_dim3A_1154, %broadcast_in_dim3A_1155 : vector<16xi1>, vector<16xi32>
        %add3A_1157 = arith.addi %add3A_1039, %select_n3A_1156 : vector<16xi32>
        %lt3A_1158 = vector.broadcast %squeeze3A_1083 : f32 to vector<16xf32>
        %lt3A_1159 = arith.cmpf olt, %lt3A_1158, %get3A_62 : vector<16xf32>
        %eq3A_1160 = vector.broadcast %squeeze3A_1083 : f32 to vector<16xf32>
        %eq3A_1161 = arith.cmpf oeq, %eq3A_1160, %get3A_62 : vector<16xf32>
        %lt3A_1162 = vector.broadcast %add3A_1087 : i32 to vector<16xi32>
        %lt3A_1163 = arith.cmpi slt, %lt3A_1162, %add3A_25 : vector<16xi32>
        %and3A_1164 = arith.andi %eq3A_1161, %lt3A_1163 : vector<16xi1>
        %or3A_1165 = arith.ori %lt3A_1159, %and3A_1164 : vector<16xi1>
        %jit3A_1166 = arith.constant 1 : i32
        %jit3A_1167 = arith.constant 0 : i32
        %broadcast_in_dim3A_1168 = vector.broadcast %jit3A_1166 : i32 to vector<16xi32>
        %broadcast_in_dim3A_1169 = vector.broadcast %jit3A_1167 : i32 to vector<16xi32>
        %select_n3A_1170 = arith.select %or3A_1165, %broadcast_in_dim3A_1168, %broadcast_in_dim3A_1169 : vector<16xi1>, vector<16xi32>
        %add3A_1171 = arith.addi %add3A_1053, %select_n3A_1170 : vector<16xi32>
        %lt3A_1172 = vector.broadcast %squeeze3A_1083 : f32 to vector<16xf32>
        %lt3A_1173 = arith.cmpf olt, %lt3A_1172, %get3A_66 : vector<16xf32>
        %eq3A_1174 = vector.broadcast %squeeze3A_1083 : f32 to vector<16xf32>
        %eq3A_1175 = arith.cmpf oeq, %eq3A_1174, %get3A_66 : vector<16xf32>
        %lt3A_1176 = vector.broadcast %add3A_1087 : i32 to vector<16xi32>
        %lt3A_1177 = arith.cmpi slt, %lt3A_1176, %add3A_29 : vector<16xi32>
        %and3A_1178 = arith.andi %eq3A_1175, %lt3A_1177 : vector<16xi1>
        %or3A_1179 = arith.ori %lt3A_1173, %and3A_1178 : vector<16xi1>
        %jit3A_1180 = arith.constant 1 : i32
        %jit3A_1181 = arith.constant 0 : i32
        %broadcast_in_dim3A_1182 = vector.broadcast %jit3A_1180 : i32 to vector<16xi32>
        %broadcast_in_dim3A_1183 = vector.broadcast %jit3A_1181 : i32 to vector<16xi32>
        %select_n3A_1184 = arith.select %or3A_1179, %broadcast_in_dim3A_1182, %broadcast_in_dim3A_1183 : vector<16xi1>, vector<16xi32>
        %add3A_1185 = arith.addi %add3A_1067, %select_n3A_1184 : vector<16xi32>
        %lt3A_1186 = vector.broadcast %squeeze3A_1083 : f32 to vector<16xf32>
        %lt3A_1187 = arith.cmpf olt, %lt3A_1186, %get3A_70 : vector<16xf32>
        %eq3A_1188 = vector.broadcast %squeeze3A_1083 : f32 to vector<16xf32>
        %eq3A_1189 = arith.cmpf oeq, %eq3A_1188, %get3A_70 : vector<16xf32>
        %lt3A_1190 = vector.broadcast %add3A_1087 : i32 to vector<16xi32>
        %lt3A_1191 = arith.cmpi slt, %lt3A_1190, %add3A_33 : vector<16xi32>
        %and3A_1192 = arith.andi %eq3A_1189, %lt3A_1191 : vector<16xi1>
        %or3A_1193 = arith.ori %lt3A_1187, %and3A_1192 : vector<16xi1>
        %jit3A_1194 = arith.constant 1 : i32
        %jit3A_1195 = arith.constant 0 : i32
        %broadcast_in_dim3A_1196 = vector.broadcast %jit3A_1194 : i32 to vector<16xi32>
        %broadcast_in_dim3A_1197 = vector.broadcast %jit3A_1195 : i32 to vector<16xi32>
        %select_n3A_1198 = arith.select %or3A_1193, %broadcast_in_dim3A_1196, %broadcast_in_dim3A_1197 : vector<16xi1>, vector<16xi32>
        %add3A_1199 = arith.addi %add3A_1081, %select_n3A_1198 : vector<16xi32>
        %slice3A_1200 = vector.extract_strided_slice %get3A_145 {offsets = [9], sizes = [1], strides = [1]} : vector<16xf32> to vector<1xf32>
        %squeeze3A_1201 = vector.extract %slice3A_1200[0] : f32 from vector<1xf32>
        %mul3A_1202 = arith.constant 16 : i32
        %mul3A_1203 = arith.muli %scan3A_131, %mul3A_1202 : i32
        %add3A_1204 = arith.constant 9 : i32
        %add3A_1205 = arith.addi %mul3A_1203, %add3A_1204 : i32
        %lt3A_1206 = vector.broadcast %squeeze3A_1201 : f32 to vector<16xf32>
        %lt3A_1207 = arith.cmpf olt, %lt3A_1206, %get3A_42 : vector<16xf32>
        %eq3A_1208 = vector.broadcast %squeeze3A_1201 : f32 to vector<16xf32>
        %eq3A_1209 = arith.cmpf oeq, %eq3A_1208, %get3A_42 : vector<16xf32>
        %lt3A_1210 = vector.broadcast %add3A_1205 : i32 to vector<16xi32>
        %lt3A_1211 = arith.cmpi slt, %lt3A_1210, %add3A_5 : vector<16xi32>
        %and3A_1212 = arith.andi %eq3A_1209, %lt3A_1211 : vector<16xi1>
        %or3A_1213 = arith.ori %lt3A_1207, %and3A_1212 : vector<16xi1>
        %jit3A_1214 = arith.constant 1 : i32
        %jit3A_1215 = arith.constant 0 : i32
        %broadcast_in_dim3A_1216 = vector.broadcast %jit3A_1214 : i32 to vector<16xi32>
        %broadcast_in_dim3A_1217 = vector.broadcast %jit3A_1215 : i32 to vector<16xi32>
        %select_n3A_1218 = arith.select %or3A_1213, %broadcast_in_dim3A_1216, %broadcast_in_dim3A_1217 : vector<16xi1>, vector<16xi32>
        %add3A_1219 = arith.addi %add3A_1101, %select_n3A_1218 : vector<16xi32>
        %lt3A_1220 = vector.broadcast %squeeze3A_1201 : f32 to vector<16xf32>
        %lt3A_1221 = arith.cmpf olt, %lt3A_1220, %get3A_46 : vector<16xf32>
        %eq3A_1222 = vector.broadcast %squeeze3A_1201 : f32 to vector<16xf32>
        %eq3A_1223 = arith.cmpf oeq, %eq3A_1222, %get3A_46 : vector<16xf32>
        %lt3A_1224 = vector.broadcast %add3A_1205 : i32 to vector<16xi32>
        %lt3A_1225 = arith.cmpi slt, %lt3A_1224, %add3A_9 : vector<16xi32>
        %and3A_1226 = arith.andi %eq3A_1223, %lt3A_1225 : vector<16xi1>
        %or3A_1227 = arith.ori %lt3A_1221, %and3A_1226 : vector<16xi1>
        %jit3A_1228 = arith.constant 1 : i32
        %jit3A_1229 = arith.constant 0 : i32
        %broadcast_in_dim3A_1230 = vector.broadcast %jit3A_1228 : i32 to vector<16xi32>
        %broadcast_in_dim3A_1231 = vector.broadcast %jit3A_1229 : i32 to vector<16xi32>
        %select_n3A_1232 = arith.select %or3A_1227, %broadcast_in_dim3A_1230, %broadcast_in_dim3A_1231 : vector<16xi1>, vector<16xi32>
        %add3A_1233 = arith.addi %add3A_1115, %select_n3A_1232 : vector<16xi32>
        %lt3A_1234 = vector.broadcast %squeeze3A_1201 : f32 to vector<16xf32>
        %lt3A_1235 = arith.cmpf olt, %lt3A_1234, %get3A_50 : vector<16xf32>
        %eq3A_1236 = vector.broadcast %squeeze3A_1201 : f32 to vector<16xf32>
        %eq3A_1237 = arith.cmpf oeq, %eq3A_1236, %get3A_50 : vector<16xf32>
        %lt3A_1238 = vector.broadcast %add3A_1205 : i32 to vector<16xi32>
        %lt3A_1239 = arith.cmpi slt, %lt3A_1238, %add3A_13 : vector<16xi32>
        %and3A_1240 = arith.andi %eq3A_1237, %lt3A_1239 : vector<16xi1>
        %or3A_1241 = arith.ori %lt3A_1235, %and3A_1240 : vector<16xi1>
        %jit3A_1242 = arith.constant 1 : i32
        %jit3A_1243 = arith.constant 0 : i32
        %broadcast_in_dim3A_1244 = vector.broadcast %jit3A_1242 : i32 to vector<16xi32>
        %broadcast_in_dim3A_1245 = vector.broadcast %jit3A_1243 : i32 to vector<16xi32>
        %select_n3A_1246 = arith.select %or3A_1241, %broadcast_in_dim3A_1244, %broadcast_in_dim3A_1245 : vector<16xi1>, vector<16xi32>
        %add3A_1247 = arith.addi %add3A_1129, %select_n3A_1246 : vector<16xi32>
        %lt3A_1248 = vector.broadcast %squeeze3A_1201 : f32 to vector<16xf32>
        %lt3A_1249 = arith.cmpf olt, %lt3A_1248, %get3A_54 : vector<16xf32>
        %eq3A_1250 = vector.broadcast %squeeze3A_1201 : f32 to vector<16xf32>
        %eq3A_1251 = arith.cmpf oeq, %eq3A_1250, %get3A_54 : vector<16xf32>
        %lt3A_1252 = vector.broadcast %add3A_1205 : i32 to vector<16xi32>
        %lt3A_1253 = arith.cmpi slt, %lt3A_1252, %add3A_17 : vector<16xi32>
        %and3A_1254 = arith.andi %eq3A_1251, %lt3A_1253 : vector<16xi1>
        %or3A_1255 = arith.ori %lt3A_1249, %and3A_1254 : vector<16xi1>
        %jit3A_1256 = arith.constant 1 : i32
        %jit3A_1257 = arith.constant 0 : i32
        %broadcast_in_dim3A_1258 = vector.broadcast %jit3A_1256 : i32 to vector<16xi32>
        %broadcast_in_dim3A_1259 = vector.broadcast %jit3A_1257 : i32 to vector<16xi32>
        %select_n3A_1260 = arith.select %or3A_1255, %broadcast_in_dim3A_1258, %broadcast_in_dim3A_1259 : vector<16xi1>, vector<16xi32>
        %add3A_1261 = arith.addi %add3A_1143, %select_n3A_1260 : vector<16xi32>
        %lt3A_1262 = vector.broadcast %squeeze3A_1201 : f32 to vector<16xf32>
        %lt3A_1263 = arith.cmpf olt, %lt3A_1262, %get3A_58 : vector<16xf32>
        %eq3A_1264 = vector.broadcast %squeeze3A_1201 : f32 to vector<16xf32>
        %eq3A_1265 = arith.cmpf oeq, %eq3A_1264, %get3A_58 : vector<16xf32>
        %lt3A_1266 = vector.broadcast %add3A_1205 : i32 to vector<16xi32>
        %lt3A_1267 = arith.cmpi slt, %lt3A_1266, %add3A_21 : vector<16xi32>
        %and3A_1268 = arith.andi %eq3A_1265, %lt3A_1267 : vector<16xi1>
        %or3A_1269 = arith.ori %lt3A_1263, %and3A_1268 : vector<16xi1>
        %jit3A_1270 = arith.constant 1 : i32
        %jit3A_1271 = arith.constant 0 : i32
        %broadcast_in_dim3A_1272 = vector.broadcast %jit3A_1270 : i32 to vector<16xi32>
        %broadcast_in_dim3A_1273 = vector.broadcast %jit3A_1271 : i32 to vector<16xi32>
        %select_n3A_1274 = arith.select %or3A_1269, %broadcast_in_dim3A_1272, %broadcast_in_dim3A_1273 : vector<16xi1>, vector<16xi32>
        %add3A_1275 = arith.addi %add3A_1157, %select_n3A_1274 : vector<16xi32>
        %lt3A_1276 = vector.broadcast %squeeze3A_1201 : f32 to vector<16xf32>
        %lt3A_1277 = arith.cmpf olt, %lt3A_1276, %get3A_62 : vector<16xf32>
        %eq3A_1278 = vector.broadcast %squeeze3A_1201 : f32 to vector<16xf32>
        %eq3A_1279 = arith.cmpf oeq, %eq3A_1278, %get3A_62 : vector<16xf32>
        %lt3A_1280 = vector.broadcast %add3A_1205 : i32 to vector<16xi32>
        %lt3A_1281 = arith.cmpi slt, %lt3A_1280, %add3A_25 : vector<16xi32>
        %and3A_1282 = arith.andi %eq3A_1279, %lt3A_1281 : vector<16xi1>
        %or3A_1283 = arith.ori %lt3A_1277, %and3A_1282 : vector<16xi1>
        %jit3A_1284 = arith.constant 1 : i32
        %jit3A_1285 = arith.constant 0 : i32
        %broadcast_in_dim3A_1286 = vector.broadcast %jit3A_1284 : i32 to vector<16xi32>
        %broadcast_in_dim3A_1287 = vector.broadcast %jit3A_1285 : i32 to vector<16xi32>
        %select_n3A_1288 = arith.select %or3A_1283, %broadcast_in_dim3A_1286, %broadcast_in_dim3A_1287 : vector<16xi1>, vector<16xi32>
        %add3A_1289 = arith.addi %add3A_1171, %select_n3A_1288 : vector<16xi32>
        %lt3A_1290 = vector.broadcast %squeeze3A_1201 : f32 to vector<16xf32>
        %lt3A_1291 = arith.cmpf olt, %lt3A_1290, %get3A_66 : vector<16xf32>
        %eq3A_1292 = vector.broadcast %squeeze3A_1201 : f32 to vector<16xf32>
        %eq3A_1293 = arith.cmpf oeq, %eq3A_1292, %get3A_66 : vector<16xf32>
        %lt3A_1294 = vector.broadcast %add3A_1205 : i32 to vector<16xi32>
        %lt3A_1295 = arith.cmpi slt, %lt3A_1294, %add3A_29 : vector<16xi32>
        %and3A_1296 = arith.andi %eq3A_1293, %lt3A_1295 : vector<16xi1>
        %or3A_1297 = arith.ori %lt3A_1291, %and3A_1296 : vector<16xi1>
        %jit3A_1298 = arith.constant 1 : i32
        %jit3A_1299 = arith.constant 0 : i32
        %broadcast_in_dim3A_1300 = vector.broadcast %jit3A_1298 : i32 to vector<16xi32>
        %broadcast_in_dim3A_1301 = vector.broadcast %jit3A_1299 : i32 to vector<16xi32>
        %select_n3A_1302 = arith.select %or3A_1297, %broadcast_in_dim3A_1300, %broadcast_in_dim3A_1301 : vector<16xi1>, vector<16xi32>
        %add3A_1303 = arith.addi %add3A_1185, %select_n3A_1302 : vector<16xi32>
        %lt3A_1304 = vector.broadcast %squeeze3A_1201 : f32 to vector<16xf32>
        %lt3A_1305 = arith.cmpf olt, %lt3A_1304, %get3A_70 : vector<16xf32>
        %eq3A_1306 = vector.broadcast %squeeze3A_1201 : f32 to vector<16xf32>
        %eq3A_1307 = arith.cmpf oeq, %eq3A_1306, %get3A_70 : vector<16xf32>
        %lt3A_1308 = vector.broadcast %add3A_1205 : i32 to vector<16xi32>
        %lt3A_1309 = arith.cmpi slt, %lt3A_1308, %add3A_33 : vector<16xi32>
        %and3A_1310 = arith.andi %eq3A_1307, %lt3A_1309 : vector<16xi1>
        %or3A_1311 = arith.ori %lt3A_1305, %and3A_1310 : vector<16xi1>
        %jit3A_1312 = arith.constant 1 : i32
        %jit3A_1313 = arith.constant 0 : i32
        %broadcast_in_dim3A_1314 = vector.broadcast %jit3A_1312 : i32 to vector<16xi32>
        %broadcast_in_dim3A_1315 = vector.broadcast %jit3A_1313 : i32 to vector<16xi32>
        %select_n3A_1316 = arith.select %or3A_1311, %broadcast_in_dim3A_1314, %broadcast_in_dim3A_1315 : vector<16xi1>, vector<16xi32>
        %add3A_1317 = arith.addi %add3A_1199, %select_n3A_1316 : vector<16xi32>
        %slice3A_1318 = vector.extract_strided_slice %get3A_145 {offsets = [10], sizes = [1], strides = [1]} : vector<16xf32> to vector<1xf32>
        %squeeze3A_1319 = vector.extract %slice3A_1318[0] : f32 from vector<1xf32>
        %mul3A_1320 = arith.constant 16 : i32
        %mul3A_1321 = arith.muli %scan3A_131, %mul3A_1320 : i32
        %add3A_1322 = arith.constant 10 : i32
        %add3A_1323 = arith.addi %mul3A_1321, %add3A_1322 : i32
        %lt3A_1324 = vector.broadcast %squeeze3A_1319 : f32 to vector<16xf32>
        %lt3A_1325 = arith.cmpf olt, %lt3A_1324, %get3A_42 : vector<16xf32>
        %eq3A_1326 = vector.broadcast %squeeze3A_1319 : f32 to vector<16xf32>
        %eq3A_1327 = arith.cmpf oeq, %eq3A_1326, %get3A_42 : vector<16xf32>
        %lt3A_1328 = vector.broadcast %add3A_1323 : i32 to vector<16xi32>
        %lt3A_1329 = arith.cmpi slt, %lt3A_1328, %add3A_5 : vector<16xi32>
        %and3A_1330 = arith.andi %eq3A_1327, %lt3A_1329 : vector<16xi1>
        %or3A_1331 = arith.ori %lt3A_1325, %and3A_1330 : vector<16xi1>
        %jit3A_1332 = arith.constant 1 : i32
        %jit3A_1333 = arith.constant 0 : i32
        %broadcast_in_dim3A_1334 = vector.broadcast %jit3A_1332 : i32 to vector<16xi32>
        %broadcast_in_dim3A_1335 = vector.broadcast %jit3A_1333 : i32 to vector<16xi32>
        %select_n3A_1336 = arith.select %or3A_1331, %broadcast_in_dim3A_1334, %broadcast_in_dim3A_1335 : vector<16xi1>, vector<16xi32>
        %add3A_1337 = arith.addi %add3A_1219, %select_n3A_1336 : vector<16xi32>
        %lt3A_1338 = vector.broadcast %squeeze3A_1319 : f32 to vector<16xf32>
        %lt3A_1339 = arith.cmpf olt, %lt3A_1338, %get3A_46 : vector<16xf32>
        %eq3A_1340 = vector.broadcast %squeeze3A_1319 : f32 to vector<16xf32>
        %eq3A_1341 = arith.cmpf oeq, %eq3A_1340, %get3A_46 : vector<16xf32>
        %lt3A_1342 = vector.broadcast %add3A_1323 : i32 to vector<16xi32>
        %lt3A_1343 = arith.cmpi slt, %lt3A_1342, %add3A_9 : vector<16xi32>
        %and3A_1344 = arith.andi %eq3A_1341, %lt3A_1343 : vector<16xi1>
        %or3A_1345 = arith.ori %lt3A_1339, %and3A_1344 : vector<16xi1>
        %jit3A_1346 = arith.constant 1 : i32
        %jit3A_1347 = arith.constant 0 : i32
        %broadcast_in_dim3A_1348 = vector.broadcast %jit3A_1346 : i32 to vector<16xi32>
        %broadcast_in_dim3A_1349 = vector.broadcast %jit3A_1347 : i32 to vector<16xi32>
        %select_n3A_1350 = arith.select %or3A_1345, %broadcast_in_dim3A_1348, %broadcast_in_dim3A_1349 : vector<16xi1>, vector<16xi32>
        %add3A_1351 = arith.addi %add3A_1233, %select_n3A_1350 : vector<16xi32>
        %lt3A_1352 = vector.broadcast %squeeze3A_1319 : f32 to vector<16xf32>
        %lt3A_1353 = arith.cmpf olt, %lt3A_1352, %get3A_50 : vector<16xf32>
        %eq3A_1354 = vector.broadcast %squeeze3A_1319 : f32 to vector<16xf32>
        %eq3A_1355 = arith.cmpf oeq, %eq3A_1354, %get3A_50 : vector<16xf32>
        %lt3A_1356 = vector.broadcast %add3A_1323 : i32 to vector<16xi32>
        %lt3A_1357 = arith.cmpi slt, %lt3A_1356, %add3A_13 : vector<16xi32>
        %and3A_1358 = arith.andi %eq3A_1355, %lt3A_1357 : vector<16xi1>
        %or3A_1359 = arith.ori %lt3A_1353, %and3A_1358 : vector<16xi1>
        %jit3A_1360 = arith.constant 1 : i32
        %jit3A_1361 = arith.constant 0 : i32
        %broadcast_in_dim3A_1362 = vector.broadcast %jit3A_1360 : i32 to vector<16xi32>
        %broadcast_in_dim3A_1363 = vector.broadcast %jit3A_1361 : i32 to vector<16xi32>
        %select_n3A_1364 = arith.select %or3A_1359, %broadcast_in_dim3A_1362, %broadcast_in_dim3A_1363 : vector<16xi1>, vector<16xi32>
        %add3A_1365 = arith.addi %add3A_1247, %select_n3A_1364 : vector<16xi32>
        %lt3A_1366 = vector.broadcast %squeeze3A_1319 : f32 to vector<16xf32>
        %lt3A_1367 = arith.cmpf olt, %lt3A_1366, %get3A_54 : vector<16xf32>
        %eq3A_1368 = vector.broadcast %squeeze3A_1319 : f32 to vector<16xf32>
        %eq3A_1369 = arith.cmpf oeq, %eq3A_1368, %get3A_54 : vector<16xf32>
        %lt3A_1370 = vector.broadcast %add3A_1323 : i32 to vector<16xi32>
        %lt3A_1371 = arith.cmpi slt, %lt3A_1370, %add3A_17 : vector<16xi32>
        %and3A_1372 = arith.andi %eq3A_1369, %lt3A_1371 : vector<16xi1>
        %or3A_1373 = arith.ori %lt3A_1367, %and3A_1372 : vector<16xi1>
        %jit3A_1374 = arith.constant 1 : i32
        %jit3A_1375 = arith.constant 0 : i32
        %broadcast_in_dim3A_1376 = vector.broadcast %jit3A_1374 : i32 to vector<16xi32>
        %broadcast_in_dim3A_1377 = vector.broadcast %jit3A_1375 : i32 to vector<16xi32>
        %select_n3A_1378 = arith.select %or3A_1373, %broadcast_in_dim3A_1376, %broadcast_in_dim3A_1377 : vector<16xi1>, vector<16xi32>
        %add3A_1379 = arith.addi %add3A_1261, %select_n3A_1378 : vector<16xi32>
        %lt3A_1380 = vector.broadcast %squeeze3A_1319 : f32 to vector<16xf32>
        %lt3A_1381 = arith.cmpf olt, %lt3A_1380, %get3A_58 : vector<16xf32>
        %eq3A_1382 = vector.broadcast %squeeze3A_1319 : f32 to vector<16xf32>
        %eq3A_1383 = arith.cmpf oeq, %eq3A_1382, %get3A_58 : vector<16xf32>
        %lt3A_1384 = vector.broadcast %add3A_1323 : i32 to vector<16xi32>
        %lt3A_1385 = arith.cmpi slt, %lt3A_1384, %add3A_21 : vector<16xi32>
        %and3A_1386 = arith.andi %eq3A_1383, %lt3A_1385 : vector<16xi1>
        %or3A_1387 = arith.ori %lt3A_1381, %and3A_1386 : vector<16xi1>
        %jit3A_1388 = arith.constant 1 : i32
        %jit3A_1389 = arith.constant 0 : i32
        %broadcast_in_dim3A_1390 = vector.broadcast %jit3A_1388 : i32 to vector<16xi32>
        %broadcast_in_dim3A_1391 = vector.broadcast %jit3A_1389 : i32 to vector<16xi32>
        %select_n3A_1392 = arith.select %or3A_1387, %broadcast_in_dim3A_1390, %broadcast_in_dim3A_1391 : vector<16xi1>, vector<16xi32>
        %add3A_1393 = arith.addi %add3A_1275, %select_n3A_1392 : vector<16xi32>
        %lt3A_1394 = vector.broadcast %squeeze3A_1319 : f32 to vector<16xf32>
        %lt3A_1395 = arith.cmpf olt, %lt3A_1394, %get3A_62 : vector<16xf32>
        %eq3A_1396 = vector.broadcast %squeeze3A_1319 : f32 to vector<16xf32>
        %eq3A_1397 = arith.cmpf oeq, %eq3A_1396, %get3A_62 : vector<16xf32>
        %lt3A_1398 = vector.broadcast %add3A_1323 : i32 to vector<16xi32>
        %lt3A_1399 = arith.cmpi slt, %lt3A_1398, %add3A_25 : vector<16xi32>
        %and3A_1400 = arith.andi %eq3A_1397, %lt3A_1399 : vector<16xi1>
        %or3A_1401 = arith.ori %lt3A_1395, %and3A_1400 : vector<16xi1>
        %jit3A_1402 = arith.constant 1 : i32
        %jit3A_1403 = arith.constant 0 : i32
        %broadcast_in_dim3A_1404 = vector.broadcast %jit3A_1402 : i32 to vector<16xi32>
        %broadcast_in_dim3A_1405 = vector.broadcast %jit3A_1403 : i32 to vector<16xi32>
        %select_n3A_1406 = arith.select %or3A_1401, %broadcast_in_dim3A_1404, %broadcast_in_dim3A_1405 : vector<16xi1>, vector<16xi32>
        %add3A_1407 = arith.addi %add3A_1289, %select_n3A_1406 : vector<16xi32>
        %lt3A_1408 = vector.broadcast %squeeze3A_1319 : f32 to vector<16xf32>
        %lt3A_1409 = arith.cmpf olt, %lt3A_1408, %get3A_66 : vector<16xf32>
        %eq3A_1410 = vector.broadcast %squeeze3A_1319 : f32 to vector<16xf32>
        %eq3A_1411 = arith.cmpf oeq, %eq3A_1410, %get3A_66 : vector<16xf32>
        %lt3A_1412 = vector.broadcast %add3A_1323 : i32 to vector<16xi32>
        %lt3A_1413 = arith.cmpi slt, %lt3A_1412, %add3A_29 : vector<16xi32>
        %and3A_1414 = arith.andi %eq3A_1411, %lt3A_1413 : vector<16xi1>
        %or3A_1415 = arith.ori %lt3A_1409, %and3A_1414 : vector<16xi1>
        %jit3A_1416 = arith.constant 1 : i32
        %jit3A_1417 = arith.constant 0 : i32
        %broadcast_in_dim3A_1418 = vector.broadcast %jit3A_1416 : i32 to vector<16xi32>
        %broadcast_in_dim3A_1419 = vector.broadcast %jit3A_1417 : i32 to vector<16xi32>
        %select_n3A_1420 = arith.select %or3A_1415, %broadcast_in_dim3A_1418, %broadcast_in_dim3A_1419 : vector<16xi1>, vector<16xi32>
        %add3A_1421 = arith.addi %add3A_1303, %select_n3A_1420 : vector<16xi32>
        %lt3A_1422 = vector.broadcast %squeeze3A_1319 : f32 to vector<16xf32>
        %lt3A_1423 = arith.cmpf olt, %lt3A_1422, %get3A_70 : vector<16xf32>
        %eq3A_1424 = vector.broadcast %squeeze3A_1319 : f32 to vector<16xf32>
        %eq3A_1425 = arith.cmpf oeq, %eq3A_1424, %get3A_70 : vector<16xf32>
        %lt3A_1426 = vector.broadcast %add3A_1323 : i32 to vector<16xi32>
        %lt3A_1427 = arith.cmpi slt, %lt3A_1426, %add3A_33 : vector<16xi32>
        %and3A_1428 = arith.andi %eq3A_1425, %lt3A_1427 : vector<16xi1>
        %or3A_1429 = arith.ori %lt3A_1423, %and3A_1428 : vector<16xi1>
        %jit3A_1430 = arith.constant 1 : i32
        %jit3A_1431 = arith.constant 0 : i32
        %broadcast_in_dim3A_1432 = vector.broadcast %jit3A_1430 : i32 to vector<16xi32>
        %broadcast_in_dim3A_1433 = vector.broadcast %jit3A_1431 : i32 to vector<16xi32>
        %select_n3A_1434 = arith.select %or3A_1429, %broadcast_in_dim3A_1432, %broadcast_in_dim3A_1433 : vector<16xi1>, vector<16xi32>
        %add3A_1435 = arith.addi %add3A_1317, %select_n3A_1434 : vector<16xi32>
        %slice3A_1436 = vector.extract_strided_slice %get3A_145 {offsets = [11], sizes = [1], strides = [1]} : vector<16xf32> to vector<1xf32>
        %squeeze3A_1437 = vector.extract %slice3A_1436[0] : f32 from vector<1xf32>
        %mul3A_1438 = arith.constant 16 : i32
        %mul3A_1439 = arith.muli %scan3A_131, %mul3A_1438 : i32
        %add3A_1440 = arith.constant 11 : i32
        %add3A_1441 = arith.addi %mul3A_1439, %add3A_1440 : i32
        %lt3A_1442 = vector.broadcast %squeeze3A_1437 : f32 to vector<16xf32>
        %lt3A_1443 = arith.cmpf olt, %lt3A_1442, %get3A_42 : vector<16xf32>
        %eq3A_1444 = vector.broadcast %squeeze3A_1437 : f32 to vector<16xf32>
        %eq3A_1445 = arith.cmpf oeq, %eq3A_1444, %get3A_42 : vector<16xf32>
        %lt3A_1446 = vector.broadcast %add3A_1441 : i32 to vector<16xi32>
        %lt3A_1447 = arith.cmpi slt, %lt3A_1446, %add3A_5 : vector<16xi32>
        %and3A_1448 = arith.andi %eq3A_1445, %lt3A_1447 : vector<16xi1>
        %or3A_1449 = arith.ori %lt3A_1443, %and3A_1448 : vector<16xi1>
        %jit3A_1450 = arith.constant 1 : i32
        %jit3A_1451 = arith.constant 0 : i32
        %broadcast_in_dim3A_1452 = vector.broadcast %jit3A_1450 : i32 to vector<16xi32>
        %broadcast_in_dim3A_1453 = vector.broadcast %jit3A_1451 : i32 to vector<16xi32>
        %select_n3A_1454 = arith.select %or3A_1449, %broadcast_in_dim3A_1452, %broadcast_in_dim3A_1453 : vector<16xi1>, vector<16xi32>
        %add3A_1455 = arith.addi %add3A_1337, %select_n3A_1454 : vector<16xi32>
        %lt3A_1456 = vector.broadcast %squeeze3A_1437 : f32 to vector<16xf32>
        %lt3A_1457 = arith.cmpf olt, %lt3A_1456, %get3A_46 : vector<16xf32>
        %eq3A_1458 = vector.broadcast %squeeze3A_1437 : f32 to vector<16xf32>
        %eq3A_1459 = arith.cmpf oeq, %eq3A_1458, %get3A_46 : vector<16xf32>
        %lt3A_1460 = vector.broadcast %add3A_1441 : i32 to vector<16xi32>
        %lt3A_1461 = arith.cmpi slt, %lt3A_1460, %add3A_9 : vector<16xi32>
        %and3A_1462 = arith.andi %eq3A_1459, %lt3A_1461 : vector<16xi1>
        %or3A_1463 = arith.ori %lt3A_1457, %and3A_1462 : vector<16xi1>
        %jit3A_1464 = arith.constant 1 : i32
        %jit3A_1465 = arith.constant 0 : i32
        %broadcast_in_dim3A_1466 = vector.broadcast %jit3A_1464 : i32 to vector<16xi32>
        %broadcast_in_dim3A_1467 = vector.broadcast %jit3A_1465 : i32 to vector<16xi32>
        %select_n3A_1468 = arith.select %or3A_1463, %broadcast_in_dim3A_1466, %broadcast_in_dim3A_1467 : vector<16xi1>, vector<16xi32>
        %add3A_1469 = arith.addi %add3A_1351, %select_n3A_1468 : vector<16xi32>
        %lt3A_1470 = vector.broadcast %squeeze3A_1437 : f32 to vector<16xf32>
        %lt3A_1471 = arith.cmpf olt, %lt3A_1470, %get3A_50 : vector<16xf32>
        %eq3A_1472 = vector.broadcast %squeeze3A_1437 : f32 to vector<16xf32>
        %eq3A_1473 = arith.cmpf oeq, %eq3A_1472, %get3A_50 : vector<16xf32>
        %lt3A_1474 = vector.broadcast %add3A_1441 : i32 to vector<16xi32>
        %lt3A_1475 = arith.cmpi slt, %lt3A_1474, %add3A_13 : vector<16xi32>
        %and3A_1476 = arith.andi %eq3A_1473, %lt3A_1475 : vector<16xi1>
        %or3A_1477 = arith.ori %lt3A_1471, %and3A_1476 : vector<16xi1>
        %jit3A_1478 = arith.constant 1 : i32
        %jit3A_1479 = arith.constant 0 : i32
        %broadcast_in_dim3A_1480 = vector.broadcast %jit3A_1478 : i32 to vector<16xi32>
        %broadcast_in_dim3A_1481 = vector.broadcast %jit3A_1479 : i32 to vector<16xi32>
        %select_n3A_1482 = arith.select %or3A_1477, %broadcast_in_dim3A_1480, %broadcast_in_dim3A_1481 : vector<16xi1>, vector<16xi32>
        %add3A_1483 = arith.addi %add3A_1365, %select_n3A_1482 : vector<16xi32>
        %lt3A_1484 = vector.broadcast %squeeze3A_1437 : f32 to vector<16xf32>
        %lt3A_1485 = arith.cmpf olt, %lt3A_1484, %get3A_54 : vector<16xf32>
        %eq3A_1486 = vector.broadcast %squeeze3A_1437 : f32 to vector<16xf32>
        %eq3A_1487 = arith.cmpf oeq, %eq3A_1486, %get3A_54 : vector<16xf32>
        %lt3A_1488 = vector.broadcast %add3A_1441 : i32 to vector<16xi32>
        %lt3A_1489 = arith.cmpi slt, %lt3A_1488, %add3A_17 : vector<16xi32>
        %and3A_1490 = arith.andi %eq3A_1487, %lt3A_1489 : vector<16xi1>
        %or3A_1491 = arith.ori %lt3A_1485, %and3A_1490 : vector<16xi1>
        %jit3A_1492 = arith.constant 1 : i32
        %jit3A_1493 = arith.constant 0 : i32
        %broadcast_in_dim3A_1494 = vector.broadcast %jit3A_1492 : i32 to vector<16xi32>
        %broadcast_in_dim3A_1495 = vector.broadcast %jit3A_1493 : i32 to vector<16xi32>
        %select_n3A_1496 = arith.select %or3A_1491, %broadcast_in_dim3A_1494, %broadcast_in_dim3A_1495 : vector<16xi1>, vector<16xi32>
        %add3A_1497 = arith.addi %add3A_1379, %select_n3A_1496 : vector<16xi32>
        %lt3A_1498 = vector.broadcast %squeeze3A_1437 : f32 to vector<16xf32>
        %lt3A_1499 = arith.cmpf olt, %lt3A_1498, %get3A_58 : vector<16xf32>
        %eq3A_1500 = vector.broadcast %squeeze3A_1437 : f32 to vector<16xf32>
        %eq3A_1501 = arith.cmpf oeq, %eq3A_1500, %get3A_58 : vector<16xf32>
        %lt3A_1502 = vector.broadcast %add3A_1441 : i32 to vector<16xi32>
        %lt3A_1503 = arith.cmpi slt, %lt3A_1502, %add3A_21 : vector<16xi32>
        %and3A_1504 = arith.andi %eq3A_1501, %lt3A_1503 : vector<16xi1>
        %or3A_1505 = arith.ori %lt3A_1499, %and3A_1504 : vector<16xi1>
        %jit3A_1506 = arith.constant 1 : i32
        %jit3A_1507 = arith.constant 0 : i32
        %broadcast_in_dim3A_1508 = vector.broadcast %jit3A_1506 : i32 to vector<16xi32>
        %broadcast_in_dim3A_1509 = vector.broadcast %jit3A_1507 : i32 to vector<16xi32>
        %select_n3A_1510 = arith.select %or3A_1505, %broadcast_in_dim3A_1508, %broadcast_in_dim3A_1509 : vector<16xi1>, vector<16xi32>
        %add3A_1511 = arith.addi %add3A_1393, %select_n3A_1510 : vector<16xi32>
        %lt3A_1512 = vector.broadcast %squeeze3A_1437 : f32 to vector<16xf32>
        %lt3A_1513 = arith.cmpf olt, %lt3A_1512, %get3A_62 : vector<16xf32>
        %eq3A_1514 = vector.broadcast %squeeze3A_1437 : f32 to vector<16xf32>
        %eq3A_1515 = arith.cmpf oeq, %eq3A_1514, %get3A_62 : vector<16xf32>
        %lt3A_1516 = vector.broadcast %add3A_1441 : i32 to vector<16xi32>
        %lt3A_1517 = arith.cmpi slt, %lt3A_1516, %add3A_25 : vector<16xi32>
        %and3A_1518 = arith.andi %eq3A_1515, %lt3A_1517 : vector<16xi1>
        %or3A_1519 = arith.ori %lt3A_1513, %and3A_1518 : vector<16xi1>
        %jit3A_1520 = arith.constant 1 : i32
        %jit3A_1521 = arith.constant 0 : i32
        %broadcast_in_dim3A_1522 = vector.broadcast %jit3A_1520 : i32 to vector<16xi32>
        %broadcast_in_dim3A_1523 = vector.broadcast %jit3A_1521 : i32 to vector<16xi32>
        %select_n3A_1524 = arith.select %or3A_1519, %broadcast_in_dim3A_1522, %broadcast_in_dim3A_1523 : vector<16xi1>, vector<16xi32>
        %add3A_1525 = arith.addi %add3A_1407, %select_n3A_1524 : vector<16xi32>
        %lt3A_1526 = vector.broadcast %squeeze3A_1437 : f32 to vector<16xf32>
        %lt3A_1527 = arith.cmpf olt, %lt3A_1526, %get3A_66 : vector<16xf32>
        %eq3A_1528 = vector.broadcast %squeeze3A_1437 : f32 to vector<16xf32>
        %eq3A_1529 = arith.cmpf oeq, %eq3A_1528, %get3A_66 : vector<16xf32>
        %lt3A_1530 = vector.broadcast %add3A_1441 : i32 to vector<16xi32>
        %lt3A_1531 = arith.cmpi slt, %lt3A_1530, %add3A_29 : vector<16xi32>
        %and3A_1532 = arith.andi %eq3A_1529, %lt3A_1531 : vector<16xi1>
        %or3A_1533 = arith.ori %lt3A_1527, %and3A_1532 : vector<16xi1>
        %jit3A_1534 = arith.constant 1 : i32
        %jit3A_1535 = arith.constant 0 : i32
        %broadcast_in_dim3A_1536 = vector.broadcast %jit3A_1534 : i32 to vector<16xi32>
        %broadcast_in_dim3A_1537 = vector.broadcast %jit3A_1535 : i32 to vector<16xi32>
        %select_n3A_1538 = arith.select %or3A_1533, %broadcast_in_dim3A_1536, %broadcast_in_dim3A_1537 : vector<16xi1>, vector<16xi32>
        %add3A_1539 = arith.addi %add3A_1421, %select_n3A_1538 : vector<16xi32>
        %lt3A_1540 = vector.broadcast %squeeze3A_1437 : f32 to vector<16xf32>
        %lt3A_1541 = arith.cmpf olt, %lt3A_1540, %get3A_70 : vector<16xf32>
        %eq3A_1542 = vector.broadcast %squeeze3A_1437 : f32 to vector<16xf32>
        %eq3A_1543 = arith.cmpf oeq, %eq3A_1542, %get3A_70 : vector<16xf32>
        %lt3A_1544 = vector.broadcast %add3A_1441 : i32 to vector<16xi32>
        %lt3A_1545 = arith.cmpi slt, %lt3A_1544, %add3A_33 : vector<16xi32>
        %and3A_1546 = arith.andi %eq3A_1543, %lt3A_1545 : vector<16xi1>
        %or3A_1547 = arith.ori %lt3A_1541, %and3A_1546 : vector<16xi1>
        %jit3A_1548 = arith.constant 1 : i32
        %jit3A_1549 = arith.constant 0 : i32
        %broadcast_in_dim3A_1550 = vector.broadcast %jit3A_1548 : i32 to vector<16xi32>
        %broadcast_in_dim3A_1551 = vector.broadcast %jit3A_1549 : i32 to vector<16xi32>
        %select_n3A_1552 = arith.select %or3A_1547, %broadcast_in_dim3A_1550, %broadcast_in_dim3A_1551 : vector<16xi1>, vector<16xi32>
        %add3A_1553 = arith.addi %add3A_1435, %select_n3A_1552 : vector<16xi32>
        %slice3A_1554 = vector.extract_strided_slice %get3A_145 {offsets = [12], sizes = [1], strides = [1]} : vector<16xf32> to vector<1xf32>
        %squeeze3A_1555 = vector.extract %slice3A_1554[0] : f32 from vector<1xf32>
        %mul3A_1556 = arith.constant 16 : i32
        %mul3A_1557 = arith.muli %scan3A_131, %mul3A_1556 : i32
        %add3A_1558 = arith.constant 12 : i32
        %add3A_1559 = arith.addi %mul3A_1557, %add3A_1558 : i32
        %lt3A_1560 = vector.broadcast %squeeze3A_1555 : f32 to vector<16xf32>
        %lt3A_1561 = arith.cmpf olt, %lt3A_1560, %get3A_42 : vector<16xf32>
        %eq3A_1562 = vector.broadcast %squeeze3A_1555 : f32 to vector<16xf32>
        %eq3A_1563 = arith.cmpf oeq, %eq3A_1562, %get3A_42 : vector<16xf32>
        %lt3A_1564 = vector.broadcast %add3A_1559 : i32 to vector<16xi32>
        %lt3A_1565 = arith.cmpi slt, %lt3A_1564, %add3A_5 : vector<16xi32>
        %and3A_1566 = arith.andi %eq3A_1563, %lt3A_1565 : vector<16xi1>
        %or3A_1567 = arith.ori %lt3A_1561, %and3A_1566 : vector<16xi1>
        %jit3A_1568 = arith.constant 1 : i32
        %jit3A_1569 = arith.constant 0 : i32
        %broadcast_in_dim3A_1570 = vector.broadcast %jit3A_1568 : i32 to vector<16xi32>
        %broadcast_in_dim3A_1571 = vector.broadcast %jit3A_1569 : i32 to vector<16xi32>
        %select_n3A_1572 = arith.select %or3A_1567, %broadcast_in_dim3A_1570, %broadcast_in_dim3A_1571 : vector<16xi1>, vector<16xi32>
        %add3A_1573 = arith.addi %add3A_1455, %select_n3A_1572 : vector<16xi32>
        %lt3A_1574 = vector.broadcast %squeeze3A_1555 : f32 to vector<16xf32>
        %lt3A_1575 = arith.cmpf olt, %lt3A_1574, %get3A_46 : vector<16xf32>
        %eq3A_1576 = vector.broadcast %squeeze3A_1555 : f32 to vector<16xf32>
        %eq3A_1577 = arith.cmpf oeq, %eq3A_1576, %get3A_46 : vector<16xf32>
        %lt3A_1578 = vector.broadcast %add3A_1559 : i32 to vector<16xi32>
        %lt3A_1579 = arith.cmpi slt, %lt3A_1578, %add3A_9 : vector<16xi32>
        %and3A_1580 = arith.andi %eq3A_1577, %lt3A_1579 : vector<16xi1>
        %or3A_1581 = arith.ori %lt3A_1575, %and3A_1580 : vector<16xi1>
        %jit3A_1582 = arith.constant 1 : i32
        %jit3A_1583 = arith.constant 0 : i32
        %broadcast_in_dim3A_1584 = vector.broadcast %jit3A_1582 : i32 to vector<16xi32>
        %broadcast_in_dim3A_1585 = vector.broadcast %jit3A_1583 : i32 to vector<16xi32>
        %select_n3A_1586 = arith.select %or3A_1581, %broadcast_in_dim3A_1584, %broadcast_in_dim3A_1585 : vector<16xi1>, vector<16xi32>
        %add3A_1587 = arith.addi %add3A_1469, %select_n3A_1586 : vector<16xi32>
        %lt3A_1588 = vector.broadcast %squeeze3A_1555 : f32 to vector<16xf32>
        %lt3A_1589 = arith.cmpf olt, %lt3A_1588, %get3A_50 : vector<16xf32>
        %eq3A_1590 = vector.broadcast %squeeze3A_1555 : f32 to vector<16xf32>
        %eq3A_1591 = arith.cmpf oeq, %eq3A_1590, %get3A_50 : vector<16xf32>
        %lt3A_1592 = vector.broadcast %add3A_1559 : i32 to vector<16xi32>
        %lt3A_1593 = arith.cmpi slt, %lt3A_1592, %add3A_13 : vector<16xi32>
        %and3A_1594 = arith.andi %eq3A_1591, %lt3A_1593 : vector<16xi1>
        %or3A_1595 = arith.ori %lt3A_1589, %and3A_1594 : vector<16xi1>
        %jit3A_1596 = arith.constant 1 : i32
        %jit3A_1597 = arith.constant 0 : i32
        %broadcast_in_dim3A_1598 = vector.broadcast %jit3A_1596 : i32 to vector<16xi32>
        %broadcast_in_dim3A_1599 = vector.broadcast %jit3A_1597 : i32 to vector<16xi32>
        %select_n3A_1600 = arith.select %or3A_1595, %broadcast_in_dim3A_1598, %broadcast_in_dim3A_1599 : vector<16xi1>, vector<16xi32>
        %add3A_1601 = arith.addi %add3A_1483, %select_n3A_1600 : vector<16xi32>
        %lt3A_1602 = vector.broadcast %squeeze3A_1555 : f32 to vector<16xf32>
        %lt3A_1603 = arith.cmpf olt, %lt3A_1602, %get3A_54 : vector<16xf32>
        %eq3A_1604 = vector.broadcast %squeeze3A_1555 : f32 to vector<16xf32>
        %eq3A_1605 = arith.cmpf oeq, %eq3A_1604, %get3A_54 : vector<16xf32>
        %lt3A_1606 = vector.broadcast %add3A_1559 : i32 to vector<16xi32>
        %lt3A_1607 = arith.cmpi slt, %lt3A_1606, %add3A_17 : vector<16xi32>
        %and3A_1608 = arith.andi %eq3A_1605, %lt3A_1607 : vector<16xi1>
        %or3A_1609 = arith.ori %lt3A_1603, %and3A_1608 : vector<16xi1>
        %jit3A_1610 = arith.constant 1 : i32
        %jit3A_1611 = arith.constant 0 : i32
        %broadcast_in_dim3A_1612 = vector.broadcast %jit3A_1610 : i32 to vector<16xi32>
        %broadcast_in_dim3A_1613 = vector.broadcast %jit3A_1611 : i32 to vector<16xi32>
        %select_n3A_1614 = arith.select %or3A_1609, %broadcast_in_dim3A_1612, %broadcast_in_dim3A_1613 : vector<16xi1>, vector<16xi32>
        %add3A_1615 = arith.addi %add3A_1497, %select_n3A_1614 : vector<16xi32>
        %lt3A_1616 = vector.broadcast %squeeze3A_1555 : f32 to vector<16xf32>
        %lt3A_1617 = arith.cmpf olt, %lt3A_1616, %get3A_58 : vector<16xf32>
        %eq3A_1618 = vector.broadcast %squeeze3A_1555 : f32 to vector<16xf32>
        %eq3A_1619 = arith.cmpf oeq, %eq3A_1618, %get3A_58 : vector<16xf32>
        %lt3A_1620 = vector.broadcast %add3A_1559 : i32 to vector<16xi32>
        %lt3A_1621 = arith.cmpi slt, %lt3A_1620, %add3A_21 : vector<16xi32>
        %and3A_1622 = arith.andi %eq3A_1619, %lt3A_1621 : vector<16xi1>
        %or3A_1623 = arith.ori %lt3A_1617, %and3A_1622 : vector<16xi1>
        %jit3A_1624 = arith.constant 1 : i32
        %jit3A_1625 = arith.constant 0 : i32
        %broadcast_in_dim3A_1626 = vector.broadcast %jit3A_1624 : i32 to vector<16xi32>
        %broadcast_in_dim3A_1627 = vector.broadcast %jit3A_1625 : i32 to vector<16xi32>
        %select_n3A_1628 = arith.select %or3A_1623, %broadcast_in_dim3A_1626, %broadcast_in_dim3A_1627 : vector<16xi1>, vector<16xi32>
        %add3A_1629 = arith.addi %add3A_1511, %select_n3A_1628 : vector<16xi32>
        %lt3A_1630 = vector.broadcast %squeeze3A_1555 : f32 to vector<16xf32>
        %lt3A_1631 = arith.cmpf olt, %lt3A_1630, %get3A_62 : vector<16xf32>
        %eq3A_1632 = vector.broadcast %squeeze3A_1555 : f32 to vector<16xf32>
        %eq3A_1633 = arith.cmpf oeq, %eq3A_1632, %get3A_62 : vector<16xf32>
        %lt3A_1634 = vector.broadcast %add3A_1559 : i32 to vector<16xi32>
        %lt3A_1635 = arith.cmpi slt, %lt3A_1634, %add3A_25 : vector<16xi32>
        %and3A_1636 = arith.andi %eq3A_1633, %lt3A_1635 : vector<16xi1>
        %or3A_1637 = arith.ori %lt3A_1631, %and3A_1636 : vector<16xi1>
        %jit3A_1638 = arith.constant 1 : i32
        %jit3A_1639 = arith.constant 0 : i32
        %broadcast_in_dim3A_1640 = vector.broadcast %jit3A_1638 : i32 to vector<16xi32>
        %broadcast_in_dim3A_1641 = vector.broadcast %jit3A_1639 : i32 to vector<16xi32>
        %select_n3A_1642 = arith.select %or3A_1637, %broadcast_in_dim3A_1640, %broadcast_in_dim3A_1641 : vector<16xi1>, vector<16xi32>
        %add3A_1643 = arith.addi %add3A_1525, %select_n3A_1642 : vector<16xi32>
        %lt3A_1644 = vector.broadcast %squeeze3A_1555 : f32 to vector<16xf32>
        %lt3A_1645 = arith.cmpf olt, %lt3A_1644, %get3A_66 : vector<16xf32>
        %eq3A_1646 = vector.broadcast %squeeze3A_1555 : f32 to vector<16xf32>
        %eq3A_1647 = arith.cmpf oeq, %eq3A_1646, %get3A_66 : vector<16xf32>
        %lt3A_1648 = vector.broadcast %add3A_1559 : i32 to vector<16xi32>
        %lt3A_1649 = arith.cmpi slt, %lt3A_1648, %add3A_29 : vector<16xi32>
        %and3A_1650 = arith.andi %eq3A_1647, %lt3A_1649 : vector<16xi1>
        %or3A_1651 = arith.ori %lt3A_1645, %and3A_1650 : vector<16xi1>
        %jit3A_1652 = arith.constant 1 : i32
        %jit3A_1653 = arith.constant 0 : i32
        %broadcast_in_dim3A_1654 = vector.broadcast %jit3A_1652 : i32 to vector<16xi32>
        %broadcast_in_dim3A_1655 = vector.broadcast %jit3A_1653 : i32 to vector<16xi32>
        %select_n3A_1656 = arith.select %or3A_1651, %broadcast_in_dim3A_1654, %broadcast_in_dim3A_1655 : vector<16xi1>, vector<16xi32>
        %add3A_1657 = arith.addi %add3A_1539, %select_n3A_1656 : vector<16xi32>
        %lt3A_1658 = vector.broadcast %squeeze3A_1555 : f32 to vector<16xf32>
        %lt3A_1659 = arith.cmpf olt, %lt3A_1658, %get3A_70 : vector<16xf32>
        %eq3A_1660 = vector.broadcast %squeeze3A_1555 : f32 to vector<16xf32>
        %eq3A_1661 = arith.cmpf oeq, %eq3A_1660, %get3A_70 : vector<16xf32>
        %lt3A_1662 = vector.broadcast %add3A_1559 : i32 to vector<16xi32>
        %lt3A_1663 = arith.cmpi slt, %lt3A_1662, %add3A_33 : vector<16xi32>
        %and3A_1664 = arith.andi %eq3A_1661, %lt3A_1663 : vector<16xi1>
        %or3A_1665 = arith.ori %lt3A_1659, %and3A_1664 : vector<16xi1>
        %jit3A_1666 = arith.constant 1 : i32
        %jit3A_1667 = arith.constant 0 : i32
        %broadcast_in_dim3A_1668 = vector.broadcast %jit3A_1666 : i32 to vector<16xi32>
        %broadcast_in_dim3A_1669 = vector.broadcast %jit3A_1667 : i32 to vector<16xi32>
        %select_n3A_1670 = arith.select %or3A_1665, %broadcast_in_dim3A_1668, %broadcast_in_dim3A_1669 : vector<16xi1>, vector<16xi32>
        %add3A_1671 = arith.addi %add3A_1553, %select_n3A_1670 : vector<16xi32>
        %slice3A_1672 = vector.extract_strided_slice %get3A_145 {offsets = [13], sizes = [1], strides = [1]} : vector<16xf32> to vector<1xf32>
        %squeeze3A_1673 = vector.extract %slice3A_1672[0] : f32 from vector<1xf32>
        %mul3A_1674 = arith.constant 16 : i32
        %mul3A_1675 = arith.muli %scan3A_131, %mul3A_1674 : i32
        %add3A_1676 = arith.constant 13 : i32
        %add3A_1677 = arith.addi %mul3A_1675, %add3A_1676 : i32
        %lt3A_1678 = vector.broadcast %squeeze3A_1673 : f32 to vector<16xf32>
        %lt3A_1679 = arith.cmpf olt, %lt3A_1678, %get3A_42 : vector<16xf32>
        %eq3A_1680 = vector.broadcast %squeeze3A_1673 : f32 to vector<16xf32>
        %eq3A_1681 = arith.cmpf oeq, %eq3A_1680, %get3A_42 : vector<16xf32>
        %lt3A_1682 = vector.broadcast %add3A_1677 : i32 to vector<16xi32>
        %lt3A_1683 = arith.cmpi slt, %lt3A_1682, %add3A_5 : vector<16xi32>
        %and3A_1684 = arith.andi %eq3A_1681, %lt3A_1683 : vector<16xi1>
        %or3A_1685 = arith.ori %lt3A_1679, %and3A_1684 : vector<16xi1>
        %jit3A_1686 = arith.constant 1 : i32
        %jit3A_1687 = arith.constant 0 : i32
        %broadcast_in_dim3A_1688 = vector.broadcast %jit3A_1686 : i32 to vector<16xi32>
        %broadcast_in_dim3A_1689 = vector.broadcast %jit3A_1687 : i32 to vector<16xi32>
        %select_n3A_1690 = arith.select %or3A_1685, %broadcast_in_dim3A_1688, %broadcast_in_dim3A_1689 : vector<16xi1>, vector<16xi32>
        %add3A_1691 = arith.addi %add3A_1573, %select_n3A_1690 : vector<16xi32>
        %lt3A_1692 = vector.broadcast %squeeze3A_1673 : f32 to vector<16xf32>
        %lt3A_1693 = arith.cmpf olt, %lt3A_1692, %get3A_46 : vector<16xf32>
        %eq3A_1694 = vector.broadcast %squeeze3A_1673 : f32 to vector<16xf32>
        %eq3A_1695 = arith.cmpf oeq, %eq3A_1694, %get3A_46 : vector<16xf32>
        %lt3A_1696 = vector.broadcast %add3A_1677 : i32 to vector<16xi32>
        %lt3A_1697 = arith.cmpi slt, %lt3A_1696, %add3A_9 : vector<16xi32>
        %and3A_1698 = arith.andi %eq3A_1695, %lt3A_1697 : vector<16xi1>
        %or3A_1699 = arith.ori %lt3A_1693, %and3A_1698 : vector<16xi1>
        %jit3A_1700 = arith.constant 1 : i32
        %jit3A_1701 = arith.constant 0 : i32
        %broadcast_in_dim3A_1702 = vector.broadcast %jit3A_1700 : i32 to vector<16xi32>
        %broadcast_in_dim3A_1703 = vector.broadcast %jit3A_1701 : i32 to vector<16xi32>
        %select_n3A_1704 = arith.select %or3A_1699, %broadcast_in_dim3A_1702, %broadcast_in_dim3A_1703 : vector<16xi1>, vector<16xi32>
        %add3A_1705 = arith.addi %add3A_1587, %select_n3A_1704 : vector<16xi32>
        %lt3A_1706 = vector.broadcast %squeeze3A_1673 : f32 to vector<16xf32>
        %lt3A_1707 = arith.cmpf olt, %lt3A_1706, %get3A_50 : vector<16xf32>
        %eq3A_1708 = vector.broadcast %squeeze3A_1673 : f32 to vector<16xf32>
        %eq3A_1709 = arith.cmpf oeq, %eq3A_1708, %get3A_50 : vector<16xf32>
        %lt3A_1710 = vector.broadcast %add3A_1677 : i32 to vector<16xi32>
        %lt3A_1711 = arith.cmpi slt, %lt3A_1710, %add3A_13 : vector<16xi32>
        %and3A_1712 = arith.andi %eq3A_1709, %lt3A_1711 : vector<16xi1>
        %or3A_1713 = arith.ori %lt3A_1707, %and3A_1712 : vector<16xi1>
        %jit3A_1714 = arith.constant 1 : i32
        %jit3A_1715 = arith.constant 0 : i32
        %broadcast_in_dim3A_1716 = vector.broadcast %jit3A_1714 : i32 to vector<16xi32>
        %broadcast_in_dim3A_1717 = vector.broadcast %jit3A_1715 : i32 to vector<16xi32>
        %select_n3A_1718 = arith.select %or3A_1713, %broadcast_in_dim3A_1716, %broadcast_in_dim3A_1717 : vector<16xi1>, vector<16xi32>
        %add3A_1719 = arith.addi %add3A_1601, %select_n3A_1718 : vector<16xi32>
        %lt3A_1720 = vector.broadcast %squeeze3A_1673 : f32 to vector<16xf32>
        %lt3A_1721 = arith.cmpf olt, %lt3A_1720, %get3A_54 : vector<16xf32>
        %eq3A_1722 = vector.broadcast %squeeze3A_1673 : f32 to vector<16xf32>
        %eq3A_1723 = arith.cmpf oeq, %eq3A_1722, %get3A_54 : vector<16xf32>
        %lt3A_1724 = vector.broadcast %add3A_1677 : i32 to vector<16xi32>
        %lt3A_1725 = arith.cmpi slt, %lt3A_1724, %add3A_17 : vector<16xi32>
        %and3A_1726 = arith.andi %eq3A_1723, %lt3A_1725 : vector<16xi1>
        %or3A_1727 = arith.ori %lt3A_1721, %and3A_1726 : vector<16xi1>
        %jit3A_1728 = arith.constant 1 : i32
        %jit3A_1729 = arith.constant 0 : i32
        %broadcast_in_dim3A_1730 = vector.broadcast %jit3A_1728 : i32 to vector<16xi32>
        %broadcast_in_dim3A_1731 = vector.broadcast %jit3A_1729 : i32 to vector<16xi32>
        %select_n3A_1732 = arith.select %or3A_1727, %broadcast_in_dim3A_1730, %broadcast_in_dim3A_1731 : vector<16xi1>, vector<16xi32>
        %add3A_1733 = arith.addi %add3A_1615, %select_n3A_1732 : vector<16xi32>
        %lt3A_1734 = vector.broadcast %squeeze3A_1673 : f32 to vector<16xf32>
        %lt3A_1735 = arith.cmpf olt, %lt3A_1734, %get3A_58 : vector<16xf32>
        %eq3A_1736 = vector.broadcast %squeeze3A_1673 : f32 to vector<16xf32>
        %eq3A_1737 = arith.cmpf oeq, %eq3A_1736, %get3A_58 : vector<16xf32>
        %lt3A_1738 = vector.broadcast %add3A_1677 : i32 to vector<16xi32>
        %lt3A_1739 = arith.cmpi slt, %lt3A_1738, %add3A_21 : vector<16xi32>
        %and3A_1740 = arith.andi %eq3A_1737, %lt3A_1739 : vector<16xi1>
        %or3A_1741 = arith.ori %lt3A_1735, %and3A_1740 : vector<16xi1>
        %jit3A_1742 = arith.constant 1 : i32
        %jit3A_1743 = arith.constant 0 : i32
        %broadcast_in_dim3A_1744 = vector.broadcast %jit3A_1742 : i32 to vector<16xi32>
        %broadcast_in_dim3A_1745 = vector.broadcast %jit3A_1743 : i32 to vector<16xi32>
        %select_n3A_1746 = arith.select %or3A_1741, %broadcast_in_dim3A_1744, %broadcast_in_dim3A_1745 : vector<16xi1>, vector<16xi32>
        %add3A_1747 = arith.addi %add3A_1629, %select_n3A_1746 : vector<16xi32>
        %lt3A_1748 = vector.broadcast %squeeze3A_1673 : f32 to vector<16xf32>
        %lt3A_1749 = arith.cmpf olt, %lt3A_1748, %get3A_62 : vector<16xf32>
        %eq3A_1750 = vector.broadcast %squeeze3A_1673 : f32 to vector<16xf32>
        %eq3A_1751 = arith.cmpf oeq, %eq3A_1750, %get3A_62 : vector<16xf32>
        %lt3A_1752 = vector.broadcast %add3A_1677 : i32 to vector<16xi32>
        %lt3A_1753 = arith.cmpi slt, %lt3A_1752, %add3A_25 : vector<16xi32>
        %and3A_1754 = arith.andi %eq3A_1751, %lt3A_1753 : vector<16xi1>
        %or3A_1755 = arith.ori %lt3A_1749, %and3A_1754 : vector<16xi1>
        %jit3A_1756 = arith.constant 1 : i32
        %jit3A_1757 = arith.constant 0 : i32
        %broadcast_in_dim3A_1758 = vector.broadcast %jit3A_1756 : i32 to vector<16xi32>
        %broadcast_in_dim3A_1759 = vector.broadcast %jit3A_1757 : i32 to vector<16xi32>
        %select_n3A_1760 = arith.select %or3A_1755, %broadcast_in_dim3A_1758, %broadcast_in_dim3A_1759 : vector<16xi1>, vector<16xi32>
        %add3A_1761 = arith.addi %add3A_1643, %select_n3A_1760 : vector<16xi32>
        %lt3A_1762 = vector.broadcast %squeeze3A_1673 : f32 to vector<16xf32>
        %lt3A_1763 = arith.cmpf olt, %lt3A_1762, %get3A_66 : vector<16xf32>
        %eq3A_1764 = vector.broadcast %squeeze3A_1673 : f32 to vector<16xf32>
        %eq3A_1765 = arith.cmpf oeq, %eq3A_1764, %get3A_66 : vector<16xf32>
        %lt3A_1766 = vector.broadcast %add3A_1677 : i32 to vector<16xi32>
        %lt3A_1767 = arith.cmpi slt, %lt3A_1766, %add3A_29 : vector<16xi32>
        %and3A_1768 = arith.andi %eq3A_1765, %lt3A_1767 : vector<16xi1>
        %or3A_1769 = arith.ori %lt3A_1763, %and3A_1768 : vector<16xi1>
        %jit3A_1770 = arith.constant 1 : i32
        %jit3A_1771 = arith.constant 0 : i32
        %broadcast_in_dim3A_1772 = vector.broadcast %jit3A_1770 : i32 to vector<16xi32>
        %broadcast_in_dim3A_1773 = vector.broadcast %jit3A_1771 : i32 to vector<16xi32>
        %select_n3A_1774 = arith.select %or3A_1769, %broadcast_in_dim3A_1772, %broadcast_in_dim3A_1773 : vector<16xi1>, vector<16xi32>
        %add3A_1775 = arith.addi %add3A_1657, %select_n3A_1774 : vector<16xi32>
        %lt3A_1776 = vector.broadcast %squeeze3A_1673 : f32 to vector<16xf32>
        %lt3A_1777 = arith.cmpf olt, %lt3A_1776, %get3A_70 : vector<16xf32>
        %eq3A_1778 = vector.broadcast %squeeze3A_1673 : f32 to vector<16xf32>
        %eq3A_1779 = arith.cmpf oeq, %eq3A_1778, %get3A_70 : vector<16xf32>
        %lt3A_1780 = vector.broadcast %add3A_1677 : i32 to vector<16xi32>
        %lt3A_1781 = arith.cmpi slt, %lt3A_1780, %add3A_33 : vector<16xi32>
        %and3A_1782 = arith.andi %eq3A_1779, %lt3A_1781 : vector<16xi1>
        %or3A_1783 = arith.ori %lt3A_1777, %and3A_1782 : vector<16xi1>
        %jit3A_1784 = arith.constant 1 : i32
        %jit3A_1785 = arith.constant 0 : i32
        %broadcast_in_dim3A_1786 = vector.broadcast %jit3A_1784 : i32 to vector<16xi32>
        %broadcast_in_dim3A_1787 = vector.broadcast %jit3A_1785 : i32 to vector<16xi32>
        %select_n3A_1788 = arith.select %or3A_1783, %broadcast_in_dim3A_1786, %broadcast_in_dim3A_1787 : vector<16xi1>, vector<16xi32>
        %add3A_1789 = arith.addi %add3A_1671, %select_n3A_1788 : vector<16xi32>
        %slice3A_1790 = vector.extract_strided_slice %get3A_145 {offsets = [14], sizes = [1], strides = [1]} : vector<16xf32> to vector<1xf32>
        %squeeze3A_1791 = vector.extract %slice3A_1790[0] : f32 from vector<1xf32>
        %mul3A_1792 = arith.constant 16 : i32
        %mul3A_1793 = arith.muli %scan3A_131, %mul3A_1792 : i32
        %add3A_1794 = arith.constant 14 : i32
        %add3A_1795 = arith.addi %mul3A_1793, %add3A_1794 : i32
        %lt3A_1796 = vector.broadcast %squeeze3A_1791 : f32 to vector<16xf32>
        %lt3A_1797 = arith.cmpf olt, %lt3A_1796, %get3A_42 : vector<16xf32>
        %eq3A_1798 = vector.broadcast %squeeze3A_1791 : f32 to vector<16xf32>
        %eq3A_1799 = arith.cmpf oeq, %eq3A_1798, %get3A_42 : vector<16xf32>
        %lt3A_1800 = vector.broadcast %add3A_1795 : i32 to vector<16xi32>
        %lt3A_1801 = arith.cmpi slt, %lt3A_1800, %add3A_5 : vector<16xi32>
        %and3A_1802 = arith.andi %eq3A_1799, %lt3A_1801 : vector<16xi1>
        %or3A_1803 = arith.ori %lt3A_1797, %and3A_1802 : vector<16xi1>
        %jit3A_1804 = arith.constant 1 : i32
        %jit3A_1805 = arith.constant 0 : i32
        %broadcast_in_dim3A_1806 = vector.broadcast %jit3A_1804 : i32 to vector<16xi32>
        %broadcast_in_dim3A_1807 = vector.broadcast %jit3A_1805 : i32 to vector<16xi32>
        %select_n3A_1808 = arith.select %or3A_1803, %broadcast_in_dim3A_1806, %broadcast_in_dim3A_1807 : vector<16xi1>, vector<16xi32>
        %add3A_1809 = arith.addi %add3A_1691, %select_n3A_1808 : vector<16xi32>
        %lt3A_1810 = vector.broadcast %squeeze3A_1791 : f32 to vector<16xf32>
        %lt3A_1811 = arith.cmpf olt, %lt3A_1810, %get3A_46 : vector<16xf32>
        %eq3A_1812 = vector.broadcast %squeeze3A_1791 : f32 to vector<16xf32>
        %eq3A_1813 = arith.cmpf oeq, %eq3A_1812, %get3A_46 : vector<16xf32>
        %lt3A_1814 = vector.broadcast %add3A_1795 : i32 to vector<16xi32>
        %lt3A_1815 = arith.cmpi slt, %lt3A_1814, %add3A_9 : vector<16xi32>
        %and3A_1816 = arith.andi %eq3A_1813, %lt3A_1815 : vector<16xi1>
        %or3A_1817 = arith.ori %lt3A_1811, %and3A_1816 : vector<16xi1>
        %jit3A_1818 = arith.constant 1 : i32
        %jit3A_1819 = arith.constant 0 : i32
        %broadcast_in_dim3A_1820 = vector.broadcast %jit3A_1818 : i32 to vector<16xi32>
        %broadcast_in_dim3A_1821 = vector.broadcast %jit3A_1819 : i32 to vector<16xi32>
        %select_n3A_1822 = arith.select %or3A_1817, %broadcast_in_dim3A_1820, %broadcast_in_dim3A_1821 : vector<16xi1>, vector<16xi32>
        %add3A_1823 = arith.addi %add3A_1705, %select_n3A_1822 : vector<16xi32>
        %lt3A_1824 = vector.broadcast %squeeze3A_1791 : f32 to vector<16xf32>
        %lt3A_1825 = arith.cmpf olt, %lt3A_1824, %get3A_50 : vector<16xf32>
        %eq3A_1826 = vector.broadcast %squeeze3A_1791 : f32 to vector<16xf32>
        %eq3A_1827 = arith.cmpf oeq, %eq3A_1826, %get3A_50 : vector<16xf32>
        %lt3A_1828 = vector.broadcast %add3A_1795 : i32 to vector<16xi32>
        %lt3A_1829 = arith.cmpi slt, %lt3A_1828, %add3A_13 : vector<16xi32>
        %and3A_1830 = arith.andi %eq3A_1827, %lt3A_1829 : vector<16xi1>
        %or3A_1831 = arith.ori %lt3A_1825, %and3A_1830 : vector<16xi1>
        %jit3A_1832 = arith.constant 1 : i32
        %jit3A_1833 = arith.constant 0 : i32
        %broadcast_in_dim3A_1834 = vector.broadcast %jit3A_1832 : i32 to vector<16xi32>
        %broadcast_in_dim3A_1835 = vector.broadcast %jit3A_1833 : i32 to vector<16xi32>
        %select_n3A_1836 = arith.select %or3A_1831, %broadcast_in_dim3A_1834, %broadcast_in_dim3A_1835 : vector<16xi1>, vector<16xi32>
        %add3A_1837 = arith.addi %add3A_1719, %select_n3A_1836 : vector<16xi32>
        %lt3A_1838 = vector.broadcast %squeeze3A_1791 : f32 to vector<16xf32>
        %lt3A_1839 = arith.cmpf olt, %lt3A_1838, %get3A_54 : vector<16xf32>
        %eq3A_1840 = vector.broadcast %squeeze3A_1791 : f32 to vector<16xf32>
        %eq3A_1841 = arith.cmpf oeq, %eq3A_1840, %get3A_54 : vector<16xf32>
        %lt3A_1842 = vector.broadcast %add3A_1795 : i32 to vector<16xi32>
        %lt3A_1843 = arith.cmpi slt, %lt3A_1842, %add3A_17 : vector<16xi32>
        %and3A_1844 = arith.andi %eq3A_1841, %lt3A_1843 : vector<16xi1>
        %or3A_1845 = arith.ori %lt3A_1839, %and3A_1844 : vector<16xi1>
        %jit3A_1846 = arith.constant 1 : i32
        %jit3A_1847 = arith.constant 0 : i32
        %broadcast_in_dim3A_1848 = vector.broadcast %jit3A_1846 : i32 to vector<16xi32>
        %broadcast_in_dim3A_1849 = vector.broadcast %jit3A_1847 : i32 to vector<16xi32>
        %select_n3A_1850 = arith.select %or3A_1845, %broadcast_in_dim3A_1848, %broadcast_in_dim3A_1849 : vector<16xi1>, vector<16xi32>
        %add3A_1851 = arith.addi %add3A_1733, %select_n3A_1850 : vector<16xi32>
        %lt3A_1852 = vector.broadcast %squeeze3A_1791 : f32 to vector<16xf32>
        %lt3A_1853 = arith.cmpf olt, %lt3A_1852, %get3A_58 : vector<16xf32>
        %eq3A_1854 = vector.broadcast %squeeze3A_1791 : f32 to vector<16xf32>
        %eq3A_1855 = arith.cmpf oeq, %eq3A_1854, %get3A_58 : vector<16xf32>
        %lt3A_1856 = vector.broadcast %add3A_1795 : i32 to vector<16xi32>
        %lt3A_1857 = arith.cmpi slt, %lt3A_1856, %add3A_21 : vector<16xi32>
        %and3A_1858 = arith.andi %eq3A_1855, %lt3A_1857 : vector<16xi1>
        %or3A_1859 = arith.ori %lt3A_1853, %and3A_1858 : vector<16xi1>
        %jit3A_1860 = arith.constant 1 : i32
        %jit3A_1861 = arith.constant 0 : i32
        %broadcast_in_dim3A_1862 = vector.broadcast %jit3A_1860 : i32 to vector<16xi32>
        %broadcast_in_dim3A_1863 = vector.broadcast %jit3A_1861 : i32 to vector<16xi32>
        %select_n3A_1864 = arith.select %or3A_1859, %broadcast_in_dim3A_1862, %broadcast_in_dim3A_1863 : vector<16xi1>, vector<16xi32>
        %add3A_1865 = arith.addi %add3A_1747, %select_n3A_1864 : vector<16xi32>
        %lt3A_1866 = vector.broadcast %squeeze3A_1791 : f32 to vector<16xf32>
        %lt3A_1867 = arith.cmpf olt, %lt3A_1866, %get3A_62 : vector<16xf32>
        %eq3A_1868 = vector.broadcast %squeeze3A_1791 : f32 to vector<16xf32>
        %eq3A_1869 = arith.cmpf oeq, %eq3A_1868, %get3A_62 : vector<16xf32>
        %lt3A_1870 = vector.broadcast %add3A_1795 : i32 to vector<16xi32>
        %lt3A_1871 = arith.cmpi slt, %lt3A_1870, %add3A_25 : vector<16xi32>
        %and3A_1872 = arith.andi %eq3A_1869, %lt3A_1871 : vector<16xi1>
        %or3A_1873 = arith.ori %lt3A_1867, %and3A_1872 : vector<16xi1>
        %jit3A_1874 = arith.constant 1 : i32
        %jit3A_1875 = arith.constant 0 : i32
        %broadcast_in_dim3A_1876 = vector.broadcast %jit3A_1874 : i32 to vector<16xi32>
        %broadcast_in_dim3A_1877 = vector.broadcast %jit3A_1875 : i32 to vector<16xi32>
        %select_n3A_1878 = arith.select %or3A_1873, %broadcast_in_dim3A_1876, %broadcast_in_dim3A_1877 : vector<16xi1>, vector<16xi32>
        %add3A_1879 = arith.addi %add3A_1761, %select_n3A_1878 : vector<16xi32>
        %lt3A_1880 = vector.broadcast %squeeze3A_1791 : f32 to vector<16xf32>
        %lt3A_1881 = arith.cmpf olt, %lt3A_1880, %get3A_66 : vector<16xf32>
        %eq3A_1882 = vector.broadcast %squeeze3A_1791 : f32 to vector<16xf32>
        %eq3A_1883 = arith.cmpf oeq, %eq3A_1882, %get3A_66 : vector<16xf32>
        %lt3A_1884 = vector.broadcast %add3A_1795 : i32 to vector<16xi32>
        %lt3A_1885 = arith.cmpi slt, %lt3A_1884, %add3A_29 : vector<16xi32>
        %and3A_1886 = arith.andi %eq3A_1883, %lt3A_1885 : vector<16xi1>
        %or3A_1887 = arith.ori %lt3A_1881, %and3A_1886 : vector<16xi1>
        %jit3A_1888 = arith.constant 1 : i32
        %jit3A_1889 = arith.constant 0 : i32
        %broadcast_in_dim3A_1890 = vector.broadcast %jit3A_1888 : i32 to vector<16xi32>
        %broadcast_in_dim3A_1891 = vector.broadcast %jit3A_1889 : i32 to vector<16xi32>
        %select_n3A_1892 = arith.select %or3A_1887, %broadcast_in_dim3A_1890, %broadcast_in_dim3A_1891 : vector<16xi1>, vector<16xi32>
        %add3A_1893 = arith.addi %add3A_1775, %select_n3A_1892 : vector<16xi32>
        %lt3A_1894 = vector.broadcast %squeeze3A_1791 : f32 to vector<16xf32>
        %lt3A_1895 = arith.cmpf olt, %lt3A_1894, %get3A_70 : vector<16xf32>
        %eq3A_1896 = vector.broadcast %squeeze3A_1791 : f32 to vector<16xf32>
        %eq3A_1897 = arith.cmpf oeq, %eq3A_1896, %get3A_70 : vector<16xf32>
        %lt3A_1898 = vector.broadcast %add3A_1795 : i32 to vector<16xi32>
        %lt3A_1899 = arith.cmpi slt, %lt3A_1898, %add3A_33 : vector<16xi32>
        %and3A_1900 = arith.andi %eq3A_1897, %lt3A_1899 : vector<16xi1>
        %or3A_1901 = arith.ori %lt3A_1895, %and3A_1900 : vector<16xi1>
        %jit3A_1902 = arith.constant 1 : i32
        %jit3A_1903 = arith.constant 0 : i32
        %broadcast_in_dim3A_1904 = vector.broadcast %jit3A_1902 : i32 to vector<16xi32>
        %broadcast_in_dim3A_1905 = vector.broadcast %jit3A_1903 : i32 to vector<16xi32>
        %select_n3A_1906 = arith.select %or3A_1901, %broadcast_in_dim3A_1904, %broadcast_in_dim3A_1905 : vector<16xi1>, vector<16xi32>
        %add3A_1907 = arith.addi %add3A_1789, %select_n3A_1906 : vector<16xi32>
        %slice3A_1908 = vector.extract_strided_slice %get3A_145 {offsets = [15], sizes = [1], strides = [1]} : vector<16xf32> to vector<1xf32>
        %squeeze3A_1909 = vector.extract %slice3A_1908[0] : f32 from vector<1xf32>
        %mul3A_1910 = arith.constant 16 : i32
        %mul3A_1911 = arith.muli %scan3A_131, %mul3A_1910 : i32
        %add3A_1912 = arith.constant 15 : i32
        %add3A_1913 = arith.addi %mul3A_1911, %add3A_1912 : i32
        %lt3A_1914 = vector.broadcast %squeeze3A_1909 : f32 to vector<16xf32>
        %lt3A_1915 = arith.cmpf olt, %lt3A_1914, %get3A_42 : vector<16xf32>
        %eq3A_1916 = vector.broadcast %squeeze3A_1909 : f32 to vector<16xf32>
        %eq3A_1917 = arith.cmpf oeq, %eq3A_1916, %get3A_42 : vector<16xf32>
        %lt3A_1918 = vector.broadcast %add3A_1913 : i32 to vector<16xi32>
        %lt3A_1919 = arith.cmpi slt, %lt3A_1918, %add3A_5 : vector<16xi32>
        %and3A_1920 = arith.andi %eq3A_1917, %lt3A_1919 : vector<16xi1>
        %or3A_1921 = arith.ori %lt3A_1915, %and3A_1920 : vector<16xi1>
        %jit3A_1922 = arith.constant 1 : i32
        %jit3A_1923 = arith.constant 0 : i32
        %broadcast_in_dim3A_1924 = vector.broadcast %jit3A_1922 : i32 to vector<16xi32>
        %broadcast_in_dim3A_1925 = vector.broadcast %jit3A_1923 : i32 to vector<16xi32>
        %select_n3A_1926 = arith.select %or3A_1921, %broadcast_in_dim3A_1924, %broadcast_in_dim3A_1925 : vector<16xi1>, vector<16xi32>
        %add3A_1927 = arith.addi %add3A_1809, %select_n3A_1926 : vector<16xi32>
        %lt3A_1928 = vector.broadcast %squeeze3A_1909 : f32 to vector<16xf32>
        %lt3A_1929 = arith.cmpf olt, %lt3A_1928, %get3A_46 : vector<16xf32>
        %eq3A_1930 = vector.broadcast %squeeze3A_1909 : f32 to vector<16xf32>
        %eq3A_1931 = arith.cmpf oeq, %eq3A_1930, %get3A_46 : vector<16xf32>
        %lt3A_1932 = vector.broadcast %add3A_1913 : i32 to vector<16xi32>
        %lt3A_1933 = arith.cmpi slt, %lt3A_1932, %add3A_9 : vector<16xi32>
        %and3A_1934 = arith.andi %eq3A_1931, %lt3A_1933 : vector<16xi1>
        %or3A_1935 = arith.ori %lt3A_1929, %and3A_1934 : vector<16xi1>
        %jit3A_1936 = arith.constant 1 : i32
        %jit3A_1937 = arith.constant 0 : i32
        %broadcast_in_dim3A_1938 = vector.broadcast %jit3A_1936 : i32 to vector<16xi32>
        %broadcast_in_dim3A_1939 = vector.broadcast %jit3A_1937 : i32 to vector<16xi32>
        %select_n3A_1940 = arith.select %or3A_1935, %broadcast_in_dim3A_1938, %broadcast_in_dim3A_1939 : vector<16xi1>, vector<16xi32>
        %add3A_1941 = arith.addi %add3A_1823, %select_n3A_1940 : vector<16xi32>
        %lt3A_1942 = vector.broadcast %squeeze3A_1909 : f32 to vector<16xf32>
        %lt3A_1943 = arith.cmpf olt, %lt3A_1942, %get3A_50 : vector<16xf32>
        %eq3A_1944 = vector.broadcast %squeeze3A_1909 : f32 to vector<16xf32>
        %eq3A_1945 = arith.cmpf oeq, %eq3A_1944, %get3A_50 : vector<16xf32>
        %lt3A_1946 = vector.broadcast %add3A_1913 : i32 to vector<16xi32>
        %lt3A_1947 = arith.cmpi slt, %lt3A_1946, %add3A_13 : vector<16xi32>
        %and3A_1948 = arith.andi %eq3A_1945, %lt3A_1947 : vector<16xi1>
        %or3A_1949 = arith.ori %lt3A_1943, %and3A_1948 : vector<16xi1>
        %jit3A_1950 = arith.constant 1 : i32
        %jit3A_1951 = arith.constant 0 : i32
        %broadcast_in_dim3A_1952 = vector.broadcast %jit3A_1950 : i32 to vector<16xi32>
        %broadcast_in_dim3A_1953 = vector.broadcast %jit3A_1951 : i32 to vector<16xi32>
        %select_n3A_1954 = arith.select %or3A_1949, %broadcast_in_dim3A_1952, %broadcast_in_dim3A_1953 : vector<16xi1>, vector<16xi32>
        %add3A_1955 = arith.addi %add3A_1837, %select_n3A_1954 : vector<16xi32>
        %lt3A_1956 = vector.broadcast %squeeze3A_1909 : f32 to vector<16xf32>
        %lt3A_1957 = arith.cmpf olt, %lt3A_1956, %get3A_54 : vector<16xf32>
        %eq3A_1958 = vector.broadcast %squeeze3A_1909 : f32 to vector<16xf32>
        %eq3A_1959 = arith.cmpf oeq, %eq3A_1958, %get3A_54 : vector<16xf32>
        %lt3A_1960 = vector.broadcast %add3A_1913 : i32 to vector<16xi32>
        %lt3A_1961 = arith.cmpi slt, %lt3A_1960, %add3A_17 : vector<16xi32>
        %and3A_1962 = arith.andi %eq3A_1959, %lt3A_1961 : vector<16xi1>
        %or3A_1963 = arith.ori %lt3A_1957, %and3A_1962 : vector<16xi1>
        %jit3A_1964 = arith.constant 1 : i32
        %jit3A_1965 = arith.constant 0 : i32
        %broadcast_in_dim3A_1966 = vector.broadcast %jit3A_1964 : i32 to vector<16xi32>
        %broadcast_in_dim3A_1967 = vector.broadcast %jit3A_1965 : i32 to vector<16xi32>
        %select_n3A_1968 = arith.select %or3A_1963, %broadcast_in_dim3A_1966, %broadcast_in_dim3A_1967 : vector<16xi1>, vector<16xi32>
        %add3A_1969 = arith.addi %add3A_1851, %select_n3A_1968 : vector<16xi32>
        %lt3A_1970 = vector.broadcast %squeeze3A_1909 : f32 to vector<16xf32>
        %lt3A_1971 = arith.cmpf olt, %lt3A_1970, %get3A_58 : vector<16xf32>
        %eq3A_1972 = vector.broadcast %squeeze3A_1909 : f32 to vector<16xf32>
        %eq3A_1973 = arith.cmpf oeq, %eq3A_1972, %get3A_58 : vector<16xf32>
        %lt3A_1974 = vector.broadcast %add3A_1913 : i32 to vector<16xi32>
        %lt3A_1975 = arith.cmpi slt, %lt3A_1974, %add3A_21 : vector<16xi32>
        %and3A_1976 = arith.andi %eq3A_1973, %lt3A_1975 : vector<16xi1>
        %or3A_1977 = arith.ori %lt3A_1971, %and3A_1976 : vector<16xi1>
        %jit3A_1978 = arith.constant 1 : i32
        %jit3A_1979 = arith.constant 0 : i32
        %broadcast_in_dim3A_1980 = vector.broadcast %jit3A_1978 : i32 to vector<16xi32>
        %broadcast_in_dim3A_1981 = vector.broadcast %jit3A_1979 : i32 to vector<16xi32>
        %select_n3A_1982 = arith.select %or3A_1977, %broadcast_in_dim3A_1980, %broadcast_in_dim3A_1981 : vector<16xi1>, vector<16xi32>
        %add3A_1983 = arith.addi %add3A_1865, %select_n3A_1982 : vector<16xi32>
        %lt3A_1984 = vector.broadcast %squeeze3A_1909 : f32 to vector<16xf32>
        %lt3A_1985 = arith.cmpf olt, %lt3A_1984, %get3A_62 : vector<16xf32>
        %eq3A_1986 = vector.broadcast %squeeze3A_1909 : f32 to vector<16xf32>
        %eq3A_1987 = arith.cmpf oeq, %eq3A_1986, %get3A_62 : vector<16xf32>
        %lt3A_1988 = vector.broadcast %add3A_1913 : i32 to vector<16xi32>
        %lt3A_1989 = arith.cmpi slt, %lt3A_1988, %add3A_25 : vector<16xi32>
        %and3A_1990 = arith.andi %eq3A_1987, %lt3A_1989 : vector<16xi1>
        %or3A_1991 = arith.ori %lt3A_1985, %and3A_1990 : vector<16xi1>
        %jit3A_1992 = arith.constant 1 : i32
        %jit3A_1993 = arith.constant 0 : i32
        %broadcast_in_dim3A_1994 = vector.broadcast %jit3A_1992 : i32 to vector<16xi32>
        %broadcast_in_dim3A_1995 = vector.broadcast %jit3A_1993 : i32 to vector<16xi32>
        %select_n3A_1996 = arith.select %or3A_1991, %broadcast_in_dim3A_1994, %broadcast_in_dim3A_1995 : vector<16xi1>, vector<16xi32>
        %add3A_1997 = arith.addi %add3A_1879, %select_n3A_1996 : vector<16xi32>
        %lt3A_1998 = vector.broadcast %squeeze3A_1909 : f32 to vector<16xf32>
        %lt3A_1999 = arith.cmpf olt, %lt3A_1998, %get3A_66 : vector<16xf32>
        %eq3A_2000 = vector.broadcast %squeeze3A_1909 : f32 to vector<16xf32>
        %eq3A_2001 = arith.cmpf oeq, %eq3A_2000, %get3A_66 : vector<16xf32>
        %lt3A_2002 = vector.broadcast %add3A_1913 : i32 to vector<16xi32>
        %lt3A_2003 = arith.cmpi slt, %lt3A_2002, %add3A_29 : vector<16xi32>
        %and3A_2004 = arith.andi %eq3A_2001, %lt3A_2003 : vector<16xi1>
        %or3A_2005 = arith.ori %lt3A_1999, %and3A_2004 : vector<16xi1>
        %jit3A_2006 = arith.constant 1 : i32
        %jit3A_2007 = arith.constant 0 : i32
        %broadcast_in_dim3A_2008 = vector.broadcast %jit3A_2006 : i32 to vector<16xi32>
        %broadcast_in_dim3A_2009 = vector.broadcast %jit3A_2007 : i32 to vector<16xi32>
        %select_n3A_2010 = arith.select %or3A_2005, %broadcast_in_dim3A_2008, %broadcast_in_dim3A_2009 : vector<16xi1>, vector<16xi32>
        %add3A_2011 = arith.addi %add3A_1893, %select_n3A_2010 : vector<16xi32>
        %lt3A_2012 = vector.broadcast %squeeze3A_1909 : f32 to vector<16xf32>
        %lt3A_2013 = arith.cmpf olt, %lt3A_2012, %get3A_70 : vector<16xf32>
        %eq3A_2014 = vector.broadcast %squeeze3A_1909 : f32 to vector<16xf32>
        %eq3A_2015 = arith.cmpf oeq, %eq3A_2014, %get3A_70 : vector<16xf32>
        %lt3A_2016 = vector.broadcast %add3A_1913 : i32 to vector<16xi32>
        %lt3A_2017 = arith.cmpi slt, %lt3A_2016, %add3A_33 : vector<16xi32>
        %and3A_2018 = arith.andi %eq3A_2015, %lt3A_2017 : vector<16xi1>
        %or3A_2019 = arith.ori %lt3A_2013, %and3A_2018 : vector<16xi1>
        %jit3A_2020 = arith.constant 1 : i32
        %jit3A_2021 = arith.constant 0 : i32
        %broadcast_in_dim3A_2022 = vector.broadcast %jit3A_2020 : i32 to vector<16xi32>
        %broadcast_in_dim3A_2023 = vector.broadcast %jit3A_2021 : i32 to vector<16xi32>
        %select_n3A_2024 = arith.select %or3A_2019, %broadcast_in_dim3A_2022, %broadcast_in_dim3A_2023 : vector<16xi1>, vector<16xi32>
        %add3A_2025 = arith.addi %add3A_1907, %select_n3A_2024 : vector<16xi32>
        scf.yield %add3A_1927, %add3A_1941, %add3A_1955, %add3A_1969, %add3A_1983, %add3A_1997, %add3A_2011, %add3A_2025 : vector<16xi32>, vector<16xi32>, vector<16xi32>, vector<16xi32>, vector<16xi32>, vector<16xi32>, vector<16xi32>, vector<16xi32>
      }
      %scan3A_91 = arith.constant 8 : i32
      %swap3A = arith.index_cast %scan3A_39 : i32 to index
      %swap3A_92 = arith.constant 0 : index
      %swap3A_93 = tpu.vector_load %arg5[%swap3A, %swap3A_92] {strides = array<i32>} : memref<4x128xi32, #tpu.memory_space<vmem>>, vector<1x16xi32>,
      %swap3A_94 = vector.shape_cast %swap3A_93 : vector<1x16xi32> to vector<16xi32>
      %swap3A_95 = vector.shape_cast %scan3A_90#0 : vector<16xi32> to vector<1x16xi32>
      tpu.vector_store %arg5[%swap3A, %swap3A_92], %swap3A_95 {strides = array<i32>} : memref<4x128xi32, #tpu.memory_space<vmem>>, vector<1x16xi32>,
      %swap3A_96 = arith.index_cast %scan3A_39 : i32 to index
      %swap3A_97 = arith.constant 16 : index
      %swap3A_98 = tpu.vector_load %arg5[%swap3A_96, %swap3A_97] {strides = array<i32>} : memref<4x128xi32, #tpu.memory_space<vmem>>, vector<1x16xi32>,
      %swap3A_99 = vector.shape_cast %swap3A_98 : vector<1x16xi32> to vector<16xi32>
      %swap3A_100 = vector.shape_cast %scan3A_90#1 : vector<16xi32> to vector<1x16xi32>
      tpu.vector_store %arg5[%swap3A_96, %swap3A_97], %swap3A_100 {strides = array<i32>} : memref<4x128xi32, #tpu.memory_space<vmem>>, vector<1x16xi32>,
      %swap3A_101 = arith.index_cast %scan3A_39 : i32 to index
      %swap3A_102 = arith.constant 32 : index
      %swap3A_103 = tpu.vector_load %arg5[%swap3A_101, %swap3A_102] {strides = array<i32>} : memref<4x128xi32, #tpu.memory_space<vmem>>, vector<1x16xi32>,
      %swap3A_104 = vector.shape_cast %swap3A_103 : vector<1x16xi32> to vector<16xi32>
      %swap3A_105 = vector.shape_cast %scan3A_90#2 : vector<16xi32> to vector<1x16xi32>
      tpu.vector_store %arg5[%swap3A_101, %swap3A_102], %swap3A_105 {strides = array<i32>} : memref<4x128xi32, #tpu.memory_space<vmem>>, vector<1x16xi32>,
      %swap3A_106 = arith.index_cast %scan3A_39 : i32 to index
      %swap3A_107 = arith.constant 48 : index
      %swap3A_108 = tpu.vector_load %arg5[%swap3A_106, %swap3A_107] {strides = array<i32>} : memref<4x128xi32, #tpu.memory_space<vmem>>, vector<1x16xi32>,
      %swap3A_109 = vector.shape_cast %swap3A_108 : vector<1x16xi32> to vector<16xi32>
      %swap3A_110 = vector.shape_cast %scan3A_90#3 : vector<16xi32> to vector<1x16xi32>
      tpu.vector_store %arg5[%swap3A_106, %swap3A_107], %swap3A_110 {strides = array<i32>} : memref<4x128xi32, #tpu.memory_space<vmem>>, vector<1x16xi32>,
      %swap3A_111 = arith.index_cast %scan3A_39 : i32 to index
      %swap3A_112 = arith.constant 64 : index
      %swap3A_113 = tpu.vector_load %arg5[%swap3A_111, %swap3A_112] {strides = array<i32>} : memref<4x128xi32, #tpu.memory_space<vmem>>, vector<1x16xi32>,
      %swap3A_114 = vector.shape_cast %swap3A_113 : vector<1x16xi32> to vector<16xi32>
      %swap3A_115 = vector.shape_cast %scan3A_90#4 : vector<16xi32> to vector<1x16xi32>
      tpu.vector_store %arg5[%swap3A_111, %swap3A_112], %swap3A_115 {strides = array<i32>} : memref<4x128xi32, #tpu.memory_space<vmem>>, vector<1x16xi32>,
      %swap3A_116 = arith.index_cast %scan3A_39 : i32 to index
      %swap3A_117 = arith.constant 80 : index
      %swap3A_118 = tpu.vector_load %arg5[%swap3A_116, %swap3A_117] {strides = array<i32>} : memref<4x128xi32, #tpu.memory_space<vmem>>, vector<1x16xi32>,
      %swap3A_119 = vector.shape_cast %swap3A_118 : vector<1x16xi32> to vector<16xi32>
      %swap3A_120 = vector.shape_cast %scan3A_90#5 : vector<16xi32> to vector<1x16xi32>
      tpu.vector_store %arg5[%swap3A_116, %swap3A_117], %swap3A_120 {strides = array<i32>} : memref<4x128xi32, #tpu.memory_space<vmem>>, vector<1x16xi32>,
      %swap3A_121 = arith.index_cast %scan3A_39 : i32 to index
      %swap3A_122 = arith.constant 96 : index
      %swap3A_123 = tpu.vector_load %arg5[%swap3A_121, %swap3A_122] {strides = array<i32>} : memref<4x128xi32, #tpu.memory_space<vmem>>, vector<1x16xi32>,
      %swap3A_124 = vector.shape_cast %swap3A_123 : vector<1x16xi32> to vector<16xi32>
      %swap3A_125 = vector.shape_cast %scan3A_90#6 : vector<16xi32> to vector<1x16xi32>
      tpu.vector_store %arg5[%swap3A_121, %swap3A_122], %swap3A_125 {strides = array<i32>} : memref<4x128xi32, #tpu.memory_space<vmem>>, vector<1x16xi32>,
      %swap3A_126 = arith.index_cast %scan3A_39 : i32 to index
      %swap3A_127 = arith.constant 112 : index
      %swap3A_128 = tpu.vector_load %arg5[%swap3A_126, %swap3A_127] {strides = array<i32>} : memref<4x128xi32, #tpu.memory_space<vmem>>, vector<1x16xi32>,
      %swap3A_129 = vector.shape_cast %swap3A_128 : vector<1x16xi32> to vector<16xi32>
      %swap3A_130 = vector.shape_cast %scan3A_90#7 : vector<16xi32> to vector<1x16xi32>
      tpu.vector_store %arg5[%swap3A_126, %swap3A_127], %swap3A_130 {strides = array<i32>} : memref<4x128xi32, #tpu.memory_space<vmem>>, vector<1x16xi32>,
    }
    %scan3A_38 = arith.constant 4 : i32
    "tpu.region"() ({
      %run_scoped3A = tpu.sem_alloc : memref<!tpu.dma_semaphore, #tpu.memory_space<semaphore_mem>>
      %dma_start3A = arith.constant 0 : i32
      %dma_start3A_39 = tpu.memref_slice %arg3[%mul3A_2, %dma_start3A] : memref<128x128xi32, #tpu.memory_space<hbm>> -> memref<4x128xi32, #tpu.memory_space<hbm>>
      %dma_start3A_40 = arith.constant 0 : i32
      %dma_start3A_41 = tpu.memref_slice %arg3[%mul3A_2, %dma_start3A_40] : memref<128x128xi32, #tpu.memory_space<hbm>> -> memref<4x128xi32, #tpu.memory_space<hbm>>
      tpu.enqueue_dma source(%arg5 : memref<4x128xi32, #tpu.memory_space<vmem>>) target(%dma_start3A_41 : memref<4x128xi32, #tpu.memory_space<hbm>>) target_semaphore(%run_scoped3A : memref<!tpu.dma_semaphore, #tpu.memory_space<semaphore_mem>>)
      %dma_wait3A = arith.constant 0 : i32
      %dma_wait3A_42 = tpu.memref_slice %arg3[%mul3A_2, %dma_wait3A] : memref<128x128xi32, #tpu.memory_space<hbm>> -> memref<4x128xi32, #tpu.memory_space<hbm>>
      %dma_wait3A_43 = arith.constant 0 : i32
      %dma_wait3A_44 = tpu.memref_slice %arg3[%mul3A_2, %dma_wait3A_43] : memref<128x128xi32, #tpu.memory_space<hbm>> -> memref<4x128xi32, #tpu.memory_space<hbm>>
      tpu.wait_dma2 semaphore(%run_scoped3A : memref<!tpu.dma_semaphore, #tpu.memory_space<semaphore_mem>>) src(%arg5 : memref<4x128xi32, #tpu.memory_space<vmem>>) dst(%dma_wait3A_44 : memref<4x128xi32, #tpu.memory_space<hbm>>)
      tpu.yield
    }) : () -> ()
    return
  }
}

module attributes {stable_mosaic.version = 14 : i64} {
  func.func @_rest_body(%arg0: memref<128x128xf32, #tpu.memory_space<vmem>>, %arg1: memref<128x128xi32, #tpu.memory_space<vmem>>, %arg2: memref<1x128xi32, #tpu.memory_space<vmem>>, %arg3: memref<1x1xf32, #tpu.memory_space<vmem>>, %arg4: memref<128x128xf32, #tpu.memory_space<vmem>>, %arg5: memref<1x128xf32, #tpu.memory_space<vmem>>, %arg6: memref<1x128xf32, #tpu.memory_space<vmem>>) attributes {dimension_semantics = [], scalar_prefetch = 0 : i64, scratch_operands = 0 : i64, tpu.core_type = #tpu.core_type<tc>} {
    %get3A = arith.constant 0 : index
    %get3A_0 = arith.constant 0 : index
    %get3A_1 = vector.load %arg0[%get3A, %get3A_0] : memref<128x128xf32, #tpu.memory_space<vmem>>, vector<128x128xf32>
    %get3A_2 = arith.constant 0 : index
    %get3A_3 = arith.constant 0 : index
    %get3A_4 = vector.load %arg1[%get3A_2, %get3A_3] : memref<128x128xi32, #tpu.memory_space<vmem>>, vector<128x128xi32>
    %convert_element_type3A = arith.sitofp %get3A_4 : vector<128x128xi32> to vector<128x128xf32>
    %lt3A = arith.constant 2.100000e+01 : f32
    %lt3A_5 = vector.broadcast %lt3A : f32 to vector<128x128xf32>
    %lt3A_6 = arith.cmpf olt, %convert_element_type3A, %lt3A_5 : vector<128x128xf32>
    %jit3A = arith.constant 1.000000e+00 : f32
    %jit3A_7 = arith.constant 0.000000e+00 : f32
    %broadcast_in_dim3A = vector.broadcast %jit3A : f32 to vector<128x128xf32>
    %broadcast_in_dim3A_8 = vector.broadcast %jit3A_7 : f32 to vector<128x128xf32>
    %select_n3A = arith.select %lt3A_6, %broadcast_in_dim3A, %broadcast_in_dim3A_8 : vector<128x128xi1>, vector<128x128xf32>
    %lt3A_9 = arith.constant 1.100000e+01 : f32
    %lt3A_10 = vector.broadcast %lt3A_9 : f32 to vector<128x128xf32>
    %lt3A_11 = arith.cmpf olt, %convert_element_type3A, %lt3A_10 : vector<128x128xf32>
    %jit3A_12 = arith.constant 1.000000e+00 : f32
    %jit3A_13 = arith.constant 0.000000e+00 : f32
    %broadcast_in_dim3A_14 = vector.broadcast %jit3A_12 : f32 to vector<128x128xf32>
    %broadcast_in_dim3A_15 = vector.broadcast %jit3A_13 : f32 to vector<128x128xf32>
    %select_n3A_16 = arith.select %lt3A_11, %broadcast_in_dim3A_14, %broadcast_in_dim3A_15 : vector<128x128xi1>, vector<128x128xf32>
    %transpose3A = tpu.transpose %select_n3A, [1, 0] : vector<128x128xf32> -> vector<128x128xf32>
    %mul3A = arith.mulf %select_n3A, %transpose3A : vector<128x128xf32>
    %transpose3A_17 = tpu.transpose %select_n3A_16, [1, 0] : vector<128x128xf32> -> vector<128x128xf32>
    %mul3A_18 = arith.mulf %select_n3A_16, %transpose3A_17 : vector<128x128xf32>
    %reduce_sum3A = arith.constant dense<0.000000e+00> : vector<128xf32>
    %reduce_sum3A_19 = vector.multi_reduction <add>, %mul3A_18, %reduce_sum3A [1] : vector<128x128xf32> to vector<128xf32>
    %mul3A_20 = arith.constant 0.666666686 : f32
    %mul3A_21 = vector.broadcast %mul3A_20 : f32 to vector<128xf32>
    %mul3A_22 = arith.mulf %reduce_sum3A_19, %mul3A_21 : vector<128xf32>
    %floor3A = math.floor %mul3A_22 : vector<128xf32>
    %add3A = arith.constant 1.000000e+00 : f32
    %add3A_23 = vector.broadcast %add3A : f32 to vector<128xf32>
    %add3A_24 = arith.addf %floor3A, %add3A_23 : vector<128xf32>
    %dot_general3A = arith.constant dense<0.000000e+00> : vector<128x128xf32>
    %dot_general3A_25 = tpu.matmul %mul3A, %mul3A_18, %dot_general3A {dimension_numbers = #tpu.dot_dimension_numbers<[1], [1], [0], [0], [0, 0, 1, 0], [], []>, transpose_lhs_hint = false} : vector<128x128xf32>, vector<128x128xf32>, vector<128x128xf32> -> vector<128x128xf32>
    %broadcast_in_dim3A_26 = vector.shape_cast %add3A_24 : vector<128xf32> to vector<1x128xf32>
    %ge3A = vector.broadcast %broadcast_in_dim3A_26 : vector<1x128xf32> to vector<128x128xf32>
    %ge3A_27 = arith.cmpf oge, %dot_general3A_25, %ge3A : vector<128x128xf32>
    %jit3A_28 = arith.constant 0.000000e+00 : f32
    %broadcast_in_dim3A_29 = vector.broadcast %jit3A_28 : f32 to vector<128x128xf32>
    %select_n3A_30 = arith.select %ge3A_27, %mul3A, %broadcast_in_dim3A_29 : vector<128x128xi1>, vector<128x128xf32>
    %dot_general3A_31 = arith.constant dense<0.000000e+00> : vector<128x128xf32>
    %dot_general3A_32 = tpu.matmul %select_n3A_30, %mul3A_18, %dot_general3A_31 {dimension_numbers = #tpu.dot_dimension_numbers<[1], [0], [0], [1], [0, 0, 1, 1], [], []>, transpose_lhs_hint = false} : vector<128x128xf32>, vector<128x128xf32>, vector<128x128xf32> -> vector<128x128xf32>
    %add3A_33 = arith.addf %mul3A, %dot_general3A_32 : vector<128x128xf32>
    %gt3A = arith.constant 0.000000e+00 : f32
    %gt3A_34 = vector.broadcast %gt3A : f32 to vector<128x128xf32>
    %gt3A_35 = arith.cmpf ogt, %add3A_33, %gt3A_34 : vector<128x128xf32>
    %neg3A = arith.constant 0.000000e+00 : f32
    %neg3A_36 = vector.broadcast %neg3A : f32 to vector<128x128xf32>
    %neg3A_37 = arith.subf %neg3A_36, %get3A_1 : vector<128x128xf32>
    %exp3A = math.exp %neg3A_37 : vector<128x128xf32>
    %jit3A_38 = arith.constant 0.000000e+00 : f32
    %broadcast_in_dim3A_39 = vector.broadcast %jit3A_38 : f32 to vector<128x128xf32>
    %select_n3A_40 = arith.select %gt3A_35, %exp3A, %broadcast_in_dim3A_39 : vector<128x128xi1>, vector<128x128xf32>
    %reduce_sum3A_41 = arith.constant dense<0.000000e+00> : vector<128xf32>
    %reduce_sum3A_42 = vector.multi_reduction <add>, %select_n3A_40, %reduce_sum3A_41 [1] : vector<128x128xf32> to vector<128xf32>
    %broadcast_in_dim3A_43 = vector.shape_cast %reduce_sum3A_42 : vector<128xf32> to vector<128x1xf32>
    %div3A = vector.broadcast %broadcast_in_dim3A_43 : vector<128x1xf32> to vector<128x128xf32>
    %div3A_44 = arith.divf %select_n3A_40, %div3A : vector<128x128xf32>
    %lt3A_45 = arith.constant 6.000000e+00 : f32
    %lt3A_46 = vector.broadcast %lt3A_45 : f32 to vector<128x128xf32>
    %lt3A_47 = arith.cmpf olt, %convert_element_type3A, %lt3A_46 : vector<128x128xf32>
    %jit3A_48 = arith.constant 1.000000e+00 : f32
    %jit3A_49 = arith.constant 0.000000e+00 : f32
    %broadcast_in_dim3A_50 = vector.broadcast %jit3A_48 : f32 to vector<128x128xf32>
    %broadcast_in_dim3A_51 = vector.broadcast %jit3A_49 : f32 to vector<128x128xf32>
    %select_n3A_52 = arith.select %lt3A_47, %broadcast_in_dim3A_50, %broadcast_in_dim3A_51 : vector<128x128xi1>, vector<128x128xf32>
    %dot_general3A_53 = arith.constant dense<0.000000e+00> : vector<128x128xf32>
    %dot_general3A_54 = tpu.matmul %select_n3A_52, %div3A_44, %dot_general3A_53 {dimension_numbers = #tpu.dot_dimension_numbers<[1], [0], [0], [1], [0, 0, 1, 1], [], []>, transpose_lhs_hint = false} : vector<128x128xf32>, vector<128x128xf32>, vector<128x128xf32> -> vector<128x128xf32>
    %mul3A_55 = arith.constant 0.166666672 : f32
    %mul3A_56 = vector.broadcast %mul3A_55 : f32 to vector<128x128xf32>
    %mul3A_57 = arith.mulf %dot_general3A_54, %mul3A_56 : vector<128x128xf32>
    %slice3A = vector.extract_strided_slice %mul3A_57 {offsets = [0, 0], sizes = [8, 128], strides = [1, 1]} : vector<128x128xf32> to vector<8x128xf32>
    %broadcast_in_dim3A_58 = vector.shape_cast %mul3A_57 : vector<128x128xf32> to vector<128x1x128xf32>
    %broadcast_in_dim3A_59 = vector.shape_cast %slice3A : vector<8x128xf32> to vector<1x8x128xf32>
    %min3A = vector.broadcast %broadcast_in_dim3A_58 : vector<128x1x128xf32> to vector<128x8x128xf32>
    %min3A_60 = vector.broadcast %broadcast_in_dim3A_59 : vector<1x8x128xf32> to vector<128x8x128xf32>
    %min3A_61 = arith.minimumf %min3A, %min3A_60 : vector<128x8x128xf32>
    %reduce_sum3A_62 = arith.constant dense<0.000000e+00> : vector<128x8xf32>
    %reduce_sum3A_63 = vector.multi_reduction <add>, %min3A_61, %reduce_sum3A_62 [2] : vector<128x8x128xf32> to vector<128x8xf32>
    %slice3A_64 = vector.extract_strided_slice %mul3A_57 {offsets = [8, 0], sizes = [8, 128], strides = [1, 1]} : vector<128x128xf32> to vector<8x128xf32>
    %broadcast_in_dim3A_65 = vector.shape_cast %mul3A_57 : vector<128x128xf32> to vector<128x1x128xf32>
    %broadcast_in_dim3A_66 = vector.shape_cast %slice3A_64 : vector<8x128xf32> to vector<1x8x128xf32>
    %min3A_67 = vector.broadcast %broadcast_in_dim3A_65 : vector<128x1x128xf32> to vector<128x8x128xf32>
    %min3A_68 = vector.broadcast %broadcast_in_dim3A_66 : vector<1x8x128xf32> to vector<128x8x128xf32>
    %min3A_69 = arith.minimumf %min3A_67, %min3A_68 : vector<128x8x128xf32>
    %reduce_sum3A_70 = arith.constant dense<0.000000e+00> : vector<128x8xf32>
    %reduce_sum3A_71 = vector.multi_reduction <add>, %min3A_69, %reduce_sum3A_70 [2] : vector<128x8x128xf32> to vector<128x8xf32>
    %slice3A_72 = vector.extract_strided_slice %mul3A_57 {offsets = [16, 0], sizes = [8, 128], strides = [1, 1]} : vector<128x128xf32> to vector<8x128xf32>
    %broadcast_in_dim3A_73 = vector.shape_cast %mul3A_57 : vector<128x128xf32> to vector<128x1x128xf32>
    %broadcast_in_dim3A_74 = vector.shape_cast %slice3A_72 : vector<8x128xf32> to vector<1x8x128xf32>
    %min3A_75 = vector.broadcast %broadcast_in_dim3A_73 : vector<128x1x128xf32> to vector<128x8x128xf32>
    %min3A_76 = vector.broadcast %broadcast_in_dim3A_74 : vector<1x8x128xf32> to vector<128x8x128xf32>
    %min3A_77 = arith.minimumf %min3A_75, %min3A_76 : vector<128x8x128xf32>
    %reduce_sum3A_78 = arith.constant dense<0.000000e+00> : vector<128x8xf32>
    %reduce_sum3A_79 = vector.multi_reduction <add>, %min3A_77, %reduce_sum3A_78 [2] : vector<128x8x128xf32> to vector<128x8xf32>
    %slice3A_80 = vector.extract_strided_slice %mul3A_57 {offsets = [24, 0], sizes = [8, 128], strides = [1, 1]} : vector<128x128xf32> to vector<8x128xf32>
    %broadcast_in_dim3A_81 = vector.shape_cast %mul3A_57 : vector<128x128xf32> to vector<128x1x128xf32>
    %broadcast_in_dim3A_82 = vector.shape_cast %slice3A_80 : vector<8x128xf32> to vector<1x8x128xf32>
    %min3A_83 = vector.broadcast %broadcast_in_dim3A_81 : vector<128x1x128xf32> to vector<128x8x128xf32>
    %min3A_84 = vector.broadcast %broadcast_in_dim3A_82 : vector<1x8x128xf32> to vector<128x8x128xf32>
    %min3A_85 = arith.minimumf %min3A_83, %min3A_84 : vector<128x8x128xf32>
    %reduce_sum3A_86 = arith.constant dense<0.000000e+00> : vector<128x8xf32>
    %reduce_sum3A_87 = vector.multi_reduction <add>, %min3A_85, %reduce_sum3A_86 [2] : vector<128x8x128xf32> to vector<128x8xf32>
    %slice3A_88 = vector.extract_strided_slice %mul3A_57 {offsets = [32, 0], sizes = [8, 128], strides = [1, 1]} : vector<128x128xf32> to vector<8x128xf32>
    %broadcast_in_dim3A_89 = vector.shape_cast %mul3A_57 : vector<128x128xf32> to vector<128x1x128xf32>
    %broadcast_in_dim3A_90 = vector.shape_cast %slice3A_88 : vector<8x128xf32> to vector<1x8x128xf32>
    %min3A_91 = vector.broadcast %broadcast_in_dim3A_89 : vector<128x1x128xf32> to vector<128x8x128xf32>
    %min3A_92 = vector.broadcast %broadcast_in_dim3A_90 : vector<1x8x128xf32> to vector<128x8x128xf32>
    %min3A_93 = arith.minimumf %min3A_91, %min3A_92 : vector<128x8x128xf32>
    %reduce_sum3A_94 = arith.constant dense<0.000000e+00> : vector<128x8xf32>
    %reduce_sum3A_95 = vector.multi_reduction <add>, %min3A_93, %reduce_sum3A_94 [2] : vector<128x8x128xf32> to vector<128x8xf32>
    %slice3A_96 = vector.extract_strided_slice %mul3A_57 {offsets = [40, 0], sizes = [8, 128], strides = [1, 1]} : vector<128x128xf32> to vector<8x128xf32>
    %broadcast_in_dim3A_97 = vector.shape_cast %mul3A_57 : vector<128x128xf32> to vector<128x1x128xf32>
    %broadcast_in_dim3A_98 = vector.shape_cast %slice3A_96 : vector<8x128xf32> to vector<1x8x128xf32>
    %min3A_99 = vector.broadcast %broadcast_in_dim3A_97 : vector<128x1x128xf32> to vector<128x8x128xf32>
    %min3A_100 = vector.broadcast %broadcast_in_dim3A_98 : vector<1x8x128xf32> to vector<128x8x128xf32>
    %min3A_101 = arith.minimumf %min3A_99, %min3A_100 : vector<128x8x128xf32>
    %reduce_sum3A_102 = arith.constant dense<0.000000e+00> : vector<128x8xf32>
    %reduce_sum3A_103 = vector.multi_reduction <add>, %min3A_101, %reduce_sum3A_102 [2] : vector<128x8x128xf32> to vector<128x8xf32>
    %slice3A_104 = vector.extract_strided_slice %mul3A_57 {offsets = [48, 0], sizes = [8, 128], strides = [1, 1]} : vector<128x128xf32> to vector<8x128xf32>
    %broadcast_in_dim3A_105 = vector.shape_cast %mul3A_57 : vector<128x128xf32> to vector<128x1x128xf32>
    %broadcast_in_dim3A_106 = vector.shape_cast %slice3A_104 : vector<8x128xf32> to vector<1x8x128xf32>
    %min3A_107 = vector.broadcast %broadcast_in_dim3A_105 : vector<128x1x128xf32> to vector<128x8x128xf32>
    %min3A_108 = vector.broadcast %broadcast_in_dim3A_106 : vector<1x8x128xf32> to vector<128x8x128xf32>
    %min3A_109 = arith.minimumf %min3A_107, %min3A_108 : vector<128x8x128xf32>
    %reduce_sum3A_110 = arith.constant dense<0.000000e+00> : vector<128x8xf32>
    %reduce_sum3A_111 = vector.multi_reduction <add>, %min3A_109, %reduce_sum3A_110 [2] : vector<128x8x128xf32> to vector<128x8xf32>
    %slice3A_112 = vector.extract_strided_slice %mul3A_57 {offsets = [56, 0], sizes = [8, 128], strides = [1, 1]} : vector<128x128xf32> to vector<8x128xf32>
    %broadcast_in_dim3A_113 = vector.shape_cast %mul3A_57 : vector<128x128xf32> to vector<128x1x128xf32>
    %broadcast_in_dim3A_114 = vector.shape_cast %slice3A_112 : vector<8x128xf32> to vector<1x8x128xf32>
    %min3A_115 = vector.broadcast %broadcast_in_dim3A_113 : vector<128x1x128xf32> to vector<128x8x128xf32>
    %min3A_116 = vector.broadcast %broadcast_in_dim3A_114 : vector<1x8x128xf32> to vector<128x8x128xf32>
    %min3A_117 = arith.minimumf %min3A_115, %min3A_116 : vector<128x8x128xf32>
    %reduce_sum3A_118 = arith.constant dense<0.000000e+00> : vector<128x8xf32>
    %reduce_sum3A_119 = vector.multi_reduction <add>, %min3A_117, %reduce_sum3A_118 [2] : vector<128x8x128xf32> to vector<128x8xf32>
    %slice3A_120 = vector.extract_strided_slice %mul3A_57 {offsets = [64, 0], sizes = [8, 128], strides = [1, 1]} : vector<128x128xf32> to vector<8x128xf32>
    %broadcast_in_dim3A_121 = vector.shape_cast %mul3A_57 : vector<128x128xf32> to vector<128x1x128xf32>
    %broadcast_in_dim3A_122 = vector.shape_cast %slice3A_120 : vector<8x128xf32> to vector<1x8x128xf32>
    %min3A_123 = vector.broadcast %broadcast_in_dim3A_121 : vector<128x1x128xf32> to vector<128x8x128xf32>
    %min3A_124 = vector.broadcast %broadcast_in_dim3A_122 : vector<1x8x128xf32> to vector<128x8x128xf32>
    %min3A_125 = arith.minimumf %min3A_123, %min3A_124 : vector<128x8x128xf32>
    %reduce_sum3A_126 = arith.constant dense<0.000000e+00> : vector<128x8xf32>
    %reduce_sum3A_127 = vector.multi_reduction <add>, %min3A_125, %reduce_sum3A_126 [2] : vector<128x8x128xf32> to vector<128x8xf32>
    %slice3A_128 = vector.extract_strided_slice %mul3A_57 {offsets = [72, 0], sizes = [8, 128], strides = [1, 1]} : vector<128x128xf32> to vector<8x128xf32>
    %broadcast_in_dim3A_129 = vector.shape_cast %mul3A_57 : vector<128x128xf32> to vector<128x1x128xf32>
    %broadcast_in_dim3A_130 = vector.shape_cast %slice3A_128 : vector<8x128xf32> to vector<1x8x128xf32>
    %min3A_131 = vector.broadcast %broadcast_in_dim3A_129 : vector<128x1x128xf32> to vector<128x8x128xf32>
    %min3A_132 = vector.broadcast %broadcast_in_dim3A_130 : vector<1x8x128xf32> to vector<128x8x128xf32>
    %min3A_133 = arith.minimumf %min3A_131, %min3A_132 : vector<128x8x128xf32>
    %reduce_sum3A_134 = arith.constant dense<0.000000e+00> : vector<128x8xf32>
    %reduce_sum3A_135 = vector.multi_reduction <add>, %min3A_133, %reduce_sum3A_134 [2] : vector<128x8x128xf32> to vector<128x8xf32>
    %slice3A_136 = vector.extract_strided_slice %mul3A_57 {offsets = [80, 0], sizes = [8, 128], strides = [1, 1]} : vector<128x128xf32> to vector<8x128xf32>
    %broadcast_in_dim3A_137 = vector.shape_cast %mul3A_57 : vector<128x128xf32> to vector<128x1x128xf32>
    %broadcast_in_dim3A_138 = vector.shape_cast %slice3A_136 : vector<8x128xf32> to vector<1x8x128xf32>
    %min3A_139 = vector.broadcast %broadcast_in_dim3A_137 : vector<128x1x128xf32> to vector<128x8x128xf32>
    %min3A_140 = vector.broadcast %broadcast_in_dim3A_138 : vector<1x8x128xf32> to vector<128x8x128xf32>
    %min3A_141 = arith.minimumf %min3A_139, %min3A_140 : vector<128x8x128xf32>
    %reduce_sum3A_142 = arith.constant dense<0.000000e+00> : vector<128x8xf32>
    %reduce_sum3A_143 = vector.multi_reduction <add>, %min3A_141, %reduce_sum3A_142 [2] : vector<128x8x128xf32> to vector<128x8xf32>
    %slice3A_144 = vector.extract_strided_slice %mul3A_57 {offsets = [88, 0], sizes = [8, 128], strides = [1, 1]} : vector<128x128xf32> to vector<8x128xf32>
    %broadcast_in_dim3A_145 = vector.shape_cast %mul3A_57 : vector<128x128xf32> to vector<128x1x128xf32>
    %broadcast_in_dim3A_146 = vector.shape_cast %slice3A_144 : vector<8x128xf32> to vector<1x8x128xf32>
    %min3A_147 = vector.broadcast %broadcast_in_dim3A_145 : vector<128x1x128xf32> to vector<128x8x128xf32>
    %min3A_148 = vector.broadcast %broadcast_in_dim3A_146 : vector<1x8x128xf32> to vector<128x8x128xf32>
    %min3A_149 = arith.minimumf %min3A_147, %min3A_148 : vector<128x8x128xf32>
    %reduce_sum3A_150 = arith.constant dense<0.000000e+00> : vector<128x8xf32>
    %reduce_sum3A_151 = vector.multi_reduction <add>, %min3A_149, %reduce_sum3A_150 [2] : vector<128x8x128xf32> to vector<128x8xf32>
    %slice3A_152 = vector.extract_strided_slice %mul3A_57 {offsets = [96, 0], sizes = [8, 128], strides = [1, 1]} : vector<128x128xf32> to vector<8x128xf32>
    %broadcast_in_dim3A_153 = vector.shape_cast %mul3A_57 : vector<128x128xf32> to vector<128x1x128xf32>
    %broadcast_in_dim3A_154 = vector.shape_cast %slice3A_152 : vector<8x128xf32> to vector<1x8x128xf32>
    %min3A_155 = vector.broadcast %broadcast_in_dim3A_153 : vector<128x1x128xf32> to vector<128x8x128xf32>
    %min3A_156 = vector.broadcast %broadcast_in_dim3A_154 : vector<1x8x128xf32> to vector<128x8x128xf32>
    %min3A_157 = arith.minimumf %min3A_155, %min3A_156 : vector<128x8x128xf32>
    %reduce_sum3A_158 = arith.constant dense<0.000000e+00> : vector<128x8xf32>
    %reduce_sum3A_159 = vector.multi_reduction <add>, %min3A_157, %reduce_sum3A_158 [2] : vector<128x8x128xf32> to vector<128x8xf32>
    %slice3A_160 = vector.extract_strided_slice %mul3A_57 {offsets = [104, 0], sizes = [8, 128], strides = [1, 1]} : vector<128x128xf32> to vector<8x128xf32>
    %broadcast_in_dim3A_161 = vector.shape_cast %mul3A_57 : vector<128x128xf32> to vector<128x1x128xf32>
    %broadcast_in_dim3A_162 = vector.shape_cast %slice3A_160 : vector<8x128xf32> to vector<1x8x128xf32>
    %min3A_163 = vector.broadcast %broadcast_in_dim3A_161 : vector<128x1x128xf32> to vector<128x8x128xf32>
    %min3A_164 = vector.broadcast %broadcast_in_dim3A_162 : vector<1x8x128xf32> to vector<128x8x128xf32>
    %min3A_165 = arith.minimumf %min3A_163, %min3A_164 : vector<128x8x128xf32>
    %reduce_sum3A_166 = arith.constant dense<0.000000e+00> : vector<128x8xf32>
    %reduce_sum3A_167 = vector.multi_reduction <add>, %min3A_165, %reduce_sum3A_166 [2] : vector<128x8x128xf32> to vector<128x8xf32>
    %slice3A_168 = vector.extract_strided_slice %mul3A_57 {offsets = [112, 0], sizes = [8, 128], strides = [1, 1]} : vector<128x128xf32> to vector<8x128xf32>
    %broadcast_in_dim3A_169 = vector.shape_cast %mul3A_57 : vector<128x128xf32> to vector<128x1x128xf32>
    %broadcast_in_dim3A_170 = vector.shape_cast %slice3A_168 : vector<8x128xf32> to vector<1x8x128xf32>
    %min3A_171 = vector.broadcast %broadcast_in_dim3A_169 : vector<128x1x128xf32> to vector<128x8x128xf32>
    %min3A_172 = vector.broadcast %broadcast_in_dim3A_170 : vector<1x8x128xf32> to vector<128x8x128xf32>
    %min3A_173 = arith.minimumf %min3A_171, %min3A_172 : vector<128x8x128xf32>
    %reduce_sum3A_174 = arith.constant dense<0.000000e+00> : vector<128x8xf32>
    %reduce_sum3A_175 = vector.multi_reduction <add>, %min3A_173, %reduce_sum3A_174 [2] : vector<128x8x128xf32> to vector<128x8xf32>
    %slice3A_176 = vector.extract_strided_slice %mul3A_57 {offsets = [120, 0], sizes = [8, 128], strides = [1, 1]} : vector<128x128xf32> to vector<8x128xf32>
    %broadcast_in_dim3A_177 = vector.shape_cast %mul3A_57 : vector<128x128xf32> to vector<128x1x128xf32>
    %broadcast_in_dim3A_178 = vector.shape_cast %slice3A_176 : vector<8x128xf32> to vector<1x8x128xf32>
    %min3A_179 = vector.broadcast %broadcast_in_dim3A_177 : vector<128x1x128xf32> to vector<128x8x128xf32>
    %min3A_180 = vector.broadcast %broadcast_in_dim3A_178 : vector<1x8x128xf32> to vector<128x8x128xf32>
    %min3A_181 = arith.minimumf %min3A_179, %min3A_180 : vector<128x8x128xf32>
    %reduce_sum3A_182 = arith.constant dense<0.000000e+00> : vector<128x8xf32>
    %reduce_sum3A_183 = vector.multi_reduction <add>, %min3A_181, %reduce_sum3A_182 [2] : vector<128x8x128xf32> to vector<128x8xf32>
    %concatenate3A = tpu.concatenate %reduce_sum3A_63, %reduce_sum3A_71, %reduce_sum3A_79, %reduce_sum3A_87, %reduce_sum3A_95, %reduce_sum3A_103, %reduce_sum3A_111, %reduce_sum3A_119, %reduce_sum3A_127, %reduce_sum3A_135, %reduce_sum3A_143, %reduce_sum3A_151, %reduce_sum3A_159, %reduce_sum3A_167, %reduce_sum3A_175, %reduce_sum3A_183 in 1 : vector<128x8xf32>, vector<128x8xf32>, vector<128x8xf32>, vector<128x8xf32>, vector<128x8xf32>, vector<128x8xf32>, vector<128x8xf32>, vector<128x8xf32>, vector<128x8xf32>, vector<128x8xf32>, vector<128x8xf32>, vector<128x8xf32>, vector<128x8xf32>, vector<128x8xf32>, vector<128x8xf32>, vector<128x8xf32> -> vector<128x128xf32>
    %sub3A = arith.constant 2.000000e+00 : f32
    %sub3A_184 = vector.broadcast %sub3A : f32 to vector<128x128xf32>
    %sub3A_185 = arith.subf %sub3A_184, %concatenate3A : vector<128x128xf32>
    %div3A_186 = arith.divf %concatenate3A, %sub3A_185 : vector<128x128xf32>
    %sub3A_187 = arith.constant 1.000000e+00 : f32
    %sub3A_188 = vector.broadcast %sub3A_187 : f32 to vector<128x128xf32>
    %sub3A_189 = arith.subf %sub3A_188, %div3A_186 : vector<128x128xf32>
    %mul3A_190 = arith.constant 0.699999988 : f32
    %mul3A_191 = vector.broadcast %mul3A_190 : f32 to vector<128x128xf32>
    %mul3A_192 = arith.mulf %sub3A_189, %mul3A_191 : vector<128x128xf32>
    %mul3A_193 = arith.constant 3.000000e-01 : f32
    %mul3A_194 = vector.broadcast %mul3A_193 : f32 to vector<128x128xf32>
    %mul3A_195 = arith.mulf %get3A_1, %mul3A_194 : vector<128x128xf32>
    %add3A_196 = arith.addf %mul3A_192, %mul3A_195 : vector<128x128xf32>
    %swap3A = arith.constant 0 : index
    %swap3A_197 = arith.constant 0 : index
    %swap3A_198 = vector.load %arg4[%swap3A, %swap3A_197] : memref<128x128xf32, #tpu.memory_space<vmem>>, vector<128x128xf32>
    tpu.vector_store %arg4[%swap3A, %swap3A_197], %add3A_196 {strides = array<i32>} : memref<128x128xf32, #tpu.memory_space<vmem>>, vector<128x128xf32>,
    %get3A_199 = arith.constant 0 : index
    %get3A_200 = arith.constant 0 : index
    %get3A_201 = vector.load %arg2[%get3A_199, %get3A_200] : memref<1x128xi32, #tpu.memory_space<vmem>>, vector<1x128xi32>
    %transpose3A_202 = tpu.transpose %get3A_201, [1, 0] : vector<1x128xi32> -> vector<128x1xi32>
    %eq3A = vector.broadcast %transpose3A_202 : vector<128x1xi32> to vector<128x128xi32>
    %eq3A_203 = vector.broadcast %get3A_201 : vector<1x128xi32> to vector<128x128xi32>
    %eq3A_204 = arith.cmpi eq, %eq3A, %eq3A_203 : vector<128x128xi32>
    %jit3A_205 = arith.constant 0xFF800000 : f32
    %broadcast_in_dim3A_206 = vector.broadcast %jit3A_205 : f32 to vector<128x128xf32>
    %select_n3A_207 = arith.select %eq3A_204, %add3A_196, %broadcast_in_dim3A_206 : vector<128x128xi1>, vector<128x128xf32>
    %reduce_max3A = arith.constant dense<0xFF800000> : vector<128xf32>
    %reduce_max3A_208 = vector.multi_reduction <maximumf>, %select_n3A_207, %reduce_max3A [1] : vector<128x128xf32> to vector<128xf32>
    %jit3A_209 = arith.constant 0x7F800000 : f32
    %broadcast_in_dim3A_210 = vector.broadcast %jit3A_209 : f32 to vector<128x128xf32>
    %select_n3A_211 = arith.select %eq3A_204, %broadcast_in_dim3A_210, %add3A_196 : vector<128x128xi1>, vector<128x128xf32>
    %reduce_min3A = arith.constant dense<0x7F800000> : vector<128xf32>
    %reduce_min3A_212 = vector.multi_reduction <minimumf>, %select_n3A_211, %reduce_min3A [1] : vector<128x128xf32> to vector<128xf32>
    %broadcast_in_dim3A_213 = vector.shape_cast %reduce_max3A_208 : vector<128xf32> to vector<1x128xf32>
    %swap3A_214 = arith.constant 0 : index
    %swap3A_215 = arith.constant 0 : index
    %swap3A_216 = vector.load %arg5[%swap3A_214, %swap3A_215] : memref<1x128xf32, #tpu.memory_space<vmem>>, vector<1x128xf32>
    tpu.vector_store %arg5[%swap3A_214, %swap3A_215], %broadcast_in_dim3A_213 {strides = array<i32>} : memref<1x128xf32, #tpu.memory_space<vmem>>, vector<1x128xf32>,
    %broadcast_in_dim3A_217 = vector.shape_cast %reduce_min3A_212 : vector<128xf32> to vector<1x128xf32>
    %swap3A_218 = arith.constant 0 : index
    %swap3A_219 = arith.constant 0 : index
    %swap3A_220 = vector.load %arg6[%swap3A_218, %swap3A_219] : memref<1x128xf32, #tpu.memory_space<vmem>>, vector<1x128xf32>
    tpu.vector_store %arg6[%swap3A_218, %swap3A_219], %broadcast_in_dim3A_217 {strides = array<i32>} : memref<1x128xf32, #tpu.memory_space<vmem>>, vector<1x128xf32>,
    %sub3A_221 = arith.subf %reduce_max3A_208, %reduce_min3A_212 : vector<128xf32>
    %add3A_222 = arith.constant 3.000000e-02 : f32
    %add3A_223 = vector.broadcast %add3A_222 : f32 to vector<128xf32>
    %add3A_224 = arith.addf %sub3A_221, %add3A_223 : vector<128xf32>
    %max3A = arith.constant 0.000000e+00 : f32
    %max3A_225 = vector.broadcast %max3A : f32 to vector<128xf32>
    %max3A_226 = arith.maximumf %add3A_224, %max3A_225 : vector<128xf32>
    %reduce_sum3A_227 = vector.shape_cast %max3A_226 : vector<128xf32> to vector<1x128xf32>
    %reduce_sum3A_228 = arith.constant dense<0.000000e+00> : vector<1xf32>
    %reduce_sum3A_229 = vector.multi_reduction <add>, %reduce_sum3A_227, %reduce_sum3A_228 [1] : vector<1x128xf32> to vector<1xf32>
    %reduce_sum3A_230 = vector.shape_cast %reduce_sum3A_229 : vector<1xf32> to vector<1x1xf32>
    %reduce_sum3A_231 = vector.extract %reduce_sum3A_230[0, 0] : f32 from vector<1x1xf32>
    %div3A_232 = arith.constant 1.280000e+02 : f32
    %div3A_233 = arith.divf %reduce_sum3A_231, %div3A_232 : f32
    %reshape3A = vector.broadcast %div3A_233 : f32 to vector<1x1xf32>
    %swap3A_234 = arith.constant 0 : index
    %swap3A_235 = arith.constant 0 : index
    %swap3A_236 = vector.load %arg3[%swap3A_234, %swap3A_235] : memref<1x1xf32, #tpu.memory_space<vmem>>, vector<1x1xf32>
    tpu.vector_store %arg3[%swap3A_234, %swap3A_235], %reshape3A {strides = array<i32>} : memref<1x1xf32, #tpu.memory_space<vmem>>, vector<1x1xf32>,
    return
  }
}

module attributes {stable_mosaic.version = 14 : i64} {
  func.func @_pairwise_body(%arg0: memref<128x2048xf32, #tpu.memory_space<vmem>>, %arg1: memref<128x128xf32, #tpu.memory_space<vmem>>) attributes {dimension_semantics = [], scalar_prefetch = 0 : i64, scratch_operands = 0 : i64, tpu.core_type = #tpu.core_type<tc>} {
    %get3A = arith.constant 0 : index
    %get3A_0 = arith.constant 0 : index
    %get3A_1 = vector.load %arg0[%get3A, %get3A_0] : memref<128x2048xf32, #tpu.memory_space<vmem>>, vector<128x2048xf32>
    %mul3A = arith.mulf %get3A_1, %get3A_1 : vector<128x2048xf32>
    %reduce_sum3A = arith.constant dense<0.000000e+00> : vector<128xf32>
    %reduce_sum3A_2 = vector.multi_reduction <add>, %mul3A, %reduce_sum3A [1] : vector<128x2048xf32> to vector<128xf32>
    %broadcast_in_dim3A = vector.shape_cast %reduce_sum3A_2 : vector<128xf32> to vector<128x1xf32>
    %dot_general3A = arith.constant dense<0.000000e+00> : vector<128x128xf32>
    %dot_general3A_3 = tpu.matmul %get3A_1, %get3A_1, %dot_general3A {dimension_numbers = #tpu.dot_dimension_numbers<[1], [1], [0], [0], [0, 0, 1, 0], [], []>, transpose_lhs_hint = false} : vector<128x2048xf32>, vector<128x2048xf32>, vector<128x128xf32> -> vector<128x128xf32>
    %transpose3A = tpu.transpose %broadcast_in_dim3A, [1, 0] : vector<128x1xf32> -> vector<1x128xf32>
    %add3A = vector.broadcast %broadcast_in_dim3A : vector<128x1xf32> to vector<128x128xf32>
    %add3A_4 = vector.broadcast %transpose3A : vector<1x128xf32> to vector<128x128xf32>
    %add3A_5 = arith.addf %add3A, %add3A_4 : vector<128x128xf32>
    %mul3A_6 = arith.constant 2.000000e+00 : f32
    %mul3A_7 = vector.broadcast %mul3A_6 : f32 to vector<128x128xf32>
    %mul3A_8 = arith.mulf %mul3A_7, %dot_general3A_3 : vector<128x128xf32>
    %sub3A = arith.subf %add3A_5, %mul3A_8 : vector<128x128xf32>
    %max3A = arith.constant 0.000000e+00 : f32
    %max3A_9 = vector.broadcast %max3A : f32 to vector<128x128xf32>
    %max3A_10 = arith.maximumf %sub3A, %max3A_9 : vector<128x128xf32>
    %swap3A = arith.constant 0 : index
    %swap3A_11 = arith.constant 0 : index
    %swap3A_12 = vector.load %arg1[%swap3A, %swap3A_11] : memref<128x128xf32, #tpu.memory_space<vmem>>, vector<128x128xf32>
    tpu.vector_store %arg1[%swap3A, %swap3A_11], %max3A_10 {strides = array<i32>} : memref<128x128xf32, #tpu.memory_space<vmem>>, vector<128x128xf32>,
    return
  }
}

</mosaic_0001>

<sc_bundles>
// kernel: _rerank.5.cloned.1.call-start
scs
__scs_entry_jumppad:
0x0: {  	(pc) =	sbr.rel $0x88, $3  }
0x1: {  	(tag) =	ssettag $0x0;
	lr =	simm.s32 $0x1  }
0x2: {  	[smem:$0x3F9F] =	sst lr;
	_ =	strace $0xD0000000  }
0x3: {  	_ = 	snop  }
0x4: {  	_ = 	snop  }
0x5: {  	_ = 	snop  }
0x6: {  	_ = 	snop  }
0x7: {  	_ = 	snop  }
__scs_overlays_trampoline_lowered:
0x8: {  	[smem:$0x3FAE] =	sst s0  }
0x9: {  	[smem:$0x3FAF] =	sst s1  }
0xa: {  	[smem:$0x3FB0] =	sst s2  }
0xb: {  	[smem:$0x3FB1] =	sst s3  }
0xc: {  	[smem:$0x3FB2] =	sst s4  }
0xd: {  	[smem:$0x3FB3] =	sst s5  }
0xe: {  	[smem:$0x3FB4] =	sst s6  }
0xf: {  	[smem:$0x3FB5] =	sst s7  }
0x10: {  	[smem:$0x3FB6] =	sst s8  }
0x11: {  	[smem:$0x3FB7] =	sst s9;
	s0 =	simm.s32 @!p0 $0x0  }
0x12: {  	s1 =	sld [smem:$0x3F9D];
	s0 =	simm.s32 @p0 $0x1  }
0x13: {  	[smem:$0x3FB8] =	sst s0;
	s0 =	simm.s32 @!p1 $0x0  }
0x14: {  	s2 =	sld [smem:$0x3F9C];
	s0 =	simm.s32 @p1 $0x1  }
0x15: {  	[smem:$0x3FB9] =	sst s0;
	s0 =	simm.s32 @!p2 $0x0  }
0x16: {  	s3 =	sld [smem:$0x3FDB];
	s0 =	simm.s32 @p2 $0x1  }
0x17: {  	s4 =	simm.s32 $0x1BF5;
	[smem:$0x3FBB] =	sst s0  }
0x18: {  	s0 =	sld [smem:$0x3F9E];
	_ =	swait.ge [sflag:s4], $0x0  }
0x19: {  	s7 =	sld [smem:$0x3F9F]  }
0x1a: {  	s8 =	sadd.s32 $0xFFFFE003, lr  }
0x1b: {  	s9 =	sadd.s32 $0xFFFFFEF7, lr;
	s5 =	simm.s32 $0xFFFFFFFF;
	p2 =	slt.u32 s8, $0xFFFFF086  }
0x1c: {  	p1 =	slt.u32 s9, $0xF7A;
	s5 =	simm.s32 @!p2 $0x0  }
0x1d: {  	s5 =	simm.s32 @p1 $0x1;
	p0 =	seq.s32 s7, s2  }
0x1e: {  	s7 =	smul.u32 @!p0 $0xF7A, s2;
	p2 =	seq.s32 @!p0 s5, $0x0  }
0x1f: {  	s9 =	smul.u32 $0xF7A, s1;
	s8 =	simm.s32 @!p0 $0x1BF5;
	p2 =	por !p2, p0  }
0x20: {  	[sflag:s8] =	ssyncset.s32 @!p0 $0xFFFFF086;
	s6 =	sadd.s32 @!p0 s3, s7;
	s7 =	simm.s32 @!p0 $0x108  }
0x21: {  	s3 =	sadd.s32 s3, s9;
	s6 =	sadd.s32 @!p0 $0x88, s6;
	s7 =	simm.s32 @p2 $0x1082  }
0x22: {  	[simem:s7], [sflag:s8] =	dma.local @!p0 [hbm:s6], $0xF7A  }
0x23: {  	s9 =	sor.u32 $0xD0000000, s2;
	s6 =	simm.s32 $0x108;
	_ =	swait.ge @!p0 [sflag:s8], $0x0  }
0x24: {  	s3 =	sadd.s32 $0x88, s3;
	s6 =	simm.s32 @!p1 $0x1082;
	[sflag:s4] =	ssyncset.s32 $0xFFFFF086  }
0x25: {  	[simem:s6], [sflag:s4] =	dma.local [hbm:s3], $0xF7A  }
0x26: {  	[smem:$0x3F9F] =	sst s1;
	(tag) =	ssettag s2;
	_ =	strace s9  }
0x27: {  	s1 =	sld [smem:$0x3FAF]  }
0x28: {  	s2 =	sld [smem:$0x3FB0]  }
0x29: {  	s4 =	sld [smem:$0x3FB2]  }
0x2a: {  	p0 =	seq.s32 s5, $0x0;
	s5 =	sld [smem:$0x3FB3]  }
0x2b: {  	s6 =	sld [smem:$0x3FB4]  }
0x2c: {  	s7 =	sld [smem:$0x3FB5]  }
0x2d: {  	s3 =	simm.s32 $0x108;
	s8 =	sld [smem:$0x3FB6]  }
0x2e: {  	s3 =	simm.s32 @!p0 $0x1082;
	s9 =	sld [smem:$0x3FB7]  }
0x2f: {  	lr =	sadd.s32 s0, s3;
	s0 =	sld [smem:$0x3FAE]  }
0x30: {  	s3 =	sld [smem:$0x3FB1]  }
0x31: {  	[smem:$0x3FBA] =	sst s10  }
0x32: {  	s10 =	sld [smem:$0x3FB8];
	_ =	sdelay $0x3  }
0x33: {  	p0 =	seq.s32 s10, $0x1;
	s10 =	sld [smem:$0x3FBA];
	_ =	sdelay $0x3  }
0x34: {  	[smem:$0x3FBA] =	sst s10  }
0x35: {  	s10 =	sld [smem:$0x3FB9];
	_ =	sdelay $0x3  }
0x36: {  	p1 =	seq.s32 s10, $0x1;
	s10 =	sld [smem:$0x3FBA];
	_ =	sdelay $0x3  }
0x37: {  	[smem:$0x3FBA] =	sst s10  }
0x38: {  	s10 =	sld [smem:$0x3FBB]  }
0x39: {  	_ = 	snop;
	(pc) =	sbr.ind lr, $3  }
0x3a: {  	_ = 	snop  }
0x3b: {  	_ = 	snop  }
0x3c: {  	p2 =	seq.s32 s10, $0x1;
	s10 =	sld [smem:$0x3FBA]  }
0x3d: {  	_ =	shalt  }
0x3e: {  	_ =	shalt  }
0x3f: {  	_ =	shalt  }
0x40: {  	_ =	shalt  }
0x41: {  	_ =	shalt  }
0x42: {  	_ =	shalt  }
0x43: {  	_ =	shalt  }
0x44: {  	_ =	shalt  }
0x45: {  	_ =	shalt  }
0x46: {  	_ =	shalt  }
0x47: {  	_ =	shalt  }
0x48: {  	_ =	shalt  }
0x49: {  	_ =	shalt  }
0x4a: {  	_ =	shalt  }
0x4b: {  	_ =	shalt  }
0x4c: {  	_ =	shalt  }
0x4d: {  	_ =	shalt  }
0x4e: {  	_ =	shalt  }
0x4f: {  	_ =	shalt  }
0x50: {  	_ =	shalt  }
0x51: {  	_ =	shalt  }
0x52: {  	_ =	shalt  }
0x53: {  	_ =	shalt  }
0x54: {  	_ =	shalt  }
0x55: {  	_ =	shalt  }
0x56: {  	_ =	shalt  }
0x57: {  	_ =	shalt  }
0x58: {  	_ =	shalt  }
0x59: {  	_ =	shalt  }
0x5a: {  	_ =	shalt  }
0x5b: {  	_ =	shalt  }
0x5c: {  	_ =	shalt  }
0x5d: {  	_ =	shalt  }
0x5e: {  	_ =	shalt  }
0x5f: {  	_ =	shalt  }
0x60: {  	_ =	shalt  }
0x61: {  	_ =	shalt  }
0x62: {  	_ =	shalt  }
0x63: {  	_ =	shalt  }
0x64: {  	_ =	shalt  }
0x65: {  	_ =	shalt  }
0x66: {  	_ =	shalt  }
0x67: {  	_ =	shalt  }
0x68: {  	_ =	shalt  }
0x69: {  	_ =	shalt  }
0x6a: {  	_ =	shalt  }
0x6b: {  	_ =	shalt  }
0x6c: {  	_ =	shalt  }
0x6d: {  	_ =	shalt  }
0x6e: {  	_ =	shalt  }
0x6f: {  	_ =	shalt  }
0x70: {  	_ =	shalt  }
0x71: {  	_ =	shalt  }
0x72: {  	_ =	shalt  }
0x73: {  	_ =	shalt  }
0x74: {  	_ =	shalt  }
0x75: {  	_ =	shalt  }
0x76: {  	_ =	shalt  }
0x77: {  	_ =	shalt  }
0x78: {  	_ =	shalt  }
0x79: {  	_ =	shalt  }
0x7a: {  	_ =	shalt  }
0x7b: {  	_ =	shalt  }
0x7c: {  	_ =	shalt  }
0x7d: {  	_ =	shalt  }
0x7e: {  	_ =	shalt  }
0x7f: {  	_ =	shalt  }
0x80: {  	_ =	shalt  }
0x81: {  	_ =	shalt  }
0x82: {  	_ =	shalt  }
0x83: {  	_ =	shalt  }
0x84: {  	_ =	shalt  }
0x85: {  	_ =	shalt  }
0x86: {  	_ =	shalt  }
0x87: {  	_ =	shalt  }
.Lfunc_end0:
.L_simem_size_0:
called_computation_lowered:
.L_overlay_start_0:
0x88: {  	s2 =	sld [smem:$0x3FD9]  }
0x89: {  	s3 =	sld [smem:$0x3FFE];
	_ =	sdelay $0x1  }
0x8a: {  	s1 =	srdreg.scid  }
0x8b: {  	s0 =	sand.u32 $0x1, s1  }
0x8c: {  	s14 =	sshll.u32 s0, $0xA;
	s2 =	sadd.s32 s3, s2  }
0x8d: {  	s2 =	sadd.s32 s2, s14  }
0x8e: {  	[smem:$0x3FC6] =	sst s2  }
0x8f: {  	_ = 	snop  }
0x90: {  	s2 =	sld [smem:$0x3FD0];
	_ =	sdelay $0x2  }
0x91: {  	s15 =	simm.s32 $0xA;
	s4 =	simm.s32 $0x10  }
0x92: {  	[smem:s4], [sflag:s15] =	dma.local [hbm:s2], $0x1  }
0x93: {  	_ =	swait.eq [sflag:s15], $0x1  }
0x94: {  	[sflag:s15] =	ssyncset.done $0x0  }
0x95: {  	[sflag:s15] =	ssyncadd.s32 $0xFFFFFFFF  }
0x96: {  	s16 =	sld [smem:$0x11];
	(tm) =	ssettm $0x1  }
0x97: {  	s17 =	sld [smem:$0x3FFB];
	_ =	sdelay $0x3  }
0x98: {  	_ =	strace s17  }
0x99: {  	s3 =	sld [smem:$0x3FFC];
	_ =	sdelay $0x3  }
0x9a: {  	_ =	strace s3  }
0x9b: {  	s3 =	sld [smem:$0x3FFD];
	_ =	sdelay $0x3  }
0x9c: {  	_ =	strace s3  }
0x9d: {  	_ =	strace $0x8FFFFFFF  }
0x9e: {  	s18 =	sld [smem:$0x3FDB];
	_ =	sdelay $0x1  }
0x9f: {  	s19 =	simm.s32 $_scs_section_size  }
0xa0: {  	s5 =	simm.s32 $_size__tile_overlayer_lowered;
	s6 =	simm.s32 $_tile_overlayer_lowered  }
0xa1: {  	s22 =	simm.s32 $0x1BFF;
	s21 =	sshll.u32 s6, $0x1;
	s3 =	sadd.s32 s19, s18  }
0xa2: {  	s7 =	simm.s32 $0x0;
	s20 =	sshll.u32 s5, $0x1;
	s5 =	sadd.s32 s21, s3  }
0xa3: {  	[timem:s7], [sflag:s22] =	dma.local [hbm:s5], s20  }
0xa4: {  	_ =	swait.ge [sflag:s22], s20  }
0xa5: {  	s4 =	ssub.s32 $0x0, s20;
	[sflag:s22] =	ssyncset.done $0x0  }
0xa6: {  	[sflag:s22] =	ssyncadd.s32 s4;
	_ =	sdelay $0x1  }
0xa7: {  	s23 =	simm.s32 $0x1B8B  }
0xa8: {  	_ =	swait.ge [sflag:s23], $0x1  }
0xa9: {  	[sflag:s23] =	ssyncset.done $0x0  }
0xaa: {  	s25 =	simm.s32 $0x1B8E;
	s24 =	sld [smem:$0x3FFE];
	[sflag:s23] =	ssyncadd.s32 $0xFFFFFFFF  }
0xab: {  	s26 =	simm.s32 $execute0_lowered;
	[smem:$0x3FD2] =	sst s25  }
0xac: {  	s5 =	sshll.u32 s26, $0x1;
	_ =	strace $0x80000046;
	[dreg:$0x1] =	wrdreg $0xFFFFFFFF  }
0xad: {  	s28 =	simm.s32 $_size_execute0_lowered;
	s3 =	sadd.s32 s3, s5;
	[dreg:$0x0] =	wrdreg $0x0  }
0xae: {  	s5 =	sshll.u32 s28, $0x1;
	[dreg:$0x2] =	wrdreg s3  }
0xaf: {  	[dreg:$0x3] =	wrdreg s5  }
0xb0: {  	[dreg:$0x4] =	wrdreg $0xC0  }
0xb1: {  	_ =	task [dreg:s7], $0x5FFFF  }
0xb2: {  	[dreg:$0x1] =	wrdreg $0xFFFFFFFF  }
0xb3: {  	[dreg:$0x0] =	wrdreg $0x60  }
0xb4: {  	[dreg:$0x2] =	wrdreg s16  }
0xb5: {  	[dreg:$0x3] =	wrdreg s24  }
0xb6: {  	[dreg:$0x4] =	wrdreg $0x9  }
0xb7: {  	_ =	task.clear_ibuf [dreg:s7], $0x5FFFF;
	_ =	strace $0x90000046  }
0xb8: {  	s29 =	simm.s32 $0x9;
	_ =	strace $0x80000048  }
0xb9: {  	_ =	swait.ge [sflag:s29], $0x1  }
0xba: {  	[sflag:s29] =	ssyncadd.s32 $0xFFFFFFFF  }
0xbb: {  	_ =	strace $0x90000048  }
0xbc: {  	_ =	sfence  }
0xbd: {  	s30 =	sld [smem:$0x0];
	_ =	sdelay $0x2  }
0xbe: {  	s31 =	sshll.u32 s1, $0xD;
	s1 =	sshrl.u32 s1, $0x2  }
0xbf: {  	s3 =	sand.u32 $0x4000, s31;
	s1 =	sadd.s32 s1, s30  }
0xc0: {  	s0 =	sor.u32 s3, s0;
	s1 =	sshll.u32 s1, $0x11  }
0xc1: {  	s0 =	sor.u32 s1, s0  }
0xc2: {  	s0 =	sadd.s32 $0x8F2B, s0  }
0xc3: {  	[sflag:s0] =	ssyncadd.remote.s32 $0x1  }
0xc4: {  	_ =	sfence.sel $0xFFFF  }
0xc5: {  	[dreg:$0x0] =	wrdreg $0xFFFFFFFF;
	(pc) =	sbr.abs _section_cstart, $3  }
0xc6: {  	[dreg:$0x1] =	wrdreg $0xFFFFFFFF  }
0xc7: {  	_ =	task.clear_ibuf [dreg:s7], $0x2FFFF;
	_ =	strace $0x9FFFFFFF  }
0xc8: {  	(tm) =	ssettm $0x7FFFFFFF  }
0xc9: {  	_ =	shalt  }
tec
execute0_lowered:
.L_overlay_start_1:
0x0: {  	(tag) =	ssettag $0x1  }
0x1: {  	s3 =	rddreg [dreg:$0x0]  }
0x2: {  	s4 =	rddreg [dreg:$0x1]  }
0x3: {  	s0 =	rddreg [dreg:$0x2];
	s5 =	srdreg.scid  }
0x4: {  	s2 =	simm.s32 $0x0;
	s1 =	stileid.u32;
	s8 =	simm.s32 $0x0  }
0x5: {  	s5 =	sand.u32 $0x1, s5;
	s6 =	sshll.u32 s1, $0x7;
	[smem:$0x7FF] =	sst s2  }
0x6: {  	v49 =	vlaneseq.u32;
	s7 =	sshll.u32 s5, $0x6;
	s5 =	ssub.s32 $0x2, s5;
	_ =	strace $0x80000047  }
0x7: {  	v1 =	vimm.s32 $0x0;
	v50 =	vor.u32 $0x10, v49;
	s6 =	sor.u32 s7, s6;
	s31 =	sshrl.u32 s5, $0x1;
	s7 =	simm.s32 $0x200  }
0x8: {  	v51 =	vor.u32 $0x20, v49;
	v56 =	vor.u32 $0x30, v49;
	v32 =	vor.u32 $0x40, v49;
	s4 =	sadd.s32 s6, s4;
	s5 =	ssub.s32 s5, s31;
	s3 =	sadd.s32 s3, s6  }
0x9: {  	v57 =	vor.u32 $0x50, v49;
	v33 =	vor.u32 $0x60, v49;
	v58 =	vor.u32 $0x70, v49;
	s6 =	simm.s32 $0x1;
	s4 =	sadd.s32 $0x1000, s4;
	s5 =	smax.u32 s5, $0x1  }
.LBB2_1:
0xa: {  	[tilespmem:s2], [sflag:$0x1] =	stream.linear.gather [hbm4b:s3+s2], $0x200, $0x38;
	[tilespmem:$0x400] =	vst v63  }
0xb: {  	_ =	swait.ge [sflag:s6], $0x200  }
0xc: {  	[sflag:s6] =	ssyncset.done $0x0  }
0xd: {  	s9 =	simm.s32 $0x0;
	s10 =	simm.s32 $0x0;
	[sflag:s6] =	ssyncadd.s32 $0xFFFFFE00  }
.LBB2_2:
0xe: {  	s12 =	simm.s32 $0xF  }
0xf: {  	s11 =	sshll.u32 s10, $0x7;
	v26 =	vld [tilespmem:s9+$0x0];
	s18 =	simm.s32 $0xE;
	s14 =	simm.s32 $0xD;
	v4 =	vimm.s32 $0x0;
	v0 =	vmov s12  }
0x10: {  	v9 =	vld [tilespmem:s11+$0x0];
	v2 =	vmov s18;
	v3 =	vmov s14;
	vm5 =	vlt.u32 v0, v50  }
0x11: {  	v10 =	vld [tilespmem:s11+$0x10];
	vm2 =	vlt.u32 v0, v51;
	vm6 =	vlt.u32 v0, v56;
	vm3 =	vlt.u32 v0, v32  }
0x12: {  	s13 =	simm.s32 $0xC;
	v11 =	vld [tilespmem:s11+$0x20];
	vm0 =	vlt.u32 v0, v57;
	vm4 =	vlt.u32 v0, v33;
	vm1 =	vlt.u32 v0, v58  }
0x13: {  	v12 =	vld [tilespmem:s11+$0x30];
	v0 =	vmov s13;
	vm8 =	vlt.u32 v2, v49;
	vm9 =	vlt.u32 v3, v49  }
0x14: {  	v13 =	vld [tilespmem:s11+$0x40];
	vm10 =	vlt.u32 v2, v50;
	vm11 =	vlt.u32 v2, v51;
	v20 =	vbroadcast v26, $0xE  }
0x15: {  	v14 =	vld [tilespmem:s11+$0x50];
	vm12 =	vlt.u32 v2, v56;
	vm13 =	vlt.u32 v2, v32;
	v17 =	vbroadcast v26, $0xF  }
0x16: {  	vm7 =	vlt.u32 v2, v57;
	v18 =	vbroadcast v26, $0xD;
	vm14 =	veq.f32 v20, v9  }
0x17: {  	v16 =	vld [tilespmem:s11+$0x70];
	v19 =	vbroadcast v26, $0xC;
	vm15 =	veq.f32 v17, v10;
	vm8 =	vmand vm8, vm14  }
0x18: {  	v15 =	vld [tilespmem:s11+$0x60];
	vm14 =	veq.f32 v17, v11;
	vm5 =	vmand vm5, vm15;
	vm15 =	veq.f32 v17, v12  }
0x19: {  	v4 =	vsel vm8, $0xFFFFFFFF, v4;
	vm8 =	vmand vm2, vm14;
	vm2 =	veq.f32 v17, v13  }
0x1a: {  	vm15 =	vmand vm6, vm15;
	vm14 =	veq.f32 v17, v14;
	vm6 =	veq.f32 v18, v9  }
0x1b: {  	[tilespmem:$0x1EE80] =	vst v4;
	v4 =	vimm.s32 $0x0;
	vm2 =	vmand vm3, vm2;
	vm14 =	vmand vm0, vm14  }
0x1c: {  	vm9 =	vmand vm9, vm6;
	vm6 =	veq.f32 v17, v16;
	vm3 =	veq.f32 v18, v11  }
0x1d: {  	v4 =	vsel vm5, $0xFFFFFFFF, v4;
	vm5 =	veq.f32 v17, v15;
	vm6 =	vmand vm1, vm6  }
0x1e: {  	[tilespmem:$0x1EE90] =	vst v4;
	v4 =	vimm.s32 $0x0;
	vm0 =	vmand vm4, vm5;
	vm5 =	veq.f32 v20, v11  }
0x1f: {  	vm4 =	veq.f32 v20, v14;
	v4 =	vsel vm2, $0xFFFFFFFF, v4;
	vm1 =	vmand vm11, vm5  }
0x20: {  	vm11 =	veq.f32 v20, v12;
	vm5 =	veq.f32 v20, v15;
	[tilespmem:$0x1EEA0] =	vst v4;
	v4 =	vimm.s32 $0x0  }
0x21: {  	vm2 =	veq.f32 v19, v9;
	v4 =	vsel vm0, $0xFFFFFFFF, v4;
	vm0 =	veq.f32 v20, v10  }
0x22: {  	[tilespmem:$0x1EEB0] =	vst v4;
	vm0 =	vmand vm10, vm0;
	v4 =	vimm.s32 $0x0;
	vm10 =	vmand vm12, vm11  }
0x23: {  	vm12 =	veq.f32 v20, v13;
	v4 =	vsel vm0, $0xFFFFFFFF, v4;
	vm0 =	vlt.u32 v2, v33  }
0x24: {  	vm12 =	vmand vm13, vm12;
	vm13 =	vmand vm7, vm4;
	[tilespmem:$0x1EEC0] =	vst v4;
	v4 =	vimm.s32 $0x0  }
0x25: {  	vm7 =	vmand vm0, vm5;
	vm0 =	vlt.u32 v0, v49;
	v4 =	vsel vm1, $0xFFFFFFFF, v4  }
0x26: {  	vm11 =	veq.f32 v18, v10;
	vm0 =	vmand vm0, vm2;
	[tilespmem:$0x1EED0] =	vst v4;
	v4 =	vimm.s32 $0x0  }
0x27: {  	vm2 =	veq.f32 v20, v16;
	v4 =	vsel vm0, $0xFFFFFFFF, v4;
	vm0 =	vlt.u32 v2, v58  }
0x28: {  	vm1 =	vlt.u32 v3, v50;
	v2 =	vimm.s32 $0x0;
	vm0 =	vmand vm0, vm2  }
0x29: {  	vm11 =	vmand vm1, vm11;
	vm1 =	vlt.u32 v3, v51;
	v2 =	vsel vm0, $0xFFFFFFFF, v2  }
0x2a: {  	vm5 =	vmand vm1, vm3;
	[tilespmem:$0x1EEE0] =	vst v2;
	v2 =	vimm.s32 $0x0  }
0x2b: {  	vm2 =	veq.f32 v18, v12;
	vm0 =	vlt.u32 v3, v56;
	v2 =	vsel vm5, $0xFFFFFFFF, v2  }
0x2c: {  	vm0 =	vmand vm0, vm2;
	[tilespmem:$0x1EF00] =	vst v2;
	v2 =	vimm.s32 $0x0  }
0x2d: {  	vm1 =	vlt.u32 v3, v32;
	vm3 =	veq.f32 v18, v13;
	v2 =	vsel vm0, $0xFFFFFFFF, v2  }
0x2e: {  	vm4 =	vmand vm1, vm3;
	[tilespmem:$0x1EF10] =	vst v2;
	v2 =	vimm.s32 $0x0  }
0x2f: {  	vm2 =	veq.f32 v18, v14;
	vm0 =	vlt.u32 v3, v57;
	v2 =	vsel vm4, $0xFFFFFFFF, v2  }
0x30: {  	vm0 =	vmand vm0, vm2;
	[tilespmem:$0x1EF20] =	vst v2;
	v2 =	vimm.s32 $0x0  }
0x31: {  	vm1 =	vlt.u32 v3, v33;
	vm3 =	veq.f32 v18, v15;
	v2 =	vsel vm0, $0xFFFFFFFF, v2  }
0x32: {  	vm5 =	vmand vm1, vm3;
	[tilespmem:$0x1EF30] =	vst v2;
	v2 =	vimm.s32 $0x0  }
0x33: {  	s19 =	simm.s32 $0xB;
	v21 =	vbroadcast v26, $0xB;
	vm4 =	vlt.u32 v3, v58;
	v2 =	vsel vm5, $0xFFFFFFFF, v2  }
0x34: {  	v3 =	vimm.s32 $0x0;
	vm5 =	veq.f32 v18, v16;
	[tilespmem:$0x1EF50] =	vst v2;
	v2 =	vmov s19  }
0x35: {  	vm0 =	vmand vm4, vm5;
	vm5 =	veq.f32 v21, v9;
	vm4 =	vlt.u32 v2, v49  }
0x36: {  	v22 =	vbroadcast v26, $0xA;
	v3 =	vsel vm0, $0xFFFFFFFF, v3;
	vm0 =	vmand vm4, vm5  }
0x37: {  	[tilespmem:$0x1EF60] =	vst v3;
	v3 =	vimm.s32 $0x0;
	vm4 =	vlt.u32 v0, v50;
	vm5 =	veq.f32 v19, v10  }
0x38: {  	[tilespmem:$0x1EEF0] =	vst v4;
	v4 =	vimm.s32 $0x0;
	v3 =	vsel vm0, $0xFFFFFFFF, v3;
	vm0 =	vmand vm4, vm5  }
0x39: {  	vm4 =	vlt.u32 v0, v51;
	vm5 =	veq.f32 v19, v11;
	[tilespmem:$0x1EF40] =	vst v3;
	v3 =	vimm.s32 $0x0  }
0x3a: {  	vm1 =	vlt.u32 v0, v57;
	v3 =	vsel vm0, $0xFFFFFFFF, v3;
	vm0 =	vmand vm4, vm5  }
0x3b: {  	vm4 =	vlt.u32 v0, v56;
	vm5 =	veq.f32 v19, v12;
	[tilespmem:$0x1EF70] =	vst v3;
	v3 =	vimm.s32 $0x0  }
0x3c: {  	vm3 =	veq.f32 v19, v13;
	v3 =	vsel vm0, $0xFFFFFFFF, v3;
	vm0 =	vmand vm4, vm5  }
0x3d: {  	vm4 =	veq.f32 v19, v14;
	vm5 =	veq.f32 v22, v9;
	[tilespmem:$0x1EF80] =	vst v3;
	v3 =	vimm.s32 $0x0  }
0x3e: {  	s20 =	simm.s32 $0xA;
	vm4 =	vmand vm1, vm4;
	v3 =	vsel vm0, $0xFFFFFFFF, v3;
	vm0 =	vlt.u32 v0, v32  }
0x3f: {  	vm1 =	vlt.u32 v0, v58;
	[tilespmem:$0x1EF90] =	vst v3;
	v3 =	vmov s20;
	vm0 =	vmand vm0, vm3  }
0x40: {  	vm3 =	veq.f32 v19, v15;
	vm2 =	vlt.u32 v3, v49;
	v4 =	vsel vm0, $0xFFFFFFFF, v4  }
0x41: {  	vm0 =	vlt.u32 v0, v33;
	v0 =	vimm.s32 $0x0;
	[tilespmem:$0x1EFA0] =	vst v4;
	v4 =	vimm.s32 $0x0  }
0x42: {  	vm5 =	vmand vm2, vm5;
	vm0 =	vmand vm0, vm3;
	v4 =	vsel vm4, $0xFFFFFFFF, v4  }
0x43: {  	vm2 =	vlt.u32 v2, v50;
	vm4 =	veq.f32 v19, v16;
	v0 =	vsel vm0, $0xFFFFFFFF, v0;
	[tilespmem:$0x1EFB0] =	vst v4  }
0x44: {  	v4 =	vimm.s32 $0x0;
	[tilespmem:$0x1EFC0] =	vst v0;
	vm4 =	vmand vm1, vm4;
	v0 =	vimm.s32 $0x0  }
0x45: {  	v4 =	vsel vm5, $0xFFFFFFFF, v4;
	vm5 =	veq.f32 v21, v10;
	v0 =	vsel vm4, $0xFFFFFFFF, v0  }
0x46: {  	vm3 =	veq.f32 v21, v11;
	[tilespmem:$0x1EFF0] =	vst v0;
	vm5 =	vmand vm2, vm5;
	v0 =	vimm.s32 $0x0  }
0x47: {  	vm0 =	vlt.u32 v2, v51;
	vm1 =	vlt.u32 v2, v56;
	v0 =	vsel vm5, $0xFFFFFFFF, v0  }
0x48: {  	vm0 =	vmand vm0, vm3;
	vm3 =	veq.f32 v21, v15;
	[tilespmem:$0x1EFE0] =	vst v0;
	v0 =	vimm.s32 $0x0  }
0x49: {  	vm4 =	veq.f32 v21, v12;
	vm2 =	vlt.u32 v2, v32;
	v0 =	vsel vm0, $0xFFFFFFFF, v0  }
0x4a: {  	vm4 =	vmand vm1, vm4;
	vm1 =	vlt.u32 v2, v33;
	[tilespmem:$0x1F000] =	vst v0;
	v0 =	vimm.s32 $0x0  }
0x4b: {  	vm5 =	veq.f32 v21, v13;
	vm0 =	vlt.u32 v2, v57;
	v0 =	vsel vm4, $0xFFFFFFFF, v0  }
0x4c: {  	vm4 =	vmand vm2, vm5;
	vm2 =	veq.f32 v21, v14;
	[tilespmem:$0x1F010] =	vst v0;
	v0 =	vimm.s32 $0x0  }
0x4d: {  	[tilespmem:$0x1EFD0] =	vst v4;
	v4 =	vimm.s32 $0x0;
	vm0 =	vmand vm0, vm2;
	v0 =	vsel vm4, $0xFFFFFFFF, v0  }
0x4e: {  	s21 =	simm.s32 $0x9;
	v23 =	vbroadcast v26, $0x9;
	vm5 =	vmand vm1, vm3;
	v4 =	vsel vm0, $0xFFFFFFFF, v4;
	[tilespmem:$0x1F020] =	vst v0  }
0x4f: {  	vm1 =	vlt.u32 v3, v50;
	v0 =	vmov s21;
	[tilespmem:$0x1F030] =	vst v4;
	v4 =	vimm.s32 $0x0  }
0x50: {  	vm2 =	veq.f32 v23, v9;
	v4 =	vsel vm5, $0xFFFFFFFF, v4;
	vm0 =	vlt.u32 v0, v49  }
0x51: {  	vm3 =	veq.f32 v22, v10;
	[tilespmem:$0x1F040] =	vst v4;
	vm0 =	vmand vm0, vm2;
	v4 =	vimm.s32 $0x0  }
0x52: {  	vm2 =	veq.f32 v21, v16;
	v4 =	vsel vm0, $0xFFFFFFFF, v4;
	vm0 =	vlt.u32 v2, v58  }
0x53: {  	vm4 =	vmand vm1, vm3;
	v2 =	vimm.s32 $0x0;
	vm0 =	vmand vm0, vm2  }
0x54: {  	vm1 =	vlt.u32 v3, v51;
	vm3 =	veq.f32 v22, v11;
	v2 =	vsel vm0, $0xFFFFFFFF, v2  }
0x55: {  	vm5 =	vmand vm1, vm3;
	[tilespmem:$0x1F050] =	vst v2;
	v2 =	vimm.s32 $0x0  }
0x56: {  	vm2 =	veq.f32 v22, v12;
	vm0 =	vlt.u32 v3, v56;
	v2 =	vsel vm5, $0xFFFFFFFF, v2  }
0x57: {  	vm1 =	vlt.u32 v3, v32;
	vm0 =	vmand vm0, vm2;
	[tilespmem:$0x1F080] =	vst v2;
	v2 =	vimm.s32 $0x0  }
0x58: {  	vm3 =	veq.f32 v22, v13;
	[tilespmem:$0x1F060] =	vst v4;
	v4 =	vimm.s32 $0x0;
	v2 =	vsel vm0, $0xFFFFFFFF, v2  }
0x59: {  	v4 =	vsel vm4, $0xFFFFFFFF, v4;
	vm4 =	vmand vm1, vm3;
	[tilespmem:$0x1F090] =	vst v2;
	v2 =	vimm.s32 $0x0  }
0x5a: {  	vm2 =	veq.f32 v22, v14;
	vm0 =	vlt.u32 v3, v57;
	v2 =	vsel vm4, $0xFFFFFFFF, v2  }
0x5b: {  	vm0 =	vmand vm0, vm2;
	[tilespmem:$0x1F0A0] =	vst v2;
	v2 =	vimm.s32 $0x0  }
0x5c: {  	vm1 =	vlt.u32 v3, v33;
	vm3 =	veq.f32 v22, v15;
	v2 =	vsel vm0, $0xFFFFFFFF, v2  }
0x5d: {  	vm5 =	vmand vm1, vm3;
	[tilespmem:$0x1F0B0] =	vst v2;
	v2 =	vimm.s32 $0x0  }
0x5e: {  	s22 =	simm.s32 $0x8;
	v24 =	vbroadcast v26, $0x8;
	vm4 =	vlt.u32 v3, v58;
	v2 =	vsel vm5, $0xFFFFFFFF, v2  }
0x5f: {  	v3 =	vimm.s32 $0x0;
	vm5 =	veq.f32 v22, v16;
	[tilespmem:$0x1F0D0] =	vst v2;
	v2 =	vmov s22  }
0x60: {  	vm0 =	vmand vm4, vm5;
	vm5 =	veq.f32 v24, v9;
	vm4 =	vlt.u32 v2, v49  }
0x61: {  	v25 =	vbroadcast v26, $0x7;
	v3 =	vsel vm0, $0xFFFFFFFF, v3;
	vm0 =	vmand vm4, vm5  }
0x62: {  	[tilespmem:$0x1F0E0] =	vst v3;
	v3 =	vimm.s32 $0x0;
	vm4 =	vlt.u32 v0, v50;
	vm5 =	veq.f32 v23, v10  }
0x63: {  	[tilespmem:$0x1F070] =	vst v4;
	v4 =	vimm.s32 $0x0;
	v3 =	vsel vm0, $0xFFFFFFFF, v3;
	vm0 =	vmand vm4, vm5  }
0x64: {  	vm4 =	vlt.u32 v0, v51;
	vm5 =	veq.f32 v23, v11;
	[tilespmem:$0x1F0C0] =	vst v3;
	v3 =	vimm.s32 $0x0  }
0x65: {  	vm1 =	vlt.u32 v0, v57;
	v3 =	vsel vm0, $0xFFFFFFFF, v3;
	vm0 =	vmand vm4, vm5  }
0x66: {  	vm4 =	vlt.u32 v0, v56;
	vm5 =	veq.f32 v23, v12;
	[tilespmem:$0x1F0F0] =	vst v3;
	v3 =	vimm.s32 $0x0  }
0x67: {  	vm3 =	veq.f32 v23, v13;
	v3 =	vsel vm0, $0xFFFFFFFF, v3;
	vm0 =	vmand vm4, vm5  }
0x68: {  	vm4 =	veq.f32 v23, v14;
	vm5 =	veq.f32 v25, v9;
	[tilespmem:$0x1F100] =	vst v3;
	v3 =	vimm.s32 $0x0  }
0x69: {  	s23 =	simm.s32 $0x7;
	vm4 =	vmand vm1, vm4;
	v3 =	vsel vm0, $0xFFFFFFFF, v3;
	vm0 =	vlt.u32 v0, v32  }
0x6a: {  	vm1 =	vlt.u32 v0, v58;
	[tilespmem:$0x1F110] =	vst v3;
	v3 =	vmov s23;
	vm0 =	vmand vm0, vm3  }
0x6b: {  	vm3 =	veq.f32 v23, v15;
	vm2 =	vlt.u32 v3, v49;
	v4 =	vsel vm0, $0xFFFFFFFF, v4  }
0x6c: {  	vm0 =	vlt.u32 v0, v33;
	v0 =	vimm.s32 $0x0;
	[tilespmem:$0x1F120] =	vst v4;
	v4 =	vimm.s32 $0x0  }
0x6d: {  	vm5 =	vmand vm2, vm5;
	vm0 =	vmand vm0, vm3;
	v4 =	vsel vm4, $0xFFFFFFFF, v4  }
0x6e: {  	vm2 =	vlt.u32 v2, v50;
	vm4 =	veq.f32 v23, v16;
	v0 =	vsel vm0, $0xFFFFFFFF, v0;
	[tilespmem:$0x1F130] =	vst v4  }
0x6f: {  	v4 =	vimm.s32 $0x0;
	[tilespmem:$0x1F140] =	vst v0;
	vm4 =	vmand vm1, vm4;
	v0 =	vimm.s32 $0x0  }
0x70: {  	v4 =	vsel vm5, $0xFFFFFFFF, v4;
	vm5 =	veq.f32 v24, v10;
	v0 =	vsel vm4, $0xFFFFFFFF, v0  }
0x71: {  	[tilespmem:$0x1F170] =	vst v0;
	vm5 =	vmand vm2, vm5;
	v0 =	vimm.s32 $0x0  }
0x72: {  	vm3 =	veq.f32 v24, v11;
	vm0 =	vlt.u32 v2, v51;
	v0 =	vsel vm5, $0xFFFFFFFF, v0  }
0x73: {  	vm0 =	vmand vm0, vm3;
	[tilespmem:$0x1F160] =	vst v0;
	v0 =	vimm.s32 $0x0  }
0x74: {  	vm1 =	vlt.u32 v2, v56;
	vm4 =	veq.f32 v24, v12;
	v0 =	vsel vm0, $0xFFFFFFFF, v0  }
0x75: {  	vm4 =	vmand vm1, vm4;
	[tilespmem:$0x1F180] =	vst v0;
	v0 =	vimm.s32 $0x0  }
0x76: {  	vm2 =	vlt.u32 v2, v32;
	vm5 =	veq.f32 v24, v13;
	v0 =	vsel vm4, $0xFFFFFFFF, v0  }
0x77: {  	vm4 =	vmand vm2, vm5;
	[tilespmem:$0x1F190] =	vst v0;
	v0 =	vimm.s32 $0x0  }
0x78: {  	vm0 =	vlt.u32 v2, v57;
	vm2 =	veq.f32 v24, v14;
	v0 =	vsel vm4, $0xFFFFFFFF, v0  }
0x79: {  	v27 =	vbroadcast v26, $0x6;
	vm0 =	vmand vm0, vm2;
	[tilespmem:$0x1F1A0] =	vst v0;
	v0 =	vimm.s32 $0x0  }
0x7a: {  	s24 =	simm.s32 $0x6;
	vm3 =	veq.f32 v24, v15;
	[tilespmem:$0x1F150] =	vst v4;
	vm1 =	vlt.u32 v2, v33;
	v0 =	vsel vm0, $0xFFFFFFFF, v0  }
0x7b: {  	v4 =	vmov s24;
	vm5 =	vmand vm1, vm3;
	[tilespmem:$0x1F1B0] =	vst v0;
	v0 =	vimm.s32 $0x0  }
0x7c: {  	vm2 =	veq.f32 v27, v9;
	vm0 =	vlt.u32 v4, v49;
	v0 =	vsel vm5, $0xFFFFFFFF, v0  }
0x7d: {  	vm0 =	vmand vm0, vm2;
	[tilespmem:$0x1F1C0] =	vst v0;
	v0 =	vimm.s32 $0x0  }
0x7e: {  	vm1 =	vlt.u32 v3, v50;
	vm3 =	veq.f32 v25, v10;
	v0 =	vsel vm0, $0xFFFFFFFF, v0  }
0x7f: {  	vm4 =	vmand vm1, vm3;
	[tilespmem:$0x1F1E0] =	vst v0;
	v0 =	vimm.s32 $0x0  }
0x80: {  	vm2 =	veq.f32 v24, v16;
	vm0 =	vlt.u32 v2, v58;
	v0 =	vsel vm4, $0xFFFFFFFF, v0  }
0x81: {  	vm0 =	vmand vm0, vm2;
	[tilespmem:$0x1F1F0] =	vst v0;
	v0 =	vimm.s32 $0x0  }
0x82: {  	vm1 =	vlt.u32 v3, v51;
	vm3 =	veq.f32 v25, v11;
	v0 =	vsel vm0, $0xFFFFFFFF, v0  }
0x83: {  	vm5 =	vmand vm1, vm3;
	[tilespmem:$0x1F1D0] =	vst v0;
	v0 =	vimm.s32 $0x0  }
0x84: {  	vm2 =	veq.f32 v25, v12;
	vm0 =	vlt.u32 v3, v56;
	v0 =	vsel vm5, $0xFFFFFFFF, v0  }
0x85: {  	vm0 =	vmand vm0, vm2;
	[tilespmem:$0x1F200] =	vst v0;
	v0 =	vimm.s32 $0x0  }
0x86: {  	vm1 =	vlt.u32 v3, v32;
	vm3 =	veq.f32 v25, v13;
	v0 =	vsel vm0, $0xFFFFFFFF, v0  }
0x87: {  	vm4 =	vmand vm1, vm3;
	[tilespmem:$0x1F210] =	vst v0;
	v0 =	vimm.s32 $0x0  }
0x88: {  	vm2 =	veq.f32 v25, v14;
	vm0 =	vlt.u32 v3, v57;
	v0 =	vsel vm4, $0xFFFFFFFF, v0  }
0x89: {  	vm0 =	vmand vm0, vm2;
	[tilespmem:$0x1F220] =	vst v0;
	v0 =	vimm.s32 $0x0  }
0x8a: {  	vm1 =	vlt.u32 v3, v33;
	vm3 =	veq.f32 v25, v15;
	v0 =	vsel vm0, $0xFFFFFFFF, v0  }
0x8b: {  	vm5 =	vmand vm1, vm3;
	[tilespmem:$0x1F230] =	vst v0;
	v0 =	vimm.s32 $0x0  }
0x8c: {  	v5 =	vimm.s32 $0x0;
	v28 =	vbroadcast v26, $0x4;
	v0 =	vsel vm5, $0xFFFFFFFF, v0  }
0x8d: {  	s25 =	simm.s32 $0x5;
	vm4 =	vlt.u32 v3, v58;
	vm5 =	veq.f32 v25, v16;
	[tilespmem:$0x1F250] =	vst v0;
	v0 =	vbroadcast v26, $0x5  }
0x8e: {  	v2 =	vmov s25;
	v3 =	vimm.s32 $0x0;
	vm0 =	vmand vm4, vm5  }
0x8f: {  	vm4 =	vlt.u32 v2, v49;
	v3 =	vsel vm0, $0xFFFFFFFF, v3;
	vm5 =	veq.f32 v0, v9  }
0x90: {  	v29 =	vbroadcast v26, $0x3;
	[tilespmem:$0x1F260] =	vst v3;
	v3 =	vimm.s32 $0x0;
	vm0 =	vmand vm4, vm5  }
0x91: {  	vm4 =	vlt.u32 v4, v50;
	vm5 =	veq.f32 v27, v10;
	v3 =	vsel vm0, $0xFFFFFFFF, v3  }
0x92: {  	vm1 =	vlt.u32 v4, v57;
	vm0 =	vmand vm4, vm5;
	[tilespmem:$0x1F240] =	vst v3;
	v3 =	vimm.s32 $0x0  }
0x93: {  	vm4 =	vlt.u32 v4, v51;
	vm5 =	veq.f32 v27, v11;
	v3 =	vsel vm0, $0xFFFFFFFF, v3  }
0x94: {  	vm3 =	veq.f32 v27, v13;
	vm0 =	vmand vm4, vm5;
	[tilespmem:$0x1F270] =	vst v3;
	v3 =	vimm.s32 $0x0  }
0x95: {  	vm4 =	vlt.u32 v4, v56;
	vm5 =	veq.f32 v27, v12;
	v3 =	vsel vm0, $0xFFFFFFFF, v3  }
0x96: {  	vm0 =	vmand vm4, vm5;
	vm4 =	veq.f32 v27, v14;
	[tilespmem:$0x1F280] =	vst v3;
	v3 =	vimm.s32 $0x0  }
0x97: {  	s26 =	simm.s32 $0x4;
	vm5 =	veq.f32 v28, v9;
	vm4 =	vmand vm1, vm4;
	v3 =	vsel vm0, $0xFFFFFFFF, v3  }
0x98: {  	vm1 =	vlt.u32 v4, v58;
	vm0 =	vlt.u32 v4, v32;
	[tilespmem:$0x1F290] =	vst v3;
	v3 =	vmov s26  }
0x99: {  	vm0 =	vmand vm0, vm3;
	vm3 =	veq.f32 v27, v15;
	vm2 =	vlt.u32 v3, v49  }
0x9a: {  	v5 =	vsel vm0, $0xFFFFFFFF, v5;
	vm0 =	vlt.u32 v4, v33;
	v4 =	vimm.s32 $0x0  }
0x9b: {  	[tilespmem:$0x1F2A0] =	vst v5;
	v5 =	vimm.s32 $0x0;
	vm5 =	vmand vm2, vm5;
	vm2 =	vlt.u32 v2, v50  }
0x9c: {  	vm0 =	vmand vm0, vm3;
	vm3 =	veq.f32 v0, v11;
	v5 =	vsel vm4, $0xFFFFFFFF, v5  }
0x9d: {  	vm4 =	veq.f32 v27, v16;
	v4 =	vsel vm0, $0xFFFFFFFF, v4;
	vm0 =	vlt.u32 v2, v51;
	[tilespmem:$0x1F2B0] =	vst v5  }
0x9e: {  	v5 =	vimm.s32 $0x0;
	[tilespmem:$0x1F2C0] =	vst v4;
	vm4 =	vmand vm1, vm4;
	v4 =	vimm.s32 $0x0  }
0x9f: {  	v5 =	vsel vm5, $0xFFFFFFFF, v5;
	vm5 =	veq.f32 v0, v10;
	v4 =	vsel vm4, $0xFFFFFFFF, v4  }
0xa0: {  	vm1 =	vlt.u32 v2, v56;
	[tilespmem:$0x1F2F0] =	vst v4;
	vm5 =	vmand vm2, vm5;
	v4 =	vimm.s32 $0x0  }
0xa1: {  	vm0 =	vmand vm0, vm3;
	vm4 =	veq.f32 v0, v12;
	v4 =	vsel vm5, $0xFFFFFFFF, v4  }
0xa2: {  	vm2 =	vlt.u32 v2, v32;
	vm5 =	veq.f32 v0, v13;
	[tilespmem:$0x1F2E0] =	vst v4;
	v4 =	vimm.s32 $0x0  }
0xa3: {  	vm4 =	vmand vm1, vm4;
	vm5 =	vmand vm2, vm5;
	v4 =	vsel vm0, $0xFFFFFFFF, v4  }
0xa4: {  	vm2 =	veq.f32 v0, v14;
	vm0 =	vlt.u32 v2, v57;
	[tilespmem:$0x1F300] =	vst v4;
	v4 =	vimm.s32 $0x0  }
0xa5: {  	[tilespmem:$0x1F2D0] =	vst v5;
	v5 =	vimm.s32 $0x0;
	vm0 =	vmand vm0, vm2;
	v4 =	vsel vm4, $0xFFFFFFFF, v4  }
0xa6: {  	vm3 =	veq.f32 v0, v15;
	v5 =	vsel vm0, $0xFFFFFFFF, v5;
	[tilespmem:$0x1F310] =	vst v4;
	v4 =	vimm.s32 $0x0  }
0xa7: {  	s28 =	simm.s32 $0x3;
	vm1 =	vlt.u32 v2, v33;
	vm2 =	veq.f32 v29, v9;
	[tilespmem:$0x1F330] =	vst v5;
	v4 =	vsel vm5, $0xFFFFFFFF, v4  }
0xa8: {  	vm4 =	vmand vm1, vm3;
	v5 =	vimm.s32 $0x0;
	[tilespmem:$0x1F320] =	vst v4;
	v4 =	vmov s28  }
0xa9: {  	vm1 =	vlt.u32 v3, v50;
	v5 =	vsel vm4, $0xFFFFFFFF, v5;
	vm0 =	vlt.u32 v4, v49  }
0xaa: {  	vm3 =	veq.f32 v28, v10;
	[tilespmem:$0x1F340] =	vst v5;
	v5 =	vimm.s32 $0x0;
	vm0 =	vmand vm0, vm2  }
0xab: {  	vm2 =	veq.f32 v0, v16;
	v5 =	vsel vm0, $0xFFFFFFFF, v5;
	vm0 =	vlt.u32 v2, v58  }
0xac: {  	vm5 =	vmand vm1, vm3;
	v2 =	vimm.s32 $0x0;
	vm0 =	vmand vm0, vm2  }
0xad: {  	vm1 =	vlt.u32 v3, v51;
	vm3 =	veq.f32 v28, v11;
	v2 =	vsel vm0, $0xFFFFFFFF, v2  }
0xae: {  	vm4 =	vmand vm1, vm3;
	[tilespmem:$0x1F350] =	vst v2;
	v2 =	vimm.s32 $0x0  }
0xaf: {  	vm2 =	veq.f32 v28, v12;
	vm0 =	vlt.u32 v3, v56;
	v2 =	vsel vm4, $0xFFFFFFFF, v2  }
0xb0: {  	vm1 =	vlt.u32 v3, v32;
	vm0 =	vmand vm0, vm2;
	[tilespmem:$0x1F380] =	vst v2;
	v2 =	vimm.s32 $0x0  }
0xb1: {  	vm3 =	veq.f32 v28, v13;
	[tilespmem:$0x1F360] =	vst v5;
	v5 =	vimm.s32 $0x0;
	v2 =	vsel vm0, $0xFFFFFFFF, v2  }
0xb2: {  	v5 =	vsel vm5, $0xFFFFFFFF, v5;
	vm5 =	vmand vm1, vm3;
	[tilespmem:$0x1F390] =	vst v2;
	v2 =	vimm.s32 $0x0  }
0xb3: {  	vm2 =	veq.f32 v28, v14;
	vm0 =	vlt.u32 v3, v57;
	v2 =	vsel vm5, $0xFFFFFFFF, v2  }
0xb4: {  	vm0 =	vmand vm0, vm2;
	[tilespmem:$0x1F3A0] =	vst v2;
	v2 =	vimm.s32 $0x0  }
0xb5: {  	vm1 =	vlt.u32 v3, v33;
	vm3 =	veq.f32 v28, v15;
	v2 =	vsel vm0, $0xFFFFFFFF, v2  }
0xb6: {  	v30 =	vbroadcast v26, $0x2;
	vm4 =	vmand vm1, vm3;
	[tilespmem:$0x1F3B0] =	vst v2;
	v2 =	vimm.s32 $0x0  }
0xb7: {  	s29 =	simm.s32 $0x2;
	vm5 =	vlt.u32 v3, v58;
	v2 =	vsel vm4, $0xFFFFFFFF, v2;
	vm4 =	veq.f32 v28, v16  }
0xb8: {  	v3 =	vimm.s32 $0x0;
	[tilespmem:$0x1F3D0] =	vst v2;
	v2 =	vmov s29;
	vm0 =	vmand vm5, vm4  }
0xb9: {  	vm4 =	veq.f32 v30, v9;
	v3 =	vsel vm0, $0xFFFFFFFF, v3;
	vm5 =	vlt.u32 v2, v49  }
0xba: {  	[tilespmem:$0x1F3E0] =	vst v3;
	vm0 =	vmand vm5, vm4;
	v3 =	vimm.s32 $0x0  }
0xbb: {  	vm5 =	vlt.u32 v4, v50;
	vm4 =	veq.f32 v29, v10;
	v3 =	vsel vm0, $0xFFFFFFFF, v3  }
0xbc: {  	vm0 =	vmand vm5, vm4;
	[tilespmem:$0x1F3C0] =	vst v3;
	v3 =	vimm.s32 $0x0  }
0xbd: {  	vm5 =	vlt.u32 v4, v51;
	vm4 =	veq.f32 v29, v11;
	v3 =	vsel vm0, $0xFFFFFFFF, v3  }
0xbe: {  	vm0 =	vmand vm5, vm4;
	[tilespmem:$0x1F3F0] =	vst v3;
	v3 =	vimm.s32 $0x0  }
0xbf: {  	vm5 =	vlt.u32 v4, v56;
	vm4 =	veq.f32 v29, v12;
	v3 =	vsel vm0, $0xFFFFFFFF, v3  }
0xc0: {  	vm0 =	vmand vm5, vm4;
	[tilespmem:$0x1F400] =	vst v3;
	v3 =	vimm.s32 $0x0  }
0xc1: {  	vm5 =	vlt.u32 v4, v32;
	vm4 =	veq.f32 v29, v13;
	v3 =	vsel vm0, $0xFFFFFFFF, v3  }
0xc2: {  	vm0 =	vmand vm5, vm4;
	[tilespmem:$0x1F410] =	vst v3;
	v3 =	vimm.s32 $0x0  }
0xc3: {  	vm5 =	vlt.u32 v4, v57;
	vm4 =	veq.f32 v29, v14;
	v3 =	vsel vm0, $0xFFFFFFFF, v3  }
0xc4: {  	vm0 =	vmand vm5, vm4;
	[tilespmem:$0x1F420] =	vst v3;
	v3 =	vimm.s32 $0x0  }
0xc5: {  	s30 =	simm.s32 $0x1;
	v31 =	vbroadcast v26, $0x1;
	v3 =	vsel vm0, $0xFFFFFFFF, v3  }
0xc6: {  	[tilespmem:$0x1F430] =	vst v3;
	v3 =	vmov s30  }
0xc7: {  	vm1 =	vlt.u32 v4, v58;
	vm5 =	veq.f32 v31, v9;
	vm2 =	vlt.u32 v3, v49  }
0xc8: {  	vm0 =	vlt.u32 v4, v33;
	v4 =	vimm.s32 $0x0;
	vm2 =	vmand vm2, vm5  }
0xc9: {  	v26 =	vbroadcast v26, $0x0;
	vm3 =	veq.f32 v29, v15;
	v4 =	vsel vm2, $0xFFFFFFFF, v4  }
0xca: {  	vm4 =	veq.f32 v29, v16;
	vm0 =	vmand vm0, vm3;
	[tilespmem:$0x1F450] =	vst v4;
	v4 =	vimm.s32 $0x0  }
0xcb: {  	vm3 =	veq.f32 v30, v10;
	vm5 =	vmand vm1, vm4;
	v4 =	vsel vm0, $0xFFFFFFFF, v4  }
0xcc: {  	vm1 =	vlt.u32 v2, v51;
	vm4 =	veq.f32 v30, v11;
	[tilespmem:$0x1F440] =	vst v4;
	v4 =	vimm.s32 $0x0  }
0xcd: {  	vm2 =	vlt.u32 v2, v56;
	vm0 =	vlt.u32 v2, v50;
	v4 =	vsel vm5, $0xFFFFFFFF, v4  }
0xce: {  	vm4 =	vmand vm1, vm4;
	vm0 =	vmand vm0, vm3;
	[tilespmem:$0x1F470] =	vst v4;
	v4 =	vimm.s32 $0x0  }
0xcf: {  	vm1 =	vlt.u32 v2, v57;
	vm3 =	veq.f32 v30, v14;
	v4 =	vsel vm0, $0xFFFFFFFF, v4  }
0xd0: {  	vm5 =	veq.f32 v30, v12;
	vm0 =	vlt.u32 v2, v32;
	[tilespmem:$0x1F460] =	vst v4;
	v4 =	vimm.s32 $0x0  }
0xd1: {  	v4 =	vsel vm4, $0xFFFFFFFF, v4;
	vm4 =	vmand vm2, vm5;
	vm2 =	veq.f32 v30, v13  }
0xd2: {  	[tilespmem:$0x1F370] =	vst v5;
	v5 =	vimm.s32 $0x0;
	vm5 =	vmand vm0, vm2;
	vm0 =	vmand vm1, vm3  }
0xd3: {  	s31 =	simm.s32 $0x0;
	[tilespmem:$0x1F480] =	vst v4;
	vm1 =	vlt.u32 v2, v33;
	vm2 =	veq.f32 v30, v15;
	v5 =	vsel vm0, $0xFFFFFFFF, v5  }
0xd4: {  	v4 =	vmov s31;
	vm1 =	vmand vm1, vm2;
	[tilespmem:$0x1F490] =	vst v5;
	v5 =	vimm.s32 $0x0  }
0xd5: {  	vm3 =	veq.f32 v26, v9;
	vm0 =	vlt.u32 v4, v49;
	v5 =	vsel vm1, $0xFFFFFFFF, v5  }
0xd6: {  	vm0 =	vmand vm0, vm3;
	[tilespmem:$0x1F4A0] =	vst v5;
	v5 =	vimm.s32 $0x0  }
0xd7: {  	vm2 =	veq.f32 v30, v16;
	v5 =	vsel vm0, $0xFFFFFFFF, v5;
	vm0 =	vlt.u32 v2, v58  }
0xd8: {  	v2 =	vimm.s32 $0x0;
	vm0 =	vmand vm0, vm2  }
0xd9: {  	vm3 =	veq.f32 v31, v10;
	vm1 =	vlt.u32 v3, v50;
	v2 =	vsel vm0, $0xFFFFFFFF, v2  }
0xda: {  	vm0 =	vmand vm1, vm3;
	[tilespmem:$0x1F4B0] =	vst v2;
	v2 =	vimm.s32 $0x0  }
0xdb: {  	vm2 =	veq.f32 v31, v11;
	v2 =	vsel vm0, $0xFFFFFFFF, v2;
	vm0 =	vlt.u32 v3, v51  }
0xdc: {  	[tilespmem:$0x1F4D0] =	vst v2;
	vm0 =	vmand vm0, vm2;
	v2 =	vimm.s32 $0x0  }
0xdd: {  	vm1 =	vlt.u32 v3, v56;
	vm3 =	veq.f32 v31, v12;
	v2 =	vsel vm0, $0xFFFFFFFF, v2  }
0xde: {  	vm0 =	vmand vm1, vm3;
	[tilespmem:$0x1F4E0] =	vst v2;
	v2 =	vimm.s32 $0x0  }
0xdf: {  	vm2 =	veq.f32 v31, v13;
	v2 =	vsel vm0, $0xFFFFFFFF, v2;
	vm0 =	vlt.u32 v3, v32  }
0xe0: {  	[tilespmem:$0x1F4F0] =	vst v2;
	vm0 =	vmand vm0, vm2;
	v2 =	vimm.s32 $0x0  }
0xe1: {  	vm1 =	vlt.u32 v3, v57;
	vm3 =	veq.f32 v31, v14;
	v2 =	vsel vm0, $0xFFFFFFFF, v2  }
0xe2: {  	vm0 =	vmand vm1, vm3;
	[tilespmem:$0x1F500] =	vst v2;
	v2 =	vimm.s32 $0x0  }
0xe3: {  	vm3 =	veq.f32 v31, v15;
	v2 =	vsel vm0, $0xFFFFFFFF, v2;
	vm0 =	vlt.u32 v3, v33  }
0xe4: {  	[tilespmem:$0x1F510] =	vst v2;
	vm0 =	vmand vm0, vm3;
	v2 =	vimm.s32 $0x0  }
0xe5: {  	vm2 =	veq.f32 v26, v10;
	vm1 =	vlt.u32 v4, v50;
	v2 =	vsel vm0, $0xFFFFFFFF, v2  }
0xe6: {  	vm0 =	vmand vm1, vm2;
	[tilespmem:$0x1F530] =	vst v2;
	v2 =	vimm.s32 $0x0  }
0xe7: {  	vm3 =	veq.f32 v26, v11;
	vm1 =	vlt.u32 v4, v51;
	v2 =	vsel vm0, $0xFFFFFFFF, v2  }
0xe8: {  	vm1 =	vmand vm1, vm3;
	[tilespmem:$0x1F520] =	vst v2;
	v2 =	vimm.s32 $0x0  }
0xe9: {  	vm2 =	veq.f32 v31, v16;
	vm0 =	vlt.u32 v3, v58;
	v2 =	vsel vm1, $0xFFFFFFFF, v2  }
0xea: {  	vm0 =	vmand vm0, vm2;
	[tilespmem:$0x1F550] =	vst v2;
	v2 =	vimm.s32 $0x0  }
0xeb: {  	vm2 =	veq.f32 v26, v12;
	v2 =	vsel vm0, $0xFFFFFFFF, v2;
	vm0 =	vlt.u32 v4, v56  }
0xec: {  	[tilespmem:$0x1F540] =	vst v2;
	vm0 =	vmand vm0, vm2;
	v2 =	vimm.s32 $0x0  }
0xed: {  	vm3 =	veq.f32 v26, v13;
	vm1 =	vlt.u32 v4, v32;
	v2 =	vsel vm0, $0xFFFFFFFF, v2  }
0xee: {  	vm0 =	vmand vm1, vm3;
	[tilespmem:$0x1F560] =	vst v2;
	v2 =	vimm.s32 $0x0  }
0xef: {  	vm2 =	veq.f32 v26, v14;
	v2 =	vsel vm0, $0xFFFFFFFF, v2;
	vm0 =	vlt.u32 v4, v57  }
0xf0: {  	[tilespmem:$0x1F570] =	vst v2;
	vm0 =	vmand vm0, vm2;
	v2 =	vimm.s32 $0x0  }
0xf1: {  	vm1 =	vlt.u32 v4, v33;
	vm3 =	veq.f32 v26, v15;
	v2 =	vsel vm0, $0xFFFFFFFF, v2  }
0xf2: {  	vm0 =	vmand vm1, vm3;
	[tilespmem:$0x1F580] =	vst v2;
	v2 =	vimm.s32 $0x0  }
0xf3: {  	vm3 =	veq.f32 v26, v16;
	v2 =	vsel vm0, $0xFFFFFFFF, v2;
	vm0 =	vlt.u32 v4, v58  }
0xf4: {  	[tilespmem:$0x1F590] =	vst v2;
	vm0 =	vmand vm0, vm3;
	v2 =	vimm.s32 $0x0  }
0xf5: {  	v2 =	vsel vm0, $0xFFFFFFFF, v2  }
0xf6: {  	[tilespmem:$0x1F5A0] =	vst v2;
	v2 =	vld [tilespmem:$0x1EE80];
	_ =	sdelay $0x4  }
0xf7: {  	vm1 =	vlt.f32 v20, v9;
	vm0 =	vnez.u8 v2  }
0xf8: {  	v2 =	vimm.s32 $0x0;
	vm0 =	vmor vm1, vm0  }
0xf9: {  	v2 =	vsel vm0, $0xFFFFFFFF, v2  }
0xfa: {  	[tilespmem:$0x1F5B0] =	vst v2;
	v2 =	vld [tilespmem:$0x1EE90];
	_ =	sdelay $0x4  }
0xfb: {  	vm2 =	vlt.f32 v17, v10;
	vm0 =	vnez.u8 v2  }
0xfc: {  	v2 =	vimm.s32 $0x0;
	vm0 =	vmor vm2, vm0  }
0xfd: {  	v2 =	vsel vm0, $0xFFFFFFFF, v2;
	vm0 =	vlt.f32 v17, v11  }
0xfe: {  	[tilespmem:$0x1F5C0] =	vst v2;
	vm0 =	vmor vm0, vm8;
	v2 =	vimm.s32 $0x0  }
0xff: {  	vm1 =	vlt.f32 v17, v12;
	v2 =	vsel vm0, $0xFFFFFFFF, v2  }
0x100: {  	vm8 =	vmor vm1, vm15;
	[tilespmem:$0x1F5D0] =	vst v2;
	v2 =	vimm.s32 $0x0  }
0x101: {  	v2 =	vsel vm8, $0xFFFFFFFF, v2  }
0x102: {  	[tilespmem:$0x1F5E0] =	vst v2;
	v2 =	vld [tilespmem:$0x1EEA0];
	_ =	sdelay $0x4  }
0x103: {  	vm2 =	vlt.f32 v17, v13;
	vm15 =	vnez.u8 v2  }
0x104: {  	v2 =	vimm.s32 $0x0;
	vm0 =	vmor vm2, vm15  }
0x105: {  	vm8 =	vlt.f32 v17, v14;
	v2 =	vsel vm0, $0xFFFFFFFF, v2  }
0x106: {  	vm0 =	vmor vm8, vm14;
	[tilespmem:$0x1F5F0] =	vst v2;
	v2 =	vimm.s32 $0x0  }
0x107: {  	v2 =	vsel vm0, $0xFFFFFFFF, v2  }
0x108: {  	[tilespmem:$0x1F600] =	vst v2;
	v2 =	vld [tilespmem:$0x1EEB0];
	_ =	sdelay $0x4  }
0x109: {  	vm15 =	vlt.f32 v17, v15;
	vm8 =	vnez.u8 v2  }
0x10a: {  	v2 =	vimm.s32 $0x0;
	vm0 =	vmor vm15, vm8  }
0x10b: {  	vm1 =	vlt.f32 v18, v9;
	v2 =	vsel vm0, $0xFFFFFFFF, v2  }
0x10c: {  	vm14 =	vmor vm1, vm9;
	[tilespmem:$0x1F620] =	vst v2;
	v2 =	vimm.s32 $0x0  }
0x10d: {  	v2 =	vsel vm14, $0xFFFFFFFF, v2  }
0x10e: {  	[tilespmem:$0x1F610] =	vst v2;
	v2 =	vld [tilespmem:$0x1EEC0];
	_ =	sdelay $0x4  }
0x10f: {  	vm8 =	vlt.f32 v20, v10;
	vm14 =	vnez.u8 v2  }
0x110: {  	v2 =	vimm.s32 $0x0;
	vm1 =	vmor vm8, vm14  }
0x111: {  	vm15 =	vlt.f32 v17, v16;
	v2 =	vsel vm1, $0xFFFFFFFF, v2  }
0x112: {  	vm0 =	vmor vm15, vm6;
	[tilespmem:$0x1F640] =	vst v2;
	v2 =	vimm.s32 $0x0  }
0x113: {  	v2 =	vsel vm0, $0xFFFFFFFF, v2  }
0x114: {  	[tilespmem:$0x1F630] =	vst v2;
	v2 =	vld [tilespmem:$0x1EED0];
	_ =	sdelay $0x4  }
0x115: {  	vm9 =	vlt.f32 v20, v11;
	vm15 =	vnez.u8 v2  }
0x116: {  	v2 =	vimm.s32 $0x0;
	vm0 =	vmor vm9, vm15  }
0x117: {  	vm6 =	vlt.f32 v20, v12;
	v2 =	vsel vm0, $0xFFFFFFFF, v2  }
0x118: {  	vm0 =	vmor vm6, vm10;
	[tilespmem:$0x1F650] =	vst v2;
	v2 =	vimm.s32 $0x0  }
0x119: {  	vm8 =	vlt.f32 v20, v13;
	v2 =	vsel vm0, $0xFFFFFFFF, v2  }
0x11a: {  	vm12 =	vmor vm8, vm12;
	[tilespmem:$0x1F660] =	vst v2;
	v2 =	vimm.s32 $0x0  }
0x11b: {  	vm9 =	vlt.f32 v20, v14;
	v2 =	vsel vm12, $0xFFFFFFFF, v2  }
0x11c: {  	vm13 =	vmor vm9, vm13;
	[tilespmem:$0x1F680] =	vst v2;
	v2 =	vimm.s32 $0x0  }
0x11d: {  	vm14 =	vlt.f32 v20, v15;
	v2 =	vsel vm13, $0xFFFFFFFF, v2  }
0x11e: {  	vm0 =	vmor vm14, vm7;
	[tilespmem:$0x1F6A0] =	vst v2;
	v2 =	vimm.s32 $0x0  }
0x11f: {  	v2 =	vsel vm0, $0xFFFFFFFF, v2  }
0x120: {  	[tilespmem:$0x1F6C0] =	vst v2;
	v2 =	vld [tilespmem:$0x1EEE0];
	_ =	sdelay $0x4  }
0x121: {  	vm15 =	vlt.f32 v20, v16;
	vm7 =	vnez.u8 v2  }
0x122: {  	v2 =	vimm.s32 $0x0;
	vm0 =	vmor vm15, vm7  }
0x123: {  	v2 =	vsel vm0, $0xFFFFFFFF, v2  }
0x124: {  	[tilespmem:$0x1F6F0] =	vst v2;
	v2 =	vld [tilespmem:$0x1EEF0];
	_ =	sdelay $0x4  }
0x125: {  	vm6 =	vlt.f32 v19, v9;
	vm8 =	vnez.u8 v2  }
0x126: {  	v2 =	vimm.s32 $0x0;
	vm0 =	vmor vm6, vm8  }
0x127: {  	vm9 =	vlt.f32 v18, v10;
	v2 =	vsel vm0, $0xFFFFFFFF, v2  }
0x128: {  	vm0 =	vmor vm9, vm11;
	[tilespmem:$0x1F6D0] =	vst v2;
	v2 =	vimm.s32 $0x0  }
0x129: {  	v2 =	vsel vm0, $0xFFFFFFFF, v2  }
0x12a: {  	[tilespmem:$0x1F6E0] =	vst v2;
	v2 =	vld [tilespmem:$0x1EF00];
	_ =	sdelay $0x4  }
0x12b: {  	vm10 =	vlt.f32 v18, v11;
	vm13 =	vnez.u8 v2  }
0x12c: {  	v2 =	vimm.s32 $0x0;
	vm0 =	vmor vm10, vm13  }
0x12d: {  	v2 =	vsel vm0, $0xFFFFFFFF, v2  }
0x12e: {  	[tilespmem:$0x1F700] =	vst v2;
	v2 =	vld [tilespmem:$0x1EF10];
	_ =	sdelay $0x4  }
0x12f: {  	vm12 =	vlt.f32 v18, v12;
	vm14 =	vnez.u8 v2  }
0x130: {  	v2 =	vimm.s32 $0x0;
	vm0 =	vmor vm12, vm14  }
0x131: {  	v2 =	vsel vm0, $0xFFFFFFFF, v2  }
0x132: {  	[tilespmem:$0x1F710] =	vst v2;
	v2 =	vld [tilespmem:$0x1EF20];
	_ =	sdelay $0x4  }
0x133: {  	vm15 =	vlt.f32 v18, v13;
	vm8 =	vnez.u8 v2  }
0x134: {  	v2 =	vimm.s32 $0x0;
	vm0 =	vmor vm15, vm8  }
0x135: {  	v2 =	vsel vm0, $0xFFFFFFFF, v2  }
0x136: {  	[tilespmem:$0x1F730] =	vst v2;
	v2 =	vld [tilespmem:$0x1EF30];
	_ =	sdelay $0x4  }
0x137: {  	vm6 =	vlt.f32 v18, v14;
	vm9 =	vnez.u8 v2  }
0x138: {  	v2 =	vimm.s32 $0x0;
	vm0 =	vmor vm6, vm9  }
0x139: {  	v2 =	vsel vm0, $0xFFFFFFFF, v2  }
0x13a: {  	[tilespmem:$0x1F750] =	vst v2;
	v2 =	vld [tilespmem:$0x1EF40];
	_ =	sdelay $0x4  }
0x13b: {  	vm7 =	vlt.f32 v21, v9;
	vm10 =	vnez.u8 v2  }
0x13c: {  	v2 =	vimm.s32 $0x0;
	vm0 =	vmor vm7, vm10  }
0x13d: {  	v2 =	vsel vm0, $0xFFFFFFFF, v2  }
0x13e: {  	[tilespmem:$0x1F790] =	vst v2;
	v2 =	vld [tilespmem:$0x1EF50];
	_ =	sdelay $0x4  }
0x13f: {  	vm11 =	vlt.f32 v18, v15;
	vm14 =	vnez.u8 v2  }
0x140: {  	v2 =	vimm.s32 $0x0;
	vm0 =	vmor vm11, vm14  }
0x141: {  	v2 =	vsel vm0, $0xFFFFFFFF, v2  }
0x142: {  	[tilespmem:$0x1F770] =	vst v2;
	v2 =	vld [tilespmem:$0x1EF60];
	_ =	sdelay $0x4  }
0x143: {  	vm12 =	vlt.f32 v18, v16;
	vm15 =	vnez.u8 v2  }
0x144: {  	v2 =	vimm.s32 $0x0;
	vm0 =	vmor vm12, vm15  }
0x145: {  	v2 =	vsel vm0, $0xFFFFFFFF, v2  }
0x146: {  	[tilespmem:$0x1F780] =	vst v2;
	v2 =	vld [tilespmem:$0x1EF70];
	_ =	sdelay $0x4  }
0x147: {  	vm13 =	vlt.f32 v19, v10;
	vm6 =	vnez.u8 v2  }
0x148: {  	v2 =	vimm.s32 $0x0;
	vm0 =	vmor vm13, vm6  }
0x149: {  	v2 =	vsel vm0, $0xFFFFFFFF, v2  }
0x14a: {  	[tilespmem:$0x1F7B0] =	vst v2;
	v2 =	vld [tilespmem:$0x1EF80];
	_ =	sdelay $0x4  }
0x14b: {  	vm7 =	vlt.f32 v19, v11;
	vm10 =	vnez.u8 v2  }
0x14c: {  	v2 =	vimm.s32 $0x0;
	vm0 =	vmor vm7, vm10  }
0x14d: {  	v2 =	vsel vm0, $0xFFFFFFFF, v2  }
0x14e: {  	[tilespmem:$0x1F7C0] =	vst v2;
	v2 =	vld [tilespmem:$0x1EF90];
	_ =	sdelay $0x4  }
0x14f: {  	vm8 =	vlt.f32 v19, v12;
	vm11 =	vnez.u8 v2  }
0x150: {  	v2 =	vimm.s32 $0x0;
	vm0 =	vmor vm8, vm11  }
0x151: {  	v2 =	vsel vm0, $0xFFFFFFFF, v2  }
0x152: {  	[tilespmem:$0x1F7D0] =	vst v2;
	v2 =	vld [tilespmem:$0x1EFA0];
	_ =	sdelay $0x4  }
0x153: {  	vm9 =	vlt.f32 v19, v13;
	vm12 =	vnez.u8 v2  }
0x154: {  	v2 =	vimm.s32 $0x0;
	vm0 =	vmor vm9, vm12  }
0x155: {  	v2 =	vsel vm0, $0xFFFFFFFF, v2  }
0x156: {  	[tilespmem:$0x1F7F0] =	vst v2;
	v2 =	vld [tilespmem:$0x1EFB0];
	_ =	sdelay $0x4  }
0x157: {  	vm13 =	vlt.f32 v19, v14;
	vm6 =	vnez.u8 v2  }
0x158: {  	v2 =	vimm.s32 $0x0;
	vm0 =	vmor vm13, vm6  }
0x159: {  	v2 =	vsel vm0, $0xFFFFFFFF, v2  }
0x15a: {  	[tilespmem:$0x1F810] =	vst v2;
	v2 =	vld [tilespmem:$0x1EFC0];
	_ =	sdelay $0x4  }
0x15b: {  	vm14 =	vlt.f32 v19, v15;
	vm7 =	vnez.u8 v2  }
0x15c: {  	v2 =	vimm.s32 $0x0;
	vm0 =	vmor vm14, vm7  }
0x15d: {  	v2 =	vsel vm0, $0xFFFFFFFF, v2  }
0x15e: {  	[tilespmem:$0x1F850] =	vst v2;
	v2 =	vld [tilespmem:$0x1EFD0];
	_ =	sdelay $0x4  }
0x15f: {  	vm15 =	vlt.f32 v22, v9;
	vm8 =	vnez.u8 v2  }
0x160: {  	v2 =	vimm.s32 $0x0;
	vm0 =	vmor vm15, vm8  }
0x161: {  	v2 =	vsel vm0, $0xFFFFFFFF, v2  }
0x162: {  	[tilespmem:$0x1F830] =	vst v2;
	v2 =	vld [tilespmem:$0x1EFE0];
	_ =	sdelay $0x4  }
0x163: {  	vm10 =	vlt.f32 v21, v10;
	vm12 =	vnez.u8 v2  }
0x164: {  	v2 =	vimm.s32 $0x0;
	vm1 =	vmor vm10, vm12  }
0x165: {  	v2 =	vsel vm1, $0xFFFFFFFF, v2  }
0x166: {  	[tilespmem:$0x1F870] =	vst v2;
	v2 =	vld [tilespmem:$0x1EFF0];
	_ =	sdelay $0x4  }
0x167: {  	vm9 =	vlt.f32 v19, v16;
	vm13 =	vnez.u8 v2  }
0x168: {  	v2 =	vimm.s32 $0x0;
	vm0 =	vmor vm9, vm13  }
0x169: {  	v2 =	vsel vm0, $0xFFFFFFFF, v2  }
0x16a: {  	[tilespmem:$0x1F860] =	vst v2;
	v2 =	vld [tilespmem:$0x1F000];
	_ =	sdelay $0x4  }
0x16b: {  	vm11 =	vlt.f32 v21, v11;
	vm14 =	vnez.u8 v2  }
0x16c: {  	v2 =	vimm.s32 $0x0;
	vm0 =	vmor vm11, vm14  }
0x16d: {  	v2 =	vsel vm0, $0xFFFFFFFF, v2  }
0x16e: {  	[tilespmem:$0x1F880] =	vst v2;
	v2 =	vld [tilespmem:$0x1F010];
	_ =	sdelay $0x4  }
0x16f: {  	vm15 =	vlt.f32 v21, v12;
	vm8 =	vnez.u8 v2  }
0x170: {  	v2 =	vimm.s32 $0x0;
	vm0 =	vmor vm15, vm8  }
0x171: {  	v2 =	vsel vm0, $0xFFFFFFFF, v2  }
0x172: {  	[tilespmem:$0x1F890] =	vst v2;
	v2 =	vld [tilespmem:$0x1F020];
	_ =	sdelay $0x4  }
0x173: {  	vm6 =	vlt.f32 v21, v13;
	vm9 =	vnez.u8 v2  }
0x174: {  	v2 =	vimm.s32 $0x0;
	vm0 =	vmor vm6, vm9  }
0x175: {  	v2 =	vsel vm0, $0xFFFFFFFF, v2  }
0x176: {  	[tilespmem:$0x1F8B0] =	vst v2;
	v2 =	vld [tilespmem:$0x1F030];
	_ =	sdelay $0x4  }
0x177: {  	vm7 =	vlt.f32 v21, v14;
	vm10 =	vnez.u8 v2  }
0x178: {  	v2 =	vimm.s32 $0x0;
	vm0 =	vmor vm7, vm10  }
0x179: {  	v2 =	vsel vm0, $0xFFFFFFFF, v2  }
0x17a: {  	[tilespmem:$0x1F8D0] =	vst v2;
	v2 =	vld [tilespmem:$0x1F040];
	_ =	sdelay $0x4  }
0x17b: {  	vm11 =	vlt.f32 v21, v15;
	vm14 =	vnez.u8 v2  }
0x17c: {  	v2 =	vimm.s32 $0x0;
	vm0 =	vmor vm11, vm14  }
0x17d: {  	v2 =	vsel vm0, $0xFFFFFFFF, v2  }
0x17e: {  	[tilespmem:$0x1F8F0] =	vst v2;
	v2 =	vld [tilespmem:$0x1F050];
	_ =	sdelay $0x4  }
0x17f: {  	vm12 =	vlt.f32 v21, v16;
	vm15 =	vnez.u8 v2  }
0x180: {  	v2 =	vimm.s32 $0x0;
	vm0 =	vmor vm12, vm15  }
0x181: {  	v2 =	vsel vm0, $0xFFFFFFFF, v2  }
0x182: {  	[tilespmem:$0x1F940] =	vst v2;
	v2 =	vld [tilespmem:$0x1F060];
	_ =	sdelay $0x4  }
0x183: {  	vm13 =	vlt.f32 v23, v9;
	vm6 =	vnez.u8 v2  }
0x184: {  	v2 =	vimm.s32 $0x0;
	vm0 =	vmor vm13, vm6  }
0x185: {  	v2 =	vsel vm0, $0xFFFFFFFF, v2  }
0x186: {  	[tilespmem:$0x1F910] =	vst v2;
	v2 =	vld [tilespmem:$0x1F070];
	_ =	sdelay $0x4  }
0x187: {  	vm7 =	vlt.f32 v22, v10;
	vm10 =	vnez.u8 v2  }
0x188: {  	v2 =	vimm.s32 $0x0;
	vm0 =	vmor vm7, vm10  }
0x189: {  	v2 =	vsel vm0, $0xFFFFFFFF, v2  }
0x18a: {  	[tilespmem:$0x1F930] =	vst v2;
	v2 =	vld [tilespmem:$0x1F080];
	_ =	sdelay $0x4  }
0x18b: {  	vm8 =	vlt.f32 v22, v11;
	vm11 =	vnez.u8 v2  }
0x18c: {  	v2 =	vimm.s32 $0x0;
	vm0 =	vmor vm8, vm11  }
0x18d: {  	v2 =	vsel vm0, $0xFFFFFFFF, v2  }
0x18e: {  	[tilespmem:$0x1F960] =	vst v2;
	v2 =	vld [tilespmem:$0x1F090];
	_ =	sdelay $0x4  }
0x18f: {  	vm9 =	vlt.f32 v22, v12;
	vm12 =	vnez.u8 v2  }
0x190: {  	v2 =	vimm.s32 $0x0;
	vm0 =	vmor vm9, vm12  }
0x191: {  	v2 =	vsel vm0, $0xFFFFFFFF, v2  }
0x192: {  	[tilespmem:$0x1F970] =	vst v2;
	v2 =	vld [tilespmem:$0x1F0A0];
	_ =	sdelay $0x4  }
0x193: {  	vm13 =	vlt.f32 v22, v13;
	vm6 =	vnez.u8 v2  }
0x194: {  	v2 =	vimm.s32 $0x0;
	vm0 =	vmor vm13, vm6  }
0x195: {  	v2 =	vsel vm0, $0xFFFFFFFF, v2  }
0x196: {  	[tilespmem:$0x1F990] =	vst v2;
	v2 =	vld [tilespmem:$0x1F0B0];
	_ =	sdelay $0x4  }
0x197: {  	vm14 =	vlt.f32 v22, v14;
	vm7 =	vnez.u8 v2  }
0x198: {  	v2 =	vimm.s32 $0x0;
	vm0 =	vmor vm14, vm7  }
0x199: {  	v2 =	vsel vm0, $0xFFFFFFFF, v2  }
0x19a: {  	[tilespmem:$0x1F9B0] =	vst v2;
	v2 =	vld [tilespmem:$0x1F0C0];
	_ =	sdelay $0x4  }
0x19b: {  	vm15 =	vlt.f32 v24, v9;
	vm8 =	vnez.u8 v2  }
0x19c: {  	v2 =	vimm.s32 $0x0;
	vm0 =	vmor vm15, vm8  }
0x19d: {  	v2 =	vsel vm0, $0xFFFFFFFF, v2  }
0x19e: {  	[tilespmem:$0x1FA10] =	vst v2;
	v2 =	vld [tilespmem:$0x1F0D0];
	_ =	sdelay $0x4  }
0x19f: {  	vm9 =	vlt.f32 v22, v15;
	vm12 =	vnez.u8 v2  }
0x1a0: {  	v2 =	vimm.s32 $0x0;
	vm0 =	vmor vm9, vm12  }
0x1a1: {  	v2 =	vsel vm0, $0xFFFFFFFF, v2  }
0x1a2: {  	[tilespmem:$0x1F9D0] =	vst v2;
	v2 =	vld [tilespmem:$0x1F0E0];
	_ =	sdelay $0x4  }
0x1a3: {  	vm10 =	vlt.f32 v22, v16;
	vm13 =	vnez.u8 v2  }
0x1a4: {  	v2 =	vimm.s32 $0x0;
	vm0 =	vmor vm10, vm13  }
0x1a5: {  	v2 =	vsel vm0, $0xFFFFFFFF, v2  }
0x1a6: {  	[tilespmem:$0x1F9F0] =	vst v2;
	v2 =	vld [tilespmem:$0x1F0F0];
	_ =	sdelay $0x4  }
0x1a7: {  	vm11 =	vlt.f32 v23, v10;
	vm14 =	vnez.u8 v2  }
0x1a8: {  	v2 =	vimm.s32 $0x0;
	vm0 =	vmor vm11, vm14  }
0x1a9: {  	v2 =	vsel vm0, $0xFFFFFFFF, v2  }
0x1aa: {  	[tilespmem:$0x1FA30] =	vst v2;
	v2 =	vld [tilespmem:$0x1F100];
	_ =	sdelay $0x4  }
0x1ab: {  	vm15 =	vlt.f32 v23, v11;
	vm8 =	vnez.u8 v2  }
0x1ac: {  	v2 =	vimm.s32 $0x0;
	vm0 =	vmor vm15, vm8  }
0x1ad: {  	v2 =	vsel vm0, $0xFFFFFFFF, v2  }
0x1ae: {  	[tilespmem:$0x1FA40] =	vst v2;
	v2 =	vld [tilespmem:$0x1F110];
	_ =	sdelay $0x4  }
0x1af: {  	vm6 =	vlt.f32 v23, v12;
	vm9 =	vnez.u8 v2  }
0x1b0: {  	v2 =	vimm.s32 $0x0;
	vm0 =	vmor vm6, vm9  }
0x1b1: {  	v2 =	vsel vm0, $0xFFFFFFFF, v2  }
0x1b2: {  	[tilespmem:$0x1FA50] =	vst v2;
	v2 =	vld [tilespmem:$0x1F120];
	_ =	sdelay $0x4  }
0x1b3: {  	vm7 =	vlt.f32 v23, v13;
	vm10 =	vnez.u8 v2  }
0x1b4: {  	v2 =	vimm.s32 $0x0;
	vm0 =	vmor vm7, vm10  }
0x1b5: {  	v2 =	vsel vm0, $0xFFFFFFFF, v2  }
0x1b6: {  	[tilespmem:$0x1FA70] =	vst v2;
	v2 =	vld [tilespmem:$0x1F130];
	_ =	sdelay $0x4  }
0x1b7: {  	vm11 =	vlt.f32 v23, v14;
	vm14 =	vnez.u8 v2  }
0x1b8: {  	v2 =	vimm.s32 $0x0;
	vm0 =	vmor vm11, vm14  }
0x1b9: {  	v2 =	vsel vm0, $0xFFFFFFFF, v2  }
0x1ba: {  	[tilespmem:$0x1FA90] =	vst v2;
	v2 =	vld [tilespmem:$0x1F140];
	_ =	sdelay $0x4  }
0x1bb: {  	vm12 =	vlt.f32 v23, v15;
	vm15 =	vnez.u8 v2  }
0x1bc: {  	v2 =	vimm.s32 $0x0;
	vm0 =	vmor vm12, vm15  }
0x1bd: {  	v2 =	vsel vm0, $0xFFFFFFFF, v2  }
0x1be: {  	[tilespmem:$0x1FAD0] =	vst v2;
	v2 =	vld [tilespmem:$0x1F150];
	_ =	sdelay $0x4  }
0x1bf: {  	vm13 =	vlt.f32 v25, v9;
	vm6 =	vnez.u8 v2  }
0x1c0: {  	v2 =	vimm.s32 $0x0;
	vm0 =	vmor vm13, vm6  }
0x1c1: {  	v2 =	vsel vm0, $0xFFFFFFFF, v2  }
0x1c2: {  	[tilespmem:$0x1FAB0] =	vst v2;
	v2 =	vld [tilespmem:$0x1F160];
	_ =	sdelay $0x4  }
0x1c3: {  	vm8 =	vlt.f32 v24, v10;
	vm10 =	vnez.u8 v2  }
0x1c4: {  	v2 =	vimm.s32 $0x0;
	vm1 =	vmor vm8, vm10  }
0x1c5: {  	v2 =	vsel vm1, $0xFFFFFFFF, v2  }
0x1c6: {  	[tilespmem:$0x1FB10] =	vst v2;
	v2 =	vld [tilespmem:$0x1F170];
	_ =	sdelay $0x4  }
0x1c7: {  	vm7 =	vlt.f32 v23, v16;
	vm11 =	vnez.u8 v2  }
0x1c8: {  	v2 =	vimm.s32 $0x0;
	vm0 =	vmor vm7, vm11  }
0x1c9: {  	v2 =	vsel vm0, $0xFFFFFFFF, v2  }
0x1ca: {  	[tilespmem:$0x1FAF0] =	vst v2;
	v2 =	vld [tilespmem:$0x1F180];
	_ =	sdelay $0x4  }
0x1cb: {  	vm9 =	vlt.f32 v24, v11;
	vm12 =	vnez.u8 v2  }
0x1cc: {  	v2 =	vimm.s32 $0x0;
	vm0 =	vmor vm9, vm12  }
0x1cd: {  	v2 =	vsel vm0, $0xFFFFFFFF, v2  }
0x1ce: {  	[tilespmem:$0x1FB20] =	vst v2;
	v2 =	vld [tilespmem:$0x1F190];
	_ =	sdelay $0x4  }
0x1cf: {  	vm13 =	vlt.f32 v24, v12;
	vm6 =	vnez.u8 v2  }
0x1d0: {  	v2 =	vimm.s32 $0x0;
	vm0 =	vmor vm13, vm6  }
0x1d1: {  	v2 =	vsel vm0, $0xFFFFFFFF, v2  }
0x1d2: {  	[tilespmem:$0x1FB30] =	vst v2;
	v2 =	vld [tilespmem:$0x1F1A0];
	_ =	sdelay $0x4  }
0x1d3: {  	vm14 =	vlt.f32 v24, v13;
	vm7 =	vnez.u8 v2  }
0x1d4: {  	v2 =	vimm.s32 $0x0;
	vm0 =	vmor vm14, vm7  }
0x1d5: {  	v2 =	vsel vm0, $0xFFFFFFFF, v2  }
0x1d6: {  	[tilespmem:$0x1FB50] =	vst v2;
	v2 =	vld [tilespmem:$0x1F1B0];
	_ =	sdelay $0x4  }
0x1d7: {  	vm15 =	vlt.f32 v24, v14;
	vm8 =	vnez.u8 v2  }
0x1d8: {  	v2 =	vimm.s32 $0x0;
	vm0 =	vmor vm15, vm8  }
0x1d9: {  	v2 =	vsel vm0, $0xFFFFFFFF, v2  }
0x1da: {  	[tilespmem:$0x1FB70] =	vst v2;
	v2 =	vld [tilespmem:$0x1F1C0];
	_ =	sdelay $0x4  }
0x1db: {  	vm9 =	vlt.f32 v24, v15;
	vm12 =	vnez.u8 v2  }
0x1dc: {  	v2 =	vimm.s32 $0x0;
	vm0 =	vmor vm9, vm12  }
0x1dd: {  	v2 =	vsel vm0, $0xFFFFFFFF, v2  }
0x1de: {  	[tilespmem:$0x1FB90] =	vst v2;
	v2 =	vld [tilespmem:$0x1F1D0];
	_ =	sdelay $0x4  }
0x1df: {  	vm10 =	vlt.f32 v24, v16;
	vm13 =	vnez.u8 v2  }
0x1e0: {  	v2 =	vimm.s32 $0x0;
	vm0 =	vmor vm10, vm13  }
0x1e1: {  	v2 =	vsel vm0, $0xFFFFFFFF, v2  }
0x1e2: {  	[tilespmem:$0x1FBE0] =	vst v2;
	v2 =	vld [tilespmem:$0x1F1E0];
	_ =	sdelay $0x4  }
0x1e3: {  	vm11 =	vlt.f32 v27, v9;
	vm14 =	vnez.u8 v2  }
0x1e4: {  	v2 =	vimm.s32 $0x0;
	vm0 =	vmor vm11, vm14  }
0x1e5: {  	v2 =	vsel vm0, $0xFFFFFFFF, v2  }
0x1e6: {  	[tilespmem:$0x1FBB0] =	vst v2;
	v2 =	vld [tilespmem:$0x1F1F0];
	_ =	sdelay $0x4  }
0x1e7: {  	vm15 =	vlt.f32 v25, v10;
	vm8 =	vnez.u8 v2  }
0x1e8: {  	v2 =	vimm.s32 $0x0;
	vm0 =	vmor vm15, vm8  }
0x1e9: {  	v2 =	vsel vm0, $0xFFFFFFFF, v2  }
0x1ea: {  	[tilespmem:$0x1FBD0] =	vst v2;
	v2 =	vld [tilespmem:$0x1F200];
	_ =	sdelay $0x4  }
0x1eb: {  	vm6 =	vlt.f32 v25, v11;
	vm9 =	vnez.u8 v2  }
0x1ec: {  	v2 =	vimm.s32 $0x0;
	vm0 =	vmor vm6, vm9  }
0x1ed: {  	v2 =	vsel vm0, $0xFFFFFFFF, v2  }
0x1ee: {  	[tilespmem:$0x1FC00] =	vst v2;
	v2 =	vld [tilespmem:$0x1F210];
	_ =	sdelay $0x4  }
0x1ef: {  	vm7 =	vlt.f32 v25, v12;
	vm10 =	vnez.u8 v2  }
0x1f0: {  	v2 =	vimm.s32 $0x0;
	vm0 =	vmor vm7, vm10  }
0x1f1: {  	v2 =	vsel vm0, $0xFFFFFFFF, v2  }
0x1f2: {  	[tilespmem:$0x1FC10] =	vst v2;
	v2 =	vld [tilespmem:$0x1F220];
	_ =	sdelay $0x4  }
0x1f3: {  	vm11 =	vlt.f32 v25, v13;
	vm14 =	vnez.u8 v2  }
0x1f4: {  	v2 =	vimm.s32 $0x0;
	vm0 =	vmor vm11, vm14  }
0x1f5: {  	v2 =	vsel vm0, $0xFFFFFFFF, v2  }
0x1f6: {  	[tilespmem:$0x1FC20] =	vst v2;
	v2 =	vld [tilespmem:$0x1F230];
	_ =	sdelay $0x4  }
0x1f7: {  	vm12 =	vlt.f32 v25, v14;
	vm15 =	vnez.u8 v2  }
0x1f8: {  	v2 =	vimm.s32 $0x0;
	vm0 =	vmor vm12, vm15  }
0x1f9: {  	v2 =	vsel vm0, $0xFFFFFFFF, v2  }
0x1fa: {  	[tilespmem:$0x1FC40] =	vst v2;
	v2 =	vld [tilespmem:$0x1F240];
	_ =	sdelay $0x4  }
0x1fb: {  	vm13 =	vlt.f32 v0, v9;
	vm6 =	vnez.u8 v2  }
0x1fc: {  	v2 =	vimm.s32 $0x0;
	vm0 =	vmor vm13, vm6  }
0x1fd: {  	v2 =	vsel vm0, $0xFFFFFFFF, v2  }
0x1fe: {  	[tilespmem:$0x1FCA0] =	vst v2;
	v2 =	vld [tilespmem:$0x1F250];
	_ =	sdelay $0x4  }
0x1ff: {  	vm7 =	vlt.f32 v25, v15;
	vm10 =	vnez.u8 v2  }
0x200: {  	v2 =	vimm.s32 $0x0;
	vm0 =	vmor vm7, vm10  }
0x201: {  	v2 =	vsel vm0, $0xFFFFFFFF, v2  }
0x202: {  	[tilespmem:$0x1FC60] =	vst v2;
	v2 =	vld [tilespmem:$0x1F260];
	_ =	sdelay $0x4  }
0x203: {  	vm8 =	vlt.f32 v25, v16;
	vm11 =	vnez.u8 v2  }
0x204: {  	v2 =	vimm.s32 $0x0;
	vm0 =	vmor vm8, vm11  }
0x205: {  	v2 =	vsel vm0, $0xFFFFFFFF, v2  }
0x206: {  	[tilespmem:$0x1FC80] =	vst v2;
	v2 =	vld [tilespmem:$0x1F270];
	_ =	sdelay $0x4  }
0x207: {  	vm9 =	vlt.f32 v27, v10;
	vm12 =	vnez.u8 v2  }
0x208: {  	v2 =	vimm.s32 $0x0;
	vm0 =	vmor vm9, vm12  }
0x209: {  	v2 =	vsel vm0, $0xFFFFFFFF, v2  }
0x20a: {  	[tilespmem:$0x1FCC0] =	vst v2;
	v2 =	vld [tilespmem:$0x1F280];
	_ =	sdelay $0x4  }
0x20b: {  	vm13 =	vlt.f32 v27, v11;
	vm6 =	vnez.u8 v2  }
0x20c: {  	v2 =	vimm.s32 $0x0;
	vm0 =	vmor vm13, vm6  }
0x20d: {  	v2 =	vsel vm0, $0xFFFFFFFF, v2  }
0x20e: {  	[tilespmem:$0x1FCD0] =	vst v2;
	v2 =	vld [tilespmem:$0x1F290];
	_ =	sdelay $0x4  }
0x20f: {  	vm14 =	vlt.f32 v27, v12;
	vm7 =	vnez.u8 v2  }
0x210: {  	v2 =	vimm.s32 $0x0;
	vm0 =	vmor vm14, vm7  }
0x211: {  	v2 =	vsel vm0, $0xFFFFFFFF, v2  }
0x212: {  	[tilespmem:$0x1FCE0] =	vst v2;
	v2 =	vld [tilespmem:$0x1F2A0];
	_ =	sdelay $0x4  }
0x213: {  	vm15 =	vlt.f32 v27, v13;
	vm8 =	vnez.u8 v2  }
0x214: {  	v2 =	vimm.s32 $0x0;
	vm0 =	vmor vm15, vm8  }
0x215: {  	v2 =	vsel vm0, $0xFFFFFFFF, v2  }
0x216: {  	[tilespmem:$0x1FCF0] =	vst v2;
	v2 =	vld [tilespmem:$0x1F2B0];
	_ =	sdelay $0x4  }
0x217: {  	vm9 =	vlt.f32 v27, v14;
	vm12 =	vnez.u8 v2  }
0x218: {  	v2 =	vimm.s32 $0x0;
	vm0 =	vmor vm9, vm12  }
0x219: {  	v2 =	vsel vm0, $0xFFFFFFFF, v2  }
0x21a: {  	[tilespmem:$0x1FD00] =	vst v2;
	v2 =	vld [tilespmem:$0x1F2C0];
	_ =	sdelay $0x4  }
0x21b: {  	vm10 =	vlt.f32 v27, v15;
	vm13 =	vnez.u8 v2  }
0x21c: {  	v2 =	vimm.s32 $0x0;
	vm0 =	vmor vm10, vm13  }
0x21d: {  	v2 =	vsel vm0, $0xFFFFFFFF, v2  }
0x21e: {  	[tilespmem:$0x1FD30] =	vst v2;
	v2 =	vld [tilespmem:$0x1F2D0];
	_ =	sdelay $0x4  }
0x21f: {  	vm11 =	vlt.f32 v28, v9;
	vm14 =	vnez.u8 v2  }
0x220: {  	v2 =	vimm.s32 $0x0;
	vm0 =	vmor vm11, vm14  }
0x221: {  	v2 =	vsel vm0, $0xFFFFFFFF, v2  }
0x222: {  	[tilespmem:$0x1FD10] =	vst v2;
	v2 =	vld [tilespmem:$0x1F2E0];
	_ =	sdelay $0x4  }
0x223: {  	vm6 =	vlt.f32 v0, v10;
	vm8 =	vnez.u8 v2  }
0x224: {  	v2 =	vimm.s32 $0x0;
	vm1 =	vmor vm6, vm8  }
0x225: {  	v2 =	vsel vm1, $0xFFFFFFFF, v2  }
0x226: {  	[tilespmem:$0x1FD70] =	vst v2;
	v2 =	vld [tilespmem:$0x1F2F0];
	_ =	sdelay $0x4  }
0x227: {  	vm15 =	vlt.f32 v27, v16;
	vm9 =	vnez.u8 v2  }
0x228: {  	v2 =	vimm.s32 $0x0;
	vm0 =	vmor vm15, vm9  }
0x229: {  	v2 =	vsel vm0, $0xFFFFFFFF, v2  }
0x22a: {  	[tilespmem:$0x1FD50] =	vst v2;
	v2 =	vld [tilespmem:$0x1F300];
	_ =	sdelay $0x4  }
0x22b: {  	vm7 =	vlt.f32 v0, v11;
	vm10 =	vnez.u8 v2  }
0x22c: {  	v2 =	vimm.s32 $0x0;
	vm0 =	vmor vm7, vm10  }
0x22d: {  	v2 =	vsel vm0, $0xFFFFFFFF, v2  }
0x22e: {  	[tilespmem:$0x1FD80] =	vst v2;
	v2 =	vld [tilespmem:$0x1F310];
	_ =	sdelay $0x4  }
0x22f: {  	vm11 =	vlt.f32 v0, v12;
	vm14 =	vnez.u8 v2  }
0x230: {  	v2 =	vimm.s32 $0x0;
	vm0 =	vmor vm11, vm14  }
0x231: {  	v2 =	vsel vm0, $0xFFFFFFFF, v2  }
0x232: {  	[tilespmem:$0x1FD90] =	vst v2;
	v2 =	vld [tilespmem:$0x1F320];
	_ =	sdelay $0x4  }
0x233: {  	vm12 =	vlt.f32 v0, v13;
	vm15 =	vnez.u8 v2  }
0x234: {  	v2 =	vimm.s32 $0x0;
	vm0 =	vmor vm12, vm15  }
0x235: {  	v2 =	vsel vm0, $0xFFFFFFFF, v2  }
0x236: {  	[tilespmem:$0x1FDA0] =	vst v2;
	v2 =	vld [tilespmem:$0x1F330]  }
0x237: {  	vm13 =	vlt.f32 v0, v14;
	vm8 =	vlt.f32 v0, v16;
	vm7 =	vlt.f32 v0, v15;
	v0 =	vld [tilespmem:$0x1F340];
	_ =	sdelay $0x3  }
0x238: {  	vm6 =	vnez.u8 v2  }
0x239: {  	vm10 =	vnez.u8 v0;
	v2 =	vimm.s32 $0x0;
	vm0 =	vmor vm13, vm6  }
0x23a: {  	v0 =	vimm.s32 $0x0;
	v2 =	vsel vm0, $0xFFFFFFFF, v2;
	vm0 =	vmor vm7, vm10  }
0x23b: {  	v0 =	vsel vm0, $0xFFFFFFFF, v0  }
0x23c: {  	[tilespmem:$0x1FF20] =	vst v0;
	v0 =	vld [tilespmem:$0x1F350];
	_ =	sdelay $0x4  }
0x23d: {  	vm11 =	vnez.u8 v0  }
0x23e: {  	v0 =	vimm.s32 $0x0;
	vm0 =	vmor vm8, vm11  }
0x23f: {  	v0 =	vsel vm0, $0xFFFFFFFF, v0  }
0x240: {  	[tilespmem:$0x1FF40] =	vst v0;
	v0 =	vld [tilespmem:$0x1F360];
	_ =	sdelay $0x4  }
0x241: {  	vm9 =	vlt.f32 v29, v9;
	vm12 =	vnez.u8 v0  }
0x242: {  	v0 =	vimm.s32 $0x0;
	vm0 =	vmor vm9, vm12  }
0x243: {  	v0 =	vsel vm0, $0xFFFFFFFF, v0  }
0x244: {  	[tilespmem:$0x1FF30] =	vst v0;
	v0 =	vld [tilespmem:$0x1F370];
	_ =	sdelay $0x4  }
0x245: {  	vm13 =	vlt.f32 v28, v10;
	vm6 =	vnez.u8 v0  }
0x246: {  	v0 =	vimm.s32 $0x0;
	vm0 =	vmor vm13, vm6  }
0x247: {  	v0 =	vsel vm0, $0xFFFFFFFF, v0  }
0x248: {  	[tilespmem:$0x1FDC0] =	vst v0;
	v0 =	vld [tilespmem:$0x1F380];
	_ =	sdelay $0x4  }
0x249: {  	vm14 =	vlt.f32 v28, v11;
	vm7 =	vnez.u8 v0  }
0x24a: {  	v0 =	vimm.s32 $0x0;
	vm0 =	vmor vm14, vm7  }
0x24b: {  	v0 =	vsel vm0, $0xFFFFFFFF, v0  }
0x24c: {  	[tilespmem:$0x1FDD0] =	vst v0;
	v0 =	vld [tilespmem:$0x1F390];
	_ =	sdelay $0x4  }
0x24d: {  	vm15 =	vlt.f32 v28, v12;
	vm8 =	vnez.u8 v0  }
0x24e: {  	v0 =	vimm.s32 $0x0;
	vm0 =	vmor vm15, vm8  }
0x24f: {  	v0 =	vsel vm0, $0xFFFFFFFF, v0  }
0x250: {  	[tilespmem:$0x1FDE0] =	vst v0;
	v0 =	vld [tilespmem:$0x1F3A0];
	_ =	sdelay $0x4  }
0x251: {  	vm9 =	vlt.f32 v28, v13;
	vm12 =	vnez.u8 v0  }
0x252: {  	v0 =	vimm.s32 $0x0;
	vm0 =	vmor vm9, vm12  }
0x253: {  	v0 =	vsel vm0, $0xFFFFFFFF, v0  }
0x254: {  	[tilespmem:$0x1FDF0] =	vst v0;
	v0 =	vld [tilespmem:$0x1F3B0];
	_ =	sdelay $0x4  }
0x255: {  	vm10 =	vlt.f32 v28, v14;
	vm13 =	vnez.u8 v0  }
0x256: {  	v0 =	vimm.s32 $0x0;
	vm0 =	vmor vm10, vm13  }
0x257: {  	v0 =	vsel vm0, $0xFFFFFFFF, v0  }
0x258: {  	[tilespmem:$0x1FE10] =	vst v0;
	v0 =	vld [tilespmem:$0x1F3C0];
	_ =	sdelay $0x4  }
0x259: {  	vm11 =	vlt.f32 v30, v9;
	vm14 =	vnez.u8 v0  }
0x25a: {  	v0 =	vimm.s32 $0x0;
	vm0 =	vmor vm11, vm14  }
0x25b: {  	v0 =	vsel vm0, $0xFFFFFFFF, v0  }
0x25c: {  	[tilespmem:$0x1FF70] =	vst v0;
	v0 =	vld [tilespmem:$0x1F3D0];
	_ =	sdelay $0x4  }
0x25d: {  	vm15 =	vlt.f32 v28, v15;
	vm8 =	vnez.u8 v0  }
0x25e: {  	v0 =	vimm.s32 $0x0;
	vm0 =	vmor vm15, vm8  }
0x25f: {  	v0 =	vsel vm0, $0xFFFFFFFF, v0  }
0x260: {  	[tilespmem:$0x1FF50] =	vst v0;
	v0 =	vld [tilespmem:$0x1F3E0];
	_ =	sdelay $0x4  }
0x261: {  	vm6 =	vlt.f32 v28, v16;
	vm9 =	vnez.u8 v0  }
0x262: {  	v0 =	vimm.s32 $0x0;
	vm0 =	vmor vm6, vm9  }
0x263: {  	v0 =	vsel vm0, $0xFFFFFFFF, v0  }
0x264: {  	[tilespmem:$0x1FF60] =	vst v0;
	v0 =	vld [tilespmem:$0x1F3F0];
	_ =	sdelay $0x4  }
0x265: {  	vm10 =	vnez.u8 v0;
	v0 =	vld [tilespmem:$0x1F400];
	_ =	sdelay $0x4  }
0x266: {  	vm11 =	vlt.f32 v29, v11;
	vm15 =	vnez.u8 v0  }
0x267: {  	v0 =	vimm.s32 $0x0;
	vm0 =	vmor vm11, vm15  }
0x268: {  	v0 =	vsel vm0, $0xFFFFFFFF, v0  }
0x269: {  	[tilespmem:$0x1FE00] =	vst v0;
	v0 =	vld [tilespmem:$0x1F410];
	_ =	sdelay $0x4  }
0x26a: {  	vm13 =	vlt.f32 v29, v12;
	vm6 =	vnez.u8 v0  }
0x26b: {  	v0 =	vimm.s32 $0x0;
	vm0 =	vmor vm13, vm6  }
0x26c: {  	v0 =	vsel vm0, $0xFFFFFFFF, v0  }
0x26d: {  	[tilespmem:$0x1FE20] =	vst v0;
	v0 =	vld [tilespmem:$0x1F420];
	_ =	sdelay $0x3  }
0x26e: {  	vm7 =	vlt.f32 v29, v10  }
0x26f: {  	vm14 =	vlt.f32 v29, v13;
	vm12 =	vmor vm7, vm10;
	vm7 =	vnez.u8 v0  }
0x270: {  	v0 =	vimm.s32 $0x0;
	vm0 =	vmor vm14, vm7  }
0x271: {  	v0 =	vsel vm0, $0xFFFFFFFF, v0  }
0x272: {  	[tilespmem:$0x1FE30] =	vst v0;
	v0 =	vld [tilespmem:$0x1F430];
	_ =	sdelay $0x4  }
0x273: {  	vm8 =	vlt.f32 v29, v14;
	vm11 =	vnez.u8 v0  }
0x274: {  	v0 =	vimm.s32 $0x0;
	vm0 =	vmor vm8, vm11  }
0x275: {  	v0 =	vsel vm0, $0xFFFFFFFF, v0  }
0x276: {  	[tilespmem:$0x1FE40] =	vst v0;
	v0 =	vld [tilespmem:$0x1F440];
	_ =	sdelay $0x4  }
0x277: {  	vm9 =	vlt.f32 v29, v15;
	vm13 =	vnez.u8 v0  }
0x278: {  	v0 =	vimm.s32 $0x0;
	vm0 =	vmor vm9, vm13  }
0x279: {  	v0 =	vsel vm0, $0xFFFFFFFF, v0  }
0x27a: {  	[tilespmem:$0x1FF90] =	vst v0;
	v0 =	vld [tilespmem:$0x1F450];
	_ =	sdelay $0x4  }
0x27b: {  	vm10 =	vlt.f32 v31, v9;
	vm14 =	vnez.u8 v0  }
0x27c: {  	v0 =	vimm.s32 $0x0;
	vm0 =	vmor vm10, vm14  }
0x27d: {  	v0 =	vsel vm0, $0xFFFFFFFF, v0  }
0x27e: {  	[tilespmem:$0x1FF80] =	vst v0;
	v0 =	vld [tilespmem:$0x1F460];
	_ =	sdelay $0x4  }
0x27f: {  	vm13 =	vnez.u8 v0;
	v0 =	vld [tilespmem:$0x1F470];
	_ =	sdelay $0x4  }
0x280: {  	vm15 =	vlt.f32 v29, v16;
	vm14 =	vnez.u8 v0  }
0x281: {  	v0 =	vimm.s32 $0x0;
	vm0 =	vmor vm15, vm14  }
0x282: {  	v0 =	vsel vm0, $0xFFFFFFFF, v0  }
0x283: {  	[tilespmem:$0x1FFA0] =	vst v0;
	v0 =	vld [tilespmem:$0x1F480];
	_ =	sdelay $0x2  }
0x284: {  	vm6 =	vlt.f32 v30, v10  }
0x285: {  	vm7 =	vlt.f32 v30, v11;
	vm9 =	vmor vm6, vm13;
	vm6 =	vlt.f32 v30, v12  }
0x286: {  	vm0 =	vmor vm6, vm4;
	vm15 =	vnez.u8 v0;
	v0 =	vimm.s32 $0x0  }
0x287: {  	vm10 =	vmor vm7, vm15;
	vm7 =	vlt.f32 v30, v13;
	v0 =	vsel vm0, $0xFFFFFFFF, v0  }
0x288: {  	[tilespmem:$0x1FE50] =	vst v0;
	vm11 =	vmor vm7, vm5;
	v0 =	vimm.s32 $0x0  }
0x289: {  	v0 =	vsel vm11, $0xFFFFFFFF, v0  }
0x28a: {  	[tilespmem:$0x1FE60] =	vst v0;
	v0 =	vld [tilespmem:$0x1F490];
	_ =	sdelay $0x4  }
0x28b: {  	vm8 =	vlt.f32 v30, v14;
	vm13 =	vnez.u8 v0  }
0x28c: {  	v0 =	vimm.s32 $0x0;
	vm0 =	vmor vm8, vm13  }
0x28d: {  	v0 =	vsel vm0, $0xFFFFFFFF, v0  }
0x28e: {  	[tilespmem:$0x1FE70] =	vst v0;
	v0 =	vld [tilespmem:$0x1F4A0];
	_ =	sdelay $0x4  }
0x28f: {  	vm14 =	vlt.f32 v30, v15;
	vm7 =	vnez.u8 v0  }
0x290: {  	v0 =	vimm.s32 $0x0;
	vm0 =	vmor vm14, vm7  }
0x291: {  	v0 =	vsel vm0, $0xFFFFFFFF, v0  }
0x292: {  	[tilespmem:$0x1FFB0] =	vst v0;
	v0 =	vld [tilespmem:$0x1F4B0];
	_ =	sdelay $0x4  }
0x293: {  	vm15 =	vlt.f32 v30, v16;
	vm8 =	vnez.u8 v0  }
0x294: {  	v0 =	vimm.s32 $0x0;
	vm0 =	vmor vm15, vm8  }
0x295: {  	[tilespmem:$0x1F4C0] =	vst v5;
	v0 =	vsel vm0, $0xFFFFFFFF, v0  }
0x296: {  	[tilespmem:$0x1FFC0] =	vst v0;
	v0 =	vld [tilespmem:$0x1F4C0];
	_ =	sdelay $0x4  }
0x297: {  	vm6 =	vlt.f32 v26, v9;
	vm11 =	vnez.u8 v0  }
0x298: {  	v0 =	vimm.s32 $0x0;
	vm0 =	vmor vm6, vm11  }
0x299: {  	v0 =	vsel vm0, $0xFFFFFFFF, v0  }
0x29a: {  	[tilespmem:$0x1FFD0] =	vst v0;
	v0 =	vld [tilespmem:$0x1F4D0];
	_ =	sdelay $0x4  }
0x29b: {  	vm5 =	vnez.u8 v0;
	v0 =	vld [tilespmem:$0x1F4E0];
	_ =	sdelay $0x4  }
0x29c: {  	vm7 =	vnez.u8 v0;
	v0 =	vld [tilespmem:$0x1F4F0];
	_ =	sdelay $0x4  }
0x29d: {  	vm8 =	vnez.u8 v0;
	v0 =	vld [tilespmem:$0x1F500];
	_ =	sdelay $0x3  }
0x29e: {  	vm13 =	vlt.f32 v31, v10;
	vm15 =	vlt.f32 v31, v12  }
0x29f: {  	vm4 =	vmor vm13, vm5;
	vm13 =	vmor vm15, vm8;
	vm15 =	vnez.u8 v0;
	v0 =	vld [tilespmem:$0x1F510];
	_ =	sdelay $0x3  }
0x2a0: {  	vm14 =	vlt.f32 v31, v11  }
0x2a1: {  	vm5 =	vmor vm14, vm7;
	vm7 =	vnez.u8 v0;
	v0 =	vld [tilespmem:$0x1F520];
	_ =	sdelay $0x4  }
0x2a2: {  	vm8 =	vnez.u8 v0;
	v0 =	vld [tilespmem:$0x1F530];
	_ =	sdelay $0x3  }
0x2a3: {  	vm11 =	vlt.f32 v31, v13  }
0x2a4: {  	vm0 =	vlt.f32 v31, v15;
	vm11 =	vmor vm11, vm15;
	vm15 =	vnez.u8 v0  }
0x2a5: {  	v0 =	vimm.s32 $0x0;
	vm0 =	vmor vm0, vm15  }
0x2a6: {  	v0 =	vsel vm0, $0xFFFFFFFF, v0  }
0x2a7: {  	[tilespmem:$0x1FFE0] =	vst v0;
	v0 =	vld [tilespmem:$0x1F540];
	_ =	sdelay $0x3  }
0x2a8: {  	vm6 =	vlt.f32 v26, v10  }
0x2a9: {  	vm3 =	vmor vm6, vm8;
	vm6 =	vlt.f32 v31, v16;
	vm8 =	vnez.u8 v0  }
0x2aa: {  	v0 =	vimm.s32 $0x0;
	vm0 =	vmor vm6, vm8  }
0x2ab: {  	v0 =	vsel vm0, $0xFFFFFFFF, v0  }
0x2ac: {  	[tilespmem:$0x1FFF0] =	vst v0;
	v0 =	vld [tilespmem:$0x1F550];
	_ =	sdelay $0x4  }
0x2ad: {  	vm15 =	vnez.u8 v0;
	v0 =	vld [tilespmem:$0x1F560];
	_ =	sdelay $0x4  }
0x2ae: {  	vm6 =	vnez.u8 v0;
	v0 =	vld [tilespmem:$0x1F570];
	_ =	sdelay $0x1  }
0x2af: {  	vm14 =	vlt.f32 v31, v14  }
0x2b0: {  	vm14 =	vmor vm14, vm7;
	vm7 =	vlt.f32 v26, v11  }
0x2b1: {  	vm2 =	vmor vm7, vm15;
	vm15 =	vlt.f32 v26, v12  }
0x2b2: {  	vm6 =	vmor vm15, vm6;
	vm15 =	vnez.u8 v0;
	v0 =	vld [tilespmem:$0x1F580];
	_ =	sdelay $0x3  }
0x2b3: {  	vm8 =	vlt.f32 v26, v13  }
0x2b4: {  	vm8 =	vmor vm8, vm15;
	vm15 =	vnez.u8 v0;
	v0 =	vld [tilespmem:$0x1F590];
	_ =	sdelay $0x3  }
0x2b5: {  	vm7 =	vlt.f32 v26, v14  }
0x2b6: {  	vm7 =	vmor vm7, vm15;
	vm15 =	vnez.u8 v0;
	v0 =	vld [tilespmem:$0x1F5A0];
	_ =	sdelay $0x3  }
0x2b7: {  	vm0 =	vlt.f32 v26, v15  }
0x2b8: {  	vm15 =	vmor vm0, vm15;
	vm0 =	vnez.u8 v0;
	v0 =	vld [tilespmem:$0x1F5B0];
	_ =	sdelay $0x2  }
0x2b9: {  	vm1 =	vlt.f32 v17, v9  }
0x2ba: {  	v20 =	vsel vm1, $0x1, v1;
	vm1 =	vlt.f32 v26, v16  }
0x2bb: {  	vm1 =	vmor vm1, vm0;
	vm0 =	vnez.u8 v0;
	v0 =	vld [tilespmem:$0x1F5C0];
	_ =	sdelay $0x4  }
0x2bc: {  	v24 =	vsel vm0, $0x1, v1;
	vm0 =	vnez.u8 v0;
	v0 =	vld [tilespmem:$0x1F5D0];
	_ =	sdelay $0x4  }
0x2bd: {  	v23 =	vsel vm0, $0x1, v1;
	vm0 =	vnez.u8 v0  }
0x2be: {  	v0 =	vsel vm0, $0x1, v1  }
0x2bf: {  	[tilespmem:$0x1FF10] =	vst v0;
	v0 =	vld [tilespmem:$0x1F5E0];
	_ =	sdelay $0x4  }
0x2c0: {  	vm0 =	vnez.u8 v0;
	v0 =	vld [tilespmem:$0x1F5F0];
	_ =	sdelay $0x4  }
0x2c1: {  	v61 =	vsel vm0, $0x1, v1;
	vm0 =	vnez.u8 v0;
	v0 =	vld [tilespmem:$0x1F600];
	_ =	sdelay $0x4  }
0x2c2: {  	v60 =	vsel vm0, $0x1, v1;
	vm0 =	vnez.u8 v0;
	v0 =	vld [tilespmem:$0x1F610];
	_ =	sdelay $0x4  }
0x2c3: {  	v31 =	vsel vm0, $0x1, v1;
	vm0 =	vnez.u8 v0;
	v0 =	vld [tilespmem:$0x1F620];
	_ =	sdelay $0x4  }
0x2c4: {  	v26 =	vsel vm0, $0x1, v1;
	vm0 =	vnez.u8 v0;
	v0 =	vld [tilespmem:$0x1F630];
	_ =	sdelay $0x4  }
0x2c5: {  	v22 =	vsel vm0, $0x1, v1;
	vm0 =	vnez.u8 v0;
	v0 =	vld [tilespmem:$0x1F640];
	_ =	sdelay $0x4  }
0x2c6: {  	v21 =	vsel vm0, $0x1, v1;
	vm0 =	vnez.u8 v0;
	v0 =	vld [tilespmem:$0x1F650];
	_ =	sdelay $0x4  }
0x2c7: {  	v59 =	vsel vm0, $0x1, v1;
	vm0 =	vnez.u8 v0  }
0x2c8: {  	v0 =	vsel vm0, $0x1, v1  }
0x2c9: {  	[tilespmem:$0x1FF00] =	vst v0;
	v0 =	vld [tilespmem:$0x1F660];
	_ =	sdelay $0x4  }
0x2ca: {  	vm0 =	vnez.u8 v0  }
0x2cb: {  	v0 =	vsel vm0, $0x1, v1  }
0x2cc: {  	[tilespmem:$0x1F670] =	vst v0;
	v0 =	vld [tilespmem:$0x1F680];
	_ =	sdelay $0x4  }
0x2cd: {  	vm0 =	vnez.u8 v0  }
0x2ce: {  	v0 =	vsel vm0, $0x1, v1  }
0x2cf: {  	[tilespmem:$0x1F690] =	vst v0;
	v0 =	vld [tilespmem:$0x1F6A0];
	_ =	sdelay $0x4  }
0x2d0: {  	vm0 =	vnez.u8 v0  }
0x2d1: {  	v0 =	vsel vm0, $0x1, v1  }
0x2d2: {  	[tilespmem:$0x1F6B0] =	vst v0;
	v0 =	vld [tilespmem:$0x1F6C0];
	_ =	sdelay $0x4  }
0x2d3: {  	vm0 =	vnez.u8 v0;
	v0 =	vld [tilespmem:$0x1F6D0];
	_ =	sdelay $0x4  }
0x2d4: {  	v25 =	vsel vm0, $0x1, v1;
	vm0 =	vnez.u8 v0;
	v0 =	vld [tilespmem:$0x1F6E0];
	_ =	sdelay $0x4  }
0x2d5: {  	v30 =	vsel vm0, $0x1, v1;
	vm0 =	vnez.u8 v0  }
0x2d6: {  	v0 =	vsel vm0, $0x1, v1  }
0x2d7: {  	[tilespmem:$0x1FEE0] =	vst v0;
	v0 =	vld [tilespmem:$0x1F6F0];
	_ =	sdelay $0x4  }
0x2d8: {  	vm0 =	vnez.u8 v0;
	v0 =	vld [tilespmem:$0x1F700];
	_ =	sdelay $0x4  }
0x2d9: {  	v27 =	vsel vm0, $0x1, v1;
	vm0 =	vnez.u8 v0  }
0x2da: {  	v0 =	vsel vm0, $0x1, v1  }
0x2db: {  	[tilespmem:$0x1FEF0] =	vst v0;
	v0 =	vld [tilespmem:$0x1F710];
	_ =	sdelay $0x4  }
0x2dc: {  	vm0 =	vnez.u8 v0  }
0x2dd: {  	v0 =	vsel vm0, $0x1, v1  }
0x2de: {  	[tilespmem:$0x1F720] =	vst v0;
	v0 =	vld [tilespmem:$0x1F730];
	_ =	sdelay $0x4  }
0x2df: {  	vm0 =	vnez.u8 v0  }
0x2e0: {  	v0 =	vsel vm0, $0x1, v1  }
0x2e1: {  	[tilespmem:$0x1F740] =	vst v0;
	v0 =	vld [tilespmem:$0x1F750];
	_ =	sdelay $0x4  }
0x2e2: {  	vm0 =	vnez.u8 v0  }
0x2e3: {  	v0 =	vsel vm0, $0x1, v1  }
0x2e4: {  	[tilespmem:$0x1F760] =	vst v0;
	v0 =	vld [tilespmem:$0x1F770];
	_ =	sdelay $0x4  }
0x2e5: {  	vm0 =	vnez.u8 v0;
	v0 =	vld [tilespmem:$0x1F780];
	_ =	sdelay $0x4  }
0x2e6: {  	v29 =	vsel vm0, $0x1, v1;
	vm0 =	vnez.u8 v0;
	v0 =	vld [tilespmem:$0x1F790];
	_ =	sdelay $0x4  }
0x2e7: {  	v28 =	vsel vm0, $0x1, v1;
	vm0 =	vnez.u8 v0  }
0x2e8: {  	v0 =	vsel vm0, $0x1, v1  }
0x2e9: {  	[tilespmem:$0x1F7A0] =	vst v0;
	v0 =	vld [tilespmem:$0x1F7B0];
	_ =	sdelay $0x4  }
0x2ea: {  	vm0 =	vnez.u8 v0  }
0x2eb: {  	v0 =	vsel vm0, $0x1, v1  }
0x2ec: {  	[tilespmem:$0x1FEC0] =	vst v0;
	v0 =	vld [tilespmem:$0x1F7C0];
	_ =	sdelay $0x4  }
0x2ed: {  	vm0 =	vnez.u8 v0  }
0x2ee: {  	v0 =	vsel vm0, $0x1, v1  }
0x2ef: {  	[tilespmem:$0x1FED0] =	vst v0;
	v0 =	vld [tilespmem:$0x1F7D0];
	_ =	sdelay $0x4  }
0x2f0: {  	vm0 =	vnez.u8 v0  }
0x2f1: {  	v0 =	vsel vm0, $0x1, v1  }
0x2f2: {  	[tilespmem:$0x1F7E0] =	vst v0;
	v0 =	vld [tilespmem:$0x1F7F0];
	_ =	sdelay $0x4  }
0x2f3: {  	vm0 =	vnez.u8 v0  }
0x2f4: {  	v0 =	vsel vm0, $0x1, v1  }
0x2f5: {  	[tilespmem:$0x1F800] =	vst v0;
	v0 =	vld [tilespmem:$0x1F810];
	_ =	sdelay $0x4  }
0x2f6: {  	vm0 =	vnez.u8 v0  }
0x2f7: {  	v0 =	vsel vm0, $0x1, v1  }
0x2f8: {  	[tilespmem:$0x1F820] =	vst v0;
	v0 =	vld [tilespmem:$0x1F830];
	_ =	sdelay $0x4  }
0x2f9: {  	vm0 =	vnez.u8 v0  }
0x2fa: {  	v0 =	vsel vm0, $0x1, v1  }
0x2fb: {  	[tilespmem:$0x1F840] =	vst v0;
	v0 =	vld [tilespmem:$0x1F850];
	_ =	sdelay $0x4  }
0x2fc: {  	vm0 =	vnez.u8 v0;
	v0 =	vld [tilespmem:$0x1F860];
	_ =	sdelay $0x4  }
0x2fd: {  	v63 =	vsel vm0, $0x1, v1;
	vm0 =	vnez.u8 v0;
	v0 =	vld [tilespmem:$0x1F870];
	_ =	sdelay $0x4  }
0x2fe: {  	v62 =	vsel vm0, $0x1, v1;
	vm0 =	vnez.u8 v0  }
0x2ff: {  	v0 =	vsel vm0, $0x1, v1  }
0x300: {  	[tilespmem:$0x1FEA0] =	vst v0;
	v0 =	vld [tilespmem:$0x1F880];
	_ =	sdelay $0x4  }
0x301: {  	vm0 =	vnez.u8 v0  }
0x302: {  	v0 =	vsel vm0, $0x1, v1  }
0x303: {  	[tilespmem:$0x1FEB0] =	vst v0;
	v0 =	vld [tilespmem:$0x1F890];
	_ =	sdelay $0x4  }
0x304: {  	vm0 =	vnez.u8 v0  }
0x305: {  	v0 =	vsel vm0, $0x1, v1  }
0x306: {  	[tilespmem:$0x1F8A0] =	vst v0;
	v0 =	vld [tilespmem:$0x1F8B0];
	_ =	sdelay $0x4  }
0x307: {  	vm0 =	vnez.u8 v0  }
0x308: {  	v0 =	vsel vm0, $0x1, v1  }
0x309: {  	[tilespmem:$0x1F8C0] =	vst v0;
	v0 =	vld [tilespmem:$0x1F8D0];
	_ =	sdelay $0x4  }
0x30a: {  	vm0 =	vnez.u8 v0  }
0x30b: {  	v0 =	vsel vm0, $0x1, v1  }
0x30c: {  	[tilespmem:$0x1F8E0] =	vst v0;
	v0 =	vld [tilespmem:$0x1F8F0];
	_ =	sdelay $0x4  }
0x30d: {  	vm0 =	vnez.u8 v0  }
0x30e: {  	v0 =	vsel vm0, $0x1, v1  }
0x30f: {  	[tilespmem:$0x1F900] =	vst v0;
	v0 =	vld [tilespmem:$0x1F910];
	_ =	sdelay $0x4  }
0x310: {  	vm0 =	vnez.u8 v0  }
0x311: {  	v0 =	vsel vm0, $0x1, v1  }
0x312: {  	[tilespmem:$0x1F920] =	vst v0;
	v0 =	vld [tilespmem:$0x1F930];
	_ =	sdelay $0x4  }
0x313: {  	vm0 =	vnez.u8 v0  }
0x314: {  	v0 =	vsel vm0, $0x1, v1  }
0x315: {  	[tilespmem:$0x1FE80] =	vst v0;
	v0 =	vld [tilespmem:$0x1F940];
	_ =	sdelay $0x4  }
0x316: {  	vm0 =	vnez.u8 v0  }
0x317: {  	v0 =	vsel vm0, $0x1, v1  }
0x318: {  	[tilespmem:$0x1F950] =	vst v0;
	v0 =	vld [tilespmem:$0x1F960];
	_ =	sdelay $0x4  }
0x319: {  	vm0 =	vnez.u8 v0  }
0x31a: {  	v0 =	vsel vm0, $0x1, v1  }
0x31b: {  	[tilespmem:$0x1FE90] =	vst v0;
	v0 =	vld [tilespmem:$0x1F970];
	_ =	sdelay $0x4  }
0x31c: {  	vm0 =	vnez.u8 v0  }
0x31d: {  	v0 =	vsel vm0, $0x1, v1  }
0x31e: {  	[tilespmem:$0x1F980] =	vst v0;
	v0 =	vld [tilespmem:$0x1F990];
	_ =	sdelay $0x4  }
0x31f: {  	vm0 =	vnez.u8 v0  }
0x320: {  	v0 =	vsel vm0, $0x1, v1  }
0x321: {  	[tilespmem:$0x1F9A0] =	vst v0;
	v0 =	vld [tilespmem:$0x1F9B0];
	_ =	sdelay $0x4  }
0x322: {  	vm0 =	vnez.u8 v0  }
0x323: {  	v0 =	vsel vm0, $0x1, v1  }
0x324: {  	[tilespmem:$0x1F9C0] =	vst v0;
	v0 =	vld [tilespmem:$0x1F9D0];
	_ =	sdelay $0x4  }
0x325: {  	vm0 =	vnez.u8 v0  }
0x326: {  	v0 =	vsel vm0, $0x1, v1  }
0x327: {  	[tilespmem:$0x1F9E0] =	vst v0;
	v0 =	vld [tilespmem:$0x1F9F0];
	_ =	sdelay $0x4  }
0x328: {  	vm0 =	vnez.u8 v0  }
0x329: {  	v0 =	vsel vm0, $0x1, v1  }
0x32a: {  	[tilespmem:$0x1FA00] =	vst v0;
	v0 =	vld [tilespmem:$0x1FA10];
	_ =	sdelay $0x4  }
0x32b: {  	vm0 =	vnez.u8 v0  }
0x32c: {  	v0 =	vsel vm0, $0x1, v1  }
0x32d: {  	[tilespmem:$0x1FA20] =	vst v0;
	v0 =	vld [tilespmem:$0x1FA30];
	_ =	sdelay $0x4  }
0x32e: {  	vm0 =	vnez.u8 v0;
	v0 =	vld [tilespmem:$0x1FA40];
	_ =	sdelay $0x4  }
0x32f: {  	v44 =	vsel vm0, $0x1, v1;
	vm0 =	vnez.u8 v0;
	v0 =	vld [tilespmem:$0x1FA50];
	_ =	sdelay $0x4  }
0x330: {  	v45 =	vsel vm0, $0x1, v1;
	vm0 =	vnez.u8 v0  }
0x331: {  	v0 =	vsel vm0, $0x1, v1  }
0x332: {  	[tilespmem:$0x1FA60] =	vst v0;
	v0 =	vld [tilespmem:$0x1FA70];
	_ =	sdelay $0x4  }
0x333: {  	vm0 =	vnez.u8 v0  }
0x334: {  	v0 =	vsel vm0, $0x1, v1  }
0x335: {  	[tilespmem:$0x1FA80] =	vst v0;
	v0 =	vld [tilespmem:$0x1FA90];
	_ =	sdelay $0x4  }
0x336: {  	vm0 =	vnez.u8 v0  }
0x337: {  	v0 =	vsel vm0, $0x1, v1  }
0x338: {  	[tilespmem:$0x1FAA0] =	vst v0;
	v0 =	vld [tilespmem:$0x1FAB0];
	_ =	sdelay $0x4  }
0x339: {  	vm0 =	vnez.u8 v0  }
0x33a: {  	v0 =	vsel vm0, $0x1, v1  }
0x33b: {  	[tilespmem:$0x1FAC0] =	vst v0;
	v0 =	vld [tilespmem:$0x1FAD0];
	_ =	sdelay $0x4  }
0x33c: {  	vm0 =	vnez.u8 v0  }
0x33d: {  	v0 =	vsel vm0, $0x1, v1  }
0x33e: {  	[tilespmem:$0x1FAE0] =	vst v0;
	v0 =	vld [tilespmem:$0x1FAF0];
	_ =	sdelay $0x4  }
0x33f: {  	vm0 =	vnez.u8 v0  }
0x340: {  	v0 =	vsel vm0, $0x1, v1  }
0x341: {  	[tilespmem:$0x1FB00] =	vst v0;
	v0 =	vld [tilespmem:$0x1FB10];
	_ =	sdelay $0x4  }
0x342: {  	vm0 =	vnez.u8 v0;
	v0 =	vld [tilespmem:$0x1FB20];
	_ =	sdelay $0x4  }
0x343: {  	v46 =	vsel vm0, $0x1, v1;
	vm0 =	vnez.u8 v0;
	v0 =	vld [tilespmem:$0x1FB30];
	_ =	sdelay $0x4  }
0x344: {  	v47 =	vsel vm0, $0x1, v1;
	vm0 =	vnez.u8 v0  }
0x345: {  	v0 =	vsel vm0, $0x1, v1  }
0x346: {  	[tilespmem:$0x1FB40] =	vst v0;
	v0 =	vld [tilespmem:$0x1FB50];
	_ =	sdelay $0x4  }
0x347: {  	vm0 =	vnez.u8 v0  }
0x348: {  	v0 =	vsel vm0, $0x1, v1  }
0x349: {  	[tilespmem:$0x1FB60] =	vst v0;
	v0 =	vld [tilespmem:$0x1FB70];
	_ =	sdelay $0x4  }
0x34a: {  	vm0 =	vnez.u8 v0  }
0x34b: {  	v0 =	vsel vm0, $0x1, v1  }
0x34c: {  	[tilespmem:$0x1FB80] =	vst v0;
	v0 =	vld [tilespmem:$0x1FB90];
	_ =	sdelay $0x4  }
0x34d: {  	vm0 =	vnez.u8 v0  }
0x34e: {  	v0 =	vsel vm0, $0x1, v1  }
0x34f: {  	[tilespmem:$0x1FBA0] =	vst v0;
	v0 =	vld [tilespmem:$0x1FBB0];
	_ =	sdelay $0x4  }
0x350: {  	vm0 =	vnez.u8 v0  }
0x351: {  	v0 =	vsel vm0, $0x1, v1  }
0x352: {  	[tilespmem:$0x1FBC0] =	vst v0;
	v0 =	vld [tilespmem:$0x1FBD0];
	_ =	sdelay $0x4  }
0x353: {  	vm0 =	vnez.u8 v0;
	v0 =	vld [tilespmem:$0x1FBE0];
	_ =	sdelay $0x4  }
0x354: {  	v48 =	vsel vm0, $0x1, v1;
	vm0 =	vnez.u8 v0  }
0x355: {  	v0 =	vsel vm0, $0x1, v1  }
0x356: {  	[tilespmem:$0x1FBF0] =	vst v0;
	v0 =	vld [tilespmem:$0x1FC00]  }
0x357: {  	[tilespmem:$0x1FDB0] =	vst v2;
	v2 =	vld [tilespmem:$0x1FC10];
	_ =	sdelay $0x3  }
0x358: {  	vm0 =	vnez.u8 v0  }
0x359: {  	v0 =	vsel vm0, $0x1, v1;
	vm0 =	vnez.u8 v2;
	v2 =	vld [tilespmem:$0x1FC20];
	_ =	sdelay $0x4  }
0x35a: {  	v3 =	vsel vm0, $0x1, v1;
	vm0 =	vnez.u8 v2  }
0x35b: {  	v2 =	vsel vm0, $0x1, v1  }
0x35c: {  	[tilespmem:$0x1FC30] =	vst v2;
	v2 =	vld [tilespmem:$0x1FC40];
	_ =	sdelay $0x4  }
0x35d: {  	vm0 =	vnez.u8 v2  }
0x35e: {  	v2 =	vsel vm0, $0x1, v1  }
0x35f: {  	[tilespmem:$0x1FC50] =	vst v2;
	v2 =	vld [tilespmem:$0x1FC60];
	_ =	sdelay $0x4  }
0x360: {  	vm0 =	vnez.u8 v2  }
0x361: {  	v2 =	vsel vm0, $0x1, v1  }
0x362: {  	[tilespmem:$0x1FC70] =	vst v2;
	v2 =	vld [tilespmem:$0x1FC80];
	_ =	sdelay $0x4  }
0x363: {  	vm0 =	vnez.u8 v2  }
0x364: {  	v2 =	vsel vm0, $0x1, v1  }
0x365: {  	[tilespmem:$0x1FC90] =	vst v2;
	v2 =	vld [tilespmem:$0x1FCA0];
	_ =	sdelay $0x4  }
0x366: {  	vm0 =	vnez.u8 v2  }
0x367: {  	v2 =	vsel vm0, $0x1, v1  }
0x368: {  	[tilespmem:$0x1FCB0] =	vst v2;
	v2 =	vld [tilespmem:$0x1FCC0];
	_ =	sdelay $0x4  }
0x369: {  	vm0 =	vnez.u8 v2;
	v2 =	vld [tilespmem:$0x1FCD0];
	_ =	sdelay $0x4  }
0x36a: {  	v17 =	vsel vm0, $0x1, v1;
	vm0 =	vnez.u8 v2;
	v2 =	vld [tilespmem:$0x1FCE0];
	_ =	sdelay $0x4  }
0x36b: {  	v18 =	vsel vm0, $0x1, v1;
	vm0 =	vnez.u8 v2;
	v2 =	vld [tilespmem:$0x1FCF0];
	_ =	sdelay $0x4  }
0x36c: {  	v6 =	vsel vm0, $0x1, v1;
	vm0 =	vnez.u8 v2;
	v2 =	vld [tilespmem:$0x1FD00];
	_ =	sdelay $0x4  }
0x36d: {  	v7 =	vsel vm0, $0x1, v1;
	vm0 =	vnez.u8 v2;
	v2 =	vld [tilespmem:$0x1FD10];
	_ =	sdelay $0x4  }
0x36e: {  	v8 =	vsel vm0, $0x1, v1;
	vm0 =	vnez.u8 v2  }
0x36f: {  	v2 =	vsel vm0, $0x1, v1  }
0x370: {  	[tilespmem:$0x1FD20] =	vst v2;
	v2 =	vld [tilespmem:$0x1FD30];
	_ =	sdelay $0x4  }
0x371: {  	vm0 =	vnez.u8 v2  }
0x372: {  	v2 =	vsel vm0, $0x1, v1  }
0x373: {  	[tilespmem:$0x1FD40] =	vst v2;
	v2 =	vld [tilespmem:$0x1FD50];
	_ =	sdelay $0x4  }
0x374: {  	vm0 =	vnez.u8 v2  }
0x375: {  	v2 =	vsel vm0, $0x1, v1  }
0x376: {  	[tilespmem:$0x1FD60] =	vst v2;
	v2 =	vld [tilespmem:$0x1FD70];
	_ =	sdelay $0x4  }
0x377: {  	vm0 =	vnez.u8 v2;
	v2 =	vld [tilespmem:$0x1FD80];
	_ =	sdelay $0x4  }
0x378: {  	v52 =	vsel vm0, $0x1, v1;
	vm0 =	vnez.u8 v2;
	v2 =	vld [tilespmem:$0x1FD90];
	_ =	sdelay $0x4  }
0x379: {  	v53 =	vsel vm0, $0x1, v1;
	vm0 =	vnez.u8 v2;
	v2 =	vld [tilespmem:$0x1FDA0];
	_ =	sdelay $0x4  }
0x37a: {  	v54 =	vsel vm0, $0x1, v1;
	vm0 =	vnez.u8 v2;
	v2 =	vld [tilespmem:$0x1FDB0];
	_ =	sdelay $0x4  }
0x37b: {  	v55 =	vsel vm0, $0x1, v1;
	vm0 =	vnez.u8 v2;
	v2 =	vld [tilespmem:$0x1FDC0];
	_ =	sdelay $0x4  }
0x37c: {  	v43 =	vsel vm0, $0x1, v1;
	vm0 =	vnez.u8 v2;
	v2 =	vld [tilespmem:$0x1FDD0];
	_ =	sdelay $0x4  }
0x37d: {  	v40 =	vsel vm0, $0x1, v1;
	vm0 =	vnez.u8 v2;
	v2 =	vld [tilespmem:$0x1FDE0];
	_ =	sdelay $0x4  }
0x37e: {  	v39 =	vsel vm0, $0x1, v1;
	vm0 =	vnez.u8 v2;
	v2 =	vld [tilespmem:$0x1FDF0];
	_ =	sdelay $0x4  }
0x37f: {  	v42 =	vsel vm0, $0x1, v1;
	vm0 =	vnez.u8 v2;
	v2 =	vld [tilespmem:$0x1FE00];
	_ =	sdelay $0x1  }
0x380: {  	v19 =	vimm.s32 $0x0  }
0x381: {  	v35 =	vsel vm10, $0x1, v1;
	v36 =	vsel vm4, $0x1, v1;
	v5 =	vsel vm2, $0x1, v1  }
0x382: {  	v34 =	vsel vm5, $0x1, v1;
	v4 =	vsel vm3, $0x1, v1;
	v5 =	vadd.s32 v5, v19  }
0x383: {  	v4 =	vadd.s32 v4, v19;
	v5 =	vadd.s32 v34, v5;
	vm5 =	vnez.u8 v2  }
0x384: {  	v4 =	vadd.s32 v36, v4;
	v5 =	vadd.s32 v35, v5;
	v36 =	vsel vm5, $0x1, v1  }
0x385: {  	v5 =	vadd.s32 v36, v5  }
0x386: {  	v5 =	vadd.s32 v39, v5  }
0x387: {  	v5 =	vadd.s32 v53, v5  }
0x388: {  	v2 =	vld [tilespmem:$0x1FE10];
	v5 =	vadd.s32 v18, v5  }
0x389: {  	v5 =	vadd.s32 v0, v5;
	v0 =	vld [tilespmem:$0x1FE60];
	_ =	sdelay $0x3  }
0x38a: {  	v37 =	vsel vm9, $0x1, v1;
	vm9 =	vnez.u8 v2;
	v2 =	vld [tilespmem:$0x1FE20]  }
0x38b: {  	v35 =	vsel vm9, $0x1, v1;
	vm9 =	vnez.u8 v0;
	v0 =	vld [tilespmem:$0x1FE70];
	_ =	sdelay $0x1  }
0x38c: {  	v38 =	vsel vm12, $0x1, v1;
	v4 =	vadd.s32 v37, v4  }
0x38d: {  	v4 =	vadd.s32 v38, v4  }
0x38e: {  	v4 =	vadd.s32 v40, v4;
	vm10 =	vnez.u8 v2  }
0x38f: {  	v4 =	vadd.s32 v52, v4;
	v34 =	vsel vm10, $0x1, v1;
	vm10 =	vnez.u8 v0;
	v0 =	vld [tilespmem:$0x1FE80]  }
0x390: {  	v4 =	vadd.s32 v17, v4  }
0x391: {  	v4 =	vadd.s32 v48, v4  }
0x392: {  	v4 =	vadd.s32 v46, v4  }
0x393: {  	v4 =	vadd.s32 v44, v4  }
0x394: {  	v4 =	vadd.s32 v0, v4;
	v0 =	vld [tilespmem:$0x1FE90];
	_ =	sdelay $0x2  }
0x395: {  	v5 =	vadd.s32 v47, v5  }
0x396: {  	v5 =	vadd.s32 v45, v5  }
0x397: {  	v5 =	vadd.s32 v0, v5;
	v0 =	vld [tilespmem:$0x1FEA0];
	_ =	sdelay $0x4  }
0x398: {  	v4 =	vadd.s32 v0, v4;
	v0 =	vld [tilespmem:$0x1FEB0];
	_ =	sdelay $0x4  }
0x399: {  	v5 =	vadd.s32 v0, v5;
	v0 =	vld [tilespmem:$0x1FEC0];
	_ =	sdelay $0x4  }
0x39a: {  	v4 =	vadd.s32 v0, v4;
	v0 =	vld [tilespmem:$0x1FED0];
	_ =	sdelay $0x4  }
0x39b: {  	v5 =	vadd.s32 v0, v5;
	v0 =	vld [tilespmem:$0x1FEE0];
	_ =	sdelay $0x4  }
0x39c: {  	v4 =	vadd.s32 v0, v4;
	v0 =	vld [tilespmem:$0x1FEF0];
	_ =	sdelay $0x4  }
0x39d: {  	v5 =	vadd.s32 v0, v5;
	v0 =	vld [tilespmem:$0x1FF00];
	_ =	sdelay $0x3  }
0x39e: {  	v53 =	vsel vm6, $0x1, v1  }
0x39f: {  	v2 =	vld [tilespmem:$0x1FE30];
	v4 =	vadd.s32 v59, v4;
	v5 =	vadd.s32 v0, v5;
	v0 =	vsel vm7, $0x1, v1  }
0x3a0: {  	v59 =	vadd.s32 v23, v4;
	v4 =	vadd.s32 v53, v19;
	v53 =	vadd.s32 v0, v19;
	v0 =	vld [tilespmem:$0x1FF20];
	_ =	sdelay $0x3  }
0x3a1: {  	vm12 =	vnez.u8 v2  }
0x3a2: {  	v36 =	vsel vm12, $0x1, v1;
	vm12 =	vnez.u8 v0;
	v0 =	vld [tilespmem:$0x1FF30];
	_ =	sdelay $0x4  }
0x3a3: {  	v44 =	vsel vm13, $0x1, v1;
	vm13 =	vnez.u8 v0;
	v0 =	vld [tilespmem:$0x1FF40];
	_ =	sdelay $0x3  }
0x3a4: {  	v2 =	vld [tilespmem:$0x1FE40]  }
0x3a5: {  	v46 =	vsel vm14, $0x1, v1;
	vm14 =	vnez.u8 v0;
	v0 =	vld [tilespmem:$0x1FF50];
	_ =	sdelay $0x3  }
0x3a6: {  	vm4 =	vnez.u8 v2;
	v2 =	vld [tilespmem:$0x1FE50]  }
0x3a7: {  	v37 =	vsel vm4, $0x1, v1;
	vm4 =	vnez.u8 v0;
	v0 =	vld [tilespmem:$0x1FF60];
	_ =	sdelay $0x3  }
0x3a8: {  	vm5 =	vnez.u8 v2  }
0x3a9: {  	v38 =	vsel vm5, $0x1, v1;
	vm5 =	vnez.u8 v0;
	v0 =	vld [tilespmem:$0x1FF70];
	_ =	sdelay $0x4  }
0x3aa: {  	vm6 =	vnez.u8 v0;
	v0 =	vld [tilespmem:$0x1FF80];
	_ =	sdelay $0x4  }
0x3ab: {  	vm7 =	vnez.u8 v0;
	v0 =	vld [tilespmem:$0x1FF90];
	_ =	sdelay $0x4  }
0x3ac: {  	v52 =	vsel vm8, $0x1, v1;
	vm8 =	vnez.u8 v0;
	v0 =	vld [tilespmem:$0x1FFA0];
	_ =	sdelay $0x4  }
0x3ad: {  	v39 =	vsel vm9, $0x1, v1;
	vm9 =	vnez.u8 v0;
	v0 =	vld [tilespmem:$0x1FFB0];
	_ =	sdelay $0x4  }
0x3ae: {  	v40 =	vsel vm10, $0x1, v1;
	vm10 =	vnez.u8 v0;
	v0 =	vld [tilespmem:$0x1FFC0];
	_ =	sdelay $0x4  }
0x3af: {  	v45 =	vsel vm11, $0x1, v1;
	vm11 =	vnez.u8 v0;
	v0 =	vld [tilespmem:$0x1FFD0]  }
0x3b0: {  	v2 =	vld [tilespmem:$0x1FF10];
	_ =	sdelay $0x2  }
0x3b1: {  	v41 =	vsel vm0, $0x1, v1;
	v18 =	vimm.s32 $0x0;
	v4 =	vadd.s32 v44, v4  }
0x3b2: {  	v4 =	vadd.s32 v38, v4;
	v23 =	vsel vm12, $0x1, v1;
	vm12 =	vnez.u8 v0;
	v0 =	vld [tilespmem:$0x1FFE0]  }
0x3b3: {  	v4 =	vadd.s32 v34, v4;
	v17 =	vadd.s32 v2, v5;
	v5 =	vadd.s32 v52, v19  }
0x3b4: {  	v4 =	vadd.s32 v42, v4;
	v5 =	vadd.s32 v45, v5;
	v48 =	vadd.s32 v46, v53  }
0x3b5: {  	v44 =	vadd.s32 v54, v4;
	v5 =	vadd.s32 v39, v5;
	v52 =	vadd.s32 v40, v48  }
0x3b6: {  	v4 =	vimm.s32 $0x0;
	v5 =	vadd.s32 v36, v5;
	v53 =	vadd.s32 v37, v52  }
0x3b7: {  	v5 =	vadd.s32 v41, v5;
	v36 =	vsel vm13, $0x1, v1;
	vm13 =	vnez.u8 v0;
	v0 =	vld [tilespmem:$0x1FFF0]  }
0x3b8: {  	v40 =	vsel vm15, $0x1, v1;
	v34 =	vadd.s32 v35, v53;
	v47 =	vadd.s32 v55, v5  }
0x3b9: {  	v48 =	vadd.s32 v43, v34;
	v43 =	vsel vm1, $0x1, v1;
	v5 =	vsel vm14, $0x1, v1  }
0x3ba: {  	v35 =	vsel vm4, $0x1, v1;
	v34 =	vsel vm5, $0x1, v1;
	v39 =	vsel vm6, $0x1, v1  }
0x3bb: {  	s18 =	sor.u32 $0x10, s11;
	s16 =	sor.u32 $0x20, s11;
	s17 =	sor.u32 $0x30, s11;
	v42 =	vsel vm7, $0x1, v1;
	v38 =	vsel vm8, $0x1, v1;
	v37 =	vsel vm9, $0x1, v1  }
0x3bc: {  	s15 =	sor.u32 $0x40, s11;
	s12 =	sor.u32 $0x50, s11;
	s14 =	sor.u32 $0x60, s11;
	v45 =	vsel vm10, $0x1, v1;
	v46 =	vsel vm11, $0x1, v1;
	vm14 =	vnez.u8 v0  }
0x3bd: {  	s13 =	sor.u32 $0x70, s11;
	s19 =	simm.s32 $0x1F;
	s20 =	smov.u32 s9;
	v41 =	vsel vm12, $0x1, v1;
	v52 =	vsel vm13, $0x1, v1;
	v53 =	vsel vm14, $0x1, v1  }
.LBB2_3:
0x3be: {  	v0 =	vld [tilespmem:$0x1FC30];
	_ =	sdelay $0x3  }
0x3bf: {  	v6 =	vadd.s32 v6, v44;
	v7 =	vadd.s32 v7, v47  }
0x3c0: {  	v2 =	vadd.s32 v3, v6;
	v6 =	vadd.s32 v0, v7;
	v0 =	vld [tilespmem:$0x1FC50];
	_ =	sdelay $0x3  }
0x3c1: {  	v8 =	vadd.s32 v8, v48  }
0x3c2: {  	v3 =	vadd.s32 v0, v8;
	v0 =	vld [tilespmem:$0x1FB40];
	_ =	sdelay $0x4  }
0x3c3: {  	v2 =	vadd.s32 v0, v2;
	v0 =	vld [tilespmem:$0x1FB60];
	_ =	sdelay $0x4  }
0x3c4: {  	v6 =	vadd.s32 v0, v6;
	v0 =	vld [tilespmem:$0x1FB80];
	_ =	sdelay $0x4  }
0x3c5: {  	v3 =	vadd.s32 v0, v3;
	v0 =	vld [tilespmem:$0x1FA60];
	_ =	sdelay $0x4  }
0x3c6: {  	v2 =	vadd.s32 v0, v2;
	v0 =	vld [tilespmem:$0x1FA80];
	_ =	sdelay $0x4  }
0x3c7: {  	v6 =	vadd.s32 v0, v6;
	v0 =	vld [tilespmem:$0x1FAA0];
	_ =	sdelay $0x4  }
0x3c8: {  	v3 =	vadd.s32 v0, v3;
	v0 =	vld [tilespmem:$0x1F980];
	_ =	sdelay $0x4  }
0x3c9: {  	v2 =	vadd.s32 v0, v2;
	v0 =	vld [tilespmem:$0x1F9A0];
	_ =	sdelay $0x4  }
0x3ca: {  	v0 =	vadd.s32 v0, v6;
	v6 =	vld [tilespmem:$0x1F9C0];
	_ =	sdelay $0x4  }
0x3cb: {  	v3 =	vadd.s32 v6, v3;
	v6 =	vld [tilespmem:$0x1F8A0];
	_ =	sdelay $0x4  }
0x3cc: {  	v2 =	vadd.s32 v6, v2;
	v6 =	vld [tilespmem:$0x1F8C0];
	_ =	sdelay $0x4  }
0x3cd: {  	v0 =	vadd.s32 v6, v0;
	v6 =	vld [tilespmem:$0x1F8E0];
	_ =	sdelay $0x4  }
0x3ce: {  	v3 =	vadd.s32 v6, v3;
	v6 =	vld [tilespmem:$0x1F7E0];
	_ =	sdelay $0x4  }
0x3cf: {  	v2 =	vadd.s32 v6, v2;
	v6 =	vld [tilespmem:$0x1F800];
	_ =	sdelay $0x4  }
0x3d0: {  	v0 =	vadd.s32 v6, v0;
	v6 =	vld [tilespmem:$0x1F820];
	_ =	sdelay $0x4  }
0x3d1: {  	v3 =	vadd.s32 v6, v3;
	v6 =	vld [tilespmem:$0x1F720];
	_ =	sdelay $0x4  }
0x3d2: {  	v2 =	vadd.s32 v6, v2;
	v6 =	vld [tilespmem:$0x1F740];
	_ =	sdelay $0x4  }
0x3d3: {  	v0 =	vadd.s32 v6, v0;
	v6 =	vld [tilespmem:$0x1F760];
	_ =	sdelay $0x4  }
0x3d4: {  	v3 =	vadd.s32 v6, v3;
	v6 =	vld [tilespmem:$0x1F670];
	_ =	sdelay $0x4  }
0x3d5: {  	v2 =	vadd.s32 v6, v2;
	v6 =	vld [tilespmem:$0x1F690];
	_ =	sdelay $0x4  }
0x3d6: {  	v0 =	vadd.s32 v6, v0;
	v6 =	vld [tilespmem:$0x1F6B0];
	_ =	sdelay $0x3  }
0x3d7: {  	v2 =	vadd.s32 v61, v2  }
0x3d8: {  	[tilespmem:$0x1ED70] =	vst v2;
	v0 =	vadd.s32 v60, v0;
	v3 =	vadd.s32 v6, v3  }
0x3d9: {  	v2 =	vadd.s32 v43, v4;
	v4 =	vld [tilespmem:$0x1FD20];
	[tilespmem:$0x1ED80] =	vst v0;
	v0 =	vadd.s32 v31, v3;
	v3 =	vadd.s32 v20, v18  }
0x3da: {  	v3 =	vadd.s32 v41, v3  }
0x3db: {  	v3 =	vadd.s32 v42, v3  }
0x3dc: {  	v3 =	vadd.s32 v39, v3  }
0x3dd: {  	[tilespmem:$0x1ED90] =	vst v0;
	v0 =	vadd.s32 v40, v19;
	v3 =	vadd.s32 v36, v3  }
0x3de: {  	v0 =	vadd.s32 v52, v0;
	v3 =	vadd.s32 v4, v3;
	v4 =	vld [tilespmem:$0x1FD40]  }
0x3df: {  	v0 =	vadd.s32 v45, v0  }
0x3e0: {  	v0 =	vadd.s32 v38, v0  }
0x3e1: {  	v0 =	vadd.s32 v35, v0  }
0x3e2: {  	v0 =	vadd.s32 v23, v0  }
0x3e3: {  	v2 =	vadd.s32 v53, v2;
	v0 =	vadd.s32 v4, v0;
	v4 =	vld [tilespmem:$0x1FD60]  }
0x3e4: {  	v2 =	vadd.s32 v46, v2  }
0x3e5: {  	v2 =	vadd.s32 v37, v2  }
0x3e6: {  	v2 =	vadd.s32 v34, v2  }
0x3e7: {  	v2 =	vadd.s32 v5, v2  }
0x3e8: {  	v2 =	vadd.s32 v4, v2;
	v4 =	vld [tilespmem:$0x1FCB0];
	_ =	sdelay $0x4  }
0x3e9: {  	v3 =	vadd.s32 v4, v3;
	v4 =	vld [tilespmem:$0x1FC70];
	_ =	sdelay $0x4  }
0x3ea: {  	v0 =	vadd.s32 v4, v0;
	v4 =	vld [tilespmem:$0x1FC90];
	_ =	sdelay $0x4  }
0x3eb: {  	v2 =	vadd.s32 v4, v2;
	v4 =	vld [tilespmem:$0x1FBC0];
	_ =	sdelay $0x4  }
0x3ec: {  	v3 =	vadd.s32 v4, v3;
	v4 =	vld [tilespmem:$0x1FBA0];
	_ =	sdelay $0x4  }
0x3ed: {  	v0 =	vadd.s32 v4, v0;
	v4 =	vld [tilespmem:$0x1FBF0];
	_ =	sdelay $0x4  }
0x3ee: {  	v2 =	vadd.s32 v4, v2;
	v4 =	vld [tilespmem:$0x1FAC0];
	_ =	sdelay $0x4  }
0x3ef: {  	v3 =	vadd.s32 v4, v3;
	v4 =	vld [tilespmem:$0x1FAE0];
	_ =	sdelay $0x4  }
0x3f0: {  	v0 =	vadd.s32 v4, v0;
	v4 =	vld [tilespmem:$0x1FB00];
	_ =	sdelay $0x4  }
0x3f1: {  	v2 =	vadd.s32 v4, v2;
	v4 =	vld [tilespmem:$0x1FA20];
	_ =	sdelay $0x4  }
0x3f2: {  	v3 =	vadd.s32 v4, v3;
	v4 =	vld [tilespmem:$0x1F9E0];
	_ =	sdelay $0x4  }
0x3f3: {  	v0 =	vadd.s32 v4, v0;
	v4 =	vld [tilespmem:$0x1FA00];
	_ =	sdelay $0x4  }
0x3f4: {  	v2 =	vadd.s32 v4, v2;
	v4 =	vld [tilespmem:$0x1F920];
	_ =	sdelay $0x4  }
0x3f5: {  	v3 =	vadd.s32 v4, v3;
	v4 =	vld [tilespmem:$0x1F900];
	_ =	sdelay $0x4  }
0x3f6: {  	v0 =	vadd.s32 v4, v0;
	v4 =	vld [tilespmem:$0x1F950];
	_ =	sdelay $0x4  }
0x3f7: {  	v2 =	vadd.s32 v4, v2;
	v4 =	vld [tilespmem:$0x1F840];
	_ =	sdelay $0x3  }
0x3f8: {  	v0 =	vadd.s32 v63, v0  }
0x3f9: {  	v0 =	vadd.s32 v29, v0;
	v2 =	vadd.s32 v62, v2;
	v3 =	vadd.s32 v4, v3;
	v4 =	vld [tilespmem:$0x1F7A0]  }
0x3fa: {  	v0 =	vadd.s32 v25, v0;
	v2 =	vadd.s32 v28, v2  }
0x3fb: {  	v0 =	vadd.s32 v22, v0;
	v2 =	vadd.s32 v27, v2  }
0x3fc: {  	s24 =	sadd.s32 $0xFFFFFFFE, s19;
	[tilespmem:$0x1EE70] =	vst v0;
	v0 =	vadd.s32 v21, v2  }
0x3fd: {  	v8 =	vmov s24;
	[tilespmem:$0x1EC50] =	vst v0;
	v0 =	vmov s19  }
0x3fe: {  	v2 =	vimm.s32 $0x0;
	vm0 =	vlt.u32 v0, v50;
	v3 =	vadd.s32 v4, v3  }
0x3ff: {  	s21 =	sadd.s32 $0xFFFFFFFF, s19;
	vm9 =	vlt.u32 v0, v51;
	v2 =	vsel vm0, $0xFFFFFFFF, v2;
	v3 =	vadd.s32 v30, v3  }
0x400: {  	[tilespmem:$0x1C790] =	vst v2;
	v2 =	vimm.s32 $0x0;
	v4 =	vmov s21;
	v3 =	vadd.s32 v26, v3  }
0x401: {  	vm10 =	vlt.u32 v4, v49;
	v3 =	vadd.s32 v24, v3;
	v24 =	vimm.s32 $0x0  }
0x402: {  	vm11 =	vlt.u32 v8, v49;
	v2 =	vsel vm9, $0xFFFFFFFF, v2;
	v24 =	vsel vm10, $0xFFFFFFFF, v24  }
0x403: {  	vm12 =	vlt.u32 v4, v50;
	vm13 =	vlt.u32 v4, v51;
	[tilespmem:$0x1C770] =	vst v24;
	v24 =	vimm.s32 $0x0  }
0x404: {  	vm14 =	vlt.u32 v4, v56;
	vm15 =	vlt.u32 v4, v32;
	v24 =	vsel vm11, $0xFFFFFFFF, v24  }
0x405: {  	vm9 =	vlt.u32 v4, v57;
	vm11 =	vlt.u32 v4, v33;
	[tilespmem:$0x1C800] =	vst v24;
	v24 =	vimm.s32 $0x0  }
0x406: {  	v24 =	vsel vm12, $0xFFFFFFFF, v24;
	vm12 =	vlt.u32 v4, v58;
	v4 =	vimm.s32 $0x0  }
0x407: {  	[tilespmem:$0x1C840] =	vst v24;
	v24 =	vimm.s32 $0x0;
	v4 =	vsel vm12, $0xFFFFFFFF, v4  }
0x408: {  	v24 =	vsel vm13, $0xFFFFFFFF, v24;
	[tilespmem:$0x1C940] =	vst v4;
	vm13 =	vlt.u32 v8, v50;
	v4 =	vimm.s32 $0x0  }
0x409: {  	[tilespmem:$0x1C860] =	vst v24;
	v24 =	vimm.s32 $0x0;
	v4 =	vsel vm13, $0xFFFFFFFF, v4  }
0x40a: {  	v24 =	vsel vm14, $0xFFFFFFFF, v24;
	[tilespmem:$0x1C920] =	vst v4;
	vm14 =	vlt.u32 v8, v51;
	v4 =	vimm.s32 $0x0  }
0x40b: {  	[tilespmem:$0x1C880] =	vst v24;
	v24 =	vimm.s32 $0x0;
	v4 =	vsel vm14, $0xFFFFFFFF, v4  }
0x40c: {  	s23 =	sadd.s32 $0xFFFFFFFD, s19;
	v24 =	vsel vm15, $0xFFFFFFFF, v24;
	[tilespmem:$0x1C960] =	vst v4;
	vm15 =	vlt.u32 v8, v56;
	v4 =	vimm.s32 $0x0  }
0x40d: {  	v6 =	vmov s23;
	[tilespmem:$0x1C8A0] =	vst v24;
	v24 =	vimm.s32 $0x0;
	v4 =	vsel vm15, $0xFFFFFFFF, v4  }
0x40e: {  	v24 =	vsel vm9, $0xFFFFFFFF, v24;
	[tilespmem:$0x1C980] =	vst v4;
	vm9 =	vlt.u32 v8, v32;
	v4 =	vimm.s32 $0x0  }
0x40f: {  	vm10 =	vlt.u32 v6, v49;
	[tilespmem:$0x1C8C0] =	vst v24;
	v24 =	vimm.s32 $0x0;
	v4 =	vsel vm9, $0xFFFFFFFF, v4  }
0x410: {  	v24 =	vsel vm10, $0xFFFFFFFF, v24;
	[tilespmem:$0x1C9A0] =	vst v4;
	vm10 =	vlt.u32 v8, v57;
	v4 =	vimm.s32 $0x0  }
0x411: {  	[tilespmem:$0x1C900] =	vst v24;
	v24 =	vimm.s32 $0x0;
	v4 =	vsel vm10, $0xFFFFFFFF, v4  }
0x412: {  	v24 =	vsel vm11, $0xFFFFFFFF, v24;
	[tilespmem:$0x1C9C0] =	vst v4;
	vm11 =	vlt.u32 v8, v33;
	v4 =	vimm.s32 $0x0  }
0x413: {  	v4 =	vsel vm11, $0xFFFFFFFF, v4  }
0x414: {  	vm12 =	vlt.u32 v6, v50;
	[tilespmem:$0x1C9E0] =	vst v4;
	v4 =	vimm.s32 $0x0  }
0x415: {  	v4 =	vsel vm12, $0xFFFFFFFF, v4  }
0x416: {  	vm13 =	vlt.u32 v8, v58;
	[tilespmem:$0x1CA30] =	vst v4;
	v4 =	vimm.s32 $0x0  }
0x417: {  	v4 =	vsel vm13, $0xFFFFFFFF, v4  }
0x418: {  	vm14 =	vlt.u32 v6, v51;
	[tilespmem:$0x1CA00] =	vst v4;
	v4 =	vimm.s32 $0x0  }
0x419: {  	v4 =	vsel vm14, $0xFFFFFFFF, v4  }
0x41a: {  	vm9 =	vlt.u32 v6, v56;
	[tilespmem:$0x1CA50] =	vst v4;
	v4 =	vimm.s32 $0x0  }
0x41b: {  	v4 =	vsel vm9, $0xFFFFFFFF, v4  }
0x41c: {  	vm10 =	vlt.u32 v6, v32;
	[tilespmem:$0x1CA70] =	vst v4;
	v4 =	vimm.s32 $0x0  }
0x41d: {  	v4 =	vsel vm10, $0xFFFFFFFF, v4  }
0x41e: {  	vm11 =	vlt.u32 v6, v57;
	[tilespmem:$0x1CA90] =	vst v4;
	v4 =	vimm.s32 $0x0  }
0x41f: {  	v4 =	vsel vm11, $0xFFFFFFFF, v4  }
0x420: {  	vm12 =	vlt.u32 v6, v33;
	[tilespmem:$0x1CAB0] =	vst v4;
	v4 =	vimm.s32 $0x0  }
0x421: {  	v4 =	vsel vm12, $0xFFFFFFFF, v4  }
0x422: {  	s26 =	sadd.s32 $0xFFFFFFFB, s19;
	vm13 =	vlt.u32 v6, v58;
	[tilespmem:$0x1CAF0] =	vst v4;
	v4 =	vimm.s32 $0x0  }
0x423: {  	v19 =	vmov s26;
	v4 =	vsel vm13, $0xFFFFFFFF, v4  }
0x424: {  	s22 =	sadd.s32 $0xFFFFFFFC, s19;
	vm14 =	vlt.u32 v19, v49;
	[tilespmem:$0x1CB10] =	vst v4;
	v4 =	vimm.s32 $0x0  }
0x425: {  	v5 =	vmov s22;
	v4 =	vsel vm14, $0xFFFFFFFF, v4  }
0x426: {  	vm9 =	vlt.u32 v5, v50;
	[tilespmem:$0x1CAD0] =	vst v4;
	v4 =	vimm.s32 $0x0  }
0x427: {  	v4 =	vsel vm9, $0xFFFFFFFF, v4  }
0x428: {  	vm10 =	vlt.u32 v5, v51;
	[tilespmem:$0x1CB30] =	vst v4;
	v4 =	vimm.s32 $0x0  }
0x429: {  	v4 =	vsel vm10, $0xFFFFFFFF, v4  }
0x42a: {  	vm11 =	vlt.u32 v5, v56;
	[tilespmem:$0x1CB50] =	vst v4;
	v4 =	vimm.s32 $0x0  }
0x42b: {  	v4 =	vsel vm11, $0xFFFFFFFF, v4  }
0x42c: {  	vm12 =	vlt.u32 v5, v32;
	[tilespmem:$0x1CB70] =	vst v4;
	v4 =	vimm.s32 $0x0  }
0x42d: {  	v4 =	vsel vm12, $0xFFFFFFFF, v4  }
0x42e: {  	vm13 =	vlt.u32 v5, v57;
	[tilespmem:$0x1CB90] =	vst v4;
	v4 =	vimm.s32 $0x0  }
0x42f: {  	v4 =	vsel vm13, $0xFFFFFFFF, v4  }
0x430: {  	vm14 =	vlt.u32 v5, v33;
	[tilespmem:$0x1CBB0] =	vst v4;
	v4 =	vimm.s32 $0x0  }
0x431: {  	v4 =	vsel vm14, $0xFFFFFFFF, v4  }
0x432: {  	vm9 =	vlt.u32 v5, v58;
	[tilespmem:$0x1CBD0] =	vst v4;
	v4 =	vimm.s32 $0x0  }
0x433: {  	v4 =	vsel vm9, $0xFFFFFFFF, v4  }
0x434: {  	vm10 =	vlt.u32 v19, v50;
	[tilespmem:$0x1CC20] =	vst v4;
	v4 =	vimm.s32 $0x0  }
0x435: {  	v4 =	vsel vm10, $0xFFFFFFFF, v4  }
0x436: {  	vm11 =	vlt.u32 v19, v51;
	[tilespmem:$0x1CC00] =	vst v4;
	v4 =	vimm.s32 $0x0  }
0x437: {  	v4 =	vsel vm11, $0xFFFFFFFF, v4  }
0x438: {  	vm12 =	vlt.u32 v19, v56;
	[tilespmem:$0x1CC40] =	vst v4;
	v4 =	vimm.s32 $0x0  }
0x439: {  	v4 =	vsel vm12, $0xFFFFFFFF, v4  }
0x43a: {  	vm14 =	vlt.u32 v19, v32;
	[tilespmem:$0x1CC60] =	vst v4;
	v4 =	vimm.s32 $0x0  }
0x43b: {  	v4 =	vsel vm14, $0xFFFFFFFF, v4  }
0x43c: {  	vm9 =	vlt.u32 v19, v57;
	[tilespmem:$0x1CC80] =	vst v4;
	v4 =	vimm.s32 $0x0  }
0x43d: {  	v4 =	vsel vm9, $0xFFFFFFFF, v4  }
0x43e: {  	vm10 =	vlt.u32 v19, v33;
	[tilespmem:$0x1CCA0] =	vst v4;
	v4 =	vimm.s32 $0x0  }
0x43f: {  	v4 =	vsel vm10, $0xFFFFFFFF, v4  }
0x440: {  	s25 =	sadd.s32 $0xFFFFFFFA, s19;
	vm11 =	vlt.u32 v19, v58;
	[tilespmem:$0x1CCC0] =	vst v4;
	v4 =	vimm.s32 $0x0  }
0x441: {  	v18 =	vmov s25;
	v4 =	vsel vm11, $0xFFFFFFFF, v4  }
0x442: {  	vm12 =	vlt.u32 v18, v51;
	[tilespmem:$0x1CCE0] =	vst v4;
	v4 =	vimm.s32 $0x0  }
0x443: {  	v4 =	vsel vm12, $0xFFFFFFFF, v4  }
0x444: {  	vm9 =	vlt.u32 v18, v56;
	[tilespmem:$0x1CD20] =	vst v4;
	v4 =	vimm.s32 $0x0  }
0x445: {  	v4 =	vsel vm9, $0xFFFFFFFF, v4  }
0x446: {  	vm11 =	vlt.u32 v18, v32;
	[tilespmem:$0x1CD40] =	vst v4;
	v4 =	vimm.s32 $0x0  }
0x447: {  	v4 =	vsel vm11, $0xFFFFFFFF, v4  }
0x448: {  	vm12 =	vlt.u32 v18, v57;
	[tilespmem:$0x1CD60] =	vst v4;
	v4 =	vimm.s32 $0x0  }
0x449: {  	v4 =	vsel vm12, $0xFFFFFFFF, v4  }
0x44a: {  	vm9 =	vlt.u32 v18, v33;
	[tilespmem:$0x1CD80] =	vst v4;
	v4 =	vimm.s32 $0x0  }
0x44b: {  	v4 =	vsel vm9, $0xFFFFFFFF, v4  }
0x44c: {  	s31 =	sadd.s32 $0xFFFFFFF8, s19;
	vm11 =	vlt.u32 v18, v58;
	[tilespmem:$0x1CDC0] =	vst v4;
	v4 =	vimm.s32 $0x0  }
0x44d: {  	v22 =	vmov s31;
	v4 =	vsel vm11, $0xFFFFFFFF, v4  }
0x44e: {  	s29 =	sadd.s32 $0xFFFFFFF9, s19;
	vm12 =	vlt.u32 v22, v49;
	[tilespmem:$0x1CDE0] =	vst v4;
	v4 =	vimm.s32 $0x0  }
0x44f: {  	v30 =	vmov v17;
	v17 =	vmov s29;
	v4 =	vsel vm12, $0xFFFFFFFF, v4  }
0x450: {  	vm9 =	vlt.u32 v17, v50;
	[tilespmem:$0x1CDA0] =	vst v4;
	v4 =	vimm.s32 $0x0  }
0x451: {  	v4 =	vsel vm9, $0xFFFFFFFF, v4  }
0x452: {  	vm11 =	vlt.u32 v17, v51;
	[tilespmem:$0x1CE00] =	vst v4;
	v4 =	vimm.s32 $0x0  }
0x453: {  	v4 =	vsel vm11, $0xFFFFFFFF, v4  }
0x454: {  	vm12 =	vlt.u32 v17, v56;
	[tilespmem:$0x1CE20] =	vst v4;
	v4 =	vimm.s32 $0x0  }
0x455: {  	v4 =	vsel vm12, $0xFFFFFFFF, v4  }
0x456: {  	vm9 =	vlt.u32 v17, v32;
	[tilespmem:$0x1CE40] =	vst v4;
	v4 =	vimm.s32 $0x0  }
0x457: {  	v4 =	vsel vm9, $0xFFFFFFFF, v4  }
0x458: {  	vm11 =	vlt.u32 v17, v57;
	[tilespmem:$0x1CE60] =	vst v4;
	v4 =	vimm.s32 $0x0  }
0x459: {  	v4 =	vsel vm11, $0xFFFFFFFF, v4  }
0x45a: {  	vm12 =	vlt.u32 v17, v33;
	[tilespmem:$0x1CE80] =	vst v4;
	v4 =	vimm.s32 $0x0  }
0x45b: {  	v4 =	vsel vm12, $0xFFFFFFFF, v4  }
0x45c: {  	vm9 =	vlt.u32 v17, v58;
	[tilespmem:$0x1CEA0] =	vst v4;
	v4 =	vimm.s32 $0x0  }
0x45d: {  	v4 =	vsel vm9, $0xFFFFFFFF, v4  }
0x45e: {  	vm12 =	vlt.u32 v22, v50;
	[tilespmem:$0x1CEF0] =	vst v4;
	v4 =	vimm.s32 $0x0  }
0x45f: {  	v4 =	vsel vm12, $0xFFFFFFFF, v4  }
0x460: {  	vm9 =	vlt.u32 v22, v51;
	[tilespmem:$0x1CED0] =	vst v4;
	v4 =	vimm.s32 $0x0  }
0x461: {  	v4 =	vsel vm9, $0xFFFFFFFF, v4  }
0x462: {  	vm12 =	vlt.u32 v22, v56;
	[tilespmem:$0x1CF10] =	vst v4;
	v4 =	vimm.s32 $0x0  }
0x463: {  	v4 =	vsel vm12, $0xFFFFFFFF, v4  }
0x464: {  	vm9 =	vlt.u32 v22, v32;
	[tilespmem:$0x1CF30] =	vst v4;
	v4 =	vimm.s32 $0x0  }
0x465: {  	v4 =	vsel vm9, $0xFFFFFFFF, v4  }
0x466: {  	vm12 =	vlt.u32 v22, v57;
	[tilespmem:$0x1CF50] =	vst v4;
	v4 =	vimm.s32 $0x0  }
0x467: {  	v4 =	vsel vm12, $0xFFFFFFFF, v4  }
0x468: {  	s30 =	sadd.s32 $0xFFFFFFF7, s19;
	vm9 =	vlt.u32 v22, v33;
	[tilespmem:$0x1CF70] =	vst v4;
	v4 =	vimm.s32 $0x0  }
0x469: {  	v21 =	vmov s30;
	v4 =	vsel vm9, $0xFFFFFFFF, v4  }
0x46a: {  	vm12 =	vlt.u32 v21, v50;
	[tilespmem:$0x1CF90] =	vst v4;
	v4 =	vimm.s32 $0x0  }
0x46b: {  	v4 =	vsel vm12, $0xFFFFFFFF, v4  }
0x46c: {  	vm12 =	vlt.u32 v22, v58;
	[tilespmem:$0x1CFE0] =	vst v4;
	v4 =	vimm.s32 $0x0  }
0x46d: {  	v4 =	vsel vm12, $0xFFFFFFFF, v4  }
0x46e: {  	vm12 =	vlt.u32 v21, v51;
	[tilespmem:$0x1CFB0] =	vst v4;
	v4 =	vimm.s32 $0x0  }
0x46f: {  	v4 =	vsel vm12, $0xFFFFFFFF, v4  }
0x470: {  	vm12 =	vlt.u32 v21, v56;
	[tilespmem:$0x1D000] =	vst v4;
	v4 =	vimm.s32 $0x0  }
0x471: {  	v4 =	vsel vm12, $0xFFFFFFFF, v4  }
0x472: {  	vm12 =	vlt.u32 v21, v32;
	[tilespmem:$0x1D020] =	vst v4;
	v4 =	vimm.s32 $0x0  }
0x473: {  	v4 =	vsel vm12, $0xFFFFFFFF, v4  }
0x474: {  	vm12 =	vlt.u32 v21, v57;
	[tilespmem:$0x1D040] =	vst v4;
	v4 =	vimm.s32 $0x0  }
0x475: {  	v4 =	vsel vm12, $0xFFFFFFFF, v4  }
0x476: {  	vm12 =	vlt.u32 v21, v33;
	[tilespmem:$0x1D060] =	vst v4;
	v4 =	vimm.s32 $0x0  }
0x477: {  	v4 =	vsel vm12, $0xFFFFFFFF, v4  }
0x478: {  	s29 =	sadd.s32 $0xFFFFFFF5, s19;
	vm12 =	vlt.u32 v21, v58;
	[tilespmem:$0x1D0A0] =	vst v4;
	v4 =	vimm.s32 $0x0  }
0x479: {  	v23 =	vmov s29;
	v4 =	vsel vm12, $0xFFFFFFFF, v4  }
0x47a: {  	s24 =	sadd.s32 $0xFFFFFFF6, s19;
	vm12 =	vlt.u32 v23, v49;
	[tilespmem:$0x1D0C0] =	vst v4;
	v4 =	vimm.s32 $0x0  }
0x47b: {  	v20 =	vmov s24;
	v4 =	vsel vm12, $0xFFFFFFFF, v4  }
0x47c: {  	vm12 =	vlt.u32 v20, v50;
	[tilespmem:$0x1D080] =	vst v4;
	v4 =	vimm.s32 $0x0  }
0x47d: {  	v4 =	vsel vm12, $0xFFFFFFFF, v4  }
0x47e: {  	vm12 =	vlt.u32 v20, v51;
	[tilespmem:$0x1D0E0] =	vst v4;
	v4 =	vimm.s32 $0x0  }
0x47f: {  	v4 =	vsel vm12, $0xFFFFFFFF, v4  }
0x480: {  	vm12 =	vlt.u32 v20, v56;
	[tilespmem:$0x1D100] =	vst v4;
	v4 =	vimm.s32 $0x0  }
0x481: {  	v4 =	vsel vm12, $0xFFFFFFFF, v4  }
0x482: {  	vm12 =	vlt.u32 v20, v32;
	[tilespmem:$0x1D120] =	vst v4;
	v4 =	vimm.s32 $0x0  }
0x483: {  	v4 =	vsel vm12, $0xFFFFFFFF, v4  }
0x484: {  	s28 =	sadd.s32 $0xFFFFFFF4, s19;
	vm12 =	vlt.u32 v20, v57;
	[tilespmem:$0x1D140] =	vst v4;
	v4 =	vimm.s32 $0x0  }
0x485: {  	[tilespmem:$0x1EE50] =	vst v3;
	v3 =	vmov s28;
	v4 =	vsel vm12, $0xFFFFFFFF, v4  }
0x486: {  	vm12 =	vlt.u32 v3, v49;
	[tilespmem:$0x1D160] =	vst v4;
	v4 =	vimm.s32 $0x0  }
0x487: {  	v4 =	vsel vm12, $0xFFFFFFFF, v4  }
0x488: {  	vm12 =	vlt.u32 v20, v33;
	[tilespmem:$0x1D1A0] =	vst v4;
	v4 =	vimm.s32 $0x0  }
0x489: {  	v4 =	vsel vm12, $0xFFFFFFFF, v4  }
0x48a: {  	vm0 =	vlt.u32 v23, v50;
	[tilespmem:$0x1D180] =	vst v4;
	v4 =	vimm.s32 $0x0  }
0x48b: {  	v4 =	vsel vm0, $0xFFFFFFFF, v4  }
0x48c: {  	vm0 =	vlt.u32 v23, v51;
	[tilespmem:$0x1D1C0] =	vst v4;
	v4 =	vimm.s32 $0x0  }
0x48d: {  	v4 =	vsel vm0, $0xFFFFFFFF, v4  }
0x48e: {  	vm0 =	vlt.u32 v23, v56;
	[tilespmem:$0x1D1F0] =	vst v4;
	v4 =	vimm.s32 $0x0  }
0x48f: {  	v4 =	vsel vm0, $0xFFFFFFFF, v4  }
0x490: {  	vm0 =	vlt.u32 v23, v32;
	[tilespmem:$0x1D210] =	vst v4;
	v4 =	vimm.s32 $0x0  }
0x491: {  	v4 =	vsel vm0, $0xFFFFFFFF, v4  }
0x492: {  	vm0 =	vlt.u32 v23, v57;
	[tilespmem:$0x1D230] =	vst v4;
	v4 =	vimm.s32 $0x0  }
0x493: {  	v4 =	vsel vm0, $0xFFFFFFFF, v4  }
0x494: {  	s26 =	sadd.s32 $0xFFFFFFF3, s19;
	vm0 =	vlt.u32 v23, v33;
	[tilespmem:$0x1D250] =	vst v4;
	v4 =	vimm.s32 $0x0  }
0x495: {  	[tilespmem:$0x1C7B0] =	vst v2;
	v2 =	vmov s26;
	v4 =	vsel vm0, $0xFFFFFFFF, v4  }
0x496: {  	vm0 =	vlt.u32 v2, v49;
	[tilespmem:$0x1D270] =	vst v4;
	v4 =	vimm.s32 $0x0  }
0x497: {  	v4 =	vsel vm0, $0xFFFFFFFF, v4  }
0x498: {  	vm0 =	vlt.u32 v3, v50;
	[tilespmem:$0x1D2B0] =	vst v4;
	v4 =	vimm.s32 $0x0  }
0x499: {  	v4 =	vsel vm0, $0xFFFFFFFF, v4  }
0x49a: {  	vm0 =	vlt.u32 v23, v58;
	[tilespmem:$0x1D2D0] =	vst v4;
	v4 =	vimm.s32 $0x0  }
0x49b: {  	v4 =	vsel vm0, $0xFFFFFFFF, v4  }
0x49c: {  	vm0 =	vlt.u32 v3, v51;
	[tilespmem:$0x1D290] =	vst v4;
	v4 =	vimm.s32 $0x0  }
0x49d: {  	v4 =	vsel vm0, $0xFFFFFFFF, v4  }
0x49e: {  	vm0 =	vlt.u32 v3, v56;
	[tilespmem:$0x1D2F0] =	vst v4;
	v4 =	vimm.s32 $0x0  }
0x49f: {  	v4 =	vsel vm0, $0xFFFFFFFF, v4  }
0x4a0: {  	vm0 =	vlt.u32 v3, v32;
	[tilespmem:$0x1D310] =	vst v4;
	v4 =	vimm.s32 $0x0  }
0x4a1: {  	v4 =	vsel vm0, $0xFFFFFFFF, v4  }
0x4a2: {  	vm4 =	vlt.u32 v0, v56;
	vm0 =	vlt.u32 v3, v57;
	[tilespmem:$0x1D330] =	vst v4;
	v4 =	vimm.s32 $0x0  }
0x4a3: {  	vm5 =	vlt.u32 v0, v32;
	vm6 =	vlt.u32 v0, v57;
	v4 =	vsel vm0, $0xFFFFFFFF, v4  }
0x4a4: {  	vm7 =	vlt.u32 v0, v33;
	vm0 =	vlt.u32 v3, v33;
	[tilespmem:$0x1D350] =	vst v4;
	v4 =	vimm.s32 $0x0  }
0x4a5: {  	s31 =	sadd.s32 $0xFFFFFFF2, s19;
	v4 =	vsel vm0, $0xFFFFFFFF, v4;
	vm0 =	vlt.u32 v3, v58;
	v3 =	vimm.s32 $0x0  }
0x4a6: {  	vm8 =	vlt.u32 v0, v58;
	v0 =	vmov s31;
	v3 =	vsel vm0, $0xFFFFFFFF, v3  }
0x4a7: {  	vm0 =	vlt.u32 v0, v49;
	[tilespmem:$0x1D3B0] =	vst v3;
	v3 =	vimm.s32 $0x0  }
0x4a8: {  	v3 =	vsel vm0, $0xFFFFFFFF, v3  }
0x4a9: {  	vm0 =	vlt.u32 v2, v50;
	[tilespmem:$0x1D370] =	vst v3;
	v3 =	vimm.s32 $0x0  }
0x4aa: {  	v3 =	vsel vm0, $0xFFFFFFFF, v3  }
0x4ab: {  	vm0 =	vlt.u32 v2, v51;
	[tilespmem:$0x1D3D0] =	vst v3;
	v3 =	vimm.s32 $0x0  }
0x4ac: {  	v3 =	vsel vm0, $0xFFFFFFFF, v3  }
0x4ad: {  	vm0 =	vlt.u32 v2, v56;
	[tilespmem:$0x1D3F0] =	vst v3;
	v3 =	vimm.s32 $0x0  }
0x4ae: {  	v3 =	vsel vm0, $0xFFFFFFFF, v3  }
0x4af: {  	vm0 =	vlt.u32 v2, v32;
	[tilespmem:$0x1D410] =	vst v3;
	v3 =	vimm.s32 $0x0  }
0x4b0: {  	v3 =	vsel vm0, $0xFFFFFFFF, v3  }
0x4b1: {  	s30 =	sadd.s32 $0xFFFFFFF1, s19;
	vm0 =	vlt.u32 v2, v57;
	[tilespmem:$0x1D430] =	vst v3;
	v3 =	vimm.s32 $0x0  }
0x4b2: {  	v7 =	vmov s30;
	v3 =	vsel vm0, $0xFFFFFFFF, v3  }
0x4b3: {  	vm0 =	vlt.u32 v7, v49;
	[tilespmem:$0x1D450] =	vst v3;
	v3 =	vimm.s32 $0x0  }
0x4b4: {  	v3 =	vsel vm0, $0xFFFFFFFF, v3  }
0x4b5: {  	vm0 =	vlt.u32 v2, v33;
	[tilespmem:$0x1D490] =	vst v3;
	v3 =	vimm.s32 $0x0  }
0x4b6: {  	v3 =	vsel vm0, $0xFFFFFFFF, v3;
	vm0 =	vlt.u32 v2, v58;
	v2 =	vimm.s32 $0x0  }
0x4b7: {  	v2 =	vsel vm0, $0xFFFFFFFF, v2  }
0x4b8: {  	vm0 =	vlt.u32 v0, v50;
	[tilespmem:$0x1D4B0] =	vst v2;
	v2 =	vimm.s32 $0x0  }
0x4b9: {  	v2 =	vsel vm0, $0xFFFFFFFF, v2  }
0x4ba: {  	vm0 =	vlt.u32 v0, v51;
	[tilespmem:$0x1D4E0] =	vst v2;
	v2 =	vimm.s32 $0x0  }
0x4bb: {  	v2 =	vsel vm0, $0xFFFFFFFF, v2  }
0x4bc: {  	vm0 =	vlt.u32 v0, v56;
	[tilespmem:$0x1D500] =	vst v2;
	v2 =	vimm.s32 $0x0  }
0x4bd: {  	v2 =	vsel vm0, $0xFFFFFFFF, v2  }
0x4be: {  	vm0 =	vlt.u32 v0, v32;
	[tilespmem:$0x1D520] =	vst v2;
	v2 =	vimm.s32 $0x0  }
0x4bf: {  	v2 =	vsel vm0, $0xFFFFFFFF, v2  }
0x4c0: {  	vm0 =	vlt.u32 v0, v57;
	[tilespmem:$0x1D540] =	vst v2;
	v2 =	vimm.s32 $0x0  }
0x4c1: {  	v2 =	vsel vm0, $0xFFFFFFFF, v2  }
0x4c2: {  	vm0 =	vlt.u32 v0, v33;
	[tilespmem:$0x1D560] =	vst v2;
	v2 =	vimm.s32 $0x0  }
0x4c3: {  	v2 =	vsel vm0, $0xFFFFFFFF, v2;
	vm0 =	vlt.u32 v0, v58;
	v0 =	vimm.s32 $0x0  }
0x4c4: {  	v0 =	vsel vm0, $0xFFFFFFFF, v0  }
0x4c5: {  	vm0 =	vlt.u32 v7, v50;
	[tilespmem:$0x1D5D0] =	vst v0;
	v0 =	vimm.s32 $0x0  }
0x4c6: {  	v0 =	vsel vm0, $0xFFFFFFFF, v0  }
0x4c7: {  	vm0 =	vlt.u32 v7, v51;
	[tilespmem:$0x1D5A0] =	vst v0;
	v0 =	vimm.s32 $0x0  }
0x4c8: {  	v0 =	vsel vm0, $0xFFFFFFFF, v0  }
0x4c9: {  	s20 =	sadd.s32 $0x10, s20;
	vm0 =	vlt.u32 v7, v56;
	[tilespmem:$0x1D5C0] =	vst v0;
	v0 =	vimm.s32 $0x0  }
0x4ca: {  	vm10 =	vlt.u32 v17, v49;
	v17 =	vld [tilespmem:s20+$0x0];
	v0 =	vsel vm0, $0xFFFFFFFF, v0  }
0x4cb: {  	vm0 =	vlt.u32 v7, v32;
	[tilespmem:$0x1D5F0] =	vst v0;
	v0 =	vimm.s32 $0x0  }
0x4cc: {  	v0 =	vsel vm0, $0xFFFFFFFF, v0  }
0x4cd: {  	vm0 =	vlt.u32 v7, v57;
	[tilespmem:$0x1D610] =	vst v0;
	v0 =	vimm.s32 $0x0  }
0x4ce: {  	[tilespmem:$0x1C8E0] =	vst v24;
	v0 =	vsel vm0, $0xFFFFFFFF, v0  }
0x4cf: {  	v24 =	vbroadcast v17, $0xE;
	vm0 =	vlt.u32 v7, v33;
	[tilespmem:$0x1D630] =	vst v0;
	v0 =	vimm.s32 $0x0  }
0x4d0: {  	v0 =	vsel vm0, $0xFFFFFFFF, v0;
	vm0 =	vlt.u32 v7, v58;
	v7 =	vimm.s32 $0x0  }
0x4d1: {  	v7 =	vsel vm0, $0xFFFFFFFF, v7  }
0x4d2: {  	v19 =	vbroadcast v17, $0xF;
	vm0 =	vlt.f32 v24, v9;
	[tilespmem:$0x1D670] =	vst v7;
	v7 =	vimm.s32 $0x0  }
0x4d3: {  	v7 =	vsel vm0, $0xFFFFFFFF, v7  }
0x4d4: {  	vm0 =	vlt.f32 v19, v10;
	[tilespmem:$0x1D690] =	vst v7;
	v7 =	vimm.s32 $0x0  }
0x4d5: {  	v7 =	vsel vm0, $0xFFFFFFFF, v7  }
0x4d6: {  	vm0 =	vlt.f32 v19, v11;
	[tilespmem:$0x1D6B0] =	vst v7;
	v7 =	vimm.s32 $0x0  }
0x4d7: {  	v7 =	vsel vm0, $0xFFFFFFFF, v7  }
0x4d8: {  	vm0 =	vlt.f32 v19, v12;
	[tilespmem:$0x1D6D0] =	vst v7;
	v7 =	vimm.s32 $0x0  }
0x4d9: {  	v7 =	vsel vm0, $0xFFFFFFFF, v7  }
0x4da: {  	vm0 =	vlt.f32 v19, v13;
	[tilespmem:$0x1D6F0] =	vst v7;
	v7 =	vimm.s32 $0x0  }
0x4db: {  	v7 =	vsel vm0, $0xFFFFFFFF, v7  }
0x4dc: {  	v23 =	vbroadcast v17, $0xD;
	vm0 =	vlt.f32 v19, v14;
	[tilespmem:$0x1D710] =	vst v7;
	v7 =	vimm.s32 $0x0  }
0x4dd: {  	v7 =	vsel vm0, $0xFFFFFFFF, v7  }
0x4de: {  	vm0 =	vlt.f32 v23, v9;
	[tilespmem:$0x1D730] =	vst v7;
	v7 =	vimm.s32 $0x0  }
0x4df: {  	v7 =	vsel vm0, $0xFFFFFFFF, v7  }
0x4e0: {  	vm0 =	vlt.f32 v19, v15;
	[tilespmem:$0x1D770] =	vst v7;
	v7 =	vimm.s32 $0x0  }
0x4e1: {  	v7 =	vsel vm0, $0xFFFFFFFF, v7  }
0x4e2: {  	vm0 =	vlt.f32 v19, v16;
	[tilespmem:$0x1D750] =	vst v7;
	v7 =	vimm.s32 $0x0  }
0x4e3: {  	v7 =	vsel vm0, $0xFFFFFFFF, v7  }
0x4e4: {  	vm0 =	veq.f32 v24, v9;
	[tilespmem:$0x1D7B0] =	vst v7;
	v7 =	vimm.s32 $0x0  }
0x4e5: {  	v7 =	vsel vm0, $0xFFFFFFFF, v7  }
0x4e6: {  	vm0 =	vlt.f32 v24, v10;
	[tilespmem:$0x1C780] =	vst v7;
	v7 =	vimm.s32 $0x0  }
0x4e7: {  	v7 =	vsel vm0, $0xFFFFFFFF, v7  }
0x4e8: {  	vm0 =	vlt.f32 v24, v11;
	[tilespmem:$0x1D790] =	vst v7;
	v7 =	vimm.s32 $0x0  }
0x4e9: {  	v7 =	vsel vm0, $0xFFFFFFFF, v7  }
0x4ea: {  	vm0 =	vlt.f32 v24, v12;
	[tilespmem:$0x1D7D0] =	vst v7;
	v7 =	vimm.s32 $0x0  }
0x4eb: {  	v7 =	vsel vm0, $0xFFFFFFFF, v7  }
0x4ec: {  	vm0 =	vlt.f32 v24, v13;
	[tilespmem:$0x1D7F0] =	vst v7;
	v7 =	vimm.s32 $0x0  }
0x4ed: {  	v7 =	vsel vm0, $0xFFFFFFFF, v7  }
0x4ee: {  	vm0 =	vlt.f32 v24, v14;
	[tilespmem:$0x1D810] =	vst v7;
	v7 =	vimm.s32 $0x0  }
0x4ef: {  	v7 =	vsel vm0, $0xFFFFFFFF, v7  }
0x4f0: {  	vm0 =	vlt.f32 v24, v15;
	[tilespmem:$0x1D830] =	vst v7;
	v7 =	vimm.s32 $0x0  }
0x4f1: {  	v7 =	vsel vm0, $0xFFFFFFFF, v7  }
0x4f2: {  	vm0 =	vlt.f32 v24, v16;
	[tilespmem:$0x1D850] =	vst v7;
	v7 =	vimm.s32 $0x0  }
0x4f3: {  	v7 =	vsel vm0, $0xFFFFFFFF, v7  }
0x4f4: {  	vm0 =	veq.f32 v19, v10;
	[tilespmem:$0x1D870] =	vst v7;
	v7 =	vimm.s32 $0x0  }
0x4f5: {  	v7 =	vsel vm0, $0xFFFFFFFF, v7  }
0x4f6: {  	vm0 =	veq.f32 v19, v11;
	[tilespmem:$0x1C7A0] =	vst v7;
	v7 =	vimm.s32 $0x0  }
0x4f7: {  	v7 =	vsel vm0, $0xFFFFFFFF, v7  }
0x4f8: {  	vm0 =	veq.f32 v19, v12;
	[tilespmem:$0x1C7C0] =	vst v7;
	v7 =	vimm.s32 $0x0  }
0x4f9: {  	v7 =	vsel vm0, $0xFFFFFFFF, v7  }
0x4fa: {  	vm0 =	veq.f32 v19, v13;
	[tilespmem:$0x1C7D0] =	vst v7;
	v7 =	vimm.s32 $0x0  }
0x4fb: {  	v7 =	vsel vm0, $0xFFFFFFFF, v7  }
0x4fc: {  	vm0 =	veq.f32 v19, v14;
	[tilespmem:$0x1C7E0] =	vst v7;
	v7 =	vimm.s32 $0x0  }
0x4fd: {  	v7 =	vsel vm0, $0xFFFFFFFF, v7  }
0x4fe: {  	vm0 =	veq.f32 v19, v15;
	[tilespmem:$0x1C7F0] =	vst v7;
	v7 =	vimm.s32 $0x0  }
0x4ff: {  	v7 =	vsel vm0, $0xFFFFFFFF, v7  }
0x500: {  	v25 =	vbroadcast v17, $0xC;
	vm0 =	veq.f32 v19, v16;
	[tilespmem:$0x1C820] =	vst v7;
	v7 =	vimm.s32 $0x0  }
0x501: {  	v7 =	vsel vm0, $0xFFFFFFFF, v7  }
0x502: {  	vm0 =	vlt.f32 v25, v9;
	[tilespmem:$0x1C830] =	vst v7;
	v7 =	vimm.s32 $0x0  }
0x503: {  	v7 =	vsel vm0, $0xFFFFFFFF, v7  }
0x504: {  	vm0 =	veq.f32 v23, v9;
	[tilespmem:$0x1D880] =	vst v7;
	v7 =	vimm.s32 $0x0  }
0x505: {  	v7 =	vsel vm0, $0xFFFFFFFF, v7  }
0x506: {  	vm0 =	vlt.f32 v23, v10;
	[tilespmem:$0x1C810] =	vst v7;
	v7 =	vimm.s32 $0x0  }
0x507: {  	v7 =	vsel vm0, $0xFFFFFFFF, v7  }
0x508: {  	vm0 =	vlt.f32 v23, v11;
	[tilespmem:$0x1D8A0] =	vst v7;
	v7 =	vimm.s32 $0x0  }
0x509: {  	v7 =	vsel vm0, $0xFFFFFFFF, v7  }
0x50a: {  	vm0 =	vlt.f32 v23, v12;
	[tilespmem:$0x1D8C0] =	vst v7;
	v7 =	vimm.s32 $0x0  }
0x50b: {  	v7 =	vsel vm0, $0xFFFFFFFF, v7  }
0x50c: {  	vm0 =	vlt.f32 v23, v13;
	[tilespmem:$0x1D8E0] =	vst v7;
	v7 =	vimm.s32 $0x0  }
0x50d: {  	v7 =	vsel vm0, $0xFFFFFFFF, v7  }
0x50e: {  	vm0 =	vlt.f32 v23, v14;
	[tilespmem:$0x1D900] =	vst v7;
	v7 =	vimm.s32 $0x0  }
0x50f: {  	v7 =	vsel vm0, $0xFFFFFFFF, v7  }
0x510: {  	vm0 =	vlt.f32 v23, v15;
	[tilespmem:$0x1D920] =	vst v7;
	v7 =	vimm.s32 $0x0  }
0x511: {  	v7 =	vsel vm0, $0xFFFFFFFF, v7  }
0x512: {  	vm0 =	vlt.f32 v23, v16;
	[tilespmem:$0x1D950] =	vst v7;
	v7 =	vimm.s32 $0x0  }
0x513: {  	v7 =	vsel vm0, $0xFFFFFFFF, v7  }
0x514: {  	vm0 =	veq.f32 v24, v10;
	[tilespmem:$0x1D970] =	vst v7;
	v7 =	vimm.s32 $0x0  }
0x515: {  	v7 =	vsel vm0, $0xFFFFFFFF, v7  }
0x516: {  	vm0 =	veq.f32 v24, v11;
	[tilespmem:$0x1C850] =	vst v7;
	v7 =	vimm.s32 $0x0  }
0x517: {  	v7 =	vsel vm0, $0xFFFFFFFF, v7  }
0x518: {  	vm0 =	veq.f32 v24, v12;
	[tilespmem:$0x1C870] =	vst v7;
	v7 =	vimm.s32 $0x0  }
0x519: {  	v7 =	vsel vm0, $0xFFFFFFFF, v7  }
0x51a: {  	vm0 =	veq.f32 v24, v13;
	[tilespmem:$0x1C890] =	vst v7;
	v7 =	vimm.s32 $0x0  }
0x51b: {  	v7 =	vsel vm0, $0xFFFFFFFF, v7  }
0x51c: {  	vm0 =	veq.f32 v24, v14;
	[tilespmem:$0x1C8B0] =	vst v7;
	v7 =	vimm.s32 $0x0  }
0x51d: {  	v7 =	vsel vm0, $0xFFFFFFFF, v7  }
0x51e: {  	v22 =	vbroadcast v17, $0xB;
	vm0 =	veq.f32 v24, v15;
	[tilespmem:$0x1C8D0] =	vst v7;
	v7 =	vimm.s32 $0x0  }
0x51f: {  	v7 =	vsel vm0, $0xFFFFFFFF, v7  }
0x520: {  	vm0 =	vlt.f32 v22, v9;
	[tilespmem:$0x1C8F0] =	vst v7;
	v7 =	vimm.s32 $0x0  }
0x521: {  	v7 =	vsel vm0, $0xFFFFFFFF, v7  }
0x522: {  	vm0 =	veq.f32 v25, v9;
	[tilespmem:$0x1D940] =	vst v7;
	v7 =	vimm.s32 $0x0  }
0x523: {  	v7 =	vsel vm0, $0xFFFFFFFF, v7  }
0x524: {  	vm0 =	veq.f32 v24, v16;
	[tilespmem:$0x1C910] =	vst v7;
	v7 =	vimm.s32 $0x0  }
0x525: {  	v7 =	vsel vm0, $0xFFFFFFFF, v7  }
0x526: {  	vm0 =	vlt.f32 v25, v10;
	[tilespmem:$0x1C950] =	vst v7;
	v7 =	vimm.s32 $0x0  }
0x527: {  	v7 =	vsel vm0, $0xFFFFFFFF, v7  }
0x528: {  	vm0 =	vlt.f32 v25, v11;
	[tilespmem:$0x1D990] =	vst v7;
	v7 =	vimm.s32 $0x0  }
0x529: {  	v7 =	vsel vm0, $0xFFFFFFFF, v7  }
0x52a: {  	vm0 =	vlt.f32 v25, v12;
	[tilespmem:$0x1D9B0] =	vst v7;
	v7 =	vimm.s32 $0x0  }
0x52b: {  	v7 =	vsel vm0, $0xFFFFFFFF, v7  }
0x52c: {  	vm0 =	vlt.f32 v25, v13;
	[tilespmem:$0x1D9D0] =	vst v7;
	v7 =	vimm.s32 $0x0  }
0x52d: {  	v7 =	vsel vm0, $0xFFFFFFFF, v7  }
0x52e: {  	vm0 =	vlt.f32 v25, v14;
	[tilespmem:$0x1D9F0] =	vst v7;
	v7 =	vimm.s32 $0x0  }
0x52f: {  	v7 =	vsel vm0, $0xFFFFFFFF, v7  }
0x530: {  	vm0 =	vlt.f32 v25, v15;
	[tilespmem:$0x1DA10] =	vst v7;
	v7 =	vimm.s32 $0x0  }
0x531: {  	v7 =	vsel vm0, $0xFFFFFFFF, v7  }
0x532: {  	vm0 =	vlt.f32 v25, v16;
	[tilespmem:$0x1DA30] =	vst v7;
	v7 =	vimm.s32 $0x0  }
0x533: {  	v7 =	vsel vm0, $0xFFFFFFFF, v7  }
0x534: {  	vm0 =	veq.f32 v23, v10;
	[tilespmem:$0x1DA80] =	vst v7;
	v7 =	vimm.s32 $0x0  }
0x535: {  	v7 =	vsel vm0, $0xFFFFFFFF, v7  }
0x536: {  	vm0 =	veq.f32 v23, v11;
	[tilespmem:$0x1C930] =	vst v7;
	v7 =	vimm.s32 $0x0  }
0x537: {  	v7 =	vsel vm0, $0xFFFFFFFF, v7  }
0x538: {  	vm0 =	veq.f32 v23, v12;
	[tilespmem:$0x1C970] =	vst v7;
	v7 =	vimm.s32 $0x0  }
0x539: {  	v7 =	vsel vm0, $0xFFFFFFFF, v7  }
0x53a: {  	vm0 =	veq.f32 v23, v13;
	[tilespmem:$0x1C990] =	vst v7;
	v7 =	vimm.s32 $0x0  }
0x53b: {  	vm11 =	vlt.u32 v21, v49;
	v7 =	vsel vm0, $0xFFFFFFFF, v7  }
0x53c: {  	v21 =	vbroadcast v17, $0xA;
	vm0 =	veq.f32 v23, v14;
	[tilespmem:$0x1C9B0] =	vst v7;
	v7 =	vimm.s32 $0x0  }
0x53d: {  	v7 =	vsel vm0, $0xFFFFFFFF, v7  }
0x53e: {  	vm0 =	vlt.f32 v21, v9;
	[tilespmem:$0x1C9D0] =	vst v7;
	v7 =	vimm.s32 $0x0  }
0x53f: {  	v7 =	vsel vm0, $0xFFFFFFFF, v7  }
0x540: {  	vm0 =	veq.f32 v23, v15;
	[tilespmem:$0x1DA50] =	vst v7;
	v7 =	vimm.s32 $0x0  }
0x541: {  	v7 =	vsel vm0, $0xFFFFFFFF, v7  }
0x542: {  	vm0 =	veq.f32 v23, v16;
	[tilespmem:$0x1C9F0] =	vst v7;
	v7 =	vimm.s32 $0x0  }
0x543: {  	v7 =	vsel vm0, $0xFFFFFFFF, v7  }
0x544: {  	vm0 =	veq.f32 v22, v9;
	[tilespmem:$0x1CA10] =	vst v7;
	v7 =	vimm.s32 $0x0  }
0x545: {  	v7 =	vsel vm0, $0xFFFFFFFF, v7  }
0x546: {  	vm0 =	vlt.f32 v22, v10;
	[tilespmem:$0x1CA20] =	vst v7;
	v7 =	vimm.s32 $0x0  }
0x547: {  	v7 =	vsel vm0, $0xFFFFFFFF, v7  }
0x548: {  	vm0 =	vlt.f32 v22, v11;
	[tilespmem:$0x1DA70] =	vst v7;
	v7 =	vimm.s32 $0x0  }
0x549: {  	v7 =	vsel vm0, $0xFFFFFFFF, v7  }
0x54a: {  	vm0 =	vlt.f32 v22, v12;
	[tilespmem:$0x1DAA0] =	vst v7;
	v7 =	vimm.s32 $0x0  }
0x54b: {  	v7 =	vsel vm0, $0xFFFFFFFF, v7  }
0x54c: {  	vm0 =	vlt.f32 v22, v13;
	[tilespmem:$0x1DAC0] =	vst v7;
	v7 =	vimm.s32 $0x0  }
0x54d: {  	v7 =	vsel vm0, $0xFFFFFFFF, v7  }
0x54e: {  	vm0 =	vlt.f32 v22, v14;
	[tilespmem:$0x1DAE0] =	vst v7;
	v7 =	vimm.s32 $0x0  }
0x54f: {  	v7 =	vsel vm0, $0xFFFFFFFF, v7  }
0x550: {  	vm0 =	vlt.f32 v22, v15;
	[tilespmem:$0x1DB00] =	vst v7;
	v7 =	vimm.s32 $0x0  }
0x551: {  	v7 =	vsel vm0, $0xFFFFFFFF, v7  }
0x552: {  	vm0 =	vlt.f32 v22, v16;
	[tilespmem:$0x1DB20] =	vst v7;
	v7 =	vimm.s32 $0x0  }
0x553: {  	v7 =	vsel vm0, $0xFFFFFFFF, v7  }
0x554: {  	vm0 =	veq.f32 v25, v10;
	[tilespmem:$0x1DB40] =	vst v7;
	v7 =	vimm.s32 $0x0  }
0x555: {  	v7 =	vsel vm0, $0xFFFFFFFF, v7  }
0x556: {  	vm0 =	veq.f32 v25, v11;
	[tilespmem:$0x1CA40] =	vst v7;
	v7 =	vimm.s32 $0x0  }
0x557: {  	v7 =	vsel vm0, $0xFFFFFFFF, v7  }
0x558: {  	vm0 =	veq.f32 v25, v12;
	[tilespmem:$0x1CA60] =	vst v7;
	v7 =	vimm.s32 $0x0  }
0x559: {  	v7 =	vsel vm0, $0xFFFFFFFF, v7  }
0x55a: {  	vm0 =	veq.f32 v25, v13;
	[tilespmem:$0x1CA80] =	vst v7;
	v7 =	vimm.s32 $0x0  }
0x55b: {  	v7 =	vsel vm0, $0xFFFFFFFF, v7  }
0x55c: {  	vm0 =	veq.f32 v25, v14;
	[tilespmem:$0x1CAA0] =	vst v7;
	v7 =	vimm.s32 $0x0  }
0x55d: {  	v7 =	vsel vm0, $0xFFFFFFFF, v7  }
0x55e: {  	vm0 =	veq.f32 v25, v15;
	[tilespmem:$0x1CAC0] =	vst v7;
	v7 =	vimm.s32 $0x0  }
0x55f: {  	v7 =	vsel vm0, $0xFFFFFFFF, v7  }
0x560: {  	v8 =	vbroadcast v17, $0x9;
	vm0 =	veq.f32 v25, v16;
	[tilespmem:$0x1CB00] =	vst v7;
	v7 =	vimm.s32 $0x0  }
0x561: {  	v7 =	vsel vm0, $0xFFFFFFFF, v7  }
0x562: {  	vm0 =	vlt.f32 v8, v9;
	[tilespmem:$0x1CB20] =	vst v7;
	v7 =	vimm.s32 $0x0  }
0x563: {  	v7 =	vsel vm0, $0xFFFFFFFF, v7  }
0x564: {  	vm0 =	veq.f32 v21, v9;
	[tilespmem:$0x1DB50] =	vst v7;
	v7 =	vimm.s32 $0x0  }
0x565: {  	v7 =	vsel vm0, $0xFFFFFFFF, v7  }
0x566: {  	vm0 =	vlt.f32 v21, v10;
	[tilespmem:$0x1CAE0] =	vst v7;
	v7 =	vimm.s32 $0x0  }
0x567: {  	v7 =	vsel vm0, $0xFFFFFFFF, v7  }
0x568: {  	vm0 =	vlt.f32 v21, v11;
	[tilespmem:$0x1DB70] =	vst v7;
	v7 =	vimm.s32 $0x0  }
0x569: {  	v7 =	vsel vm0, $0xFFFFFFFF, v7  }
0x56a: {  	vm0 =	vlt.f32 v21, v12;
	[tilespmem:$0x1DB90] =	vst v7;
	v7 =	vimm.s32 $0x0  }
0x56b: {  	v7 =	vsel vm0, $0xFFFFFFFF, v7  }
0x56c: {  	vm0 =	vlt.f32 v21, v13;
	[tilespmem:$0x1DBB0] =	vst v7;
	v7 =	vimm.s32 $0x0  }
0x56d: {  	v7 =	vsel vm0, $0xFFFFFFFF, v7  }
0x56e: {  	vm0 =	vlt.f32 v21, v14;
	[tilespmem:$0x1DBD0] =	vst v7;
	v7 =	vimm.s32 $0x0  }
0x56f: {  	v7 =	vsel vm0, $0xFFFFFFFF, v7  }
0x570: {  	vm0 =	vlt.f32 v21, v15;
	[tilespmem:$0x1DBF0] =	vst v7;
	v7 =	vimm.s32 $0x0  }
0x571: {  	v7 =	vsel vm0, $0xFFFFFFFF, v7  }
0x572: {  	vm0 =	vlt.f32 v21, v16;
	[tilespmem:$0x1DC20] =	vst v7;
	v7 =	vimm.s32 $0x0  }
0x573: {  	v7 =	vsel vm0, $0xFFFFFFFF, v7  }
0x574: {  	vm0 =	veq.f32 v22, v10;
	[tilespmem:$0x1DC40] =	vst v7;
	v7 =	vimm.s32 $0x0  }
0x575: {  	v7 =	vsel vm0, $0xFFFFFFFF, v7  }
0x576: {  	vm0 =	veq.f32 v22, v11;
	[tilespmem:$0x1CB40] =	vst v7;
	v7 =	vimm.s32 $0x0  }
0x577: {  	v7 =	vsel vm0, $0xFFFFFFFF, v7  }
0x578: {  	vm0 =	veq.f32 v22, v12;
	[tilespmem:$0x1CB60] =	vst v7;
	v7 =	vimm.s32 $0x0  }
0x579: {  	v7 =	vsel vm0, $0xFFFFFFFF, v7  }
0x57a: {  	vm0 =	veq.f32 v22, v13;
	[tilespmem:$0x1CB80] =	vst v7;
	v7 =	vimm.s32 $0x0  }
0x57b: {  	v7 =	vsel vm0, $0xFFFFFFFF, v7  }
0x57c: {  	vm0 =	veq.f32 v22, v14;
	[tilespmem:$0x1CBA0] =	vst v7;
	v7 =	vimm.s32 $0x0  }
0x57d: {  	v7 =	vsel vm0, $0xFFFFFFFF, v7  }
0x57e: {  	v6 =	vbroadcast v17, $0x8;
	vm0 =	veq.f32 v22, v15;
	[tilespmem:$0x1CBC0] =	vst v7;
	v7 =	vimm.s32 $0x0  }
0x57f: {  	v7 =	vsel vm0, $0xFFFFFFFF, v7  }
0x580: {  	vm0 =	vlt.f32 v6, v9;
	[tilespmem:$0x1CBE0] =	vst v7;
	v7 =	vimm.s32 $0x0  }
0x581: {  	v7 =	vsel vm0, $0xFFFFFFFF, v7  }
0x582: {  	vm0 =	veq.f32 v8, v9;
	[tilespmem:$0x1DC10] =	vst v7;
	v7 =	vimm.s32 $0x0  }
0x583: {  	v7 =	vsel vm0, $0xFFFFFFFF, v7  }
0x584: {  	vm0 =	veq.f32 v22, v16;
	[tilespmem:$0x1CBF0] =	vst v7;
	v7 =	vimm.s32 $0x0  }
0x585: {  	v7 =	vsel vm0, $0xFFFFFFFF, v7  }
0x586: {  	vm0 =	vlt.f32 v8, v10;
	[tilespmem:$0x1CC30] =	vst v7;
	v7 =	vimm.s32 $0x0  }
0x587: {  	v7 =	vsel vm0, $0xFFFFFFFF, v7  }
0x588: {  	vm0 =	vlt.f32 v8, v11;
	[tilespmem:$0x1DC60] =	vst v7;
	v7 =	vimm.s32 $0x0  }
0x589: {  	v7 =	vsel vm0, $0xFFFFFFFF, v7  }
0x58a: {  	vm0 =	vlt.f32 v8, v12;
	[tilespmem:$0x1DC80] =	vst v7;
	v7 =	vimm.s32 $0x0  }
0x58b: {  	v7 =	vsel vm0, $0xFFFFFFFF, v7  }
0x58c: {  	vm0 =	vlt.f32 v8, v13;
	[tilespmem:$0x1DCA0] =	vst v7;
	v7 =	vimm.s32 $0x0  }
0x58d: {  	v7 =	vsel vm0, $0xFFFFFFFF, v7  }
0x58e: {  	vm0 =	vlt.f32 v8, v14;
	[tilespmem:$0x1DCC0] =	vst v7;
	v7 =	vimm.s32 $0x0  }
0x58f: {  	v7 =	vsel vm0, $0xFFFFFFFF, v7  }
0x590: {  	vm0 =	vlt.f32 v8, v15;
	[tilespmem:$0x1DCE0] =	vst v7;
	v7 =	vimm.s32 $0x0  }
0x591: {  	v7 =	vsel vm0, $0xFFFFFFFF, v7  }
0x592: {  	vm0 =	vlt.f32 v8, v16;
	[tilespmem:$0x1DD00] =	vst v7;
	v7 =	vimm.s32 $0x0  }
0x593: {  	v7 =	vsel vm0, $0xFFFFFFFF, v7  }
0x594: {  	vm0 =	veq.f32 v21, v10;
	[tilespmem:$0x1DD40] =	vst v7;
	v7 =	vimm.s32 $0x0  }
0x595: {  	v7 =	vsel vm0, $0xFFFFFFFF, v7  }
0x596: {  	vm0 =	veq.f32 v21, v11;
	[tilespmem:$0x1CC10] =	vst v7;
	v7 =	vimm.s32 $0x0  }
0x597: {  	v7 =	vsel vm0, $0xFFFFFFFF, v7  }
0x598: {  	vm0 =	veq.f32 v21, v12;
	[tilespmem:$0x1CC50] =	vst v7;
	v7 =	vimm.s32 $0x0  }
0x599: {  	v7 =	vsel vm0, $0xFFFFFFFF, v7  }
0x59a: {  	vm0 =	veq.f32 v21, v13;
	[tilespmem:$0x1CC70] =	vst v7;
	v7 =	vimm.s32 $0x0  }
0x59b: {  	vm15 =	vlt.u32 v5, v49;
	v7 =	vsel vm0, $0xFFFFFFFF, v7  }
0x59c: {  	v5 =	vbroadcast v17, $0x7;
	vm0 =	veq.f32 v21, v14;
	[tilespmem:$0x1CC90] =	vst v7;
	v7 =	vimm.s32 $0x0  }
0x59d: {  	v7 =	vsel vm0, $0xFFFFFFFF, v7  }
0x59e: {  	vm0 =	vlt.f32 v5, v9;
	[tilespmem:$0x1CCB0] =	vst v7;
	v7 =	vimm.s32 $0x0  }
0x59f: {  	v7 =	vsel vm0, $0xFFFFFFFF, v7  }
0x5a0: {  	vm0 =	veq.f32 v21, v15;
	[tilespmem:$0x1DD10] =	vst v7;
	v7 =	vimm.s32 $0x0  }
0x5a1: {  	v7 =	vsel vm0, $0xFFFFFFFF, v7  }
0x5a2: {  	vm0 =	veq.f32 v21, v16;
	[tilespmem:$0x1CCD0] =	vst v7;
	v7 =	vimm.s32 $0x0  }
0x5a3: {  	v7 =	vsel vm0, $0xFFFFFFFF, v7  }
0x5a4: {  	vm0 =	veq.f32 v6, v9;
	[tilespmem:$0x1CCF0] =	vst v7;
	v7 =	vimm.s32 $0x0  }
0x5a5: {  	v7 =	vsel vm0, $0xFFFFFFFF, v7  }
0x5a6: {  	vm0 =	vlt.f32 v6, v10;
	[tilespmem:$0x1CD00] =	vst v7;
	v7 =	vimm.s32 $0x0  }
0x5a7: {  	v7 =	vsel vm0, $0xFFFFFFFF, v7  }
0x5a8: {  	vm0 =	vlt.f32 v6, v11;
	[tilespmem:$0x1DD30] =	vst v7;
	v7 =	vimm.s32 $0x0  }
0x5a9: {  	v7 =	vsel vm0, $0xFFFFFFFF, v7  }
0x5aa: {  	vm0 =	vlt.f32 v6, v12;
	[tilespmem:$0x1DD60] =	vst v7;
	v7 =	vimm.s32 $0x0  }
0x5ab: {  	v7 =	vsel vm0, $0xFFFFFFFF, v7  }
0x5ac: {  	vm0 =	vlt.f32 v6, v13;
	[tilespmem:$0x1DD80] =	vst v7;
	v7 =	vimm.s32 $0x0  }
0x5ad: {  	v7 =	vsel vm0, $0xFFFFFFFF, v7  }
0x5ae: {  	vm0 =	vlt.f32 v6, v14;
	[tilespmem:$0x1DDA0] =	vst v7;
	v7 =	vimm.s32 $0x0  }
0x5af: {  	v7 =	vsel vm0, $0xFFFFFFFF, v7  }
0x5b0: {  	vm0 =	vlt.f32 v6, v15;
	[tilespmem:$0x1DDC0] =	vst v7;
	v7 =	vimm.s32 $0x0  }
0x5b1: {  	v7 =	vsel vm0, $0xFFFFFFFF, v7  }
0x5b2: {  	vm0 =	vlt.f32 v6, v16;
	[tilespmem:$0x1DDE0] =	vst v7;
	v7 =	vimm.s32 $0x0  }
0x5b3: {  	v7 =	vsel vm0, $0xFFFFFFFF, v7  }
0x5b4: {  	vm0 =	veq.f32 v8, v10;
	[tilespmem:$0x1DE00] =	vst v7;
	v7 =	vimm.s32 $0x0  }
0x5b5: {  	v7 =	vsel vm0, $0xFFFFFFFF, v7  }
0x5b6: {  	vm0 =	veq.f32 v8, v11;
	[tilespmem:$0x1CD10] =	vst v7;
	v7 =	vimm.s32 $0x0  }
0x5b7: {  	v7 =	vsel vm0, $0xFFFFFFFF, v7  }
0x5b8: {  	vm0 =	veq.f32 v8, v12;
	[tilespmem:$0x1CD30] =	vst v7;
	v7 =	vimm.s32 $0x0  }
0x5b9: {  	v7 =	vsel vm0, $0xFFFFFFFF, v7  }
0x5ba: {  	vm0 =	veq.f32 v8, v13;
	[tilespmem:$0x1CD50] =	vst v7;
	v7 =	vimm.s32 $0x0  }
0x5bb: {  	v7 =	vsel vm0, $0xFFFFFFFF, v7  }
0x5bc: {  	vm0 =	veq.f32 v8, v14;
	[tilespmem:$0x1CD70] =	vst v7;
	v7 =	vimm.s32 $0x0  }
0x5bd: {  	v7 =	vsel vm0, $0xFFFFFFFF, v7  }
0x5be: {  	vm0 =	veq.f32 v8, v15;
	[tilespmem:$0x1CD90] =	vst v7;
	v7 =	vimm.s32 $0x0  }
0x5bf: {  	[tilespmem:$0x1D390] =	vst v4;
	v7 =	vsel vm0, $0xFFFFFFFF, v7  }
0x5c0: {  	v4 =	vbroadcast v17, $0x6;
	vm0 =	veq.f32 v8, v16;
	[tilespmem:$0x1CDD0] =	vst v7;
	v7 =	vimm.s32 $0x0  }
0x5c1: {  	v7 =	vsel vm0, $0xFFFFFFFF, v7  }
0x5c2: {  	vm0 =	vlt.f32 v4, v9;
	[tilespmem:$0x1CDF0] =	vst v7;
	v7 =	vimm.s32 $0x0  }
0x5c3: {  	v7 =	vsel vm0, $0xFFFFFFFF, v7  }
0x5c4: {  	vm0 =	veq.f32 v5, v9;
	[tilespmem:$0x1DE10] =	vst v7;
	v7 =	vimm.s32 $0x0  }
0x5c5: {  	v7 =	vsel vm0, $0xFFFFFFFF, v7  }
0x5c6: {  	vm0 =	vlt.f32 v5, v10;
	[tilespmem:$0x1CDB0] =	vst v7;
	v7 =	vimm.s32 $0x0  }
0x5c7: {  	v7 =	vsel vm0, $0xFFFFFFFF, v7  }
0x5c8: {  	vm0 =	vlt.f32 v5, v11;
	[tilespmem:$0x1DE30] =	vst v7;
	v7 =	vimm.s32 $0x0  }
0x5c9: {  	v7 =	vsel vm0, $0xFFFFFFFF, v7  }
0x5ca: {  	vm0 =	vlt.f32 v5, v12;
	[tilespmem:$0x1DE50] =	vst v7;
	v7 =	vimm.s32 $0x0  }
0x5cb: {  	v7 =	vsel vm0, $0xFFFFFFFF, v7  }
0x5cc: {  	vm0 =	vlt.f32 v5, v13;
	[tilespmem:$0x1DE70] =	vst v7;
	v7 =	vimm.s32 $0x0  }
0x5cd: {  	v7 =	vsel vm0, $0xFFFFFFFF, v7  }
0x5ce: {  	vm0 =	vlt.f32 v5, v14;
	[tilespmem:$0x1DE90] =	vst v7;
	v7 =	vimm.s32 $0x0  }
0x5cf: {  	v7 =	vsel vm0, $0xFFFFFFFF, v7  }
0x5d0: {  	vm0 =	vlt.f32 v5, v15;
	[tilespmem:$0x1DEB0] =	vst v7;
	v7 =	vimm.s32 $0x0  }
0x5d1: {  	v7 =	vsel vm0, $0xFFFFFFFF, v7  }
0x5d2: {  	vm0 =	vlt.f32 v5, v16;
	[tilespmem:$0x1DEE0] =	vst v7;
	v7 =	vimm.s32 $0x0  }
0x5d3: {  	v7 =	vsel vm0, $0xFFFFFFFF, v7  }
0x5d4: {  	vm0 =	veq.f32 v6, v10;
	[tilespmem:$0x1DF00] =	vst v7;
	v7 =	vimm.s32 $0x0  }
0x5d5: {  	v7 =	vsel vm0, $0xFFFFFFFF, v7  }
0x5d6: {  	vm0 =	veq.f32 v6, v11;
	[tilespmem:$0x1CE10] =	vst v7;
	v7 =	vimm.s32 $0x0  }
0x5d7: {  	v7 =	vsel vm0, $0xFFFFFFFF, v7  }
0x5d8: {  	vm0 =	veq.f32 v6, v12;
	[tilespmem:$0x1CE30] =	vst v7;
	v7 =	vimm.s32 $0x0  }
0x5d9: {  	v7 =	vsel vm0, $0xFFFFFFFF, v7  }
0x5da: {  	vm0 =	veq.f32 v6, v13;
	[tilespmem:$0x1CE50] =	vst v7;
	v7 =	vimm.s32 $0x0  }
0x5db: {  	v7 =	vsel vm0, $0xFFFFFFFF, v7  }
0x5dc: {  	vm0 =	veq.f32 v6, v14;
	[tilespmem:$0x1CE70] =	vst v7;
	v7 =	vimm.s32 $0x0  }
0x5dd: {  	[tilespmem:$0x1D470] =	vst v3;
	v7 =	vsel vm0, $0xFFFFFFFF, v7  }
0x5de: {  	v3 =	vbroadcast v17, $0x5;
	vm0 =	veq.f32 v6, v15;
	[tilespmem:$0x1CE90] =	vst v7;
	v7 =	vimm.s32 $0x0  }
0x5df: {  	v7 =	vsel vm0, $0xFFFFFFFF, v7  }
0x5e0: {  	vm0 =	vlt.f32 v3, v9;
	[tilespmem:$0x1CEB0] =	vst v7;
	v7 =	vimm.s32 $0x0  }
0x5e1: {  	v7 =	vsel vm0, $0xFFFFFFFF, v7  }
0x5e2: {  	vm0 =	veq.f32 v4, v9;
	[tilespmem:$0x1DED0] =	vst v7;
	v7 =	vimm.s32 $0x0  }
0x5e3: {  	v7 =	vsel vm0, $0xFFFFFFFF, v7;
	vm0 =	veq.f32 v6, v16;
	v6 =	vimm.s32 $0x0  }
0x5e4: {  	v6 =	vsel vm0, $0xFFFFFFFF, v6  }
0x5e5: {  	vm0 =	vlt.f32 v4, v10;
	[tilespmem:$0x1CF00] =	vst v6;
	v6 =	vimm.s32 $0x0  }
0x5e6: {  	v6 =	vsel vm0, $0xFFFFFFFF, v6  }
0x5e7: {  	vm0 =	vlt.f32 v4, v11;
	[tilespmem:$0x1DF20] =	vst v6;
	v6 =	vimm.s32 $0x0  }
0x5e8: {  	v6 =	vsel vm0, $0xFFFFFFFF, v6  }
0x5e9: {  	vm0 =	vlt.f32 v4, v12;
	[tilespmem:$0x1DF40] =	vst v6;
	v6 =	vimm.s32 $0x0  }
0x5ea: {  	v6 =	vsel vm0, $0xFFFFFFFF, v6  }
0x5eb: {  	vm0 =	vlt.f32 v4, v13;
	[tilespmem:$0x1DF60] =	vst v6;
	v6 =	vimm.s32 $0x0  }
0x5ec: {  	v6 =	vsel vm0, $0xFFFFFFFF, v6  }
0x5ed: {  	vm0 =	vlt.f32 v4, v14;
	[tilespmem:$0x1DF80] =	vst v6;
	v6 =	vimm.s32 $0x0  }
0x5ee: {  	v6 =	vsel vm0, $0xFFFFFFFF, v6  }
0x5ef: {  	vm0 =	vlt.f32 v4, v15;
	[tilespmem:$0x1DFA0] =	vst v6;
	v6 =	vimm.s32 $0x0  }
0x5f0: {  	v6 =	vsel vm0, $0xFFFFFFFF, v6  }
0x5f1: {  	vm0 =	vlt.f32 v4, v16;
	[tilespmem:$0x1DFC0] =	vst v6;
	v6 =	vimm.s32 $0x0  }
0x5f2: {  	v6 =	vsel vm0, $0xFFFFFFFF, v6  }
0x5f3: {  	vm0 =	veq.f32 v5, v10;
	[tilespmem:$0x1E000] =	vst v6;
	v6 =	vimm.s32 $0x0  }
0x5f4: {  	v6 =	vsel vm0, $0xFFFFFFFF, v6  }
0x5f5: {  	vm0 =	veq.f32 v5, v11;
	[tilespmem:$0x1CEE0] =	vst v6;
	v6 =	vimm.s32 $0x0  }
0x5f6: {  	v6 =	vsel vm0, $0xFFFFFFFF, v6  }
0x5f7: {  	vm0 =	veq.f32 v5, v12;
	[tilespmem:$0x1CF20] =	vst v6;
	v6 =	vimm.s32 $0x0  }
0x5f8: {  	v6 =	vsel vm0, $0xFFFFFFFF, v6  }
0x5f9: {  	vm0 =	veq.f32 v5, v13;
	[tilespmem:$0x1CF40] =	vst v6;
	v6 =	vimm.s32 $0x0  }
0x5fa: {  	[tilespmem:$0x1D580] =	vst v2;
	v6 =	vsel vm0, $0xFFFFFFFF, v6  }
0x5fb: {  	v2 =	vbroadcast v17, $0x4;
	vm0 =	veq.f32 v5, v14;
	[tilespmem:$0x1CF60] =	vst v6;
	v6 =	vimm.s32 $0x0  }
0x5fc: {  	v6 =	vsel vm0, $0xFFFFFFFF, v6  }
0x5fd: {  	vm0 =	vlt.f32 v2, v9;
	[tilespmem:$0x1CF80] =	vst v6;
	v6 =	vimm.s32 $0x0  }
0x5fe: {  	v6 =	vsel vm0, $0xFFFFFFFF, v6  }
0x5ff: {  	vm0 =	veq.f32 v5, v15;
	[tilespmem:$0x1DFD0] =	vst v6;
	v6 =	vimm.s32 $0x0  }
0x600: {  	v6 =	vsel vm0, $0xFFFFFFFF, v6;
	vm0 =	veq.f32 v5, v16;
	v5 =	vimm.s32 $0x0  }
0x601: {  	v5 =	vsel vm0, $0xFFFFFFFF, v5  }
0x602: {  	vm0 =	veq.f32 v3, v9;
	[tilespmem:$0x1CFC0] =	vst v5;
	v5 =	vimm.s32 $0x0  }
0x603: {  	v5 =	vsel vm0, $0xFFFFFFFF, v5  }
0x604: {  	vm0 =	vlt.f32 v3, v10;
	[tilespmem:$0x1CFD0] =	vst v5;
	v5 =	vimm.s32 $0x0  }
0x605: {  	v5 =	vsel vm0, $0xFFFFFFFF, v5  }
0x606: {  	vm0 =	vlt.f32 v3, v11;
	[tilespmem:$0x1DFF0] =	vst v5;
	v5 =	vimm.s32 $0x0  }
0x607: {  	v5 =	vsel vm0, $0xFFFFFFFF, v5  }
0x608: {  	vm0 =	vlt.f32 v3, v12;
	[tilespmem:$0x1E020] =	vst v5;
	v5 =	vimm.s32 $0x0  }
0x609: {  	v5 =	vsel vm0, $0xFFFFFFFF, v5  }
0x60a: {  	vm0 =	vlt.f32 v3, v13;
	[tilespmem:$0x1E040] =	vst v5;
	v5 =	vimm.s32 $0x0  }
0x60b: {  	v5 =	vsel vm0, $0xFFFFFFFF, v5  }
0x60c: {  	vm0 =	vlt.f32 v3, v14;
	[tilespmem:$0x1E060] =	vst v5;
	v5 =	vimm.s32 $0x0  }
0x60d: {  	v5 =	vsel vm0, $0xFFFFFFFF, v5  }
0x60e: {  	vm0 =	vlt.f32 v3, v15;
	[tilespmem:$0x1E080] =	vst v5;
	v5 =	vimm.s32 $0x0  }
0x60f: {  	v5 =	vsel vm0, $0xFFFFFFFF, v5  }
0x610: {  	vm0 =	vlt.f32 v3, v16;
	[tilespmem:$0x1E0A0] =	vst v5;
	v5 =	vimm.s32 $0x0  }
0x611: {  	v5 =	vsel vm0, $0xFFFFFFFF, v5  }
0x612: {  	vm0 =	veq.f32 v4, v10;
	[tilespmem:$0x1E0C0] =	vst v5;
	v5 =	vimm.s32 $0x0  }
0x613: {  	v5 =	vsel vm0, $0xFFFFFFFF, v5  }
0x614: {  	vm0 =	veq.f32 v4, v11;
	[tilespmem:$0x1CFF0] =	vst v5;
	v5 =	vimm.s32 $0x0  }
0x615: {  	v5 =	vsel vm0, $0xFFFFFFFF, v5  }
0x616: {  	vm0 =	veq.f32 v4, v12;
	[tilespmem:$0x1D010] =	vst v5;
	v5 =	vimm.s32 $0x0  }
0x617: {  	v5 =	vsel vm0, $0xFFFFFFFF, v5  }
0x618: {  	vm0 =	veq.f32 v4, v13;
	[tilespmem:$0x1D030] =	vst v5;
	v5 =	vimm.s32 $0x0  }
0x619: {  	v5 =	vsel vm0, $0xFFFFFFFF, v5  }
0x61a: {  	vm0 =	veq.f32 v4, v14;
	[tilespmem:$0x1D050] =	vst v5;
	v5 =	vimm.s32 $0x0  }
0x61b: {  	vm9 =	vlt.u32 v20, v49;
	vm12 =	vlt.u32 v20, v58;
	v5 =	vsel vm0, $0xFFFFFFFF, v5  }
0x61c: {  	v20 =	vbroadcast v17, $0x3;
	vm0 =	veq.f32 v4, v15;
	[tilespmem:$0x1D070] =	vst v5;
	v5 =	vimm.s32 $0x0  }
0x61d: {  	v5 =	vsel vm0, $0xFFFFFFFF, v5;
	vm0 =	veq.f32 v4, v16;
	v4 =	vimm.s32 $0x0  }
0x61e: {  	v4 =	vsel vm0, $0xFFFFFFFF, v4  }
0x61f: {  	vm0 =	vlt.f32 v20, v9;
	[tilespmem:$0x1D0D0] =	vst v4;
	v4 =	vimm.s32 $0x0  }
0x620: {  	v4 =	vsel vm0, $0xFFFFFFFF, v4  }
0x621: {  	vm0 =	veq.f32 v2, v9;
	[tilespmem:$0x1E0D0] =	vst v4;
	v4 =	vimm.s32 $0x0  }
0x622: {  	[tilespmem:$0x1D650] =	vst v0;
	v4 =	vsel vm0, $0xFFFFFFFF, v4  }
0x623: {  	vm0 =	vlt.f32 v2, v10;
	[tilespmem:$0x1D090] =	vst v4;
	v4 =	vimm.s32 $0x0  }
0x624: {  	[tilespmem:$0x1CEC0] =	vst v7;
	v4 =	vsel vm0, $0xFFFFFFFF, v4  }
0x625: {  	vm0 =	vlt.f32 v2, v11;
	[tilespmem:$0x1E0F0] =	vst v4;
	v4 =	vimm.s32 $0x0  }
0x626: {  	[tilespmem:$0x1CFA0] =	vst v6;
	v4 =	vsel vm0, $0xFFFFFFFF, v4  }
0x627: {  	vm0 =	vlt.f32 v2, v12;
	[tilespmem:$0x1E110] =	vst v4;
	v4 =	vimm.s32 $0x0  }
0x628: {  	[tilespmem:$0x1D0B0] =	vst v5;
	v4 =	vsel vm0, $0xFFFFFFFF, v4  }
0x629: {  	vm0 =	vlt.f32 v2, v13;
	[tilespmem:$0x1E130] =	vst v4;
	v4 =	vimm.s32 $0x0  }
0x62a: {  	v4 =	vsel vm0, $0xFFFFFFFF, v4  }
0x62b: {  	vm0 =	vlt.f32 v2, v14;
	[tilespmem:$0x1E150] =	vst v4;
	v4 =	vimm.s32 $0x0  }
0x62c: {  	v4 =	vsel vm0, $0xFFFFFFFF, v4  }
0x62d: {  	vm0 =	vlt.f32 v2, v15;
	[tilespmem:$0x1E170] =	vst v4;
	v4 =	vimm.s32 $0x0  }
0x62e: {  	v4 =	vsel vm0, $0xFFFFFFFF, v4  }
0x62f: {  	vm0 =	vlt.f32 v2, v16;
	[tilespmem:$0x1E1A0] =	vst v4;
	v4 =	vimm.s32 $0x0  }
0x630: {  	v4 =	vsel vm0, $0xFFFFFFFF, v4  }
0x631: {  	vm0 =	veq.f32 v3, v10;
	[tilespmem:$0x1E1C0] =	vst v4;
	v4 =	vimm.s32 $0x0  }
0x632: {  	v4 =	vsel vm0, $0xFFFFFFFF, v4  }
0x633: {  	vm0 =	veq.f32 v3, v11;
	[tilespmem:$0x1D0F0] =	vst v4;
	v4 =	vimm.s32 $0x0  }
0x634: {  	v4 =	vsel vm0, $0xFFFFFFFF, v4  }
0x635: {  	vm0 =	veq.f32 v3, v12;
	[tilespmem:$0x1D110] =	vst v4;
	v4 =	vimm.s32 $0x0  }
0x636: {  	v4 =	vsel vm0, $0xFFFFFFFF, v4  }
0x637: {  	vm0 =	veq.f32 v3, v13;
	[tilespmem:$0x1D130] =	vst v4;
	v4 =	vimm.s32 $0x0  }
0x638: {  	v4 =	vsel vm0, $0xFFFFFFFF, v4  }
0x639: {  	vm0 =	veq.f32 v3, v14;
	[tilespmem:$0x1D150] =	vst v4;
	v4 =	vimm.s32 $0x0  }
0x63a: {  	vm13 =	vlt.u32 v18, v49;
	vm14 =	vlt.u32 v18, v50;
	v4 =	vsel vm0, $0xFFFFFFFF, v4  }
0x63b: {  	v18 =	vbroadcast v17, $0x2;
	vm0 =	veq.f32 v3, v15;
	[tilespmem:$0x1D170] =	vst v4;
	v4 =	vimm.s32 $0x0  }
0x63c: {  	v4 =	vsel vm0, $0xFFFFFFFF, v4  }
0x63d: {  	vm0 =	vlt.f32 v18, v9;
	[tilespmem:$0x1D190] =	vst v4;
	v4 =	vimm.s32 $0x0  }
0x63e: {  	v4 =	vsel vm0, $0xFFFFFFFF, v4  }
0x63f: {  	vm0 =	veq.f32 v20, v9;
	[tilespmem:$0x1E190] =	vst v4;
	v4 =	vimm.s32 $0x0  }
0x640: {  	v4 =	vsel vm0, $0xFFFFFFFF, v4;
	vm0 =	veq.f32 v3, v16;
	v3 =	vimm.s32 $0x0  }
0x641: {  	v3 =	vsel vm0, $0xFFFFFFFF, v3  }
0x642: {  	vm0 =	vlt.f32 v20, v10;
	[tilespmem:$0x1D1E0] =	vst v3;
	v3 =	vimm.s32 $0x0  }
0x643: {  	v3 =	vsel vm0, $0xFFFFFFFF, v3  }
0x644: {  	vm0 =	vlt.f32 v20, v11;
	[tilespmem:$0x1E1E0] =	vst v3;
	v3 =	vimm.s32 $0x0  }
0x645: {  	v3 =	vsel vm0, $0xFFFFFFFF, v3  }
0x646: {  	vm0 =	vlt.f32 v20, v12;
	[tilespmem:$0x1E200] =	vst v3;
	v3 =	vimm.s32 $0x0  }
0x647: {  	v3 =	vsel vm0, $0xFFFFFFFF, v3  }
0x648: {  	vm0 =	vlt.f32 v20, v13;
	[tilespmem:$0x1E220] =	vst v3;
	v3 =	vimm.s32 $0x0  }
0x649: {  	v3 =	vsel vm0, $0xFFFFFFFF, v3  }
0x64a: {  	vm0 =	vlt.f32 v20, v14;
	[tilespmem:$0x1E240] =	vst v3;
	v3 =	vimm.s32 $0x0  }
0x64b: {  	v3 =	vsel vm0, $0xFFFFFFFF, v3  }
0x64c: {  	vm0 =	vlt.f32 v20, v15;
	[tilespmem:$0x1E260] =	vst v3;
	v3 =	vimm.s32 $0x0  }
0x64d: {  	v3 =	vsel vm0, $0xFFFFFFFF, v3  }
0x64e: {  	vm0 =	vlt.f32 v20, v16;
	[tilespmem:$0x1E280] =	vst v3;
	v3 =	vimm.s32 $0x0  }
0x64f: {  	v3 =	vsel vm0, $0xFFFFFFFF, v3  }
0x650: {  	vm0 =	veq.f32 v2, v10;
	[tilespmem:$0x1E2E0] =	vst v3;
	v3 =	vimm.s32 $0x0  }
0x651: {  	v3 =	vsel vm0, $0xFFFFFFFF, v3  }
0x652: {  	vm0 =	veq.f32 v2, v11;
	[tilespmem:$0x1D1D0] =	vst v3;
	v3 =	vimm.s32 $0x0  }
0x653: {  	v3 =	vsel vm0, $0xFFFFFFFF, v3  }
0x654: {  	vm0 =	veq.f32 v2, v12;
	[tilespmem:$0x1D200] =	vst v3;
	v3 =	vimm.s32 $0x0  }
0x655: {  	v3 =	vsel vm0, $0xFFFFFFFF, v3  }
0x656: {  	vm0 =	veq.f32 v2, v13;
	[tilespmem:$0x1D220] =	vst v3;
	v3 =	vimm.s32 $0x0  }
0x657: {  	v0 =	vbroadcast v17, $0x0;
	v3 =	vsel vm0, $0xFFFFFFFF, v3  }
0x658: {  	v17 =	vbroadcast v17, $0x1;
	vm0 =	veq.f32 v2, v14;
	[tilespmem:$0x1D240] =	vst v3;
	v3 =	vimm.s32 $0x0  }
0x659: {  	v3 =	vsel vm0, $0xFFFFFFFF, v3  }
0x65a: {  	vm0 =	vlt.f32 v17, v9;
	[tilespmem:$0x1D260] =	vst v3;
	v3 =	vimm.s32 $0x0  }
0x65b: {  	v3 =	vsel vm0, $0xFFFFFFFF, v3  }
0x65c: {  	vm0 =	veq.f32 v2, v15;
	[tilespmem:$0x1E2A0] =	vst v3;
	v3 =	vimm.s32 $0x0  }
0x65d: {  	v3 =	vsel vm0, $0xFFFFFFFF, v3;
	vm0 =	veq.f32 v2, v16;
	v2 =	vimm.s32 $0x0  }
0x65e: {  	v2 =	vsel vm0, $0xFFFFFFFF, v2  }
0x65f: {  	vm0 =	veq.f32 v18, v9;
	[tilespmem:$0x1D2A0] =	vst v2;
	v2 =	vimm.s32 $0x0  }
0x660: {  	v2 =	vsel vm0, $0xFFFFFFFF, v2  }
0x661: {  	vm0 =	vlt.f32 v18, v10;
	[tilespmem:$0x1D2C0] =	vst v2;
	v2 =	vimm.s32 $0x0  }
0x662: {  	v2 =	vsel vm0, $0xFFFFFFFF, v2  }
0x663: {  	vm0 =	vlt.f32 v18, v11;
	[tilespmem:$0x1E2C0] =	vst v2;
	v2 =	vimm.s32 $0x0  }
0x664: {  	v2 =	vsel vm0, $0xFFFFFFFF, v2  }
0x665: {  	vm0 =	vlt.f32 v18, v12;
	[tilespmem:$0x1E300] =	vst v2;
	v2 =	vimm.s32 $0x0  }
0x666: {  	v2 =	vsel vm0, $0xFFFFFFFF, v2  }
0x667: {  	vm0 =	vlt.f32 v18, v13;
	[tilespmem:$0x1E320] =	vst v2;
	v2 =	vimm.s32 $0x0  }
0x668: {  	v2 =	vsel vm0, $0xFFFFFFFF, v2  }
0x669: {  	vm0 =	vlt.f32 v18, v14;
	[tilespmem:$0x1E340] =	vst v2;
	v2 =	vimm.s32 $0x0  }
0x66a: {  	v2 =	vsel vm0, $0xFFFFFFFF, v2  }
0x66b: {  	vm0 =	vlt.f32 v18, v15;
	[tilespmem:$0x1E360] =	vst v2;
	v2 =	vimm.s32 $0x0  }
0x66c: {  	v2 =	vsel vm0, $0xFFFFFFFF, v2  }
0x66d: {  	vm0 =	vlt.f32 v18, v16;
	[tilespmem:$0x1E380] =	vst v2;
	v2 =	vimm.s32 $0x0  }
0x66e: {  	v2 =	vsel vm0, $0xFFFFFFFF, v2  }
0x66f: {  	vm0 =	veq.f32 v20, v10;
	[tilespmem:$0x1E3A0] =	vst v2;
	v2 =	vimm.s32 $0x0  }
0x670: {  	v2 =	vsel vm0, $0xFFFFFFFF, v2  }
0x671: {  	vm0 =	veq.f32 v20, v11;
	[tilespmem:$0x1D2E0] =	vst v2;
	v2 =	vimm.s32 $0x0  }
0x672: {  	v2 =	vsel vm0, $0xFFFFFFFF, v2  }
0x673: {  	vm0 =	veq.f32 v20, v12;
	[tilespmem:$0x1D300] =	vst v2;
	v2 =	vimm.s32 $0x0  }
0x674: {  	v2 =	vsel vm0, $0xFFFFFFFF, v2  }
0x675: {  	vm0 =	veq.f32 v20, v13;
	[tilespmem:$0x1D320] =	vst v2;
	v2 =	vimm.s32 $0x0  }
0x676: {  	v2 =	vsel vm0, $0xFFFFFFFF, v2  }
0x677: {  	vm0 =	veq.f32 v20, v14;
	[tilespmem:$0x1D340] =	vst v2;
	v2 =	vimm.s32 $0x0  }
0x678: {  	v2 =	vsel vm0, $0xFFFFFFFF, v2  }
0x679: {  	vm0 =	veq.f32 v20, v15;
	[tilespmem:$0x1D360] =	vst v2;
	v2 =	vimm.s32 $0x0  }
0x67a: {  	v2 =	vsel vm0, $0xFFFFFFFF, v2  }
0x67b: {  	vm0 =	veq.f32 v20, v16;
	[tilespmem:$0x1D3A0] =	vst v2;
	v2 =	vimm.s32 $0x0  }
0x67c: {  	v2 =	vsel vm0, $0xFFFFFFFF, v2  }
0x67d: {  	vm0 =	vlt.f32 v0, v9;
	[tilespmem:$0x1D3C0] =	vst v2;
	v2 =	vimm.s32 $0x0  }
0x67e: {  	v2 =	vsel vm0, $0xFFFFFFFF, v2  }
0x67f: {  	vm0 =	veq.f32 v17, v9;
	[tilespmem:$0x1E3C0] =	vst v2;
	v2 =	vimm.s32 $0x0  }
0x680: {  	v2 =	vsel vm0, $0xFFFFFFFF, v2  }
0x681: {  	vm0 =	vlt.f32 v17, v10;
	[tilespmem:$0x1D380] =	vst v2;
	v2 =	vimm.s32 $0x0  }
0x682: {  	v2 =	vsel vm0, $0xFFFFFFFF, v2  }
0x683: {  	vm0 =	vlt.f32 v17, v11;
	[tilespmem:$0x1E3E0] =	vst v2;
	v2 =	vimm.s32 $0x0  }
0x684: {  	v2 =	vsel vm0, $0xFFFFFFFF, v2  }
0x685: {  	vm0 =	vlt.f32 v17, v12;
	[tilespmem:$0x1E400] =	vst v2;
	v2 =	vimm.s32 $0x0  }
0x686: {  	v2 =	vsel vm0, $0xFFFFFFFF, v2  }
0x687: {  	vm0 =	vlt.f32 v17, v13;
	[tilespmem:$0x1E420] =	vst v2;
	v2 =	vimm.s32 $0x0  }
0x688: {  	v2 =	vsel vm0, $0xFFFFFFFF, v2  }
0x689: {  	vm0 =	vlt.f32 v17, v14;
	[tilespmem:$0x1E440] =	vst v2;
	v2 =	vimm.s32 $0x0  }
0x68a: {  	v2 =	vsel vm0, $0xFFFFFFFF, v2  }
0x68b: {  	vm0 =	vlt.f32 v17, v15;
	[tilespmem:$0x1E460] =	vst v2;
	v2 =	vimm.s32 $0x0  }
0x68c: {  	v2 =	vsel vm0, $0xFFFFFFFF, v2  }
0x68d: {  	vm0 =	vlt.f32 v17, v16;
	[tilespmem:$0x1E4A0] =	vst v2;
	v2 =	vimm.s32 $0x0  }
0x68e: {  	v2 =	vsel vm0, $0xFFFFFFFF, v2  }
0x68f: {  	vm0 =	veq.f32 v18, v10;
	[tilespmem:$0x1E4C0] =	vst v2;
	v2 =	vimm.s32 $0x0  }
0x690: {  	v2 =	vsel vm0, $0xFFFFFFFF, v2  }
0x691: {  	vm0 =	veq.f32 v18, v11;
	[tilespmem:$0x1D3E0] =	vst v2;
	v2 =	vimm.s32 $0x0  }
0x692: {  	v2 =	vsel vm0, $0xFFFFFFFF, v2  }
0x693: {  	vm0 =	veq.f32 v18, v12;
	[tilespmem:$0x1D400] =	vst v2;
	v2 =	vimm.s32 $0x0  }
0x694: {  	v2 =	vsel vm0, $0xFFFFFFFF, v2  }
0x695: {  	vm0 =	veq.f32 v18, v13;
	[tilespmem:$0x1D420] =	vst v2;
	v2 =	vimm.s32 $0x0  }
0x696: {  	v2 =	vsel vm0, $0xFFFFFFFF, v2  }
0x697: {  	vm0 =	veq.f32 v18, v14;
	[tilespmem:$0x1D440] =	vst v2;
	v2 =	vimm.s32 $0x0  }
0x698: {  	v2 =	vsel vm0, $0xFFFFFFFF, v2  }
0x699: {  	vm0 =	veq.f32 v18, v15;
	[tilespmem:$0x1D460] =	vst v2;
	v2 =	vimm.s32 $0x0  }
0x69a: {  	v2 =	vsel vm0, $0xFFFFFFFF, v2  }
0x69b: {  	vm0 =	veq.f32 v0, v9;
	[tilespmem:$0x1D480] =	vst v2;
	v2 =	vimm.s32 $0x0  }
0x69c: {  	v2 =	vsel vm0, $0xFFFFFFFF, v2  }
0x69d: {  	vm0 =	veq.f32 v18, v16;
	[tilespmem:$0x1D4A0] =	vst v2;
	v2 =	vimm.s32 $0x0  }
0x69e: {  	v2 =	vsel vm0, $0xFFFFFFFF, v2  }
0x69f: {  	vm0 =	vlt.f32 v19, v9;
	[tilespmem:$0x1D4C0] =	vst v2;
	v2 =	vimm.s32 $0x0  }
0x6a0: {  	v2 =	vsel vm0, $0xFFFFFFFF, v2  }
0x6a1: {  	vm0 =	vlt.f32 v0, v10;
	[tilespmem:$0x1D4D0] =	vst v2;
	v2 =	vimm.s32 $0x0  }
0x6a2: {  	v2 =	vsel vm0, $0xFFFFFFFF, v2  }
0x6a3: {  	vm0 =	vlt.f32 v0, v11;
	[tilespmem:$0x1E480] =	vst v2;
	v2 =	vimm.s32 $0x0  }
0x6a4: {  	v2 =	vsel vm0, $0xFFFFFFFF, v2  }
0x6a5: {  	vm0 =	vlt.f32 v0, v12;
	[tilespmem:$0x1E4E0] =	vst v2;
	v2 =	vimm.s32 $0x0  }
0x6a6: {  	v2 =	vsel vm0, $0xFFFFFFFF, v2  }
0x6a7: {  	vm0 =	vlt.f32 v0, v13;
	[tilespmem:$0x1E500] =	vst v2;
	v2 =	vimm.s32 $0x0  }
0x6a8: {  	v2 =	vsel vm0, $0xFFFFFFFF, v2  }
0x6a9: {  	vm0 =	vlt.f32 v0, v14;
	[tilespmem:$0x1E520] =	vst v2;
	v2 =	vimm.s32 $0x0  }
0x6aa: {  	v2 =	vsel vm0, $0xFFFFFFFF, v2  }
0x6ab: {  	vm0 =	vlt.f32 v0, v15;
	[tilespmem:$0x1E540] =	vst v2;
	v2 =	vimm.s32 $0x0  }
0x6ac: {  	v2 =	vsel vm0, $0xFFFFFFFF, v2  }
0x6ad: {  	vm0 =	vlt.f32 v0, v16;
	[tilespmem:$0x1E560] =	vst v2;
	v2 =	vimm.s32 $0x0  }
0x6ae: {  	v2 =	vsel vm0, $0xFFFFFFFF, v2  }
0x6af: {  	vm0 =	veq.f32 v17, v10;
	[tilespmem:$0x1E580] =	vst v2;
	v2 =	vimm.s32 $0x0  }
0x6b0: {  	v2 =	vsel vm0, $0xFFFFFFFF, v2  }
0x6b1: {  	vm0 =	veq.f32 v17, v11;
	[tilespmem:$0x1D4F0] =	vst v2;
	v2 =	vimm.s32 $0x0  }
0x6b2: {  	v2 =	vsel vm0, $0xFFFFFFFF, v2  }
0x6b3: {  	vm0 =	veq.f32 v17, v12;
	[tilespmem:$0x1D510] =	vst v2;
	v2 =	vimm.s32 $0x0  }
0x6b4: {  	v2 =	vsel vm0, $0xFFFFFFFF, v2  }
0x6b5: {  	vm0 =	veq.f32 v17, v13;
	[tilespmem:$0x1D530] =	vst v2;
	v2 =	vimm.s32 $0x0  }
0x6b6: {  	v2 =	vsel vm0, $0xFFFFFFFF, v2  }
0x6b7: {  	vm0 =	veq.f32 v17, v14;
	[tilespmem:$0x1D550] =	vst v2;
	v2 =	vimm.s32 $0x0  }
0x6b8: {  	v2 =	vsel vm0, $0xFFFFFFFF, v2  }
0x6b9: {  	vm0 =	veq.f32 v0, v10;
	[tilespmem:$0x1D570] =	vst v2;
	v2 =	vimm.s32 $0x0  }
0x6ba: {  	v2 =	vsel vm0, $0xFFFFFFFF, v2  }
0x6bb: {  	vm0 =	veq.f32 v17, v15;
	[tilespmem:$0x1D5B0] =	vst v2;
	v2 =	vimm.s32 $0x0  }
0x6bc: {  	v2 =	vsel vm0, $0xFFFFFFFF, v2  }
0x6bd: {  	vm0 =	veq.f32 v17, v16;
	[tilespmem:$0x1D590] =	vst v2;
	v2 =	vimm.s32 $0x0  }
0x6be: {  	v2 =	vsel vm0, $0xFFFFFFFF, v2  }
0x6bf: {  	vm0 =	veq.f32 v0, v12;
	[tilespmem:$0x1D5E0] =	vst v2;
	v2 =	vimm.s32 $0x0  }
0x6c0: {  	v2 =	vsel vm0, $0xFFFFFFFF, v2  }
0x6c1: {  	vm0 =	veq.f32 v0, v13;
	[tilespmem:$0x1D600] =	vst v2;
	v2 =	vimm.s32 $0x0  }
0x6c2: {  	v2 =	vsel vm0, $0xFFFFFFFF, v2  }
0x6c3: {  	vm0 =	veq.f32 v0, v14;
	[tilespmem:$0x1D620] =	vst v2;
	v2 =	vimm.s32 $0x0  }
0x6c4: {  	v2 =	vsel vm0, $0xFFFFFFFF, v2  }
0x6c5: {  	vm2 =	veq.f32 v0, v11;
	vm0 =	veq.f32 v0, v15;
	[tilespmem:$0x1D640] =	vst v2;
	v2 =	vimm.s32 $0x0  }
0x6c6: {  	v2 =	vsel vm0, $0xFFFFFFFF, v2;
	vm0 =	veq.f32 v0, v16;
	v0 =	vimm.s32 $0x0  }
0x6c7: {  	v0 =	vsel vm0, $0xFFFFFFFF, v0  }
0x6c8: {  	[tilespmem:$0x1D680] =	vst v0;
	v0 =	vld [tilespmem:$0x1C770];
	_ =	sdelay $0x4  }
0x6c9: {  	vm1 =	vnez.u8 v0;
	v0 =	vld [tilespmem:$0x1C780];
	_ =	sdelay $0x4  }
0x6ca: {  	vm3 =	vnez.u8 v0  }
0x6cb: {  	v0 =	vimm.s32 $0x0;
	vm0 =	vmand vm1, vm3  }
0x6cc: {  	v0 =	vsel vm0, $0xFFFFFFFF, v0  }
0x6cd: {  	[tilespmem:$0x1D6A0] =	vst v0;
	v0 =	vld [tilespmem:$0x1C790];
	_ =	sdelay $0x4  }
0x6ce: {  	vm1 =	vnez.u8 v0;
	v0 =	vld [tilespmem:$0x1C7A0];
	_ =	sdelay $0x4  }
0x6cf: {  	vm3 =	vnez.u8 v0  }
0x6d0: {  	v0 =	vimm.s32 $0x0;
	vm0 =	vmand vm1, vm3  }
0x6d1: {  	v0 =	vsel vm0, $0xFFFFFFFF, v0  }
0x6d2: {  	[tilespmem:$0x1D6C0] =	vst v0;
	v0 =	vld [tilespmem:$0x1C7B0];
	_ =	sdelay $0x4  }
0x6d3: {  	vm1 =	vnez.u8 v0;
	v0 =	vld [tilespmem:$0x1C7C0];
	_ =	sdelay $0x4  }
0x6d4: {  	vm3 =	vnez.u8 v0  }
0x6d5: {  	v0 =	vimm.s32 $0x0;
	vm0 =	vmand vm1, vm3  }
0x6d6: {  	v0 =	vsel vm0, $0xFFFFFFFF, v0  }
0x6d7: {  	[tilespmem:$0x1D6E0] =	vst v0;
	v0 =	vld [tilespmem:$0x1C7D0];
	_ =	sdelay $0x4  }
0x6d8: {  	vm1 =	vnez.u8 v0  }
0x6d9: {  	v0 =	vimm.s32 $0x0;
	vm4 =	vmand vm4, vm1  }
0x6da: {  	v0 =	vsel vm4, $0xFFFFFFFF, v0  }
0x6db: {  	[tilespmem:$0x1D700] =	vst v0;
	v0 =	vld [tilespmem:$0x1C7E0];
	_ =	sdelay $0x4  }
0x6dc: {  	vm4 =	vnez.u8 v0  }
0x6dd: {  	v0 =	vimm.s32 $0x0;
	vm5 =	vmand vm5, vm4  }
0x6de: {  	v0 =	vsel vm5, $0xFFFFFFFF, v0  }
0x6df: {  	[tilespmem:$0x1D720] =	vst v0;
	v0 =	vld [tilespmem:$0x1C7F0];
	_ =	sdelay $0x4  }
0x6e0: {  	vm4 =	vnez.u8 v0  }
0x6e1: {  	v0 =	vimm.s32 $0x0;
	vm5 =	vmand vm6, vm4  }
0x6e2: {  	v0 =	vsel vm5, $0xFFFFFFFF, v0  }
0x6e3: {  	[tilespmem:$0x1D740] =	vst v0;
	v0 =	vld [tilespmem:$0x1C800];
	_ =	sdelay $0x4  }
0x6e4: {  	vm1 =	vnez.u8 v0;
	v0 =	vld [tilespmem:$0x1C810];
	_ =	sdelay $0x4  }
0x6e5: {  	vm6 =	vnez.u8 v0  }
0x6e6: {  	v0 =	vimm.s32 $0x0;
	vm5 =	vmand vm1, vm6  }
0x6e7: {  	v0 =	vsel vm5, $0xFFFFFFFF, v0  }
0x6e8: {  	[tilespmem:$0x1D780] =	vst v0;
	v0 =	vld [tilespmem:$0x1C820];
	_ =	sdelay $0x4  }
0x6e9: {  	vm6 =	vnez.u8 v0  }
0x6ea: {  	v0 =	vimm.s32 $0x0;
	vm4 =	vmand vm7, vm6  }
0x6eb: {  	v0 =	vsel vm4, $0xFFFFFFFF, v0  }
0x6ec: {  	[tilespmem:$0x1D760] =	vst v0;
	v0 =	vld [tilespmem:$0x1C830];
	_ =	sdelay $0x4  }
0x6ed: {  	vm5 =	vnez.u8 v0  }
0x6ee: {  	v0 =	vimm.s32 $0x0;
	vm6 =	vmand vm8, vm5  }
0x6ef: {  	v0 =	vsel vm6, $0xFFFFFFFF, v0  }
0x6f0: {  	[tilespmem:$0x1D7C0] =	vst v0;
	v0 =	vld [tilespmem:$0x1C840];
	_ =	sdelay $0x4  }
0x6f1: {  	vm7 =	vnez.u8 v0;
	v0 =	vld [tilespmem:$0x1C850];
	_ =	sdelay $0x4  }
0x6f2: {  	vm8 =	vnez.u8 v0  }
0x6f3: {  	v0 =	vimm.s32 $0x0;
	vm6 =	vmand vm7, vm8  }
0x6f4: {  	v0 =	vsel vm6, $0xFFFFFFFF, v0  }
0x6f5: {  	[tilespmem:$0x1D7A0] =	vst v0;
	v0 =	vld [tilespmem:$0x1C860];
	_ =	sdelay $0x4  }
0x6f6: {  	vm7 =	vnez.u8 v0;
	v0 =	vld [tilespmem:$0x1C870];
	_ =	sdelay $0x4  }
0x6f7: {  	vm8 =	vnez.u8 v0  }
0x6f8: {  	v0 =	vimm.s32 $0x0;
	vm6 =	vmand vm7, vm8  }
0x6f9: {  	v0 =	vsel vm6, $0xFFFFFFFF, v0  }
0x6fa: {  	[tilespmem:$0x1D7E0] =	vst v0;
	v0 =	vld [tilespmem:$0x1C880];
	_ =	sdelay $0x4  }
0x6fb: {  	vm7 =	vnez.u8 v0;
	v0 =	vld [tilespmem:$0x1C890];
	_ =	sdelay $0x4  }
0x6fc: {  	vm8 =	vnez.u8 v0  }
0x6fd: {  	v0 =	vimm.s32 $0x0;
	vm6 =	vmand vm7, vm8  }
0x6fe: {  	v0 =	vsel vm6, $0xFFFFFFFF, v0  }
0x6ff: {  	[tilespmem:$0x1D800] =	vst v0;
	v0 =	vld [tilespmem:$0x1C8A0];
	_ =	sdelay $0x4  }
0x700: {  	vm7 =	vnez.u8 v0;
	v0 =	vld [tilespmem:$0x1C8B0];
	_ =	sdelay $0x4  }
0x701: {  	vm8 =	vnez.u8 v0  }
0x702: {  	v0 =	vimm.s32 $0x0;
	vm6 =	vmand vm7, vm8  }
0x703: {  	v0 =	vsel vm6, $0xFFFFFFFF, v0  }
0x704: {  	[tilespmem:$0x1D820] =	vst v0;
	v0 =	vld [tilespmem:$0x1C8C0];
	_ =	sdelay $0x4  }
0x705: {  	vm7 =	vnez.u8 v0;
	v0 =	vld [tilespmem:$0x1C8D0];
	_ =	sdelay $0x4  }
0x706: {  	vm8 =	vnez.u8 v0  }
0x707: {  	v0 =	vimm.s32 $0x0;
	vm6 =	vmand vm7, vm8  }
0x708: {  	v0 =	vsel vm6, $0xFFFFFFFF, v0  }
0x709: {  	[tilespmem:$0x1D840] =	vst v0;
	v0 =	vld [tilespmem:$0x1C8E0];
	_ =	sdelay $0x4  }
0x70a: {  	vm7 =	vnez.u8 v0;
	v0 =	vld [tilespmem:$0x1C8F0];
	_ =	sdelay $0x4  }
0x70b: {  	vm8 =	vnez.u8 v0  }
0x70c: {  	v0 =	vimm.s32 $0x0;
	vm6 =	vmand vm7, vm8  }
0x70d: {  	v0 =	vsel vm6, $0xFFFFFFFF, v0  }
0x70e: {  	[tilespmem:$0x1D860] =	vst v0;
	v0 =	vld [tilespmem:$0x1C900];
	_ =	sdelay $0x4  }
0x70f: {  	vm7 =	vnez.u8 v0;
	v0 =	vld [tilespmem:$0x1C910];
	_ =	sdelay $0x4  }
0x710: {  	vm8 =	vnez.u8 v0  }
0x711: {  	v0 =	vimm.s32 $0x0;
	vm6 =	vmand vm7, vm8  }
0x712: {  	v0 =	vsel vm6, $0xFFFFFFFF, v0  }
0x713: {  	[tilespmem:$0x1D890] =	vst v0;
	v0 =	vld [tilespmem:$0x1C920];
	_ =	sdelay $0x4  }
0x714: {  	vm7 =	vnez.u8 v0;
	v0 =	vld [tilespmem:$0x1C930];
	_ =	sdelay $0x4  }
0x715: {  	vm8 =	vnez.u8 v0  }
0x716: {  	v0 =	vimm.s32 $0x0;
	vm5 =	vmand vm7, vm8  }
0x717: {  	v0 =	vsel vm5, $0xFFFFFFFF, v0  }
0x718: {  	[tilespmem:$0x1D8B0] =	vst v0;
	v0 =	vld [tilespmem:$0x1C940];
	_ =	sdelay $0x4  }
0x719: {  	vm6 =	vnez.u8 v0;
	v0 =	vld [tilespmem:$0x1C950];
	_ =	sdelay $0x4  }
0x71a: {  	vm7 =	vnez.u8 v0;
	v0 =	vld [tilespmem:$0x1C960];
	_ =	sdelay $0x4  }
0x71b: {  	vm8 =	vnez.u8 v0;
	v0 =	vld [tilespmem:$0x1C970];
	_ =	sdelay $0x4  }
0x71c: {  	vm5 =	vmand vm6, vm7;
	vm6 =	vnez.u8 v0  }
0x71d: {  	v0 =	vimm.s32 $0x0;
	vm7 =	vmand vm8, vm6  }
0x71e: {  	v0 =	vsel vm7, $0xFFFFFFFF, v0  }
0x71f: {  	[tilespmem:$0x1D8D0] =	vst v0;
	v0 =	vld [tilespmem:$0x1C980];
	_ =	sdelay $0x4  }
0x720: {  	vm8 =	vnez.u8 v0;
	v0 =	vld [tilespmem:$0x1C990];
	_ =	sdelay $0x4  }
0x721: {  	vm6 =	vnez.u8 v0  }
0x722: {  	v0 =	vimm.s32 $0x0;
	vm7 =	vmand vm8, vm6  }
0x723: {  	v0 =	vsel vm7, $0xFFFFFFFF, v0  }
0x724: {  	[tilespmem:$0x1D8F0] =	vst v0;
	v0 =	vld [tilespmem:$0x1C9A0];
	_ =	sdelay $0x4  }
0x725: {  	vm8 =	vnez.u8 v0;
	v0 =	vld [tilespmem:$0x1C9B0];
	_ =	sdelay $0x4  }
0x726: {  	vm6 =	vnez.u8 v0  }
0x727: {  	v0 =	vimm.s32 $0x0;
	vm7 =	vmand vm8, vm6  }
0x728: {  	v0 =	vsel vm7, $0xFFFFFFFF, v0  }
0x729: {  	[tilespmem:$0x1D910] =	vst v0;
	v0 =	vld [tilespmem:$0x1C9C0];
	_ =	sdelay $0x4  }
0x72a: {  	vm8 =	vnez.u8 v0;
	v0 =	vld [tilespmem:$0x1C9D0];
	_ =	sdelay $0x4  }
0x72b: {  	vm6 =	vnez.u8 v0  }
0x72c: {  	v0 =	vimm.s32 $0x0;
	vm7 =	vmand vm8, vm6  }
0x72d: {  	v0 =	vsel vm7, $0xFFFFFFFF, v0  }
0x72e: {  	[tilespmem:$0x1D930] =	vst v0;
	v0 =	vld [tilespmem:$0x1C9E0];
	_ =	sdelay $0x4  }
0x72f: {  	vm8 =	vnez.u8 v0;
	v0 =	vld [tilespmem:$0x1C9F0];
	_ =	sdelay $0x4  }
0x730: {  	vm6 =	vnez.u8 v0  }
0x731: {  	v0 =	vimm.s32 $0x0;
	vm7 =	vmand vm8, vm6  }
0x732: {  	v0 =	vsel vm7, $0xFFFFFFFF, v0  }
0x733: {  	[tilespmem:$0x1D960] =	vst v0;
	v0 =	vld [tilespmem:$0x1CA00];
	_ =	sdelay $0x4  }
0x734: {  	vm8 =	vnez.u8 v0;
	v0 =	vld [tilespmem:$0x1CA10];
	_ =	sdelay $0x4  }
0x735: {  	vm6 =	vnez.u8 v0  }
0x736: {  	v0 =	vimm.s32 $0x0;
	vm7 =	vmand vm8, vm6  }
0x737: {  	v0 =	vsel vm7, $0xFFFFFFFF, v0  }
0x738: {  	[tilespmem:$0x1D980] =	vst v0;
	v0 =	vld [tilespmem:$0x1CA20];
	_ =	sdelay $0x4  }
0x739: {  	vm8 =	vnez.u8 v0;
	v0 =	vld [tilespmem:$0x1CA30];
	_ =	sdelay $0x4  }
0x73a: {  	vm3 =	vmand vm15, vm8;
	vm15 =	vnez.u8 v0;
	v0 =	vld [tilespmem:$0x1CA40];
	_ =	sdelay $0x4  }
0x73b: {  	vm0 =	vnez.u8 v0  }
0x73c: {  	v0 =	vimm.s32 $0x0;
	vm8 =	vmand vm15, vm0  }
0x73d: {  	v0 =	vsel vm8, $0xFFFFFFFF, v0  }
0x73e: {  	[tilespmem:$0x1D9A0] =	vst v0;
	v0 =	vld [tilespmem:$0x1CA50];
	_ =	sdelay $0x4  }
0x73f: {  	vm15 =	vnez.u8 v0;
	v0 =	vld [tilespmem:$0x1CA60];
	_ =	sdelay $0x4  }
0x740: {  	vm0 =	vnez.u8 v0  }
0x741: {  	v0 =	vimm.s32 $0x0;
	vm8 =	vmand vm15, vm0  }
0x742: {  	v0 =	vsel vm8, $0xFFFFFFFF, v0  }
0x743: {  	[tilespmem:$0x1D9C0] =	vst v0;
	v0 =	vld [tilespmem:$0x1CA70];
	_ =	sdelay $0x4  }
0x744: {  	vm15 =	vnez.u8 v0;
	v0 =	vld [tilespmem:$0x1CA80];
	_ =	sdelay $0x4  }
0x745: {  	vm0 =	vnez.u8 v0  }
0x746: {  	v0 =	vimm.s32 $0x0;
	vm8 =	vmand vm15, vm0  }
0x747: {  	v0 =	vsel vm8, $0xFFFFFFFF, v0  }
0x748: {  	[tilespmem:$0x1D9E0] =	vst v0;
	v0 =	vld [tilespmem:$0x1CA90];
	_ =	sdelay $0x4  }
0x749: {  	vm15 =	vnez.u8 v0;
	v0 =	vld [tilespmem:$0x1CAA0];
	_ =	sdelay $0x4  }
0x74a: {  	vm0 =	vnez.u8 v0  }
0x74b: {  	v0 =	vimm.s32 $0x0;
	vm8 =	vmand vm15, vm0  }
0x74c: {  	v0 =	vsel vm8, $0xFFFFFFFF, v0  }
0x74d: {  	[tilespmem:$0x1DA00] =	vst v0;
	v0 =	vld [tilespmem:$0x1CAB0];
	_ =	sdelay $0x4  }
0x74e: {  	vm15 =	vnez.u8 v0;
	v0 =	vld [tilespmem:$0x1CAC0];
	_ =	sdelay $0x4  }
0x74f: {  	vm0 =	vnez.u8 v0  }
0x750: {  	v0 =	vimm.s32 $0x0;
	vm8 =	vmand vm15, vm0  }
0x751: {  	v0 =	vsel vm8, $0xFFFFFFFF, v0  }
0x752: {  	[tilespmem:$0x1DA20] =	vst v0;
	v0 =	vld [tilespmem:$0x1CAD0];
	_ =	sdelay $0x4  }
0x753: {  	vm15 =	vnez.u8 v0;
	v0 =	vld [tilespmem:$0x1CAE0];
	_ =	sdelay $0x4  }
0x754: {  	vm0 =	vnez.u8 v0  }
0x755: {  	v0 =	vimm.s32 $0x0;
	vm8 =	vmand vm15, vm0  }
0x756: {  	v0 =	vsel vm8, $0xFFFFFFFF, v0  }
0x757: {  	[tilespmem:$0x1DA60] =	vst v0;
	v0 =	vld [tilespmem:$0x1CAF0];
	_ =	sdelay $0x4  }
0x758: {  	vm15 =	vnez.u8 v0;
	v0 =	vld [tilespmem:$0x1CB00];
	_ =	sdelay $0x4  }
0x759: {  	vm0 =	vnez.u8 v0  }
0x75a: {  	v0 =	vimm.s32 $0x0;
	vm8 =	vmand vm15, vm0  }
0x75b: {  	v0 =	vsel vm8, $0xFFFFFFFF, v0  }
0x75c: {  	[tilespmem:$0x1DA40] =	vst v0;
	v0 =	vld [tilespmem:$0x1CB10];
	_ =	sdelay $0x4  }
0x75d: {  	vm15 =	vnez.u8 v0;
	v0 =	vld [tilespmem:$0x1CB20];
	_ =	sdelay $0x4  }
0x75e: {  	vm0 =	vnez.u8 v0  }
0x75f: {  	v0 =	vimm.s32 $0x0;
	vm8 =	vmand vm15, vm0  }
0x760: {  	v0 =	vsel vm8, $0xFFFFFFFF, v0  }
0x761: {  	[tilespmem:$0x1DA90] =	vst v0;
	v0 =	vld [tilespmem:$0x1CB30];
	_ =	sdelay $0x4  }
0x762: {  	vm15 =	vnez.u8 v0;
	v0 =	vld [tilespmem:$0x1CB40];
	_ =	sdelay $0x4  }
0x763: {  	vm0 =	vnez.u8 v0;
	v0 =	vld [tilespmem:$0x1CB50];
	_ =	sdelay $0x4  }
0x764: {  	vm8 =	vnez.u8 v0;
	v0 =	vld [tilespmem:$0x1CB60];
	_ =	sdelay $0x4  }
0x765: {  	vm15 =	vmand vm15, vm0;
	vm0 =	vnez.u8 v0  }
0x766: {  	v0 =	vimm.s32 $0x0;
	vm7 =	vmand vm8, vm0  }
0x767: {  	v0 =	vsel vm7, $0xFFFFFFFF, v0  }
0x768: {  	[tilespmem:$0x1DAB0] =	vst v0;
	v0 =	vld [tilespmem:$0x1CB70];
	_ =	sdelay $0x4  }
0x769: {  	vm8 =	vnez.u8 v0;
	v0 =	vld [tilespmem:$0x1CB80];
	_ =	sdelay $0x4  }
0x76a: {  	vm0 =	vnez.u8 v0  }
0x76b: {  	v0 =	vimm.s32 $0x0;
	vm7 =	vmand vm8, vm0  }
0x76c: {  	v0 =	vsel vm7, $0xFFFFFFFF, v0  }
0x76d: {  	[tilespmem:$0x1DAD0] =	vst v0;
	v0 =	vld [tilespmem:$0x1CB90];
	_ =	sdelay $0x4  }
0x76e: {  	vm8 =	vnez.u8 v0;
	v0 =	vld [tilespmem:$0x1CBA0];
	_ =	sdelay $0x4  }
0x76f: {  	vm0 =	vnez.u8 v0  }
0x770: {  	v0 =	vimm.s32 $0x0;
	vm7 =	vmand vm8, vm0  }
0x771: {  	v0 =	vsel vm7, $0xFFFFFFFF, v0  }
0x772: {  	[tilespmem:$0x1DAF0] =	vst v0;
	v0 =	vld [tilespmem:$0x1CBB0];
	_ =	sdelay $0x4  }
0x773: {  	vm8 =	vnez.u8 v0;
	v0 =	vld [tilespmem:$0x1CBC0];
	_ =	sdelay $0x4  }
0x774: {  	vm0 =	vnez.u8 v0  }
0x775: {  	v0 =	vimm.s32 $0x0;
	vm7 =	vmand vm8, vm0  }
0x776: {  	v0 =	vsel vm7, $0xFFFFFFFF, v0  }
0x777: {  	[tilespmem:$0x1DB10] =	vst v0;
	v0 =	vld [tilespmem:$0x1CBD0];
	_ =	sdelay $0x4  }
0x778: {  	vm8 =	vnez.u8 v0;
	v0 =	vld [tilespmem:$0x1CBE0];
	_ =	sdelay $0x4  }
0x779: {  	vm0 =	vnez.u8 v0  }
0x77a: {  	v0 =	vimm.s32 $0x0;
	vm6 =	vmand vm8, vm0  }
0x77b: {  	v0 =	vsel vm6, $0xFFFFFFFF, v0  }
0x77c: {  	[tilespmem:$0x1DB30] =	vst v0;
	v0 =	vld [tilespmem:$0x1CBF0];
	_ =	sdelay $0x4  }
0x77d: {  	vm7 =	vnez.u8 v0  }
0x77e: {  	v0 =	vimm.s32 $0x0;
	vm8 =	vmand vm13, vm7  }
0x77f: {  	v0 =	vsel vm8, $0xFFFFFFFF, v0  }
0x780: {  	[tilespmem:$0x1DB60] =	vst v0;
	v0 =	vld [tilespmem:$0x1CC00];
	_ =	sdelay $0x4  }
0x781: {  	vm13 =	vnez.u8 v0;
	v0 =	vld [tilespmem:$0x1CC10];
	_ =	sdelay $0x4  }
0x782: {  	vm0 =	vnez.u8 v0  }
0x783: {  	v0 =	vimm.s32 $0x0;
	vm8 =	vmand vm13, vm0  }
0x784: {  	v0 =	vsel vm8, $0xFFFFFFFF, v0  }
0x785: {  	[tilespmem:$0x1DB80] =	vst v0;
	v0 =	vld [tilespmem:$0x1CC20];
	_ =	sdelay $0x4  }
0x786: {  	vm13 =	vnez.u8 v0;
	v0 =	vld [tilespmem:$0x1CC30];
	_ =	sdelay $0x4  }
0x787: {  	vm8 =	vnez.u8 v0;
	v0 =	vld [tilespmem:$0x1CC40];
	_ =	sdelay $0x4  }
0x788: {  	vm4 =	vmand vm13, vm8;
	vm13 =	vnez.u8 v0;
	v0 =	vld [tilespmem:$0x1CC50];
	_ =	sdelay $0x4  }
0x789: {  	vm0 =	vnez.u8 v0  }
0x78a: {  	v0 =	vimm.s32 $0x0;
	vm8 =	vmand vm13, vm0  }
0x78b: {  	v0 =	vsel vm8, $0xFFFFFFFF, v0  }
0x78c: {  	[tilespmem:$0x1DBA0] =	vst v0;
	v0 =	vld [tilespmem:$0x1CC60];
	_ =	sdelay $0x4  }
0x78d: {  	vm13 =	vnez.u8 v0;
	v0 =	vld [tilespmem:$0x1CC70];
	_ =	sdelay $0x4  }
0x78e: {  	vm0 =	vnez.u8 v0  }
0x78f: {  	v0 =	vimm.s32 $0x0;
	vm8 =	vmand vm13, vm0  }
0x790: {  	v0 =	vsel vm8, $0xFFFFFFFF, v0  }
0x791: {  	[tilespmem:$0x1DBC0] =	vst v0;
	v0 =	vld [tilespmem:$0x1CC80];
	_ =	sdelay $0x4  }
0x792: {  	vm13 =	vnez.u8 v0;
	v0 =	vld [tilespmem:$0x1CC90];
	_ =	sdelay $0x4  }
0x793: {  	vm0 =	vnez.u8 v0  }
0x794: {  	v0 =	vimm.s32 $0x0;
	vm8 =	vmand vm13, vm0  }
0x795: {  	v0 =	vsel vm8, $0xFFFFFFFF, v0  }
0x796: {  	[tilespmem:$0x1DBE0] =	vst v0;
	v0 =	vld [tilespmem:$0x1CCA0];
	_ =	sdelay $0x4  }
0x797: {  	vm13 =	vnez.u8 v0;
	v0 =	vld [tilespmem:$0x1CCB0];
	_ =	sdelay $0x4  }
0x798: {  	vm0 =	vnez.u8 v0  }
0x799: {  	v0 =	vimm.s32 $0x0;
	vm8 =	vmand vm13, vm0  }
0x79a: {  	v0 =	vsel vm8, $0xFFFFFFFF, v0  }
0x79b: {  	[tilespmem:$0x1DC00] =	vst v0;
	v0 =	vld [tilespmem:$0x1CCC0];
	_ =	sdelay $0x4  }
0x79c: {  	vm13 =	vnez.u8 v0;
	v0 =	vld [tilespmem:$0x1CCD0];
	_ =	sdelay $0x4  }
0x79d: {  	vm0 =	vnez.u8 v0  }
0x79e: {  	v0 =	vimm.s32 $0x0;
	vm8 =	vmand vm13, vm0  }
0x79f: {  	v0 =	vsel vm8, $0xFFFFFFFF, v0  }
0x7a0: {  	[tilespmem:$0x1DC30] =	vst v0;
	v0 =	vld [tilespmem:$0x1CCE0];
	_ =	sdelay $0x4  }
0x7a1: {  	vm13 =	vnez.u8 v0;
	v0 =	vld [tilespmem:$0x1CCF0];
	_ =	sdelay $0x4  }
0x7a2: {  	vm0 =	vnez.u8 v0  }
0x7a3: {  	v0 =	vimm.s32 $0x0;
	vm6 =	vmand vm13, vm0  }
0x7a4: {  	v0 =	vsel vm6, $0xFFFFFFFF, v0  }
0x7a5: {  	[tilespmem:$0x1DC50] =	vst v0;
	v0 =	vld [tilespmem:$0x1CD00];
	_ =	sdelay $0x4  }
0x7a6: {  	vm7 =	vnez.u8 v0;
	v0 =	vld [tilespmem:$0x1CD10];
	_ =	sdelay $0x4  }
0x7a7: {  	vm8 =	vnez.u8 v0  }
0x7a8: {  	v0 =	vimm.s32 $0x0;
	vm13 =	vmand vm14, vm8  }
0x7a9: {  	v0 =	vsel vm13, $0xFFFFFFFF, v0  }
0x7aa: {  	[tilespmem:$0x1DC70] =	vst v0;
	v0 =	vld [tilespmem:$0x1CD20];
	_ =	sdelay $0x4  }
0x7ab: {  	vm14 =	vnez.u8 v0;
	v0 =	vld [tilespmem:$0x1CD30];
	_ =	sdelay $0x4  }
0x7ac: {  	vm0 =	vnez.u8 v0  }
0x7ad: {  	v0 =	vimm.s32 $0x0;
	vm13 =	vmand vm14, vm0  }
0x7ae: {  	v0 =	vsel vm13, $0xFFFFFFFF, v0  }
0x7af: {  	[tilespmem:$0x1DC90] =	vst v0;
	v0 =	vld [tilespmem:$0x1CD40];
	_ =	sdelay $0x4  }
0x7b0: {  	vm14 =	vnez.u8 v0;
	v0 =	vld [tilespmem:$0x1CD50];
	_ =	sdelay $0x4  }
0x7b1: {  	vm0 =	vnez.u8 v0  }
0x7b2: {  	v0 =	vimm.s32 $0x0;
	vm13 =	vmand vm14, vm0  }
0x7b3: {  	v0 =	vsel vm13, $0xFFFFFFFF, v0  }
0x7b4: {  	[tilespmem:$0x1DCB0] =	vst v0;
	v0 =	vld [tilespmem:$0x1CD60];
	_ =	sdelay $0x4  }
0x7b5: {  	vm14 =	vnez.u8 v0;
	v0 =	vld [tilespmem:$0x1CD70];
	_ =	sdelay $0x4  }
0x7b6: {  	vm0 =	vnez.u8 v0  }
0x7b7: {  	v0 =	vimm.s32 $0x0;
	vm13 =	vmand vm14, vm0  }
0x7b8: {  	v0 =	vsel vm13, $0xFFFFFFFF, v0  }
0x7b9: {  	[tilespmem:$0x1DCD0] =	vst v0;
	v0 =	vld [tilespmem:$0x1CD80];
	_ =	sdelay $0x4  }
0x7ba: {  	vm14 =	vnez.u8 v0;
	v0 =	vld [tilespmem:$0x1CD90];
	_ =	sdelay $0x4  }
0x7bb: {  	vm0 =	vnez.u8 v0  }
0x7bc: {  	v0 =	vimm.s32 $0x0;
	vm13 =	vmand vm14, vm0  }
0x7bd: {  	v0 =	vsel vm13, $0xFFFFFFFF, v0  }
0x7be: {  	[tilespmem:$0x1DCF0] =	vst v0;
	v0 =	vld [tilespmem:$0x1CDA0];
	_ =	sdelay $0x4  }
0x7bf: {  	vm14 =	vnez.u8 v0;
	v0 =	vld [tilespmem:$0x1CDB0];
	_ =	sdelay $0x4  }
0x7c0: {  	vm0 =	vnez.u8 v0  }
0x7c1: {  	v0 =	vimm.s32 $0x0;
	vm13 =	vmand vm14, vm0  }
0x7c2: {  	v0 =	vsel vm13, $0xFFFFFFFF, v0  }
0x7c3: {  	[tilespmem:$0x1DD20] =	vst v0;
	v0 =	vld [tilespmem:$0x1CDC0];
	_ =	sdelay $0x4  }
0x7c4: {  	vm14 =	vnez.u8 v0;
	v0 =	vld [tilespmem:$0x1CDD0];
	_ =	sdelay $0x4  }
0x7c5: {  	vm0 =	vnez.u8 v0;
	v0 =	vld [tilespmem:$0x1CDE0];
	_ =	sdelay $0x4  }
0x7c6: {  	vm13 =	vnez.u8 v0;
	v0 =	vld [tilespmem:$0x1CDF0];
	_ =	sdelay $0x4  }
0x7c7: {  	vm14 =	vmand vm14, vm0;
	vm0 =	vnez.u8 v0  }
0x7c8: {  	v0 =	vimm.s32 $0x0;
	vm8 =	vmand vm13, vm0  }
0x7c9: {  	v0 =	vsel vm8, $0xFFFFFFFF, v0  }
0x7ca: {  	[tilespmem:$0x1DD50] =	vst v0;
	v0 =	vld [tilespmem:$0x1CE00];
	_ =	sdelay $0x4  }
0x7cb: {  	vm1 =	vnez.u8 v0;
	v0 =	vld [tilespmem:$0x1CE10];
	_ =	sdelay $0x4  }
0x7cc: {  	vm13 =	vnez.u8 v0;
	v0 =	vld [tilespmem:$0x1CE20];
	_ =	sdelay $0x4  }
0x7cd: {  	vm13 =	vmand vm1, vm13;
	vm1 =	vnez.u8 v0;
	v0 =	vld [tilespmem:$0x1CE30];
	_ =	sdelay $0x4  }
0x7ce: {  	vm0 =	vnez.u8 v0  }
0x7cf: {  	v0 =	vimm.s32 $0x0;
	vm8 =	vmand vm1, vm0  }
0x7d0: {  	v0 =	vsel vm8, $0xFFFFFFFF, v0  }
0x7d1: {  	[tilespmem:$0x1DD70] =	vst v0;
	v0 =	vld [tilespmem:$0x1CE40];
	_ =	sdelay $0x4  }
0x7d2: {  	vm1 =	vnez.u8 v0;
	v0 =	vld [tilespmem:$0x1CE50];
	_ =	sdelay $0x4  }
0x7d3: {  	vm0 =	vnez.u8 v0  }
0x7d4: {  	v0 =	vimm.s32 $0x0;
	vm8 =	vmand vm1, vm0  }
0x7d5: {  	v0 =	vsel vm8, $0xFFFFFFFF, v0  }
0x7d6: {  	[tilespmem:$0x1DD90] =	vst v0;
	v0 =	vld [tilespmem:$0x1CE60];
	_ =	sdelay $0x4  }
0x7d7: {  	vm1 =	vnez.u8 v0;
	v0 =	vld [tilespmem:$0x1CE70];
	_ =	sdelay $0x4  }
0x7d8: {  	vm0 =	vnez.u8 v0  }
0x7d9: {  	v0 =	vimm.s32 $0x0;
	vm8 =	vmand vm1, vm0  }
0x7da: {  	v0 =	vsel vm8, $0xFFFFFFFF, v0  }
0x7db: {  	[tilespmem:$0x1DDB0] =	vst v0;
	v0 =	vld [tilespmem:$0x1CE80];
	_ =	sdelay $0x4  }
0x7dc: {  	vm1 =	vnez.u8 v0;
	v0 =	vld [tilespmem:$0x1CE90];
	_ =	sdelay $0x4  }
0x7dd: {  	vm0 =	vnez.u8 v0  }
0x7de: {  	v0 =	vimm.s32 $0x0;
	vm8 =	vmand vm1, vm0  }
0x7df: {  	v0 =	vsel vm8, $0xFFFFFFFF, v0  }
0x7e0: {  	[tilespmem:$0x1DDD0] =	vst v0;
	v0 =	vld [tilespmem:$0x1CEA0];
	_ =	sdelay $0x4  }
0x7e1: {  	vm1 =	vnez.u8 v0;
	v0 =	vld [tilespmem:$0x1CEB0];
	_ =	sdelay $0x4  }
0x7e2: {  	vm0 =	vnez.u8 v0  }
0x7e3: {  	v0 =	vimm.s32 $0x0;
	vm6 =	vmand vm1, vm0  }
0x7e4: {  	v0 =	vsel vm6, $0xFFFFFFFF, v0  }
0x7e5: {  	[tilespmem:$0x1DDF0] =	vst v0;
	v0 =	vld [tilespmem:$0x1CEC0];
	_ =	sdelay $0x4  }
0x7e6: {  	vm10 =	vmand vm10, vm7;
	vm7 =	vnez.u8 v0  }
0x7e7: {  	v0 =	vimm.s32 $0x0;
	vm8 =	vmand vm11, vm7  }
0x7e8: {  	v0 =	vsel vm8, $0xFFFFFFFF, v0  }
0x7e9: {  	[tilespmem:$0x1DE20] =	vst v0;
	v0 =	vld [tilespmem:$0x1CED0];
	_ =	sdelay $0x4  }
0x7ea: {  	vm11 =	vnez.u8 v0;
	v0 =	vld [tilespmem:$0x1CEE0];
	_ =	sdelay $0x4  }
0x7eb: {  	vm0 =	vnez.u8 v0  }
0x7ec: {  	v0 =	vimm.s32 $0x0;
	vm8 =	vmand vm11, vm0  }
0x7ed: {  	v0 =	vsel vm8, $0xFFFFFFFF, v0  }
0x7ee: {  	[tilespmem:$0x1DE40] =	vst v0;
	v0 =	vld [tilespmem:$0x1CEF0];
	_ =	sdelay $0x4  }
0x7ef: {  	vm11 =	vnez.u8 v0;
	v0 =	vld [tilespmem:$0x1CF00];
	_ =	sdelay $0x4  }
0x7f0: {  	vm0 =	vnez.u8 v0;
	v0 =	vld [tilespmem:$0x1CF10];
	_ =	sdelay $0x4  }
0x7f1: {  	vm6 =	vmand vm11, vm0;
	vm11 =	vnez.u8 v0;
	v0 =	vld [tilespmem:$0x1CF20];
	_ =	sdelay $0x4  }
0x7f2: {  	vm0 =	vnez.u8 v0  }
0x7f3: {  	v0 =	vimm.s32 $0x0;
	vm8 =	vmand vm11, vm0  }
0x7f4: {  	v0 =	vsel vm8, $0xFFFFFFFF, v0  }
0x7f5: {  	[tilespmem:$0x1DE60] =	vst v0;
	v0 =	vld [tilespmem:$0x1CF30];
	_ =	sdelay $0x4  }
0x7f6: {  	vm11 =	vnez.u8 v0;
	v0 =	vld [tilespmem:$0x1CF40];
	_ =	sdelay $0x4  }
0x7f7: {  	vm0 =	vnez.u8 v0  }
0x7f8: {  	v0 =	vimm.s32 $0x0;
	vm8 =	vmand vm11, vm0  }
0x7f9: {  	v0 =	vsel vm8, $0xFFFFFFFF, v0  }
0x7fa: {  	[tilespmem:$0x1DE80] =	vst v0;
	v0 =	vld [tilespmem:$0x1CF50];
	_ =	sdelay $0x4  }
0x7fb: {  	vm11 =	vnez.u8 v0;
	v0 =	vld [tilespmem:$0x1CF60];
	_ =	sdelay $0x4  }
0x7fc: {  	vm0 =	vnez.u8 v0  }
0x7fd: {  	v0 =	vimm.s32 $0x0;
	vm8 =	vmand vm11, vm0  }
0x7fe: {  	v0 =	vsel vm8, $0xFFFFFFFF, v0  }
0x7ff: {  	[tilespmem:$0x1DEA0] =	vst v0;
	v0 =	vld [tilespmem:$0x1CF70];
	_ =	sdelay $0x4  }
0x800: {  	vm11 =	vnez.u8 v0;
	v0 =	vld [tilespmem:$0x1CF80];
	_ =	sdelay $0x4  }
0x801: {  	vm0 =	vnez.u8 v0  }
0x802: {  	v0 =	vimm.s32 $0x0;
	vm8 =	vmand vm11, vm0  }
0x803: {  	v0 =	vsel vm8, $0xFFFFFFFF, v0  }
0x804: {  	[tilespmem:$0x1DEC0] =	vst v0;
	v0 =	vld [tilespmem:$0x1CF90];
	_ =	sdelay $0x4  }
0x805: {  	vm11 =	vnez.u8 v0;
	v0 =	vld [tilespmem:$0x1CFA0];
	_ =	sdelay $0x4  }
0x806: {  	vm0 =	vnez.u8 v0  }
0x807: {  	v0 =	vimm.s32 $0x0;
	vm8 =	vmand vm11, vm0  }
0x808: {  	v0 =	vsel vm8, $0xFFFFFFFF, v0  }
0x809: {  	[tilespmem:$0x1DEF0] =	vst v0;
	v0 =	vld [tilespmem:$0x1CFB0];
	_ =	sdelay $0x4  }
0x80a: {  	vm11 =	vnez.u8 v0;
	v0 =	vld [tilespmem:$0x1CFC0];
	_ =	sdelay $0x4  }
0x80b: {  	vm0 =	vnez.u8 v0  }
0x80c: {  	v0 =	vimm.s32 $0x0;
	vm8 =	vmand vm11, vm0  }
0x80d: {  	v0 =	vsel vm8, $0xFFFFFFFF, v0  }
0x80e: {  	[tilespmem:$0x1DF10] =	vst v0;
	v0 =	vld [tilespmem:$0x1CFD0];
	_ =	sdelay $0x4  }
0x80f: {  	vm11 =	vnez.u8 v0;
	v0 =	vld [tilespmem:$0x1CFE0];
	_ =	sdelay $0x4  }
0x810: {  	vm1 =	vnez.u8 v0;
	v0 =	vld [tilespmem:$0x1CFF0];
	_ =	sdelay $0x4  }
0x811: {  	vm0 =	vnez.u8 v0  }
0x812: {  	vm7 =	vmand vm9, vm11;
	v0 =	vimm.s32 $0x0;
	vm11 =	vmand vm1, vm0  }
0x813: {  	v0 =	vsel vm11, $0xFFFFFFFF, v0  }
0x814: {  	[tilespmem:$0x1DF30] =	vst v0;
	v0 =	vld [tilespmem:$0x1D000];
	_ =	sdelay $0x4  }
0x815: {  	vm1 =	vnez.u8 v0;
	v0 =	vld [tilespmem:$0x1D010];
	_ =	sdelay $0x4  }
0x816: {  	vm0 =	vnez.u8 v0  }
0x817: {  	v0 =	vimm.s32 $0x0;
	vm11 =	vmand vm1, vm0  }
0x818: {  	v0 =	vsel vm11, $0xFFFFFFFF, v0  }
0x819: {  	[tilespmem:$0x1DF50] =	vst v0;
	v0 =	vld [tilespmem:$0x1D020];
	_ =	sdelay $0x4  }
0x81a: {  	vm1 =	vnez.u8 v0;
	v0 =	vld [tilespmem:$0x1D030];
	_ =	sdelay $0x4  }
0x81b: {  	vm0 =	vnez.u8 v0  }
0x81c: {  	v0 =	vimm.s32 $0x0;
	vm11 =	vmand vm1, vm0  }
0x81d: {  	v0 =	vsel vm11, $0xFFFFFFFF, v0  }
0x81e: {  	[tilespmem:$0x1DF70] =	vst v0;
	v0 =	vld [tilespmem:$0x1D040];
	_ =	sdelay $0x4  }
0x81f: {  	vm1 =	vnez.u8 v0;
	v0 =	vld [tilespmem:$0x1D050];
	_ =	sdelay $0x4  }
0x820: {  	vm0 =	vnez.u8 v0  }
0x821: {  	v0 =	vimm.s32 $0x0;
	vm11 =	vmand vm1, vm0  }
0x822: {  	v0 =	vsel vm11, $0xFFFFFFFF, v0  }
0x823: {  	[tilespmem:$0x1DF90] =	vst v0;
	v0 =	vld [tilespmem:$0x1D060];
	_ =	sdelay $0x4  }
0x824: {  	vm1 =	vnez.u8 v0;
	v0 =	vld [tilespmem:$0x1D070];
	_ =	sdelay $0x4  }
0x825: {  	vm0 =	vnez.u8 v0  }
0x826: {  	v0 =	vimm.s32 $0x0;
	vm11 =	vmand vm1, vm0  }
0x827: {  	v0 =	vsel vm11, $0xFFFFFFFF, v0  }
0x828: {  	[tilespmem:$0x1DFB0] =	vst v0;
	v0 =	vld [tilespmem:$0x1D080];
	_ =	sdelay $0x4  }
0x829: {  	vm1 =	vnez.u8 v0;
	v0 =	vld [tilespmem:$0x1D090];
	_ =	sdelay $0x4  }
0x82a: {  	vm0 =	vnez.u8 v0  }
0x82b: {  	v0 =	vimm.s32 $0x0;
	vm11 =	vmand vm1, vm0  }
0x82c: {  	v0 =	vsel vm11, $0xFFFFFFFF, v0  }
0x82d: {  	[tilespmem:$0x1DFE0] =	vst v0;
	v0 =	vld [tilespmem:$0x1D0A0];
	_ =	sdelay $0x4  }
0x82e: {  	vm1 =	vnez.u8 v0;
	v0 =	vld [tilespmem:$0x1D0B0];
	_ =	sdelay $0x4  }
0x82f: {  	vm0 =	vnez.u8 v0;
	v0 =	vld [tilespmem:$0x1D0C0];
	_ =	sdelay $0x4  }
0x830: {  	vm9 =	vmand vm1, vm0;
	vm1 =	vnez.u8 v0;
	v0 =	vld [tilespmem:$0x1D0D0];
	_ =	sdelay $0x4  }
0x831: {  	vm0 =	vnez.u8 v0  }
0x832: {  	v0 =	vimm.s32 $0x0;
	vm11 =	vmand vm1, vm0  }
0x833: {  	v0 =	vsel vm11, $0xFFFFFFFF, v0  }
0x834: {  	[tilespmem:$0x1E010] =	vst v0;
	v0 =	vld [tilespmem:$0x1D0E0];
	_ =	sdelay $0x4  }
0x835: {  	vm1 =	vnez.u8 v0;
	v0 =	vld [tilespmem:$0x1D0F0];
	_ =	sdelay $0x4  }
0x836: {  	vm0 =	vnez.u8 v0;
	v0 =	vld [tilespmem:$0x1D100];
	_ =	sdelay $0x4  }
0x837: {  	vm11 =	vmand vm1, vm0;
	vm1 =	vnez.u8 v0;
	v0 =	vld [tilespmem:$0x1D110];
	_ =	sdelay $0x4  }
0x838: {  	vm0 =	vnez.u8 v0  }
0x839: {  	v0 =	vimm.s32 $0x0;
	vm8 =	vmand vm1, vm0  }
0x83a: {  	v0 =	vsel vm8, $0xFFFFFFFF, v0  }
0x83b: {  	[tilespmem:$0x1E030] =	vst v0;
	v0 =	vld [tilespmem:$0x1D120];
	_ =	sdelay $0x4  }
0x83c: {  	vm1 =	vnez.u8 v0;
	v0 =	vld [tilespmem:$0x1D130];
	_ =	sdelay $0x4  }
0x83d: {  	vm0 =	vnez.u8 v0  }
0x83e: {  	v0 =	vimm.s32 $0x0;
	vm8 =	vmand vm1, vm0  }
0x83f: {  	v0 =	vsel vm8, $0xFFFFFFFF, v0  }
0x840: {  	[tilespmem:$0x1E050] =	vst v0;
	v0 =	vld [tilespmem:$0x1D140];
	_ =	sdelay $0x4  }
0x841: {  	vm1 =	vnez.u8 v0;
	v0 =	vld [tilespmem:$0x1D150];
	_ =	sdelay $0x4  }
0x842: {  	vm0 =	vnez.u8 v0  }
0x843: {  	v0 =	vimm.s32 $0x0;
	vm8 =	vmand vm1, vm0  }
0x844: {  	v0 =	vsel vm8, $0xFFFFFFFF, v0  }
0x845: {  	[tilespmem:$0x1E070] =	vst v0;
	v0 =	vld [tilespmem:$0x1D160];
	_ =	sdelay $0x4  }
0x846: {  	vm1 =	vnez.u8 v0;
	v0 =	vld [tilespmem:$0x1D170];
	_ =	sdelay $0x4  }
0x847: {  	vm0 =	vnez.u8 v0  }
0x848: {  	v0 =	vimm.s32 $0x0;
	vm8 =	vmand vm1, vm0  }
0x849: {  	v0 =	vsel vm8, $0xFFFFFFFF, v0  }
0x84a: {  	[tilespmem:$0x1E090] =	vst v0;
	v0 =	vld [tilespmem:$0x1D180];
	_ =	sdelay $0x4  }
0x84b: {  	vm1 =	vnez.u8 v0;
	v0 =	vld [tilespmem:$0x1D190];
	_ =	sdelay $0x4  }
0x84c: {  	vm0 =	vnez.u8 v0  }
0x84d: {  	v0 =	vimm.s32 $0x0;
	vm8 =	vmand vm1, vm0  }
0x84e: {  	v0 =	vsel vm8, $0xFFFFFFFF, v0  }
0x84f: {  	[tilespmem:$0x1E0B0] =	vst v0;
	v0 =	vld [tilespmem:$0x1D1A0];
	_ =	sdelay $0x3  }
0x850: {  	[tilespmem:$0x1D1B0] =	vst v4  }
0x851: {  	vm1 =	vnez.u8 v0;
	v0 =	vld [tilespmem:$0x1D1B0];
	_ =	sdelay $0x4  }
0x852: {  	vm0 =	vnez.u8 v0  }
0x853: {  	v0 =	vimm.s32 $0x0;
	vm8 =	vmand vm1, vm0  }
0x854: {  	v0 =	vsel vm8, $0xFFFFFFFF, v0  }
0x855: {  	[tilespmem:$0x1E0E0] =	vst v0;
	v0 =	vld [tilespmem:$0x1D1C0];
	_ =	sdelay $0x4  }
0x856: {  	vm1 =	vnez.u8 v0;
	v0 =	vld [tilespmem:$0x1D1D0];
	_ =	sdelay $0x4  }
0x857: {  	vm0 =	vnez.u8 v0  }
0x858: {  	v0 =	vimm.s32 $0x0;
	vm8 =	vmand vm1, vm0  }
0x859: {  	v0 =	vsel vm8, $0xFFFFFFFF, v0  }
0x85a: {  	[tilespmem:$0x1E100] =	vst v0;
	v0 =	vld [tilespmem:$0x1D1E0];
	_ =	sdelay $0x4  }
0x85b: {  	vm8 =	vnez.u8 v0;
	v0 =	vld [tilespmem:$0x1D1F0];
	_ =	sdelay $0x4  }
0x85c: {  	vm1 =	vnez.u8 v0;
	v0 =	vld [tilespmem:$0x1D200];
	_ =	sdelay $0x4  }
0x85d: {  	vm0 =	vnez.u8 v0  }
0x85e: {  	vm8 =	vmand vm12, vm8;
	v0 =	vimm.s32 $0x0;
	vm12 =	vmand vm1, vm0  }
0x85f: {  	v0 =	vsel vm12, $0xFFFFFFFF, v0  }
0x860: {  	[tilespmem:$0x1E120] =	vst v0;
	v0 =	vld [tilespmem:$0x1D210];
	_ =	sdelay $0x4  }
0x861: {  	vm1 =	vnez.u8 v0;
	v0 =	vld [tilespmem:$0x1D220];
	_ =	sdelay $0x4  }
0x862: {  	vm0 =	vnez.u8 v0  }
0x863: {  	v0 =	vimm.s32 $0x0;
	vm12 =	vmand vm1, vm0  }
0x864: {  	v0 =	vsel vm12, $0xFFFFFFFF, v0  }
0x865: {  	[tilespmem:$0x1E140] =	vst v0;
	v0 =	vld [tilespmem:$0x1D230];
	_ =	sdelay $0x4  }
0x866: {  	vm1 =	vnez.u8 v0;
	v0 =	vld [tilespmem:$0x1D240];
	_ =	sdelay $0x4  }
0x867: {  	vm0 =	vnez.u8 v0  }
0x868: {  	v0 =	vimm.s32 $0x0;
	vm12 =	vmand vm1, vm0  }
0x869: {  	v0 =	vsel vm12, $0xFFFFFFFF, v0  }
0x86a: {  	[tilespmem:$0x1E160] =	vst v0;
	v0 =	vld [tilespmem:$0x1D250];
	_ =	sdelay $0x4  }
0x86b: {  	vm1 =	vnez.u8 v0;
	v0 =	vld [tilespmem:$0x1D260];
	_ =	sdelay $0x4  }
0x86c: {  	vm0 =	vnez.u8 v0  }
0x86d: {  	v0 =	vimm.s32 $0x0;
	vm12 =	vmand vm1, vm0  }
0x86e: {  	v0 =	vsel vm12, $0xFFFFFFFF, v0  }
0x86f: {  	[tilespmem:$0x1E180] =	vst v0;
	v0 =	vld [tilespmem:$0x1D270];
	_ =	sdelay $0x3  }
0x870: {  	[tilespmem:$0x1D280] =	vst v3  }
0x871: {  	vm1 =	vnez.u8 v0;
	v0 =	vld [tilespmem:$0x1D280];
	_ =	sdelay $0x4  }
0x872: {  	vm0 =	vnez.u8 v0  }
0x873: {  	v0 =	vimm.s32 $0x0;
	vm12 =	vmand vm1, vm0  }
0x874: {  	v0 =	vsel vm12, $0xFFFFFFFF, v0  }
0x875: {  	[tilespmem:$0x1E1B0] =	vst v0;
	v0 =	vld [tilespmem:$0x1D290];
	_ =	sdelay $0x4  }
0x876: {  	vm1 =	vnez.u8 v0;
	v0 =	vld [tilespmem:$0x1D2A0];
	_ =	sdelay $0x4  }
0x877: {  	vm0 =	vnez.u8 v0  }
0x878: {  	v0 =	vimm.s32 $0x0;
	vm12 =	vmand vm1, vm0  }
0x879: {  	v0 =	vsel vm12, $0xFFFFFFFF, v0  }
0x87a: {  	[tilespmem:$0x1E1D0] =	vst v0;
	v0 =	vld [tilespmem:$0x1D2B0];
	_ =	sdelay $0x4  }
0x87b: {  	vm1 =	vnez.u8 v0;
	v0 =	vld [tilespmem:$0x1D2C0];
	_ =	sdelay $0x4  }
0x87c: {  	vm0 =	vnez.u8 v0;
	v0 =	vld [tilespmem:$0x1D2D0];
	_ =	sdelay $0x4  }
0x87d: {  	vm12 =	vnez.u8 v0;
	v0 =	vld [tilespmem:$0x1D2E0];
	_ =	sdelay $0x4  }
0x87e: {  	vm1 =	vmand vm1, vm0;
	vm0 =	vnez.u8 v0  }
0x87f: {  	v0 =	vimm.s32 $0x0;
	vm0 =	vmand vm12, vm0  }
0x880: {  	v0 =	vsel vm0, $0xFFFFFFFF, v0  }
0x881: {  	[tilespmem:$0x1E1F0] =	vst v0;
	v0 =	vld [tilespmem:$0x1D2F0];
	_ =	sdelay $0x4  }
0x882: {  	vm12 =	vnez.u8 v0;
	v0 =	vld [tilespmem:$0x1D300];
	_ =	sdelay $0x4  }
0x883: {  	vm0 =	vnez.u8 v0  }
0x884: {  	v0 =	vimm.s32 $0x0;
	vm0 =	vmand vm12, vm0  }
0x885: {  	v0 =	vsel vm0, $0xFFFFFFFF, v0  }
0x886: {  	[tilespmem:$0x1E210] =	vst v0;
	v0 =	vld [tilespmem:$0x1D310];
	_ =	sdelay $0x4  }
0x887: {  	vm12 =	vnez.u8 v0;
	v0 =	vld [tilespmem:$0x1D320];
	_ =	sdelay $0x4  }
0x888: {  	vm0 =	vnez.u8 v0  }
0x889: {  	v0 =	vimm.s32 $0x0;
	vm0 =	vmand vm12, vm0  }
0x88a: {  	v0 =	vsel vm0, $0xFFFFFFFF, v0  }
0x88b: {  	[tilespmem:$0x1E230] =	vst v0;
	v0 =	vld [tilespmem:$0x1D330];
	_ =	sdelay $0x4  }
0x88c: {  	vm12 =	vnez.u8 v0;
	v0 =	vld [tilespmem:$0x1D340];
	_ =	sdelay $0x4  }
0x88d: {  	vm0 =	vnez.u8 v0  }
0x88e: {  	v0 =	vimm.s32 $0x0;
	vm0 =	vmand vm12, vm0  }
0x88f: {  	v0 =	vsel vm0, $0xFFFFFFFF, v0  }
0x890: {  	[tilespmem:$0x1E250] =	vst v0;
	v0 =	vld [tilespmem:$0x1D350];
	_ =	sdelay $0x4  }
0x891: {  	vm12 =	vnez.u8 v0;
	v0 =	vld [tilespmem:$0x1D360];
	_ =	sdelay $0x4  }
0x892: {  	vm0 =	vnez.u8 v0  }
0x893: {  	v0 =	vimm.s32 $0x0;
	vm0 =	vmand vm12, vm0  }
0x894: {  	v0 =	vsel vm0, $0xFFFFFFFF, v0  }
0x895: {  	[tilespmem:$0x1E270] =	vst v0;
	v0 =	vld [tilespmem:$0x1D370];
	_ =	sdelay $0x4  }
0x896: {  	vm12 =	vnez.u8 v0;
	v0 =	vld [tilespmem:$0x1D380];
	_ =	sdelay $0x4  }
0x897: {  	vm0 =	vnez.u8 v0  }
0x898: {  	v0 =	vimm.s32 $0x0;
	vm0 =	vmand vm12, vm0  }
0x899: {  	v0 =	vsel vm0, $0xFFFFFFFF, v0  }
0x89a: {  	[tilespmem:$0x1E2B0] =	vst v0;
	v0 =	vld [tilespmem:$0x1D390];
	_ =	sdelay $0x4  }
0x89b: {  	vm12 =	vnez.u8 v0;
	v0 =	vld [tilespmem:$0x1D3A0];
	_ =	sdelay $0x4  }
0x89c: {  	vm0 =	vnez.u8 v0  }
0x89d: {  	v0 =	vimm.s32 $0x0;
	vm0 =	vmand vm12, vm0  }
0x89e: {  	v0 =	vsel vm0, $0xFFFFFFFF, v0  }
0x89f: {  	[tilespmem:$0x1E290] =	vst v0;
	v0 =	vld [tilespmem:$0x1D3B0];
	_ =	sdelay $0x4  }
0x8a0: {  	vm12 =	vnez.u8 v0;
	v0 =	vld [tilespmem:$0x1D3C0];
	_ =	sdelay $0x4  }
0x8a1: {  	vm0 =	vnez.u8 v0  }
0x8a2: {  	v0 =	vimm.s32 $0x0;
	vm0 =	vmand vm12, vm0  }
0x8a3: {  	v0 =	vsel vm0, $0xFFFFFFFF, v0  }
0x8a4: {  	[tilespmem:$0x1E2F0] =	vst v0;
	v0 =	vld [tilespmem:$0x1D3D0];
	_ =	sdelay $0x4  }
0x8a5: {  	vm12 =	vnez.u8 v0;
	v0 =	vld [tilespmem:$0x1D3E0];
	_ =	sdelay $0x4  }
0x8a6: {  	vm0 =	vnez.u8 v0  }
0x8a7: {  	v0 =	vimm.s32 $0x0;
	vm0 =	vmand vm12, vm0  }
0x8a8: {  	v0 =	vsel vm0, $0xFFFFFFFF, v0  }
0x8a9: {  	[tilespmem:$0x1E2D0] =	vst v0;
	v0 =	vld [tilespmem:$0x1D3F0];
	_ =	sdelay $0x4  }
0x8aa: {  	vm12 =	vnez.u8 v0;
	v0 =	vld [tilespmem:$0x1D400];
	_ =	sdelay $0x4  }
0x8ab: {  	vm0 =	vnez.u8 v0  }
0x8ac: {  	v0 =	vimm.s32 $0x0;
	vm0 =	vmand vm12, vm0  }
0x8ad: {  	v0 =	vsel vm0, $0xFFFFFFFF, v0  }
0x8ae: {  	[tilespmem:$0x1E310] =	vst v0;
	v0 =	vld [tilespmem:$0x1D410];
	_ =	sdelay $0x4  }
0x8af: {  	vm12 =	vnez.u8 v0;
	v0 =	vld [tilespmem:$0x1D420];
	_ =	sdelay $0x4  }
0x8b0: {  	vm0 =	vnez.u8 v0  }
0x8b1: {  	v0 =	vimm.s32 $0x0;
	vm0 =	vmand vm12, vm0  }
0x8b2: {  	v0 =	vsel vm0, $0xFFFFFFFF, v0  }
0x8b3: {  	[tilespmem:$0x1E330] =	vst v0;
	v0 =	vld [tilespmem:$0x1D430];
	_ =	sdelay $0x4  }
0x8b4: {  	vm12 =	vnez.u8 v0;
	v0 =	vld [tilespmem:$0x1D440];
	_ =	sdelay $0x4  }
0x8b5: {  	vm0 =	vnez.u8 v0  }
0x8b6: {  	v0 =	vimm.s32 $0x0;
	vm0 =	vmand vm12, vm0  }
0x8b7: {  	v0 =	vsel vm0, $0xFFFFFFFF, v0  }
0x8b8: {  	[tilespmem:$0x1E350] =	vst v0;
	v0 =	vld [tilespmem:$0x1D450];
	_ =	sdelay $0x4  }
0x8b9: {  	vm12 =	vnez.u8 v0;
	v0 =	vld [tilespmem:$0x1D460];
	_ =	sdelay $0x4  }
0x8ba: {  	vm0 =	vnez.u8 v0  }
0x8bb: {  	v0 =	vimm.s32 $0x0;
	vm0 =	vmand vm12, vm0  }
0x8bc: {  	v0 =	vsel vm0, $0xFFFFFFFF, v0  }
0x8bd: {  	[tilespmem:$0x1E370] =	vst v0;
	v0 =	vld [tilespmem:$0x1D470];
	_ =	sdelay $0x4  }
0x8be: {  	vm12 =	vnez.u8 v0;
	v0 =	vld [tilespmem:$0x1D480];
	_ =	sdelay $0x4  }
0x8bf: {  	vm0 =	vnez.u8 v0  }
0x8c0: {  	v0 =	vimm.s32 $0x0;
	vm0 =	vmand vm12, vm0  }
0x8c1: {  	v0 =	vsel vm0, $0xFFFFFFFF, v0  }
0x8c2: {  	[tilespmem:$0x1E390] =	vst v0;
	v0 =	vld [tilespmem:$0x1D490];
	_ =	sdelay $0x4  }
0x8c3: {  	vm12 =	vnez.u8 v0;
	v0 =	vld [tilespmem:$0x1D4A0];
	_ =	sdelay $0x4  }
0x8c4: {  	vm0 =	vnez.u8 v0  }
0x8c5: {  	v0 =	vimm.s32 $0x0;
	vm0 =	vmand vm12, vm0  }
0x8c6: {  	v0 =	vsel vm0, $0xFFFFFFFF, v0  }
0x8c7: {  	[tilespmem:$0x1E3D0] =	vst v0;
	v0 =	vld [tilespmem:$0x1D4B0];
	_ =	sdelay $0x4  }
0x8c8: {  	vm12 =	vnez.u8 v0;
	v0 =	vld [tilespmem:$0x1D4C0];
	_ =	sdelay $0x4  }
0x8c9: {  	vm0 =	vnez.u8 v0  }
0x8ca: {  	v0 =	vimm.s32 $0x0;
	vm0 =	vmand vm12, vm0  }
0x8cb: {  	v0 =	vsel vm0, $0xFFFFFFFF, v0  }
0x8cc: {  	[tilespmem:$0x1E3B0] =	vst v0;
	v0 =	vld [tilespmem:$0x1D4D0];
	_ =	sdelay $0x4  }
0x8cd: {  	vm12 =	vnez.u8 v0  }
0x8ce: {  	v0 =	vsel vm12, $0x1, v1  }
0x8cf: {  	[tilespmem:$0x1EE30] =	vst v0;
	v0 =	vld [tilespmem:$0x1D4E0];
	_ =	sdelay $0x4  }
0x8d0: {  	vm12 =	vnez.u8 v0;
	v0 =	vld [tilespmem:$0x1D4F0];
	_ =	sdelay $0x4  }
0x8d1: {  	vm0 =	vnez.u8 v0  }
0x8d2: {  	v0 =	vimm.s32 $0x0;
	vm0 =	vmand vm12, vm0  }
0x8d3: {  	v0 =	vsel vm0, $0xFFFFFFFF, v0  }
0x8d4: {  	[tilespmem:$0x1E3F0] =	vst v0;
	v0 =	vld [tilespmem:$0x1D500];
	_ =	sdelay $0x4  }
0x8d5: {  	vm12 =	vnez.u8 v0;
	v0 =	vld [tilespmem:$0x1D510];
	_ =	sdelay $0x4  }
0x8d6: {  	vm0 =	vnez.u8 v0  }
0x8d7: {  	v0 =	vimm.s32 $0x0;
	vm0 =	vmand vm12, vm0  }
0x8d8: {  	v0 =	vsel vm0, $0xFFFFFFFF, v0  }
0x8d9: {  	[tilespmem:$0x1E410] =	vst v0;
	v0 =	vld [tilespmem:$0x1D520];
	_ =	sdelay $0x4  }
0x8da: {  	vm12 =	vnez.u8 v0;
	v0 =	vld [tilespmem:$0x1D530];
	_ =	sdelay $0x4  }
0x8db: {  	vm0 =	vnez.u8 v0  }
0x8dc: {  	v0 =	vimm.s32 $0x0;
	vm0 =	vmand vm12, vm0  }
0x8dd: {  	v0 =	vsel vm0, $0xFFFFFFFF, v0  }
0x8de: {  	[tilespmem:$0x1E430] =	vst v0;
	v0 =	vld [tilespmem:$0x1D540];
	_ =	sdelay $0x4  }
0x8df: {  	vm12 =	vnez.u8 v0;
	v0 =	vld [tilespmem:$0x1D550];
	_ =	sdelay $0x4  }
0x8e0: {  	vm0 =	vnez.u8 v0  }
0x8e1: {  	v0 =	vimm.s32 $0x0;
	vm0 =	vmand vm12, vm0  }
0x8e2: {  	v0 =	vsel vm0, $0xFFFFFFFF, v0  }
0x8e3: {  	[tilespmem:$0x1E450] =	vst v0;
	v0 =	vld [tilespmem:$0x1D560];
	_ =	sdelay $0x4  }
0x8e4: {  	vm12 =	vnez.u8 v0;
	v0 =	vld [tilespmem:$0x1D570];
	_ =	sdelay $0x4  }
0x8e5: {  	vm0 =	vnez.u8 v0  }
0x8e6: {  	v0 =	vimm.s32 $0x0;
	vm0 =	vmand vm12, vm0  }
0x8e7: {  	v0 =	vsel vm0, $0xFFFFFFFF, v0  }
0x8e8: {  	[tilespmem:$0x1E470] =	vst v0;
	v0 =	vld [tilespmem:$0x1D580];
	_ =	sdelay $0x4  }
0x8e9: {  	vm12 =	vnez.u8 v0;
	v0 =	vld [tilespmem:$0x1D590];
	_ =	sdelay $0x4  }
0x8ea: {  	vm0 =	vnez.u8 v0  }
0x8eb: {  	v0 =	vimm.s32 $0x0;
	vm0 =	vmand vm12, vm0  }
0x8ec: {  	v0 =	vsel vm0, $0xFFFFFFFF, v0  }
0x8ed: {  	[tilespmem:$0x1E4B0] =	vst v0;
	v0 =	vld [tilespmem:$0x1D5A0];
	_ =	sdelay $0x4  }
0x8ee: {  	vm0 =	vnez.u8 v0;
	v0 =	vld [tilespmem:$0x1D5B0];
	_ =	sdelay $0x4  }
0x8ef: {  	vm12 =	vnez.u8 v0  }
0x8f0: {  	v0 =	vimm.s32 $0x0;
	vm0 =	vmand vm0, vm12  }
0x8f1: {  	v0 =	vsel vm0, $0xFFFFFFFF, v0  }
0x8f2: {  	[tilespmem:$0x1E490] =	vst v0;
	v0 =	vld [tilespmem:$0x1D5C0];
	_ =	sdelay $0x4  }
0x8f3: {  	vm12 =	vnez.u8 v0  }
0x8f4: {  	v0 =	vimm.s32 $0x0;
	vm0 =	vmand vm12, vm2  }
0x8f5: {  	v0 =	vsel vm0, $0xFFFFFFFF, v0  }
0x8f6: {  	[tilespmem:$0x1E4F0] =	vst v0;
	v0 =	vld [tilespmem:$0x1D5D0];
	_ =	sdelay $0x4  }
0x8f7: {  	vm0 =	vnez.u8 v0;
	v0 =	vld [tilespmem:$0x1D5E0];
	_ =	sdelay $0x4  }
0x8f8: {  	vm12 =	vnez.u8 v0  }
0x8f9: {  	v0 =	vimm.s32 $0x0;
	vm0 =	vmand vm0, vm12  }
0x8fa: {  	v0 =	vsel vm0, $0xFFFFFFFF, v0  }
0x8fb: {  	[tilespmem:$0x1E4D0] =	vst v0;
	v0 =	vld [tilespmem:$0x1D5F0];
	_ =	sdelay $0x4  }
0x8fc: {  	vm0 =	vnez.u8 v0;
	v0 =	vld [tilespmem:$0x1D600];
	_ =	sdelay $0x4  }
0x8fd: {  	vm12 =	vnez.u8 v0  }
0x8fe: {  	v0 =	vimm.s32 $0x0;
	vm0 =	vmand vm0, vm12  }
0x8ff: {  	v0 =	vsel vm0, $0xFFFFFFFF, v0  }
0x900: {  	[tilespmem:$0x1E510] =	vst v0;
	v0 =	vld [tilespmem:$0x1D610];
	_ =	sdelay $0x4  }
0x901: {  	vm0 =	vnez.u8 v0;
	v0 =	vld [tilespmem:$0x1D620];
	_ =	sdelay $0x4  }
0x902: {  	vm12 =	vnez.u8 v0  }
0x903: {  	v0 =	vimm.s32 $0x0;
	vm0 =	vmand vm0, vm12  }
0x904: {  	v0 =	vsel vm0, $0xFFFFFFFF, v0  }
0x905: {  	[tilespmem:$0x1E530] =	vst v0;
	v0 =	vld [tilespmem:$0x1D630];
	_ =	sdelay $0x4  }
0x906: {  	vm0 =	vnez.u8 v0;
	v0 =	vld [tilespmem:$0x1D640];
	_ =	sdelay $0x4  }
0x907: {  	vm12 =	vnez.u8 v0  }
0x908: {  	v0 =	vimm.s32 $0x0;
	vm0 =	vmand vm0, vm12  }
0x909: {  	v0 =	vsel vm0, $0xFFFFFFFF, v0  }
0x90a: {  	[tilespmem:$0x1E550] =	vst v0;
	v0 =	vld [tilespmem:$0x1D650];
	_ =	sdelay $0x3  }
0x90b: {  	[tilespmem:$0x1D660] =	vst v2  }
0x90c: {  	vm0 =	vnez.u8 v0;
	v0 =	vld [tilespmem:$0x1D660];
	_ =	sdelay $0x4  }
0x90d: {  	vm12 =	vnez.u8 v0  }
0x90e: {  	v0 =	vimm.s32 $0x0;
	vm0 =	vmand vm0, vm12  }
0x90f: {  	v0 =	vsel vm0, $0xFFFFFFFF, v0  }
0x910: {  	[tilespmem:$0x1E570] =	vst v0;
	v0 =	vld [tilespmem:$0x1D670];
	_ =	sdelay $0x4  }
0x911: {  	vm0 =	vnez.u8 v0;
	v0 =	vld [tilespmem:$0x1D680];
	_ =	sdelay $0x4  }
0x912: {  	vm12 =	vnez.u8 v0  }
0x913: {  	v0 =	vimm.s32 $0x0;
	vm0 =	vmand vm0, vm12  }
0x914: {  	v0 =	vsel vm0, $0xFFFFFFFF, v0  }
0x915: {  	[tilespmem:$0x1E590] =	vst v0;
	v0 =	vld [tilespmem:$0x1D690];
	_ =	sdelay $0x4  }
0x916: {  	vm0 =	vnez.u8 v0;
	v0 =	vld [tilespmem:$0x1D6A0];
	_ =	sdelay $0x4  }
0x917: {  	vm12 =	vnez.u8 v0  }
0x918: {  	v0 =	vimm.s32 $0x0;
	vm0 =	vmor vm0, vm12  }
0x919: {  	v0 =	vsel vm0, $0xFFFFFFFF, v0  }
0x91a: {  	[tilespmem:$0x1E5A0] =	vst v0;
	v0 =	vld [tilespmem:$0x1D6B0];
	_ =	sdelay $0x4  }
0x91b: {  	vm0 =	vnez.u8 v0;
	v0 =	vld [tilespmem:$0x1D6C0];
	_ =	sdelay $0x4  }
0x91c: {  	vm12 =	vnez.u8 v0  }
0x91d: {  	v0 =	vimm.s32 $0x0;
	vm0 =	vmor vm0, vm12  }
0x91e: {  	v0 =	vsel vm0, $0xFFFFFFFF, v0  }
0x91f: {  	[tilespmem:$0x1E5B0] =	vst v0;
	v0 =	vld [tilespmem:$0x1D6D0];
	_ =	sdelay $0x4  }
0x920: {  	vm0 =	vnez.u8 v0;
	v0 =	vld [tilespmem:$0x1D6E0];
	_ =	sdelay $0x4  }
0x921: {  	vm12 =	vnez.u8 v0  }
0x922: {  	v0 =	vimm.s32 $0x0;
	vm0 =	vmor vm0, vm12  }
0x923: {  	v0 =	vsel vm0, $0xFFFFFFFF, v0  }
0x924: {  	[tilespmem:$0x1E5C0] =	vst v0;
	v0 =	vld [tilespmem:$0x1D6F0];
	_ =	sdelay $0x4  }
0x925: {  	vm0 =	vnez.u8 v0;
	v0 =	vld [tilespmem:$0x1D700];
	_ =	sdelay $0x4  }
0x926: {  	vm12 =	vnez.u8 v0  }
0x927: {  	v0 =	vimm.s32 $0x0;
	vm0 =	vmor vm0, vm12  }
0x928: {  	v0 =	vsel vm0, $0xFFFFFFFF, v0  }
0x929: {  	[tilespmem:$0x1E5D0] =	vst v0;
	v0 =	vld [tilespmem:$0x1D710];
	_ =	sdelay $0x4  }
0x92a: {  	vm0 =	vnez.u8 v0;
	v0 =	vld [tilespmem:$0x1D720];
	_ =	sdelay $0x4  }
0x92b: {  	vm12 =	vnez.u8 v0  }
0x92c: {  	v0 =	vimm.s32 $0x0;
	vm0 =	vmor vm0, vm12  }
0x92d: {  	v0 =	vsel vm0, $0xFFFFFFFF, v0  }
0x92e: {  	[tilespmem:$0x1E5E0] =	vst v0;
	v0 =	vld [tilespmem:$0x1D730];
	_ =	sdelay $0x4  }
0x92f: {  	vm0 =	vnez.u8 v0;
	v0 =	vld [tilespmem:$0x1D740];
	_ =	sdelay $0x4  }
0x930: {  	vm12 =	vnez.u8 v0  }
0x931: {  	v0 =	vimm.s32 $0x0;
	vm0 =	vmor vm0, vm12  }
0x932: {  	v0 =	vsel vm0, $0xFFFFFFFF, v0  }
0x933: {  	[tilespmem:$0x1E5F0] =	vst v0;
	v0 =	vld [tilespmem:$0x1D750];
	_ =	sdelay $0x4  }
0x934: {  	vm0 =	vnez.u8 v0;
	v0 =	vld [tilespmem:$0x1D760];
	_ =	sdelay $0x4  }
0x935: {  	vm12 =	vnez.u8 v0  }
0x936: {  	v0 =	vimm.s32 $0x0;
	vm0 =	vmor vm0, vm12  }
0x937: {  	v0 =	vsel vm0, $0xFFFFFFFF, v0  }
0x938: {  	[tilespmem:$0x1E610] =	vst v0;
	v0 =	vld [tilespmem:$0x1D770];
	_ =	sdelay $0x4  }
0x939: {  	vm0 =	vnez.u8 v0;
	v0 =	vld [tilespmem:$0x1D780];
	_ =	sdelay $0x4  }
0x93a: {  	vm12 =	vnez.u8 v0  }
0x93b: {  	v0 =	vimm.s32 $0x0;
	vm0 =	vmor vm0, vm12  }
0x93c: {  	v0 =	vsel vm0, $0xFFFFFFFF, v0  }
0x93d: {  	[tilespmem:$0x1E600] =	vst v0;
	v0 =	vld [tilespmem:$0x1D790];
	_ =	sdelay $0x4  }
0x93e: {  	vm0 =	vnez.u8 v0;
	v0 =	vld [tilespmem:$0x1D7A0];
	_ =	sdelay $0x4  }
0x93f: {  	vm12 =	vnez.u8 v0  }
0x940: {  	v0 =	vimm.s32 $0x0;
	vm0 =	vmor vm0, vm12  }
0x941: {  	v0 =	vsel vm0, $0xFFFFFFFF, v0  }
0x942: {  	[tilespmem:$0x1E630] =	vst v0;
	v0 =	vld [tilespmem:$0x1D7B0];
	_ =	sdelay $0x4  }
0x943: {  	vm0 =	vnez.u8 v0;
	v0 =	vld [tilespmem:$0x1D7C0];
	_ =	sdelay $0x4  }
0x944: {  	vm12 =	vnez.u8 v0  }
0x945: {  	v0 =	vimm.s32 $0x0;
	vm0 =	vmor vm0, vm12  }
0x946: {  	v0 =	vsel vm0, $0xFFFFFFFF, v0  }
0x947: {  	[tilespmem:$0x1E620] =	vst v0;
	v0 =	vld [tilespmem:$0x1D7D0];
	_ =	sdelay $0x4  }
0x948: {  	vm0 =	vnez.u8 v0;
	v0 =	vld [tilespmem:$0x1D7E0];
	_ =	sdelay $0x4  }
0x949: {  	vm12 =	vnez.u8 v0  }
0x94a: {  	v0 =	vimm.s32 $0x0;
	vm0 =	vmor vm0, vm12  }
0x94b: {  	v0 =	vsel vm0, $0xFFFFFFFF, v0  }
0x94c: {  	[tilespmem:$0x1E640] =	vst v0;
	v0 =	vld [tilespmem:$0x1D7F0];
	_ =	sdelay $0x4  }
0x94d: {  	vm0 =	vnez.u8 v0;
	v0 =	vld [tilespmem:$0x1D800];
	_ =	sdelay $0x4  }
0x94e: {  	vm12 =	vnez.u8 v0  }
0x94f: {  	v0 =	vimm.s32 $0x0;
	vm0 =	vmor vm0, vm12  }
0x950: {  	v0 =	vsel vm0, $0xFFFFFFFF, v0  }
0x951: {  	[tilespmem:$0x1E650] =	vst v0;
	v0 =	vld [tilespmem:$0x1D810];
	_ =	sdelay $0x4  }
0x952: {  	vm0 =	vnez.u8 v0;
	v0 =	vld [tilespmem:$0x1D820];
	_ =	sdelay $0x4  }
0x953: {  	vm12 =	vnez.u8 v0  }
0x954: {  	v0 =	vimm.s32 $0x0;
	vm0 =	vmor vm0, vm12  }
0x955: {  	v0 =	vsel vm0, $0xFFFFFFFF, v0  }
0x956: {  	[tilespmem:$0x1E660] =	vst v0;
	v0 =	vld [tilespmem:$0x1D830];
	_ =	sdelay $0x4  }
0x957: {  	vm0 =	vnez.u8 v0;
	v0 =	vld [tilespmem:$0x1D840];
	_ =	sdelay $0x4  }
0x958: {  	vm12 =	vnez.u8 v0  }
0x959: {  	v0 =	vimm.s32 $0x0;
	vm0 =	vmor vm0, vm12  }
0x95a: {  	v0 =	vsel vm0, $0xFFFFFFFF, v0  }
0x95b: {  	[tilespmem:$0x1E670] =	vst v0;
	v0 =	vld [tilespmem:$0x1D850];
	_ =	sdelay $0x4  }
0x95c: {  	vm0 =	vnez.u8 v0;
	v0 =	vld [tilespmem:$0x1D860];
	_ =	sdelay $0x4  }
0x95d: {  	vm12 =	vnez.u8 v0  }
0x95e: {  	v0 =	vimm.s32 $0x0;
	vm0 =	vmor vm0, vm12  }
0x95f: {  	v0 =	vsel vm0, $0xFFFFFFFF, v0  }
0x960: {  	[tilespmem:$0x1E680] =	vst v0;
	v0 =	vld [tilespmem:$0x1D870];
	_ =	sdelay $0x4  }
0x961: {  	vm12 =	vnez.u8 v0  }
0x962: {  	v0 =	vimm.s32 $0x0;
	vm0 =	vmor vm12, vm5  }
0x963: {  	v0 =	vsel vm0, $0xFFFFFFFF, v0  }
0x964: {  	[tilespmem:$0x1E6B0] =	vst v0;
	v0 =	vld [tilespmem:$0x1D880];
	_ =	sdelay $0x4  }
0x965: {  	vm5 =	vnez.u8 v0;
	v0 =	vld [tilespmem:$0x1D890];
	_ =	sdelay $0x4  }
0x966: {  	vm12 =	vnez.u8 v0  }
0x967: {  	v0 =	vimm.s32 $0x0;
	vm0 =	vmor vm5, vm12  }
0x968: {  	v0 =	vsel vm0, $0xFFFFFFFF, v0  }
0x969: {  	[tilespmem:$0x1E690] =	vst v0;
	v0 =	vld [tilespmem:$0x1D8A0];
	_ =	sdelay $0x4  }
0x96a: {  	vm5 =	vnez.u8 v0;
	v0 =	vld [tilespmem:$0x1D8B0];
	_ =	sdelay $0x4  }
0x96b: {  	vm12 =	vnez.u8 v0  }
0x96c: {  	v0 =	vimm.s32 $0x0;
	vm0 =	vmor vm5, vm12  }
0x96d: {  	v0 =	vsel vm0, $0xFFFFFFFF, v0  }
0x96e: {  	[tilespmem:$0x1E6A0] =	vst v0;
	v0 =	vld [tilespmem:$0x1D8C0];
	_ =	sdelay $0x4  }
0x96f: {  	vm5 =	vnez.u8 v0;
	v0 =	vld [tilespmem:$0x1D8D0];
	_ =	sdelay $0x4  }
0x970: {  	vm12 =	vnez.u8 v0  }
0x971: {  	v0 =	vimm.s32 $0x0;
	vm0 =	vmor vm5, vm12  }
0x972: {  	v0 =	vsel vm0, $0xFFFFFFFF, v0  }
0x973: {  	[tilespmem:$0x1E6C0] =	vst v0;
	v0 =	vld [tilespmem:$0x1D8E0];
	_ =	sdelay $0x4  }
0x974: {  	vm5 =	vnez.u8 v0;
	v0 =	vld [tilespmem:$0x1D8F0];
	_ =	sdelay $0x4  }
0x975: {  	vm12 =	vnez.u8 v0  }
0x976: {  	v0 =	vimm.s32 $0x0;
	vm0 =	vmor vm5, vm12  }
0x977: {  	v0 =	vsel vm0, $0xFFFFFFFF, v0  }
0x978: {  	[tilespmem:$0x1E6D0] =	vst v0;
	v0 =	vld [tilespmem:$0x1D900];
	_ =	sdelay $0x4  }
0x979: {  	vm5 =	vnez.u8 v0;
	v0 =	vld [tilespmem:$0x1D910];
	_ =	sdelay $0x4  }
0x97a: {  	vm12 =	vnez.u8 v0  }
0x97b: {  	v0 =	vimm.s32 $0x0;
	vm0 =	vmor vm5, vm12  }
0x97c: {  	v0 =	vsel vm0, $0xFFFFFFFF, v0  }
0x97d: {  	[tilespmem:$0x1E6E0] =	vst v0  }
0x97e: {  	v0 =	vld [tilespmem:$0x1D920];
	_ =	sdelay $0x4  }
0x97f: {  	vm5 =	vnez.u8 v0;
	v0 =	vld [tilespmem:$0x1D930];
	_ =	sdelay $0x4  }
0x980: {  	vm12 =	vnez.u8 v0  }
0x981: {  	v0 =	vimm.s32 $0x0;
	vm0 =	vmor vm5, vm12  }
0x982: {  	v0 =	vsel vm0, $0xFFFFFFFF, v0  }
0x983: {  	[tilespmem:$0x1E6F0] =	vst v0;
	v0 =	vld [tilespmem:$0x1D940];
	_ =	sdelay $0x4  }
0x984: {  	vm5 =	vnez.u8 v0  }
0x985: {  	v0 =	vimm.s32 $0x0;
	vm0 =	vmor vm5, vm3  }
0x986: {  	v0 =	vsel vm0, $0xFFFFFFFF, v0  }
0x987: {  	[tilespmem:$0x1E720] =	vst v0;
	v0 =	vld [tilespmem:$0x1D950];
	_ =	sdelay $0x4  }
0x988: {  	vm12 =	vnez.u8 v0;
	v0 =	vld [tilespmem:$0x1D960];
	_ =	sdelay $0x4  }
0x989: {  	vm5 =	vnez.u8 v0  }
0x98a: {  	v0 =	vimm.s32 $0x0;
	vm0 =	vmor vm12, vm5  }
0x98b: {  	v0 =	vsel vm0, $0xFFFFFFFF, v0  }
0x98c: {  	[tilespmem:$0x1E700] =	vst v0;
	v0 =	vld [tilespmem:$0x1D970];
	_ =	sdelay $0x4  }
0x98d: {  	vm12 =	vnez.u8 v0;
	v0 =	vld [tilespmem:$0x1D980];
	_ =	sdelay $0x4  }
0x98e: {  	vm5 =	vnez.u8 v0  }
0x98f: {  	v0 =	vimm.s32 $0x0;
	vm0 =	vmor vm12, vm5  }
0x990: {  	v0 =	vsel vm0, $0xFFFFFFFF, v0  }
0x991: {  	[tilespmem:$0x1E710] =	vst v0;
	v0 =	vld [tilespmem:$0x1D990];
	_ =	sdelay $0x4  }
0x992: {  	vm12 =	vnez.u8 v0;
	v0 =	vld [tilespmem:$0x1D9A0];
	_ =	sdelay $0x4  }
0x993: {  	vm5 =	vnez.u8 v0  }
0x994: {  	v0 =	vimm.s32 $0x0;
	vm0 =	vmor vm12, vm5  }
0x995: {  	v0 =	vsel vm0, $0xFFFFFFFF, v0  }
0x996: {  	[tilespmem:$0x1E730] =	vst v0;
	v0 =	vld [tilespmem:$0x1D9B0];
	_ =	sdelay $0x4  }
0x997: {  	vm12 =	vnez.u8 v0;
	v0 =	vld [tilespmem:$0x1D9C0];
	_ =	sdelay $0x4  }
0x998: {  	vm5 =	vnez.u8 v0  }
0x999: {  	v0 =	vimm.s32 $0x0;
	vm0 =	vmor vm12, vm5  }
0x99a: {  	v0 =	vsel vm0, $0xFFFFFFFF, v0  }
0x99b: {  	[tilespmem:$0x1E740] =	vst v0;
	v0 =	vld [tilespmem:$0x1D9D0];
	_ =	sdelay $0x4  }
0x99c: {  	vm12 =	vnez.u8 v0;
	v0 =	vld [tilespmem:$0x1D9E0];
	_ =	sdelay $0x4  }
0x99d: {  	vm5 =	vnez.u8 v0  }
0x99e: {  	v0 =	vimm.s32 $0x0;
	vm0 =	vmor vm12, vm5  }
0x99f: {  	v0 =	vsel vm0, $0xFFFFFFFF, v0  }
0x9a0: {  	[tilespmem:$0x1E750] =	vst v0;
	v0 =	vld [tilespmem:$0x1D9F0];
	_ =	sdelay $0x4  }
0x9a1: {  	vm12 =	vnez.u8 v0;
	v0 =	vld [tilespmem:$0x1DA00];
	_ =	sdelay $0x4  }
0x9a2: {  	vm5 =	vnez.u8 v0  }
0x9a3: {  	v0 =	vimm.s32 $0x0;
	vm0 =	vmor vm12, vm5  }
0x9a4: {  	v0 =	vsel vm0, $0xFFFFFFFF, v0  }
0x9a5: {  	[tilespmem:$0x1E760] =	vst v0;
	v0 =	vld [tilespmem:$0x1DA10];
	_ =	sdelay $0x4  }
0x9a6: {  	vm12 =	vnez.u8 v0;
	v0 =	vld [tilespmem:$0x1DA20];
	_ =	sdelay $0x4  }
0x9a7: {  	vm5 =	vnez.u8 v0  }
0x9a8: {  	v0 =	vimm.s32 $0x0;
	vm0 =	vmor vm12, vm5  }
0x9a9: {  	v0 =	vsel vm0, $0xFFFFFFFF, v0  }
0x9aa: {  	[tilespmem:$0x1E770] =	vst v0;
	v0 =	vld [tilespmem:$0x1DA30];
	_ =	sdelay $0x4  }
0x9ab: {  	vm12 =	vnez.u8 v0;
	v0 =	vld [tilespmem:$0x1DA40];
	_ =	sdelay $0x4  }
0x9ac: {  	vm5 =	vnez.u8 v0  }
0x9ad: {  	v0 =	vimm.s32 $0x0;
	vm0 =	vmor vm12, vm5  }
0x9ae: {  	v0 =	vsel vm0, $0xFFFFFFFF, v0  }
0x9af: {  	[tilespmem:$0x1E790] =	vst v0;
	v0 =	vld [tilespmem:$0x1DA50];
	_ =	sdelay $0x4  }
0x9b0: {  	vm12 =	vnez.u8 v0;
	v0 =	vld [tilespmem:$0x1DA60];
	_ =	sdelay $0x4  }
0x9b1: {  	vm5 =	vnez.u8 v0  }
0x9b2: {  	v0 =	vimm.s32 $0x0;
	vm0 =	vmor vm12, vm5  }
0x9b3: {  	v0 =	vsel vm0, $0xFFFFFFFF, v0  }
0x9b4: {  	[tilespmem:$0x1E780] =	vst v0;
	v0 =	vld [tilespmem:$0x1DA70];
	_ =	sdelay $0x4  }
0x9b5: {  	vm12 =	vnez.u8 v0  }
0x9b6: {  	v0 =	vimm.s32 $0x0;
	vm0 =	vmor vm12, vm15  }
0x9b7: {  	v0 =	vsel vm0, $0xFFFFFFFF, v0  }
0x9b8: {  	[tilespmem:$0x1E7B0] =	vst v0;
	v0 =	vld [tilespmem:$0x1DA80];
	_ =	sdelay $0x4  }
0x9b9: {  	vm5 =	vnez.u8 v0;
	v0 =	vld [tilespmem:$0x1DA90];
	_ =	sdelay $0x4  }
0x9ba: {  	vm12 =	vnez.u8 v0  }
0x9bb: {  	v0 =	vimm.s32 $0x0;
	vm0 =	vmor vm5, vm12  }
0x9bc: {  	v0 =	vsel vm0, $0xFFFFFFFF, v0  }
0x9bd: {  	[tilespmem:$0x1E7A0] =	vst v0;
	v0 =	vld [tilespmem:$0x1DAA0];
	_ =	sdelay $0x4  }
0x9be: {  	vm15 =	vnez.u8 v0;
	v0 =	vld [tilespmem:$0x1DAB0];
	_ =	sdelay $0x4  }
0x9bf: {  	vm5 =	vnez.u8 v0  }
0x9c0: {  	v0 =	vimm.s32 $0x0;
	vm0 =	vmor vm15, vm5  }
0x9c1: {  	v0 =	vsel vm0, $0xFFFFFFFF, v0  }
0x9c2: {  	[tilespmem:$0x1E7C0] =	vst v0;
	v0 =	vld [tilespmem:$0x1DAC0];
	_ =	sdelay $0x4  }
0x9c3: {  	vm12 =	vnez.u8 v0;
	v0 =	vld [tilespmem:$0x1DAD0];
	_ =	sdelay $0x4  }
0x9c4: {  	vm15 =	vnez.u8 v0  }
0x9c5: {  	v0 =	vimm.s32 $0x0;
	vm0 =	vmor vm12, vm15  }
0x9c6: {  	v0 =	vsel vm0, $0xFFFFFFFF, v0  }
0x9c7: {  	[tilespmem:$0x1E7D0] =	vst v0;
	v0 =	vld [tilespmem:$0x1DAE0];
	_ =	sdelay $0x4  }
0x9c8: {  	vm5 =	vnez.u8 v0;
	v0 =	vld [tilespmem:$0x1DAF0];
	_ =	sdelay $0x4  }
0x9c9: {  	vm12 =	vnez.u8 v0  }
0x9ca: {  	v0 =	vimm.s32 $0x0;
	vm0 =	vmor vm5, vm12  }
0x9cb: {  	v0 =	vsel vm0, $0xFFFFFFFF, v0  }
0x9cc: {  	[tilespmem:$0x1E7E0] =	vst v0;
	v0 =	vld [tilespmem:$0x1DB00];
	_ =	sdelay $0x4  }
0x9cd: {  	vm15 =	vnez.u8 v0;
	v0 =	vld [tilespmem:$0x1DB10];
	_ =	sdelay $0x4  }
0x9ce: {  	vm5 =	vnez.u8 v0  }
0x9cf: {  	v0 =	vimm.s32 $0x0;
	vm0 =	vmor vm15, vm5  }
0x9d0: {  	v0 =	vsel vm0, $0xFFFFFFFF, v0  }
0x9d1: {  	[tilespmem:$0x1E7F0] =	vst v0;
	v0 =	vld [tilespmem:$0x1DB20];
	_ =	sdelay $0x4  }
0x9d2: {  	vm12 =	vnez.u8 v0;
	v0 =	vld [tilespmem:$0x1DB30];
	_ =	sdelay $0x4  }
0x9d3: {  	vm15 =	vnez.u8 v0  }
0x9d4: {  	v0 =	vimm.s32 $0x0;
	vm0 =	vmor vm12, vm15  }
0x9d5: {  	v0 =	vsel vm0, $0xFFFFFFFF, v0  }
0x9d6: {  	[tilespmem:$0x1E800] =	vst v0;
	v0 =	vld [tilespmem:$0x1DB40];
	_ =	sdelay $0x4  }
0x9d7: {  	vm5 =	vnez.u8 v0  }
0x9d8: {  	v0 =	vimm.s32 $0x0;
	vm0 =	vmor vm5, vm4  }
0x9d9: {  	v0 =	vsel vm0, $0xFFFFFFFF, v0  }
0x9da: {  	[tilespmem:$0x1E830] =	vst v0;
	v0 =	vld [tilespmem:$0x1DB50];
	_ =	sdelay $0x4  }
0x9db: {  	vm12 =	vnez.u8 v0;
	v0 =	vld [tilespmem:$0x1DB60];
	_ =	sdelay $0x4  }
0x9dc: {  	vm15 =	vnez.u8 v0  }
0x9dd: {  	v0 =	vimm.s32 $0x0;
	vm0 =	vmor vm12, vm15  }
0x9de: {  	v0 =	vsel vm0, $0xFFFFFFFF, v0  }
0x9df: {  	[tilespmem:$0x1E810] =	vst v0;
	v0 =	vld [tilespmem:$0x1DB70];
	_ =	sdelay $0x4  }
0x9e0: {  	vm4 =	vnez.u8 v0;
	v0 =	vld [tilespmem:$0x1DB80];
	_ =	sdelay $0x4  }
0x9e1: {  	vm5 =	vnez.u8 v0  }
0x9e2: {  	v0 =	vimm.s32 $0x0;
	vm0 =	vmor vm4, vm5  }
0x9e3: {  	v0 =	vsel vm0, $0xFFFFFFFF, v0  }
0x9e4: {  	[tilespmem:$0x1E820] =	vst v0;
	v0 =	vld [tilespmem:$0x1DB90];
	_ =	sdelay $0x4  }
0x9e5: {  	vm12 =	vnez.u8 v0;
	v0 =	vld [tilespmem:$0x1DBA0];
	_ =	sdelay $0x4  }
0x9e6: {  	vm15 =	vnez.u8 v0  }
0x9e7: {  	v0 =	vimm.s32 $0x0;
	vm0 =	vmor vm12, vm15  }
0x9e8: {  	v0 =	vsel vm0, $0xFFFFFFFF, v0  }
0x9e9: {  	[tilespmem:$0x1E840] =	vst v0;
	v0 =	vld [tilespmem:$0x1DBB0];
	_ =	sdelay $0x4  }
0x9ea: {  	vm4 =	vnez.u8 v0;
	v0 =	vld [tilespmem:$0x1DBC0];
	_ =	sdelay $0x4  }
0x9eb: {  	vm5 =	vnez.u8 v0  }
0x9ec: {  	v0 =	vimm.s32 $0x0;
	vm0 =	vmor vm4, vm5  }
0x9ed: {  	v0 =	vsel vm0, $0xFFFFFFFF, v0  }
0x9ee: {  	[tilespmem:$0x1E850] =	vst v0;
	v0 =	vld [tilespmem:$0x1DBD0];
	_ =	sdelay $0x4  }
0x9ef: {  	vm12 =	vnez.u8 v0;
	v0 =	vld [tilespmem:$0x1DBE0];
	_ =	sdelay $0x4  }
0x9f0: {  	vm15 =	vnez.u8 v0  }
0x9f1: {  	v0 =	vimm.s32 $0x0;
	vm0 =	vmor vm12, vm15  }
0x9f2: {  	v0 =	vsel vm0, $0xFFFFFFFF, v0  }
0x9f3: {  	[tilespmem:$0x1E860] =	vst v0;
	v0 =	vld [tilespmem:$0x1DBF0];
	_ =	sdelay $0x4  }
0x9f4: {  	vm4 =	vnez.u8 v0;
	v0 =	vld [tilespmem:$0x1DC00];
	_ =	sdelay $0x4  }
0x9f5: {  	vm5 =	vnez.u8 v0  }
0x9f6: {  	v0 =	vimm.s32 $0x0;
	vm0 =	vmor vm4, vm5  }
0x9f7: {  	v0 =	vsel vm0, $0xFFFFFFFF, v0  }
0x9f8: {  	[tilespmem:$0x1E870] =	vst v0;
	v0 =	vld [tilespmem:$0x1DC10];
	_ =	sdelay $0x4  }
0x9f9: {  	vm12 =	vnez.u8 v0  }
0x9fa: {  	v0 =	vimm.s32 $0x0;
	vm0 =	vmor vm12, vm10  }
0x9fb: {  	v0 =	vsel vm0, $0xFFFFFFFF, v0  }
0x9fc: {  	[tilespmem:$0x1E8A0] =	vst v0;
	v0 =	vld [tilespmem:$0x1DC20];
	_ =	sdelay $0x4  }
0x9fd: {  	vm15 =	vnez.u8 v0;
	v0 =	vld [tilespmem:$0x1DC30];
	_ =	sdelay $0x4  }
0x9fe: {  	vm4 =	vnez.u8 v0  }
0x9ff: {  	v0 =	vimm.s32 $0x0;
	vm0 =	vmor vm15, vm4  }
0xa00: {  	v0 =	vsel vm0, $0xFFFFFFFF, v0  }
0xa01: {  	[tilespmem:$0x1E880] =	vst v0;
	v0 =	vld [tilespmem:$0x1DC40];
	_ =	sdelay $0x4  }
0xa02: {  	vm5 =	vnez.u8 v0;
	v0 =	vld [tilespmem:$0x1DC50];
	_ =	sdelay $0x4  }
0xa03: {  	vm10 =	vnez.u8 v0  }
0xa04: {  	v0 =	vimm.s32 $0x0;
	vm0 =	vmor vm5, vm10  }
0xa05: {  	v0 =	vsel vm0, $0xFFFFFFFF, v0  }
0xa06: {  	[tilespmem:$0x1E890] =	vst v0;
	v0 =	vld [tilespmem:$0x1DC60];
	_ =	sdelay $0x4  }
0xa07: {  	vm12 =	vnez.u8 v0;
	v0 =	vld [tilespmem:$0x1DC70];
	_ =	sdelay $0x4  }
0xa08: {  	vm15 =	vnez.u8 v0  }
0xa09: {  	v0 =	vimm.s32 $0x0;
	vm0 =	vmor vm12, vm15  }
0xa0a: {  	v0 =	vsel vm0, $0xFFFFFFFF, v0  }
0xa0b: {  	[tilespmem:$0x1E8B0] =	vst v0;
	v0 =	vld [tilespmem:$0x1DC80];
	_ =	sdelay $0x4  }
0xa0c: {  	vm4 =	vnez.u8 v0;
	v0 =	vld [tilespmem:$0x1DC90];
	_ =	sdelay $0x4  }
0xa0d: {  	vm5 =	vnez.u8 v0  }
0xa0e: {  	v0 =	vimm.s32 $0x0;
	vm0 =	vmor vm4, vm5  }
0xa0f: {  	v0 =	vsel vm0, $0xFFFFFFFF, v0  }
0xa10: {  	[tilespmem:$0x1E8C0] =	vst v0;
	v0 =	vld [tilespmem:$0x1DCA0];
	_ =	sdelay $0x4  }
0xa11: {  	vm10 =	vnez.u8 v0;
	v0 =	vld [tilespmem:$0x1DCB0];
	_ =	sdelay $0x4  }
0xa12: {  	vm12 =	vnez.u8 v0  }
0xa13: {  	v0 =	vimm.s32 $0x0;
	vm0 =	vmor vm10, vm12  }
0xa14: {  	v0 =	vsel vm0, $0xFFFFFFFF, v0  }
0xa15: {  	[tilespmem:$0x1E8D0] =	vst v0;
	v0 =	vld [tilespmem:$0x1DCC0];
	_ =	sdelay $0x4  }
0xa16: {  	vm15 =	vnez.u8 v0;
	v0 =	vld [tilespmem:$0x1DCD0];
	_ =	sdelay $0x4  }
0xa17: {  	vm4 =	vnez.u8 v0  }
0xa18: {  	v0 =	vimm.s32 $0x0;
	vm0 =	vmor vm15, vm4  }
0xa19: {  	v0 =	vsel vm0, $0xFFFFFFFF, v0  }
0xa1a: {  	[tilespmem:$0x1E8E0] =	vst v0;
	v0 =	vld [tilespmem:$0x1DCE0];
	_ =	sdelay $0x4  }
0xa1b: {  	vm5 =	vnez.u8 v0;
	v0 =	vld [tilespmem:$0x1DCF0];
	_ =	sdelay $0x4  }
0xa1c: {  	vm10 =	vnez.u8 v0  }
0xa1d: {  	v0 =	vimm.s32 $0x0;
	vm0 =	vmor vm5, vm10  }
0xa1e: {  	v0 =	vsel vm0, $0xFFFFFFFF, v0  }
0xa1f: {  	[tilespmem:$0x1E8F0] =	vst v0;
	v0 =	vld [tilespmem:$0x1DD00];
	_ =	sdelay $0x4  }
0xa20: {  	vm12 =	vnez.u8 v0  }
0xa21: {  	v0 =	vimm.s32 $0x0;
	vm0 =	vmor vm12, vm14  }
0xa22: {  	v0 =	vsel vm0, $0xFFFFFFFF, v0  }
0xa23: {  	[tilespmem:$0x1E900] =	vst v0;
	v0 =	vld [tilespmem:$0x1DD10];
	_ =	sdelay $0x4  }
0xa24: {  	vm14 =	vnez.u8 v0;
	v0 =	vld [tilespmem:$0x1DD20];
	_ =	sdelay $0x4  }
0xa25: {  	vm15 =	vnez.u8 v0;
	v0 =	vld [tilespmem:$0x1DD30];
	_ =	sdelay $0x4  }
0xa26: {  	vm4 =	vnez.u8 v0  }
0xa27: {  	v0 =	vimm.s32 $0x0;
	vm0 =	vmor vm4, vm13  }
0xa28: {  	v0 =	vsel vm0, $0xFFFFFFFF, v0  }
0xa29: {  	[tilespmem:$0x1E920] =	vst v0;
	v0 =	vld [tilespmem:$0x1DD40];
	_ =	sdelay $0x4  }
0xa2a: {  	vm5 =	vnez.u8 v0;
	v0 =	vld [tilespmem:$0x1DD50];
	_ =	sdelay $0x4  }
0xa2b: {  	vm10 =	vnez.u8 v0  }
0xa2c: {  	v0 =	vimm.s32 $0x0;
	vm0 =	vmor vm5, vm10  }
0xa2d: {  	v0 =	vsel vm0, $0xFFFFFFFF, v0  }
0xa2e: {  	[tilespmem:$0x1E910] =	vst v0;
	v0 =	vld [tilespmem:$0x1DD60];
	_ =	sdelay $0x4  }
0xa2f: {  	vm13 =	vnez.u8 v0;
	v0 =	vld [tilespmem:$0x1DD70];
	_ =	sdelay $0x4  }
0xa30: {  	vm12 =	vmor vm14, vm15;
	vm14 =	vnez.u8 v0  }
0xa31: {  	v0 =	vimm.s32 $0x0;
	vm0 =	vmor vm13, vm14  }
0xa32: {  	v0 =	vsel vm0, $0xFFFFFFFF, v0  }
0xa33: {  	[tilespmem:$0x1E930] =	vst v0;
	v0 =	vld [tilespmem:$0x1DD80];
	_ =	sdelay $0x4  }
0xa34: {  	vm15 =	vnez.u8 v0;
	v0 =	vld [tilespmem:$0x1DD90];
	_ =	sdelay $0x4  }
0xa35: {  	vm4 =	vnez.u8 v0  }
0xa36: {  	v0 =	vimm.s32 $0x0;
	vm0 =	vmor vm15, vm4  }
0xa37: {  	v0 =	vsel vm0, $0xFFFFFFFF, v0  }
0xa38: {  	[tilespmem:$0x1E940] =	vst v0;
	v0 =	vld [tilespmem:$0x1DDA0];
	_ =	sdelay $0x4  }
0xa39: {  	vm5 =	vnez.u8 v0;
	v0 =	vld [tilespmem:$0x1DDB0];
	_ =	sdelay $0x4  }
0xa3a: {  	vm10 =	vnez.u8 v0  }
0xa3b: {  	v0 =	vimm.s32 $0x0;
	vm0 =	vmor vm5, vm10  }
0xa3c: {  	v0 =	vsel vm0, $0xFFFFFFFF, v0  }
0xa3d: {  	[tilespmem:$0x1E950] =	vst v0;
	v0 =	vld [tilespmem:$0x1DDC0];
	_ =	sdelay $0x4  }
0xa3e: {  	vm13 =	vnez.u8 v0;
	v0 =	vld [tilespmem:$0x1DDD0];
	_ =	sdelay $0x4  }
0xa3f: {  	vm14 =	vnez.u8 v0  }
0xa40: {  	v0 =	vimm.s32 $0x0;
	vm0 =	vmor vm13, vm14  }
0xa41: {  	v0 =	vsel vm0, $0xFFFFFFFF, v0  }
0xa42: {  	[tilespmem:$0x1E960] =	vst v0;
	v0 =	vld [tilespmem:$0x1DDE0];
	_ =	sdelay $0x4  }
0xa43: {  	vm15 =	vnez.u8 v0;
	v0 =	vld [tilespmem:$0x1DDF0];
	_ =	sdelay $0x4  }
0xa44: {  	vm4 =	vnez.u8 v0  }
0xa45: {  	v0 =	vimm.s32 $0x0;
	vm0 =	vmor vm15, vm4  }
0xa46: {  	v0 =	vsel vm0, $0xFFFFFFFF, v0  }
0xa47: {  	[tilespmem:$0x1E970] =	vst v0;
	v0 =	vld [tilespmem:$0x1DE00];
	_ =	sdelay $0x4  }
0xa48: {  	vm5 =	vnez.u8 v0  }
0xa49: {  	v0 =	vimm.s32 $0x0;
	vm0 =	vmor vm5, vm6  }
0xa4a: {  	v0 =	vsel vm0, $0xFFFFFFFF, v0  }
0xa4b: {  	[tilespmem:$0x1E980] =	vst v0;
	v0 =	vld [tilespmem:$0x1DE10];
	_ =	sdelay $0x4  }
0xa4c: {  	vm6 =	vnez.u8 v0;
	v0 =	vld [tilespmem:$0x1DE20];
	_ =	sdelay $0x4  }
0xa4d: {  	vm10 =	vnez.u8 v0;
	v0 =	vld [tilespmem:$0x1DE30];
	_ =	sdelay $0x4  }
0xa4e: {  	vm13 =	vnez.u8 v0;
	v0 =	vld [tilespmem:$0x1DE40];
	_ =	sdelay $0x4  }
0xa4f: {  	vm14 =	vnez.u8 v0;
	v0 =	vld [tilespmem:$0x1DE50];
	_ =	sdelay $0x4  }
0xa50: {  	vm15 =	vnez.u8 v0;
	v0 =	vld [tilespmem:$0x1DE60];
	_ =	sdelay $0x4  }
0xa51: {  	vm4 =	vnez.u8 v0  }
0xa52: {  	v0 =	vimm.s32 $0x0;
	vm0 =	vmor vm15, vm4  }
0xa53: {  	v0 =	vsel vm0, $0xFFFFFFFF, v0  }
0xa54: {  	[tilespmem:$0x1E990] =	vst v0;
	v0 =	vld [tilespmem:$0x1DE70];
	_ =	sdelay $0x4  }
0xa55: {  	vm5 =	vnez.u8 v0;
	v0 =	vld [tilespmem:$0x1DE80];
	_ =	sdelay $0x4  }
0xa56: {  	vm10 =	vmor vm6, vm10;
	vm6 =	vnez.u8 v0  }
0xa57: {  	v0 =	vimm.s32 $0x0;
	vm0 =	vmor vm5, vm6  }
0xa58: {  	v0 =	vsel vm0, $0xFFFFFFFF, v0  }
0xa59: {  	[tilespmem:$0x1E9A0] =	vst v0;
	v0 =	vld [tilespmem:$0x1DE90];
	_ =	sdelay $0x4  }
0xa5a: {  	vm13 =	vmor vm13, vm14;
	vm14 =	vnez.u8 v0;
	v0 =	vld [tilespmem:$0x1DEA0];
	_ =	sdelay $0x4  }
0xa5b: {  	vm15 =	vnez.u8 v0  }
0xa5c: {  	v0 =	vimm.s32 $0x0;
	vm0 =	vmor vm14, vm15  }
0xa5d: {  	v0 =	vsel vm0, $0xFFFFFFFF, v0  }
0xa5e: {  	[tilespmem:$0x1E9B0] =	vst v0;
	v0 =	vld [tilespmem:$0x1DEB0];
	_ =	sdelay $0x4  }
0xa5f: {  	vm4 =	vnez.u8 v0;
	v0 =	vld [tilespmem:$0x1DEC0];
	_ =	sdelay $0x4  }
0xa60: {  	vm5 =	vnez.u8 v0  }
0xa61: {  	v0 =	vimm.s32 $0x0;
	vm0 =	vmor vm4, vm5  }
0xa62: {  	v0 =	vsel vm0, $0xFFFFFFFF, v0  }
0xa63: {  	[tilespmem:$0x1E9C0] =	vst v0;
	v0 =	vld [tilespmem:$0x1DED0];
	_ =	sdelay $0x4  }
0xa64: {  	vm6 =	vnez.u8 v0  }
0xa65: {  	v0 =	vimm.s32 $0x0;
	vm0 =	vmor vm6, vm7  }
0xa66: {  	v0 =	vsel vm0, $0xFFFFFFFF, v0  }
0xa67: {  	[tilespmem:$0x1E9D0] =	vst v0;
	v0 =	vld [tilespmem:$0x1DEE0];
	_ =	sdelay $0x4  }
0xa68: {  	vm14 =	vnez.u8 v0;
	v0 =	vld [tilespmem:$0x1DEF0];
	_ =	sdelay $0x4  }
0xa69: {  	vm15 =	vnez.u8 v0;
	v0 =	vld [tilespmem:$0x1DF00];
	_ =	sdelay $0x4  }
0xa6a: {  	vm4 =	vnez.u8 v0;
	v0 =	vld [tilespmem:$0x1DF10];
	_ =	sdelay $0x4  }
0xa6b: {  	vm5 =	vnez.u8 v0;
	v0 =	vld [tilespmem:$0x1DF20];
	_ =	sdelay $0x4  }
0xa6c: {  	vm6 =	vnez.u8 v0;
	v0 =	vld [tilespmem:$0x1DF30];
	_ =	sdelay $0x4  }
0xa6d: {  	vm7 =	vnez.u8 v0  }
0xa6e: {  	v0 =	vimm.s32 $0x0;
	vm0 =	vmor vm6, vm7  }
0xa6f: {  	v0 =	vsel vm0, $0xFFFFFFFF, v0  }
0xa70: {  	[tilespmem:$0x1E9E0] =	vst v0;
	v0 =	vld [tilespmem:$0x1DF40];
	_ =	sdelay $0x4  }
0xa71: {  	vm14 =	vmor vm14, vm15;
	vm15 =	vmor vm4, vm5;
	vm4 =	vnez.u8 v0;
	v0 =	vld [tilespmem:$0x1DF50];
	_ =	sdelay $0x4  }
0xa72: {  	vm5 =	vnez.u8 v0  }
0xa73: {  	v0 =	vimm.s32 $0x0;
	vm0 =	vmor vm4, vm5  }
0xa74: {  	v0 =	vsel vm0, $0xFFFFFFFF, v0  }
0xa75: {  	[tilespmem:$0x1E9F0] =	vst v0;
	v0 =	vld [tilespmem:$0x1DF60];
	_ =	sdelay $0x4  }
0xa76: {  	vm6 =	vnez.u8 v0;
	v0 =	vld [tilespmem:$0x1DF70];
	_ =	sdelay $0x4  }
0xa77: {  	vm7 =	vnez.u8 v0  }
0xa78: {  	v0 =	vimm.s32 $0x0;
	vm0 =	vmor vm6, vm7  }
0xa79: {  	v0 =	vsel vm0, $0xFFFFFFFF, v0  }
0xa7a: {  	[tilespmem:$0x1EA00] =	vst v0;
	v0 =	vld [tilespmem:$0x1DF80];
	_ =	sdelay $0x4  }
0xa7b: {  	vm4 =	vnez.u8 v0;
	v0 =	vld [tilespmem:$0x1DF90];
	_ =	sdelay $0x4  }
0xa7c: {  	vm5 =	vnez.u8 v0  }
0xa7d: {  	v0 =	vimm.s32 $0x0;
	vm0 =	vmor vm4, vm5  }
0xa7e: {  	v0 =	vsel vm0, $0xFFFFFFFF, v0  }
0xa7f: {  	[tilespmem:$0x1EA10] =	vst v0;
	v0 =	vld [tilespmem:$0x1DFA0];
	_ =	sdelay $0x4  }
0xa80: {  	vm6 =	vnez.u8 v0;
	v0 =	vld [tilespmem:$0x1DFB0];
	_ =	sdelay $0x4  }
0xa81: {  	vm7 =	vnez.u8 v0  }
0xa82: {  	v0 =	vimm.s32 $0x0;
	vm0 =	vmor vm6, vm7  }
0xa83: {  	v0 =	vsel vm0, $0xFFFFFFFF, v0  }
0xa84: {  	[tilespmem:$0x1EA20] =	vst v0;
	v0 =	vld [tilespmem:$0x1DFC0];
	_ =	sdelay $0x4  }
0xa85: {  	vm4 =	vnez.u8 v0  }
0xa86: {  	v0 =	vimm.s32 $0x0;
	vm0 =	vmor vm4, vm9  }
0xa87: {  	v0 =	vsel vm0, $0xFFFFFFFF, v0  }
0xa88: {  	[tilespmem:$0x1EA30] =	vst v0;
	v0 =	vld [tilespmem:$0x1DFD0];
	_ =	sdelay $0x4  }
0xa89: {  	vm5 =	vnez.u8 v0;
	v0 =	vld [tilespmem:$0x1DFE0];
	_ =	sdelay $0x4  }
0xa8a: {  	vm6 =	vnez.u8 v0;
	v0 =	vld [tilespmem:$0x1DFF0];
	_ =	sdelay $0x4  }
0xa8b: {  	vm7 =	vnez.u8 v0  }
0xa8c: {  	v0 =	vimm.s32 $0x0;
	vm0 =	vmor vm7, vm11  }
0xa8d: {  	v0 =	vsel vm0, $0xFFFFFFFF, v0  }
0xa8e: {  	[tilespmem:$0x1EA40] =	vst v0;
	v0 =	vld [tilespmem:$0x1E000];
	_ =	sdelay $0x4  }
0xa8f: {  	vm9 =	vnez.u8 v0;
	v0 =	vld [tilespmem:$0x1E010];
	_ =	sdelay $0x4  }
0xa90: {  	vm11 =	vnez.u8 v0;
	v0 =	vld [tilespmem:$0x1E020];
	_ =	sdelay $0x4  }
0xa91: {  	vm4 =	vnez.u8 v0;
	v0 =	vld [tilespmem:$0x1E030];
	_ =	sdelay $0x4  }
0xa92: {  	vm6 =	vmor vm5, vm6;
	vm5 =	vnez.u8 v0  }
0xa93: {  	v0 =	vimm.s32 $0x0;
	vm0 =	vmor vm4, vm5  }
0xa94: {  	v0 =	vsel vm0, $0xFFFFFFFF, v0  }
0xa95: {  	[tilespmem:$0x1EA50] =	vst v0;
	v0 =	vld [tilespmem:$0x1E040];
	_ =	sdelay $0x4  }
0xa96: {  	vm7 =	vnez.u8 v0;
	v0 =	vld [tilespmem:$0x1E050];
	_ =	sdelay $0x4  }
0xa97: {  	vm11 =	vmor vm9, vm11;
	vm9 =	vnez.u8 v0  }
0xa98: {  	v0 =	vimm.s32 $0x0;
	vm0 =	vmor vm7, vm9  }
0xa99: {  	v0 =	vsel vm0, $0xFFFFFFFF, v0  }
0xa9a: {  	[tilespmem:$0x1EA60] =	vst v0;
	v0 =	vld [tilespmem:$0x1E060];
	_ =	sdelay $0x4  }
0xa9b: {  	vm4 =	vnez.u8 v0;
	v0 =	vld [tilespmem:$0x1E070];
	_ =	sdelay $0x4  }
0xa9c: {  	vm5 =	vnez.u8 v0  }
0xa9d: {  	v0 =	vimm.s32 $0x0;
	vm0 =	vmor vm4, vm5  }
0xa9e: {  	v0 =	vsel vm0, $0xFFFFFFFF, v0  }
0xa9f: {  	[tilespmem:$0x1EA70] =	vst v0;
	v0 =	vld [tilespmem:$0x1E080];
	_ =	sdelay $0x4  }
0xaa0: {  	vm7 =	vnez.u8 v0;
	v0 =	vld [tilespmem:$0x1E090];
	_ =	sdelay $0x4  }
0xaa1: {  	vm9 =	vnez.u8 v0  }
0xaa2: {  	v0 =	vimm.s32 $0x0;
	vm0 =	vmor vm7, vm9  }
0xaa3: {  	v0 =	vsel vm0, $0xFFFFFFFF, v0  }
0xaa4: {  	[tilespmem:$0x1EA80] =	vst v0;
	v0 =	vld [tilespmem:$0x1E0A0];
	_ =	sdelay $0x4  }
0xaa5: {  	vm4 =	vnez.u8 v0;
	v0 =	vld [tilespmem:$0x1E0B0];
	_ =	sdelay $0x4  }
0xaa6: {  	vm5 =	vnez.u8 v0  }
0xaa7: {  	v0 =	vimm.s32 $0x0;
	vm0 =	vmor vm4, vm5  }
0xaa8: {  	v0 =	vsel vm0, $0xFFFFFFFF, v0  }
0xaa9: {  	[tilespmem:$0x1EA90] =	vst v0;
	v0 =	vld [tilespmem:$0x1E0C0];
	_ =	sdelay $0x4  }
0xaaa: {  	vm7 =	vnez.u8 v0  }
0xaab: {  	v0 =	vimm.s32 $0x0;
	vm0 =	vmor vm7, vm8  }
0xaac: {  	v0 =	vsel vm0, $0xFFFFFFFF, v0  }
0xaad: {  	[tilespmem:$0x1EAB0] =	vst v0;
	v0 =	vld [tilespmem:$0x1E0D0];
	_ =	sdelay $0x4  }
0xaae: {  	vm9 =	vnez.u8 v0;
	v0 =	vld [tilespmem:$0x1E0E0];
	_ =	sdelay $0x4  }
0xaaf: {  	vm4 =	vnez.u8 v0  }
0xab0: {  	v0 =	vimm.s32 $0x0;
	vm0 =	vmor vm9, vm4  }
0xab1: {  	v0 =	vsel vm0, $0xFFFFFFFF, v0  }
0xab2: {  	[tilespmem:$0x1EAA0] =	vst v0;
	v0 =	vld [tilespmem:$0x1E0F0];
	_ =	sdelay $0x4  }
0xab3: {  	vm5 =	vnez.u8 v0;
	v0 =	vld [tilespmem:$0x1E100];
	_ =	sdelay $0x4  }
0xab4: {  	vm7 =	vnez.u8 v0;
	v0 =	vld [tilespmem:$0x1E110];
	_ =	sdelay $0x4  }
0xab5: {  	vm8 =	vnez.u8 v0;
	v0 =	vld [tilespmem:$0x1E120];
	_ =	sdelay $0x4  }
0xab6: {  	vm9 =	vnez.u8 v0  }
0xab7: {  	v0 =	vimm.s32 $0x0;
	vm0 =	vmor vm8, vm9  }
0xab8: {  	v0 =	vsel vm0, $0xFFFFFFFF, v0  }
0xab9: {  	[tilespmem:$0x1EAC0] =	vst v0;
	v0 =	vld [tilespmem:$0x1E130];
	_ =	sdelay $0x4  }
0xaba: {  	vm4 =	vnez.u8 v0;
	v0 =	vld [tilespmem:$0x1E140];
	_ =	sdelay $0x4  }
0xabb: {  	vm7 =	vmor vm5, vm7;
	vm5 =	vnez.u8 v0  }
0xabc: {  	v0 =	vimm.s32 $0x0;
	vm0 =	vmor vm4, vm5  }
0xabd: {  	v0 =	vsel vm0, $0xFFFFFFFF, v0  }
0xabe: {  	[tilespmem:$0x1EAD0] =	vst v0;
	v0 =	vld [tilespmem:$0x1E150];
	_ =	sdelay $0x4  }
0xabf: {  	vm8 =	vnez.u8 v0;
	v0 =	vld [tilespmem:$0x1E160];
	_ =	sdelay $0x4  }
0xac0: {  	vm9 =	vnez.u8 v0  }
0xac1: {  	v0 =	vimm.s32 $0x0;
	vm0 =	vmor vm8, vm9  }
0xac2: {  	v0 =	vsel vm0, $0xFFFFFFFF, v0  }
0xac3: {  	[tilespmem:$0x1EAE0] =	vst v0;
	v0 =	vld [tilespmem:$0x1E170];
	_ =	sdelay $0x4  }
0xac4: {  	vm4 =	vnez.u8 v0;
	v0 =	vld [tilespmem:$0x1E180];
	_ =	sdelay $0x4  }
0xac5: {  	vm5 =	vnez.u8 v0  }
0xac6: {  	v0 =	vimm.s32 $0x0;
	vm0 =	vmor vm4, vm5  }
0xac7: {  	v0 =	vsel vm0, $0xFFFFFFFF, v0  }
0xac8: {  	[tilespmem:$0x1EAF0] =	vst v0;
	v0 =	vld [tilespmem:$0x1E190];
	_ =	sdelay $0x4  }
0xac9: {  	vm8 =	vnez.u8 v0  }
0xaca: {  	v0 =	vimm.s32 $0x0;
	vm0 =	vmor vm8, vm1  }
0xacb: {  	v0 =	vsel vm0, $0xFFFFFFFF, v0  }
0xacc: {  	[tilespmem:$0x1EB00] =	vst v0;
	v0 =	vld [tilespmem:$0x1E1A0];
	_ =	sdelay $0x4  }
0xacd: {  	vm9 =	vnez.u8 v0;
	v0 =	vld [tilespmem:$0x1E1B0];
	_ =	sdelay $0x4  }
0xace: {  	vm4 =	vnez.u8 v0;
	v0 =	vld [tilespmem:$0x1E1C0];
	_ =	sdelay $0x4  }
0xacf: {  	vm5 =	vnez.u8 v0;
	v0 =	vld [tilespmem:$0x1E1D0];
	_ =	sdelay $0x4  }
0xad0: {  	vm8 =	vmor vm9, vm4;
	vm9 =	vnez.u8 v0;
	v0 =	vld [tilespmem:$0x1E1E0];
	_ =	sdelay $0x4  }
0xad1: {  	vm4 =	vnez.u8 v0;
	v0 =	vld [tilespmem:$0x1E1F0];
	_ =	sdelay $0x4  }
0xad2: {  	vm9 =	vmor vm5, vm9;
	vm5 =	vnez.u8 v0  }
0xad3: {  	v0 =	vimm.s32 $0x0;
	vm0 =	vmor vm4, vm5  }
0xad4: {  	v0 =	vsel vm0, $0xFFFFFFFF, v0  }
0xad5: {  	[tilespmem:$0x1EB10] =	vst v0;
	v0 =	vld [tilespmem:$0x1E200];
	_ =	sdelay $0x4  }
0xad6: {  	vm4 =	vnez.u8 v0;
	v0 =	vld [tilespmem:$0x1E210];
	_ =	sdelay $0x4  }
0xad7: {  	vm5 =	vnez.u8 v0  }
0xad8: {  	v0 =	vimm.s32 $0x0;
	vm0 =	vmor vm4, vm5  }
0xad9: {  	v0 =	vsel vm0, $0xFFFFFFFF, v0  }
0xada: {  	[tilespmem:$0x1EB20] =	vst v0;
	v0 =	vld [tilespmem:$0x1E220];
	_ =	sdelay $0x4  }
0xadb: {  	vm4 =	vnez.u8 v0;
	v0 =	vld [tilespmem:$0x1E230];
	_ =	sdelay $0x4  }
0xadc: {  	vm5 =	vnez.u8 v0  }
0xadd: {  	v0 =	vimm.s32 $0x0;
	vm0 =	vmor vm4, vm5  }
0xade: {  	v0 =	vsel vm0, $0xFFFFFFFF, v0  }
0xadf: {  	[tilespmem:$0x1EB30] =	vst v0;
	v0 =	vld [tilespmem:$0x1E240];
	_ =	sdelay $0x4  }
0xae0: {  	vm4 =	vnez.u8 v0;
	v0 =	vld [tilespmem:$0x1E250];
	_ =	sdelay $0x4  }
0xae1: {  	vm5 =	vnez.u8 v0  }
0xae2: {  	v0 =	vimm.s32 $0x0;
	vm0 =	vmor vm4, vm5  }
0xae3: {  	v0 =	vsel vm0, $0xFFFFFFFF, v0  }
0xae4: {  	[tilespmem:$0x1EB40] =	vst v0;
	v0 =	vld [tilespmem:$0x1E260];
	_ =	sdelay $0x4  }
0xae5: {  	vm4 =	vnez.u8 v0;
	v0 =	vld [tilespmem:$0x1E270];
	_ =	sdelay $0x4  }
0xae6: {  	vm5 =	vnez.u8 v0  }
0xae7: {  	v0 =	vimm.s32 $0x0;
	vm0 =	vmor vm4, vm5  }
0xae8: {  	v0 =	vsel vm0, $0xFFFFFFFF, v0  }
0xae9: {  	[tilespmem:$0x1EB50] =	vst v0;
	v0 =	vld [tilespmem:$0x1E280];
	_ =	sdelay $0x4  }
0xaea: {  	vm4 =	vnez.u8 v0;
	v0 =	vld [tilespmem:$0x1E290];
	_ =	sdelay $0x4  }
0xaeb: {  	vm5 =	vnez.u8 v0  }
0xaec: {  	v0 =	vimm.s32 $0x0;
	vm0 =	vmor vm4, vm5  }
0xaed: {  	v0 =	vsel vm0, $0xFFFFFFFF, v0  }
0xaee: {  	[tilespmem:$0x1EB70] =	vst v0;
	v0 =	vld [tilespmem:$0x1E2A0];
	_ =	sdelay $0x4  }
0xaef: {  	vm4 =	vnez.u8 v0;
	v0 =	vld [tilespmem:$0x1E2B0];
	_ =	sdelay $0x4  }
0xaf0: {  	vm5 =	vnez.u8 v0  }
0xaf1: {  	v0 =	vimm.s32 $0x0;
	vm0 =	vmor vm4, vm5  }
0xaf2: {  	v0 =	vsel vm0, $0xFFFFFFFF, v0  }
0xaf3: {  	[tilespmem:$0x1EB60] =	vst v0;
	v0 =	vld [tilespmem:$0x1E2C0];
	_ =	sdelay $0x4  }
0xaf4: {  	vm4 =	vnez.u8 v0;
	v0 =	vld [tilespmem:$0x1E2D0];
	_ =	sdelay $0x4  }
0xaf5: {  	vm5 =	vnez.u8 v0  }
0xaf6: {  	v0 =	vimm.s32 $0x0;
	vm0 =	vmor vm4, vm5  }
0xaf7: {  	v0 =	vsel vm0, $0xFFFFFFFF, v0  }
0xaf8: {  	[tilespmem:$0x1EB80] =	vst v0;
	v0 =	vld [tilespmem:$0x1E2E0];
	_ =	sdelay $0x4  }
0xaf9: {  	vm4 =	vnez.u8 v0;
	v0 =	vld [tilespmem:$0x1E2F0];
	_ =	sdelay $0x4  }
0xafa: {  	vm5 =	vnez.u8 v0;
	v0 =	vld [tilespmem:$0x1E300];
	_ =	sdelay $0x4  }
0xafb: {  	vm0 =	vnez.u8 v0;
	v0 =	vld [tilespmem:$0x1E310];
	_ =	sdelay $0x4  }
0xafc: {  	vm5 =	vmor vm4, vm5;
	vm4 =	vnez.u8 v0  }
0xafd: {  	v0 =	vimm.s32 $0x0;
	vm0 =	vmor vm0, vm4  }
0xafe: {  	v0 =	vsel vm0, $0xFFFFFFFF, v0  }
0xaff: {  	[tilespmem:$0x1EB90] =	vst v0;
	v0 =	vld [tilespmem:$0x1E320];
	_ =	sdelay $0x4  }
0xb00: {  	vm0 =	vnez.u8 v0;
	v0 =	vld [tilespmem:$0x1E330];
	_ =	sdelay $0x4  }
0xb01: {  	vm4 =	vnez.u8 v0  }
0xb02: {  	v0 =	vimm.s32 $0x0;
	vm0 =	vmor vm0, vm4  }
0xb03: {  	v0 =	vsel vm0, $0xFFFFFFFF, v0  }
0xb04: {  	[tilespmem:$0x1EBA0] =	vst v0;
	v0 =	vld [tilespmem:$0x1E340];
	_ =	sdelay $0x4  }
0xb05: {  	vm0 =	vnez.u8 v0;
	v0 =	vld [tilespmem:$0x1E350];
	_ =	sdelay $0x4  }
0xb06: {  	vm4 =	vnez.u8 v0  }
0xb07: {  	v0 =	vimm.s32 $0x0;
	vm0 =	vmor vm0, vm4  }
0xb08: {  	v0 =	vsel vm0, $0xFFFFFFFF, v0  }
0xb09: {  	[tilespmem:$0x1EBC0] =	vst v0;
	v0 =	vld [tilespmem:$0x1E360];
	_ =	sdelay $0x4  }
0xb0a: {  	vm0 =	vnez.u8 v0;
	v0 =	vld [tilespmem:$0x1E370];
	_ =	sdelay $0x4  }
0xb0b: {  	vm4 =	vnez.u8 v0  }
0xb0c: {  	v0 =	vimm.s32 $0x0;
	vm0 =	vmor vm0, vm4  }
0xb0d: {  	v0 =	vsel vm0, $0xFFFFFFFF, v0  }
0xb0e: {  	[tilespmem:$0x1EBD0] =	vst v0;
	v0 =	vld [tilespmem:$0x1E380];
	_ =	sdelay $0x4  }
0xb0f: {  	vm0 =	vnez.u8 v0;
	v0 =	vld [tilespmem:$0x1E390];
	_ =	sdelay $0x4  }
0xb10: {  	vm4 =	vnez.u8 v0  }
0xb11: {  	v0 =	vimm.s32 $0x0;
	vm0 =	vmor vm0, vm4  }
0xb12: {  	v0 =	vsel vm0, $0xFFFFFFFF, v0  }
0xb13: {  	[tilespmem:$0x1EBE0] =	vst v0;
	v0 =	vld [tilespmem:$0x1E3A0];
	_ =	sdelay $0x4  }
0xb14: {  	vm0 =	vnez.u8 v0;
	v0 =	vld [tilespmem:$0x1E3B0];
	_ =	sdelay $0x4  }
0xb15: {  	vm4 =	vnez.u8 v0  }
0xb16: {  	v0 =	vimm.s32 $0x0;
	vm0 =	vmor vm0, vm4  }
0xb17: {  	v0 =	vsel vm0, $0xFFFFFFFF, v0  }
0xb18: {  	[tilespmem:$0x1EBF0] =	vst v0;
	v0 =	vld [tilespmem:$0x1E3C0];
	_ =	sdelay $0x4  }
0xb19: {  	vm0 =	vnez.u8 v0;
	v0 =	vld [tilespmem:$0x1E3D0];
	_ =	sdelay $0x4  }
0xb1a: {  	vm4 =	vnez.u8 v0  }
0xb1b: {  	v0 =	vimm.s32 $0x0;
	vm0 =	vmor vm0, vm4  }
0xb1c: {  	v0 =	vsel vm0, $0xFFFFFFFF, v0  }
0xb1d: {  	[tilespmem:$0x1EC00] =	vst v0;
	v0 =	vld [tilespmem:$0x1E3E0];
	_ =	sdelay $0x4  }
0xb1e: {  	vm0 =	vnez.u8 v0;
	v0 =	vld [tilespmem:$0x1E3F0];
	_ =	sdelay $0x4  }
0xb1f: {  	vm4 =	vnez.u8 v0;
	v0 =	vld [tilespmem:$0x1E400];
	_ =	sdelay $0x4  }
0xb20: {  	vm1 =	vmor vm0, vm4;
	vm0 =	vnez.u8 v0;
	v0 =	vld [tilespmem:$0x1E410];
	_ =	sdelay $0x4  }
0xb21: {  	vm4 =	vnez.u8 v0  }
0xb22: {  	v0 =	vimm.s32 $0x0;
	vm0 =	vmor vm0, vm4  }
0xb23: {  	v0 =	vsel vm0, $0xFFFFFFFF, v0  }
0xb24: {  	[tilespmem:$0x1EBB0] =	vst v0;
	v0 =	vld [tilespmem:$0x1E420];
	_ =	sdelay $0x4  }
0xb25: {  	vm0 =	vnez.u8 v0;
	v0 =	vld [tilespmem:$0x1E430];
	_ =	sdelay $0x4  }
0xb26: {  	vm4 =	vnez.u8 v0  }
0xb27: {  	v0 =	vimm.s32 $0x0;
	vm0 =	vmor vm0, vm4  }
0xb28: {  	v0 =	vsel vm0, $0xFFFFFFFF, v0  }
0xb29: {  	[tilespmem:$0x1EC10] =	vst v0;
	v0 =	vld [tilespmem:$0x1E440];
	_ =	sdelay $0x4  }
0xb2a: {  	vm0 =	vnez.u8 v0;
	v0 =	vld [tilespmem:$0x1E450];
	_ =	sdelay $0x4  }
0xb2b: {  	vm4 =	vnez.u8 v0  }
0xb2c: {  	v0 =	vimm.s32 $0x0;
	vm0 =	vmor vm0, vm4  }
0xb2d: {  	v0 =	vsel vm0, $0xFFFFFFFF, v0  }
0xb2e: {  	[tilespmem:$0x1EC40] =	vst v0;
	v0 =	vld [tilespmem:$0x1E460];
	_ =	sdelay $0x4  }
0xb2f: {  	vm0 =	vnez.u8 v0;
	v0 =	vld [tilespmem:$0x1E470];
	_ =	sdelay $0x4  }
0xb30: {  	vm4 =	vnez.u8 v0  }
0xb31: {  	v0 =	vimm.s32 $0x0;
	vm0 =	vmor vm0, vm4  }
0xb32: {  	v0 =	vsel vm0, $0xFFFFFFFF, v0  }
0xb33: {  	[tilespmem:$0x1EC60] =	vst v0;
	v0 =	vld [tilespmem:$0x1E480];
	_ =	sdelay $0x4  }
0xb34: {  	vm0 =	vnez.u8 v0;
	v0 =	vld [tilespmem:$0x1E490];
	_ =	sdelay $0x4  }
0xb35: {  	vm4 =	vnez.u8 v0;
	v0 =	vld [tilespmem:$0x1E4A0];
	_ =	sdelay $0x4  }
0xb36: {  	vm2 =	vnez.u8 v0;
	v0 =	vld [tilespmem:$0x1E4B0];
	_ =	sdelay $0x4  }
0xb37: {  	vm3 =	vnez.u8 v0  }
0xb38: {  	v0 =	vimm.s32 $0x0;
	vm2 =	vmor vm2, vm3  }
0xb39: {  	v0 =	vsel vm2, $0xFFFFFFFF, v0  }
0xb3a: {  	[tilespmem:$0x1EC70] =	vst v0;
	v0 =	vld [tilespmem:$0x1E4C0];
	_ =	sdelay $0x4  }
0xb3b: {  	vm2 =	vnez.u8 v0;
	v0 =	vld [tilespmem:$0x1E4D0];
	_ =	sdelay $0x4  }
0xb3c: {  	vm3 =	vnez.u8 v0  }
0xb3d: {  	v0 =	vimm.s32 $0x0;
	vm2 =	vmor vm2, vm3  }
0xb3e: {  	v0 =	vsel vm2, $0xFFFFFFFF, v0  }
0xb3f: {  	[tilespmem:$0x1EC80] =	vst v0;
	v0 =	vld [tilespmem:$0x1E4E0];
	_ =	sdelay $0x4  }
0xb40: {  	vm2 =	vnez.u8 v0;
	v0 =	vld [tilespmem:$0x1E4F0];
	_ =	sdelay $0x4  }
0xb41: {  	vm3 =	vnez.u8 v0;
	v0 =	vld [tilespmem:$0x1E500];
	_ =	sdelay $0x4  }
0xb42: {  	vm2 =	vmor vm2, vm3;
	vm3 =	vnez.u8 v0;
	v0 =	vld [tilespmem:$0x1E510];
	_ =	sdelay $0x4  }
0xb43: {  	vm0 =	vmor vm0, vm4;
	vm4 =	vnez.u8 v0  }
0xb44: {  	v0 =	vimm.s32 $0x0;
	vm3 =	vmor vm3, vm4  }
0xb45: {  	v0 =	vsel vm3, $0xFFFFFFFF, v0  }
0xb46: {  	[tilespmem:$0x1EC90] =	vst v0;
	v0 =	vld [tilespmem:$0x1E520];
	_ =	sdelay $0x4  }
0xb47: {  	vm3 =	vnez.u8 v0;
	v0 =	vld [tilespmem:$0x1E530];
	_ =	sdelay $0x4  }
0xb48: {  	vm4 =	vnez.u8 v0  }
0xb49: {  	v0 =	vimm.s32 $0x0;
	vm3 =	vmor vm3, vm4  }
0xb4a: {  	v0 =	vsel vm3, $0xFFFFFFFF, v0  }
0xb4b: {  	[tilespmem:$0x1ECB0] =	vst v0;
	v0 =	vld [tilespmem:$0x1E540];
	_ =	sdelay $0x4  }
0xb4c: {  	vm3 =	vnez.u8 v0;
	v0 =	vld [tilespmem:$0x1E550];
	_ =	sdelay $0x4  }
0xb4d: {  	vm4 =	vnez.u8 v0  }
0xb4e: {  	v0 =	vimm.s32 $0x0;
	vm3 =	vmor vm3, vm4  }
0xb4f: {  	v0 =	vsel vm3, $0xFFFFFFFF, v0  }
0xb50: {  	[tilespmem:$0x1ECE0] =	vst v0;
	v0 =	vld [tilespmem:$0x1E560];
	_ =	sdelay $0x4  }
0xb51: {  	vm3 =	vnez.u8 v0;
	v0 =	vld [tilespmem:$0x1E570];
	_ =	sdelay $0x4  }
0xb52: {  	vm4 =	vnez.u8 v0  }
0xb53: {  	v0 =	vimm.s32 $0x0;
	vm3 =	vmor vm3, vm4  }
0xb54: {  	v0 =	vsel vm3, $0xFFFFFFFF, v0  }
0xb55: {  	[tilespmem:$0x1ED10] =	vst v0;
	v0 =	vld [tilespmem:$0x1E580];
	_ =	sdelay $0x4  }
0xb56: {  	vm3 =	vnez.u8 v0;
	v0 =	vld [tilespmem:$0x1E590];
	_ =	sdelay $0x4  }
0xb57: {  	vm4 =	vnez.u8 v0  }
0xb58: {  	v0 =	vimm.s32 $0x0;
	vm3 =	vmor vm3, vm4  }
0xb59: {  	v0 =	vsel vm3, $0xFFFFFFFF, v0  }
0xb5a: {  	[tilespmem:$0x1ED40] =	vst v0;
	v0 =	vld [tilespmem:$0x1E5A0];
	_ =	sdelay $0x4  }
0xb5b: {  	vm3 =	vnez.u8 v0  }
0xb5c: {  	v0 =	vsel vm3, $0x1, v1  }
0xb5d: {  	[tilespmem:$0x1EE20] =	vst v0;
	v0 =	vld [tilespmem:$0x1E5B0];
	_ =	sdelay $0x4  }
0xb5e: {  	vm3 =	vnez.u8 v0  }
0xb5f: {  	v0 =	vsel vm3, $0x1, v1  }
0xb60: {  	[tilespmem:$0x1ED50] =	vst v0;
	v0 =	vld [tilespmem:$0x1E5C0];
	_ =	sdelay $0x4  }
0xb61: {  	vm3 =	vnez.u8 v0  }
0xb62: {  	v0 =	vsel vm3, $0x1, v1  }
0xb63: {  	[tilespmem:$0x1ED60] =	vst v0;
	v0 =	vld [tilespmem:$0x1E5D0];
	_ =	sdelay $0x4  }
0xb64: {  	vm3 =	vnez.u8 v0  }
0xb65: {  	v0 =	vsel vm3, $0x1, v1  }
0xb66: {  	[tilespmem:$0x1EC30] =	vst v0;
	v0 =	vld [tilespmem:$0x1E5E0];
	_ =	sdelay $0x4  }
0xb67: {  	vm3 =	vnez.u8 v0  }
0xb68: {  	v0 =	vsel vm3, $0x1, v1  }
0xb69: {  	[tilespmem:$0x1EC20] =	vst v0;
	v0 =	vld [tilespmem:$0x1E5F0];
	_ =	sdelay $0x4  }
0xb6a: {  	vm3 =	vnez.u8 v0  }
0xb6b: {  	v0 =	vsel vm3, $0x1, v1  }
0xb6c: {  	[tilespmem:$0x1EDB0] =	vst v0;
	v0 =	vld [tilespmem:$0x1E600];
	_ =	sdelay $0x4  }
0xb6d: {  	vm3 =	vnez.u8 v0  }
0xb6e: {  	v0 =	vsel vm3, $0x1, v1  }
0xb6f: {  	[tilespmem:$0x1EE00] =	vst v0;
	v0 =	vld [tilespmem:$0x1E610];
	_ =	sdelay $0x4  }
0xb70: {  	vm3 =	vnez.u8 v0  }
0xb71: {  	v0 =	vsel vm3, $0x1, v1  }
0xb72: {  	[tilespmem:$0x1EE60] =	vst v0;
	v0 =	vld [tilespmem:$0x1E620];
	_ =	sdelay $0x4  }
0xb73: {  	vm3 =	vnez.u8 v0  }
0xb74: {  	v0 =	vsel vm3, $0x1, v1  }
0xb75: {  	[tilespmem:$0x1EE10] =	vst v0;
	v0 =	vld [tilespmem:$0x1E630];
	_ =	sdelay $0x4  }
0xb76: {  	vm3 =	vnez.u8 v0  }
0xb77: {  	v0 =	vsel vm3, $0x1, v1  }
0xb78: {  	[tilespmem:$0x1ED20] =	vst v0;
	v0 =	vld [tilespmem:$0x1E640];
	_ =	sdelay $0x4  }
0xb79: {  	vm3 =	vnez.u8 v0  }
0xb7a: {  	v0 =	vsel vm3, $0x1, v1  }
0xb7b: {  	[tilespmem:$0x1ED30] =	vst v0;
	v0 =	vld [tilespmem:$0x1E650];
	_ =	sdelay $0x4  }
0xb7c: {  	vm3 =	vnez.u8 v0  }
0xb7d: {  	v0 =	vsel vm3, $0x1, v1  }
0xb7e: {  	[tilespmem:$0x1F670] =	vst v0;
	v0 =	vld [tilespmem:$0x1E660];
	_ =	sdelay $0x4  }
0xb7f: {  	vm3 =	vnez.u8 v0  }
0xb80: {  	v0 =	vsel vm3, $0x1, v1  }
0xb81: {  	[tilespmem:$0x1F690] =	vst v0;
	v0 =	vld [tilespmem:$0x1E670];
	_ =	sdelay $0x4  }
0xb82: {  	vm3 =	vnez.u8 v0  }
0xb83: {  	v0 =	vsel vm3, $0x1, v1  }
0xb84: {  	[tilespmem:$0x1F6B0] =	vst v0;
	v0 =	vld [tilespmem:$0x1E680];
	_ =	sdelay $0x4  }
0xb85: {  	vm3 =	vnez.u8 v0  }
0xb86: {  	v0 =	vsel vm3, $0x1, v1  }
0xb87: {  	[tilespmem:$0x1EDE0] =	vst v0;
	v0 =	vld [tilespmem:$0x1E690];
	_ =	sdelay $0x4  }
0xb88: {  	vm3 =	vnez.u8 v0  }
0xb89: {  	v0 =	vsel vm3, $0x1, v1  }
0xb8a: {  	[tilespmem:$0x1EDD0] =	vst v0;
	v0 =	vld [tilespmem:$0x1E6A0];
	_ =	sdelay $0x4  }
0xb8b: {  	vm3 =	vnez.u8 v0  }
0xb8c: {  	v0 =	vsel vm3, $0x1, v1  }
0xb8d: {  	[tilespmem:$0x1ECF0] =	vst v0;
	v0 =	vld [tilespmem:$0x1E6B0];
	_ =	sdelay $0x4  }
0xb8e: {  	vm3 =	vnez.u8 v0  }
0xb8f: {  	v0 =	vsel vm3, $0x1, v1  }
0xb90: {  	[tilespmem:$0x1EDF0] =	vst v0;
	v0 =	vld [tilespmem:$0x1E6C0];
	_ =	sdelay $0x4  }
0xb91: {  	vm3 =	vnez.u8 v0  }
0xb92: {  	v0 =	vsel vm3, $0x1, v1  }
0xb93: {  	[tilespmem:$0x1ED00] =	vst v0;
	v0 =	vld [tilespmem:$0x1E6D0];
	_ =	sdelay $0x4  }
0xb94: {  	vm3 =	vnez.u8 v0  }
0xb95: {  	v0 =	vsel vm3, $0x1, v1  }
0xb96: {  	[tilespmem:$0x1F720] =	vst v0;
	v0 =	vld [tilespmem:$0x1E6E0];
	_ =	sdelay $0x4  }
0xb97: {  	vm3 =	vnez.u8 v0  }
0xb98: {  	v0 =	vsel vm3, $0x1, v1  }
0xb99: {  	[tilespmem:$0x1F740] =	vst v0;
	v0 =	vld [tilespmem:$0x1E6F0];
	_ =	sdelay $0x4  }
0xb9a: {  	vm3 =	vnez.u8 v0  }
0xb9b: {  	v0 =	vsel vm3, $0x1, v1  }
0xb9c: {  	[tilespmem:$0x1F760] =	vst v0;
	v0 =	vld [tilespmem:$0x1E700];
	_ =	sdelay $0x4  }
0xb9d: {  	vm3 =	vnez.u8 v0  }
0xb9e: {  	v0 =	vsel vm3, $0x1, v1  }
0xb9f: {  	[tilespmem:$0x1EDC0] =	vst v0;
	v0 =	vld [tilespmem:$0x1E710];
	_ =	sdelay $0x4  }
0xba0: {  	vm3 =	vnez.u8 v0  }
0xba1: {  	v0 =	vsel vm3, $0x1, v1  }
0xba2: {  	[tilespmem:$0x1EDA0] =	vst v0;
	v0 =	vld [tilespmem:$0x1E720];
	_ =	sdelay $0x4  }
0xba3: {  	vm3 =	vnez.u8 v0  }
0xba4: {  	v0 =	vsel vm3, $0x1, v1  }
0xba5: {  	[tilespmem:$0x1F7A0] =	vst v0;
	v0 =	vld [tilespmem:$0x1E730];
	_ =	sdelay $0x4  }
0xba6: {  	vm3 =	vnez.u8 v0  }
0xba7: {  	v0 =	vsel vm3, $0x1, v1  }
0xba8: {  	[tilespmem:$0x1ECC0] =	vst v0;
	v0 =	vld [tilespmem:$0x1E740];
	_ =	sdelay $0x4  }
0xba9: {  	vm3 =	vnez.u8 v0  }
0xbaa: {  	v0 =	vsel vm3, $0x1, v1  }
0xbab: {  	[tilespmem:$0x1ECD0] =	vst v0;
	v0 =	vld [tilespmem:$0x1E750];
	_ =	sdelay $0x4  }
0xbac: {  	vm3 =	vnez.u8 v0  }
0xbad: {  	v0 =	vsel vm3, $0x1, v1  }
0xbae: {  	[tilespmem:$0x1F7E0] =	vst v0;
	v0 =	vld [tilespmem:$0x1E760];
	_ =	sdelay $0x4  }
0xbaf: {  	vm3 =	vnez.u8 v0  }
0xbb0: {  	v0 =	vsel vm3, $0x1, v1  }
0xbb1: {  	[tilespmem:$0x1F800] =	vst v0;
	v0 =	vld [tilespmem:$0x1E770];
	_ =	sdelay $0x4  }
0xbb2: {  	vm3 =	vnez.u8 v0  }
0xbb3: {  	v0 =	vsel vm3, $0x1, v1  }
0xbb4: {  	[tilespmem:$0x1F820] =	vst v0;
	v0 =	vld [tilespmem:$0x1E780];
	_ =	sdelay $0x4  }
0xbb5: {  	vm3 =	vnez.u8 v0  }
0xbb6: {  	v0 =	vsel vm3, $0x1, v1  }
0xbb7: {  	[tilespmem:$0x1F840] =	vst v0;
	v0 =	vld [tilespmem:$0x1E790];
	_ =	sdelay $0x4  }
0xbb8: {  	vm3 =	vnez.u8 v0;
	v0 =	vld [tilespmem:$0x1E7A0];
	_ =	sdelay $0x4  }
0xbb9: {  	v43 =	vsel vm3, $0x1, v1;
	vm3 =	vnez.u8 v0;
	v0 =	vld [tilespmem:$0x1E7B0];
	_ =	sdelay $0x4  }
0xbba: {  	v40 =	vsel vm3, $0x1, v1;
	vm3 =	vnez.u8 v0;
	v0 =	vld [tilespmem:$0x1E7C0];
	_ =	sdelay $0x4  }
0xbbb: {  	v44 =	vsel vm3, $0x1, v1;
	vm3 =	vnez.u8 v0  }
0xbbc: {  	v0 =	vsel vm3, $0x1, v1  }
0xbbd: {  	[tilespmem:$0x1ECA0] =	vst v0;
	v0 =	vld [tilespmem:$0x1E7D0];
	_ =	sdelay $0x4  }
0xbbe: {  	vm3 =	vnez.u8 v0  }
0xbbf: {  	v0 =	vsel vm3, $0x1, v1  }
0xbc0: {  	[tilespmem:$0x1F8A0] =	vst v0;
	v0 =	vld [tilespmem:$0x1E7E0];
	_ =	sdelay $0x4  }
0xbc1: {  	vm3 =	vnez.u8 v0  }
0xbc2: {  	v0 =	vsel vm3, $0x1, v1  }
0xbc3: {  	[tilespmem:$0x1F8C0] =	vst v0;
	v0 =	vld [tilespmem:$0x1E7F0];
	_ =	sdelay $0x4  }
0xbc4: {  	vm3 =	vnez.u8 v0  }
0xbc5: {  	v0 =	vsel vm3, $0x1, v1  }
0xbc6: {  	[tilespmem:$0x1F8E0] =	vst v0;
	v0 =	vld [tilespmem:$0x1E800];
	_ =	sdelay $0x4  }
0xbc7: {  	vm3 =	vnez.u8 v0  }
0xbc8: {  	v0 =	vsel vm3, $0x1, v1  }
0xbc9: {  	[tilespmem:$0x1F900] =	vst v0;
	v0 =	vld [tilespmem:$0x1E810];
	_ =	sdelay $0x4  }
0xbca: {  	vm3 =	vnez.u8 v0  }
0xbcb: {  	v0 =	vsel vm3, $0x1, v1  }
0xbcc: {  	[tilespmem:$0x1F920] =	vst v0;
	v0 =	vld [tilespmem:$0x1E820];
	_ =	sdelay $0x4  }
0xbcd: {  	vm3 =	vnez.u8 v0;
	v0 =	vld [tilespmem:$0x1E830];
	_ =	sdelay $0x4  }
0xbce: {  	v54 =	vsel vm3, $0x1, v1;
	vm3 =	vnez.u8 v0  }
0xbcf: {  	v0 =	vsel vm3, $0x1, v1  }
0xbd0: {  	[tilespmem:$0x1F950] =	vst v0;
	v0 =	vld [tilespmem:$0x1E840];
	_ =	sdelay $0x4  }
0xbd1: {  	vm3 =	vnez.u8 v0;
	v0 =	vld [tilespmem:$0x1E850];
	_ =	sdelay $0x4  }
0xbd2: {  	v55 =	vsel vm3, $0x1, v1;
	vm3 =	vnez.u8 v0  }
0xbd3: {  	v0 =	vsel vm3, $0x1, v1  }
0xbd4: {  	[tilespmem:$0x1F980] =	vst v0;
	v0 =	vld [tilespmem:$0x1E860];
	_ =	sdelay $0x4  }
0xbd5: {  	vm3 =	vnez.u8 v0  }
0xbd6: {  	v0 =	vsel vm3, $0x1, v1  }
0xbd7: {  	[tilespmem:$0x1F9A0] =	vst v0;
	v0 =	vld [tilespmem:$0x1E870];
	_ =	sdelay $0x4  }
0xbd8: {  	vm3 =	vnez.u8 v0  }
0xbd9: {  	v0 =	vsel vm3, $0x1, v1  }
0xbda: {  	[tilespmem:$0x1F9C0] =	vst v0;
	v0 =	vld [tilespmem:$0x1E880];
	_ =	sdelay $0x4  }
0xbdb: {  	vm3 =	vnez.u8 v0  }
0xbdc: {  	v0 =	vsel vm3, $0x1, v1  }
0xbdd: {  	[tilespmem:$0x1F9E0] =	vst v0;
	v0 =	vld [tilespmem:$0x1E890];
	_ =	sdelay $0x4  }
0xbde: {  	vm3 =	vnez.u8 v0  }
0xbdf: {  	v0 =	vsel vm3, $0x1, v1  }
0xbe0: {  	[tilespmem:$0x1FA00] =	vst v0;
	v0 =	vld [tilespmem:$0x1E8A0];
	_ =	sdelay $0x4  }
0xbe1: {  	vm3 =	vnez.u8 v0  }
0xbe2: {  	v0 =	vsel vm3, $0x1, v1  }
0xbe3: {  	[tilespmem:$0x1FA20] =	vst v0;
	v0 =	vld [tilespmem:$0x1E8B0];
	_ =	sdelay $0x4  }
0xbe4: {  	vm3 =	vnez.u8 v0;
	v0 =	vld [tilespmem:$0x1E8C0];
	_ =	sdelay $0x4  }
0xbe5: {  	v53 =	vsel vm3, $0x1, v1;
	vm3 =	vnez.u8 v0;
	v0 =	vld [tilespmem:$0x1E8D0];
	_ =	sdelay $0x4  }
0xbe6: {  	v17 =	vsel vm3, $0x1, v1;
	vm3 =	vnez.u8 v0  }
0xbe7: {  	v0 =	vsel vm3, $0x1, v1  }
0xbe8: {  	[tilespmem:$0x1FA60] =	vst v0;
	v0 =	vld [tilespmem:$0x1E8E0];
	_ =	sdelay $0x4  }
0xbe9: {  	vm3 =	vnez.u8 v0  }
0xbea: {  	v0 =	vsel vm3, $0x1, v1  }
0xbeb: {  	[tilespmem:$0x1FA80] =	vst v0;
	v0 =	vld [tilespmem:$0x1E8F0];
	_ =	sdelay $0x4  }
0xbec: {  	vm3 =	vnez.u8 v0  }
0xbed: {  	v0 =	vsel vm3, $0x1, v1  }
0xbee: {  	[tilespmem:$0x1FAA0] =	vst v0;
	v0 =	vsel vm12, $0x1, v1  }
0xbef: {  	[tilespmem:$0x1FAC0] =	vst v0;
	v0 =	vld [tilespmem:$0x1E900];
	_ =	sdelay $0x4  }
0xbf0: {  	vm12 =	vnez.u8 v0  }
0xbf1: {  	v0 =	vsel vm12, $0x1, v1  }
0xbf2: {  	[tilespmem:$0x1FAE0] =	vst v0;
	v0 =	vld [tilespmem:$0x1E910];
	_ =	sdelay $0x4  }
0xbf3: {  	vm12 =	vnez.u8 v0  }
0xbf4: {  	v0 =	vsel vm12, $0x1, v1  }
0xbf5: {  	[tilespmem:$0x1FB00] =	vst v0;
	v0 =	vld [tilespmem:$0x1E920];
	_ =	sdelay $0x4  }
0xbf6: {  	vm12 =	vnez.u8 v0;
	v0 =	vld [tilespmem:$0x1E930];
	_ =	sdelay $0x4  }
0xbf7: {  	v52 =	vsel vm12, $0x1, v1;
	vm12 =	vnez.u8 v0;
	v0 =	vld [tilespmem:$0x1E940];
	_ =	sdelay $0x4  }
0xbf8: {  	v22 =	vsel vm12, $0x1, v1;
	vm12 =	vnez.u8 v0  }
0xbf9: {  	v0 =	vsel vm12, $0x1, v1  }
0xbfa: {  	[tilespmem:$0x1FB40] =	vst v0;
	v0 =	vld [tilespmem:$0x1E950];
	_ =	sdelay $0x4  }
0xbfb: {  	vm12 =	vnez.u8 v0  }
0xbfc: {  	v0 =	vsel vm12, $0x1, v1  }
0xbfd: {  	[tilespmem:$0x1FB60] =	vst v0;
	v0 =	vld [tilespmem:$0x1E960];
	_ =	sdelay $0x4  }
0xbfe: {  	vm12 =	vnez.u8 v0  }
0xbff: {  	v0 =	vsel vm12, $0x1, v1  }
0xc00: {  	[tilespmem:$0x1FB80] =	vst v0;
	v0 =	vld [tilespmem:$0x1E970];
	_ =	sdelay $0x4  }
0xc01: {  	vm12 =	vnez.u8 v0  }
0xc02: {  	v0 =	vsel vm12, $0x1, v1  }
0xc03: {  	[tilespmem:$0x1FBA0] =	vst v0;
	v0 =	vsel vm10, $0x1, v1  }
0xc04: {  	[tilespmem:$0x1FBC0] =	vst v0;
	v0 =	vld [tilespmem:$0x1E980];
	_ =	sdelay $0x4  }
0xc05: {  	v2 =	vsel vm13, $0x1, v1;
	vm13 =	vnez.u8 v0  }
0xc06: {  	v0 =	vsel vm13, $0x1, v1  }
0xc07: {  	[tilespmem:$0x1FBF0] =	vst v0;
	v0 =	vld [tilespmem:$0x1E990];
	_ =	sdelay $0x4  }
0xc08: {  	vm10 =	vnez.u8 v0;
	v0 =	vld [tilespmem:$0x1E9A0];
	_ =	sdelay $0x4  }
0xc09: {  	vm12 =	vnez.u8 v0;
	v0 =	vld [tilespmem:$0x1E9B0];
	_ =	sdelay $0x4  }
0xc0a: {  	vm13 =	vnez.u8 v0  }
0xc0b: {  	v0 =	vsel vm13, $0x1, v1  }
0xc0c: {  	[tilespmem:$0x1FC30] =	vst v0;
	v0 =	vld [tilespmem:$0x1E9C0];
	_ =	sdelay $0x4  }
0xc0d: {  	v4 =	vsel vm10, $0x1, v1;
	vm10 =	vnez.u8 v0  }
0xc0e: {  	v0 =	vsel vm10, $0x1, v1  }
0xc0f: {  	[tilespmem:$0x1FC50] =	vst v0;
	v0 =	vsel vm14, $0x1, v1  }
0xc10: {  	[tilespmem:$0x1FC70] =	vst v0;
	v0 =	vsel vm15, $0x1, v1  }
0xc11: {  	[tilespmem:$0x1FC90] =	vst v0;
	v0 =	vld [tilespmem:$0x1E9D0];
	_ =	sdelay $0x4  }
0xc12: {  	v3 =	vsel vm12, $0x1, v1;
	vm12 =	vnez.u8 v0  }
0xc13: {  	v0 =	vsel vm12, $0x1, v1  }
0xc14: {  	[tilespmem:$0x1FCB0] =	vst v0;
	v0 =	vld [tilespmem:$0x1E9E0];
	_ =	sdelay $0x4  }
0xc15: {  	vm13 =	vnez.u8 v0;
	v0 =	vld [tilespmem:$0x1E9F0];
	_ =	sdelay $0x4  }
0xc16: {  	vm14 =	vnez.u8 v0;
	v0 =	vld [tilespmem:$0x1EA00];
	_ =	sdelay $0x4  }
0xc17: {  	vm15 =	vnez.u8 v0;
	v0 =	vld [tilespmem:$0x1EA10];
	_ =	sdelay $0x4  }
0xc18: {  	vm10 =	vnez.u8 v0;
	v0 =	vld [tilespmem:$0x1EA20];
	_ =	sdelay $0x4  }
0xc19: {  	vm12 =	vnez.u8 v0;
	v0 =	vsel vm6, $0x1, v1  }
0xc1a: {  	[tilespmem:$0x1FD20] =	vst v0;
	v0 =	vld [tilespmem:$0x1EA30];
	_ =	sdelay $0x4  }
0xc1b: {  	v60 =	vsel vm13, $0x1, v1;
	vm13 =	vnez.u8 v0  }
0xc1c: {  	v0 =	vsel vm13, $0x1, v1  }
0xc1d: {  	[tilespmem:$0x1FD40] =	vst v0;
	v0 =	vsel vm11, $0x1, v1  }
0xc1e: {  	[tilespmem:$0x1FD60] =	vst v0;
	v0 =	vld [tilespmem:$0x1EA40];
	_ =	sdelay $0x4  }
0xc1f: {  	v61 =	vsel vm14, $0x1, v1;
	vm14 =	vnez.u8 v0;
	v0 =	vld [tilespmem:$0x1EA50];
	_ =	sdelay $0x4  }
0xc20: {  	v6 =	vsel vm15, $0x1, v1;
	vm15 =	vnez.u8 v0;
	v0 =	vld [tilespmem:$0x1EA60];
	_ =	sdelay $0x4  }
0xc21: {  	vm6 =	vnez.u8 v0  }
0xc22: {  	v0 =	vsel vm6, $0x1, v1  }
0xc23: {  	[tilespmem:$0x1EE40] =	vst v0;
	v0 =	vld [tilespmem:$0x1EA70];
	_ =	sdelay $0x4  }
0xc24: {  	v7 =	vsel vm10, $0x1, v1;
	vm10 =	vnez.u8 v0;
	v0 =	vld [tilespmem:$0x1EA80];
	_ =	sdelay $0x4  }
0xc25: {  	vm11 =	vnez.u8 v0;
	v0 =	vld [tilespmem:$0x1EA90];
	_ =	sdelay $0x4  }
0xc26: {  	v8 =	vsel vm12, $0x1, v1;
	vm12 =	vnez.u8 v0;
	v0 =	vld [tilespmem:$0x1EAA0];
	_ =	sdelay $0x4  }
0xc27: {  	vm13 =	vnez.u8 v0;
	v0 =	vld [tilespmem:$0x1EAB0];
	_ =	sdelay $0x4  }
0xc28: {  	v62 =	vsel vm14, $0x1, v1;
	vm14 =	vnez.u8 v0;
	v0 =	vld [tilespmem:$0x1EAC0];
	_ =	sdelay $0x4  }
0xc29: {  	v63 =	vsel vm15, $0x1, v1;
	vm15 =	vnez.u8 v0;
	v0 =	vld [tilespmem:$0x1EAD0];
	_ =	sdelay $0x4  }
0xc2a: {  	vm6 =	vnez.u8 v0;
	v0 =	vld [tilespmem:$0x1EAE0];
	_ =	sdelay $0x1  }
0xc2b: {  	v27 =	vld [tilespmem:$0x1EB60];
	_ =	sdelay $0x2  }
0xc2c: {  	v41 =	vsel vm7, $0x1, v1;
	vm7 =	vnez.u8 v0;
	v0 =	vld [tilespmem:$0x1EAF0];
	_ =	sdelay $0x1  }
0xc2d: {  	v19 =	vsel vm7, $0x1, v1;
	vm7 =	vnez.u8 v27;
	v27 =	vld [tilespmem:$0x1EB70];
	_ =	sdelay $0x2  }
0xc2e: {  	v47 =	vsel vm10, $0x1, v1;
	vm10 =	vnez.u8 v0;
	v0 =	vld [tilespmem:$0x1EB00];
	_ =	sdelay $0x1  }
0xc2f: {  	v35 =	vsel vm8, $0x1, v1;
	vm8 =	vnez.u8 v27;
	v27 =	vld [tilespmem:$0x1EB80];
	_ =	sdelay $0x2  }
0xc30: {  	v48 =	vsel vm11, $0x1, v1;
	vm11 =	vnez.u8 v0;
	v0 =	vld [tilespmem:$0x1EB10];
	_ =	sdelay $0x1  }
0xc31: {  	v34 =	vsel vm9, $0x1, v1;
	v28 =	vsel vm2, $0x1, v1;
	vm9 =	vnez.u8 v27;
	v27 =	vld [tilespmem:$0x1EB90]  }
0xc32: {  	v28 =	vadd.s32 v28, v30;
	v30 =	vld [tilespmem:$0x1EBB0];
	_ =	sdelay $0x1  }
0xc33: {  	v23 =	vsel vm12, $0x1, v1;
	vm12 =	vnez.u8 v0;
	v0 =	vld [tilespmem:$0x1EB20];
	_ =	sdelay $0x1  }
0xc34: {  	v20 =	vsel vm10, $0x1, v1;
	vm10 =	vnez.u8 v27;
	v27 =	vld [tilespmem:$0x1EBA0]  }
0xc35: {  	v46 =	vsel vm12, $0x1, v1;
	vm12 =	vnez.u8 v30  }
0xc36: {  	v36 =	vsel vm13, $0x1, v1;
	v24 =	vsel vm15, $0x1, v1;
	v30 =	vsel vm12, $0x1, v1  }
0xc37: {  	v49 =	vsel vm10, $0x1, v1;
	v28 =	vadd.s32 v30, v28;
	vm13 =	vnez.u8 v0  }
0xc38: {  	v39 =	vsel vm11, $0x1, v1;
	v28 =	vadd.s32 v49, v28;
	v0 =	vsel vm13, $0x1, v1  }
0xc39: {  	vm11 =	vnez.u8 v27;
	v27 =	vsel vm0, $0x1, v1;
	v0 =	vadd.s32 v0, v28  }
0xc3a: {  	v29 =	vsel vm1, $0x1, v1;
	v27 =	vadd.s32 v27, v59;
	v0 =	vadd.s32 v24, v0;
	v24 =	vld [tilespmem:$0x1EC00]  }
0xc3b: {  	v45 =	vsel vm9, $0x1, v1;
	v27 =	vadd.s32 v29, v27  }
0xc3c: {  	v27 =	vadd.s32 v45, v27  }
0xc3d: {  	v27 =	vadd.s32 v46, v27  }
0xc3e: {  	v27 =	vadd.s32 v41, v27  }
0xc3f: {  	v37 =	vsel vm5, $0x1, v1;
	vm5 =	vnez.u8 v24;
	v24 =	vadd.s32 v62, v27  }
0xc40: {  	v24 =	vadd.s32 v60, v24  }
0xc41: {  	v24 =	vadd.s32 v2, v24;
	v2 =	vld [tilespmem:$0x1EC60];
	_ =	sdelay $0x4  }
0xc42: {  	v38 =	vsel vm8, $0x1, v1;
	vm8 =	vnez.u8 v2;
	v2 =	vld [tilespmem:$0x1EC70];
	_ =	sdelay $0x4  }
0xc43: {  	vm9 =	vnez.u8 v2;
	v2 =	vld [tilespmem:$0x1EC80];
	_ =	sdelay $0x4  }
0xc44: {  	vm10 =	vnez.u8 v2;
	v2 =	vld [tilespmem:$0x1EC90];
	_ =	sdelay $0x3  }
0xc45: {  	v0 =	vadd.s32 v63, v0  }
0xc46: {  	v31 =	vsel vm11, $0x1, v1;
	v0 =	vadd.s32 v61, v0;
	vm11 =	vnez.u8 v2;
	v2 =	vld [tilespmem:$0x1ECA0]  }
0xc47: {  	v0 =	vadd.s32 v4, v0  }
0xc48: {  	v0 =	vadd.s32 v22, v0  }
0xc49: {  	v0 =	vadd.s32 v17, v0  }
0xc4a: {  	v0 =	vadd.s32 v55, v0  }
0xc4b: {  	v0 =	vadd.s32 v2, v0;
	v2 =	vld [tilespmem:$0x1ECB0];
	_ =	sdelay $0x4  }
0xc4c: {  	vm12 =	vnez.u8 v2;
	v2 =	vld [tilespmem:$0x1ECC0]  }
0xc4d: {  	v24 =	vadd.s32 v52, v24  }
0xc4e: {  	v24 =	vadd.s32 v53, v24  }
0xc4f: {  	v24 =	vadd.s32 v54, v24  }
0xc50: {  	v24 =	vadd.s32 v44, v24  }
0xc51: {  	v24 =	vadd.s32 v2, v24;
	v2 =	vld [tilespmem:$0x1ECD0];
	_ =	sdelay $0x3  }
0xc52: {  	v29 =	vld [tilespmem:$0x1EBC0]  }
0xc53: {  	v0 =	vadd.s32 v2, v0;
	v2 =	vld [tilespmem:$0x1ECE0];
	_ =	sdelay $0x3  }
0xc54: {  	vm13 =	vnez.u8 v29  }
0xc55: {  	v29 =	vsel vm13, $0x1, v1;
	vm13 =	vnez.u8 v2;
	v2 =	vld [tilespmem:$0x1ECF0];
	_ =	sdelay $0x4  }
0xc56: {  	v24 =	vadd.s32 v2, v24;
	v2 =	vld [tilespmem:$0x1ED00];
	_ =	sdelay $0x2  }
0xc57: {  	v21 =	vld [tilespmem:$0x1EB30]  }
0xc58: {  	v30 =	vld [tilespmem:$0x1EBD0]  }
0xc59: {  	v0 =	vadd.s32 v2, v0;
	v2 =	vld [tilespmem:$0x1ED10];
	_ =	sdelay $0x2  }
0xc5a: {  	v5 =	vsel vm14, $0x1, v1;
	vm14 =	vnez.u8 v21  }
0xc5b: {  	v21 =	vsel vm14, $0x1, v1;
	vm14 =	vnez.u8 v30  }
0xc5c: {  	v30 =	vsel vm14, $0x1, v1;
	vm14 =	vnez.u8 v2;
	v2 =	vld [tilespmem:$0x1ED20];
	_ =	sdelay $0x4  }
0xc5d: {  	v24 =	vadd.s32 v2, v24;
	v2 =	vld [tilespmem:$0x1ED30];
	_ =	sdelay $0x2  }
0xc5e: {  	v25 =	vld [tilespmem:$0x1EB40]  }
0xc5f: {  	v59 =	vld [tilespmem:$0x1EBE0]  }
0xc60: {  	v0 =	vadd.s32 v2, v0;
	v2 =	vld [tilespmem:$0x1ED40];
	_ =	sdelay $0x2  }
0xc61: {  	vm15 =	vnez.u8 v25  }
0xc62: {  	v25 =	vsel vm15, $0x1, v1;
	vm15 =	vnez.u8 v59  }
0xc63: {  	v45 =	vsel vm15, $0x1, v1;
	vm15 =	vnez.u8 v2;
	v2 =	vld [tilespmem:$0x1ED50];
	_ =	sdelay $0x2  }
0xc64: {  	v28 =	vld [tilespmem:$0x1EBF0];
	_ =	sdelay $0x1  }
0xc65: {  	v59 =	vadd.s32 v2, v24;
	v2 =	vld [tilespmem:$0x1ED60];
	_ =	sdelay $0x1  }
0xc66: {  	v26 =	vld [tilespmem:$0x1EB50]  }
0xc67: {  	vm4 =	vnez.u8 v28;
	v28 =	vld [tilespmem:$0x1EC40]  }
0xc68: {  	v27 =	vld [tilespmem:$0x1EC10]  }
0xc69: {  	v17 =	vadd.s32 v2, v0;
	v0 =	vld [tilespmem:$0x1ED70]  }
0xc6a: {  	v2 =	vld [tilespmem:$0x1ED80]  }
0xc6b: {  	v18 =	vsel vm6, $0x1, v1;
	vm6 =	vnez.u8 v26;
	v61 =	vld [tilespmem:$0x1EC30]  }
0xc6c: {  	v26 =	vsel vm6, $0x1, v1;
	v4 =	vld [tilespmem:$0x1EC50]  }
0xc6d: {  	v42 =	vsel vm7, $0x1, v1;
	v22 =	vld [tilespmem:$0x1EE60];
	vm7 =	vnez.u8 v28;
	vm6 =	vnez.u8 v27  }
0xc6e: {  	v60 =	vld [tilespmem:$0x1EC20];
	v28 =	vsel vm7, $0x1, v1;
	v54 =	vsel vm11, $0x1, v1;
	v55 =	vsel vm12, $0x1, v1  }
0xc6f: {  	v27 =	vsel vm6, $0x1, v1;
	v0 =	vadd.s32 v54, v0;
	v24 =	vadd.s32 v55, v2;
	v2 =	vld [tilespmem:$0x1ED90]  }
0xc70: {  	v0 =	vadd.s32 v27, v0;
	v24 =	vadd.s32 v28, v24;
	v28 =	vld [tilespmem:$0x1EDA0]  }
0xc71: {  	v0 =	vadd.s32 v31, v0;
	v31 =	vld [tilespmem:$0x1EDB0]  }
0xc72: {  	v24 =	vadd.s32 v29, v24;
	v29 =	vld [tilespmem:$0x1EDC0]  }
0xc73: {  	v0 =	vadd.s32 v21, v0;
	v21 =	vadd.s32 v25, v24;
	v25 =	vld [tilespmem:$0x1EDE0]  }
0xc74: {  	v44 =	vsel vm13, $0x1, v1;
	v0 =	vadd.s32 v18, v0;
	v18 =	vadd.s32 v19, v21;
	v21 =	vld [tilespmem:$0x1EE10]  }
0xc75: {  	v49 =	vsel vm8, $0x1, v1;
	v44 =	vadd.s32 v44, v2;
	v2 =	vld [tilespmem:$0x1EE40]  }
0xc76: {  	v47 =	vadd.s32 v47, v18;
	v18 =	vld [tilespmem:$0x1EE50];
	v27 =	vadd.s32 v49, v44  }
0xc77: {  	p0 =	sne.s32 s19, $0x7F;
	v27 =	vadd.s32 v30, v27;
	v30 =	vld [tilespmem:$0x1EDD0]  }
.Ltmp0:
0xc78: {  	v24 =	vadd.s32 v26, v27;
	v27 =	vld [tilespmem:$0x1EDF0];
	(pc) =	sbr.rel @p0 .LBB2_3-.Ltmp0, $4  }
0xc79: {  	v46 =	vsel vm4, $0x1, v1;
	v26 =	vld [tilespmem:$0x1EE00]  }
0xc7a: {  	v41 =	vsel vm5, $0x1, v1;
	v52 =	vsel vm9, $0x1, v1;
	v19 =	vadd.s32 v20, v24;
	v24 =	vld [tilespmem:$0x1EE20]  }
0xc7b: {  	v63 =	vmovc v43;
	v62 =	vmovc v40;
	v53 =	vsel vm10, $0x1, v1;
	v40 =	vsel vm14, $0x1, v1;
	v43 =	vsel vm15, $0x1, v1;
	v20 =	vld [tilespmem:$0x1EE30]  }
0xc7c: {  	s19 =	sadd.s32 $0x10, s19;
	v49 =	vlaneseq.u32;
	v44 =	vadd.s32 v2, v0;
	v48 =	vadd.s32 v48, v19;
	v19 =	vld [tilespmem:$0x1EE70]  }
0xc7d: {  	v2 =	vld [tilespmem:$0x1FC30]  }
0xc7e: {  	v55 =	vld [tilespmem:$0x1FB40]  }
0xc7f: {  	v9 =	vld [tilespmem:$0x1FB60]  }
0xc80: {  	v10 =	vld [tilespmem:$0x1FB80]  }
0xc81: {  	v11 =	vld [tilespmem:$0x1FA60]  }
0xc82: {  	v12 =	vld [tilespmem:$0x1FA80]  }
0xc83: {  	v13 =	vld [tilespmem:$0x1FAA0]  }
0xc84: {  	v14 =	vld [tilespmem:$0x1F980]  }
0xc85: {  	v15 =	vld [tilespmem:$0x1F9A0]  }
0xc86: {  	v0 =	vadd.s32 v6, v44;
	v44 =	vld [tilespmem:$0x1F8C0]  }
0xc87: {  	v54 =	vadd.s32 v8, v48;
	v48 =	vld [tilespmem:$0x1F7E0]  }
0xc88: {  	v0 =	vadd.s32 v3, v0;
	v3 =	vld [tilespmem:$0x1FC50]  }
0xc89: {  	v16 =	vadd.s32 v20, v18;
	v18 =	vld [tilespmem:$0x1F9C0]  }
0xc8a: {  	v20 =	vld [tilespmem:$0x1F8A0]  }
0xc8b: {  	v6 =	vadd.s32 v41, v16;
	v41 =	vld [tilespmem:$0x1FD60]  }
0xc8c: {  	v47 =	vadd.s32 v7, v47;
	v16 =	vadd.s32 v43, v4;
	v43 =	vld [tilespmem:$0x1FC90]  }
0xc8d: {  	v2 =	vadd.s32 v2, v47;
	v47 =	vld [tilespmem:$0x1F8E0]  }
0xc8e: {  	v0 =	vadd.s32 v55, v0;
	v55 =	vld [tilespmem:$0x1F820]  }
0xc8f: {  	v6 =	vadd.s32 v42, v6;
	v42 =	vld [tilespmem:$0x1FC70]  }
0xc90: {  	v8 =	vadd.s32 v53, v16;
	v53 =	vld [tilespmem:$0x1F6B0]  }
0xc91: {  	v3 =	vadd.s32 v3, v54;
	v54 =	vld [tilespmem:$0x1F800]  }
0xc92: {  	v2 =	vadd.s32 v9, v2;
	v9 =	vld [tilespmem:$0x1F720]  }
0xc93: {  	v0 =	vadd.s32 v11, v0;
	v11 =	vld [tilespmem:$0x1F760]  }
0xc94: {  	v6 =	vadd.s32 v39, v6;
	v39 =	vld [tilespmem:$0x1FD40]  }
0xc95: {  	v8 =	vadd.s32 v46, v8;
	v46 =	vld [tilespmem:$0x1FAE0]  }
0xc96: {  	v3 =	vadd.s32 v10, v3;
	v10 =	vld [tilespmem:$0x1F740]  }
0xc97: {  	v2 =	vadd.s32 v12, v2;
	v12 =	vld [tilespmem:$0x1FD20]  }
0xc98: {  	v0 =	vadd.s32 v14, v0;
	v14 =	vadd.s32 v40, v19;
	v19 =	vld [tilespmem:$0x1FAC0]  }
0xc99: {  	v6 =	vadd.s32 v36, v6;
	v36 =	vld [tilespmem:$0x1F920]  }
0xc9a: {  	v40 =	vld [tilespmem:$0x1F7A0]  }
0xc9b: {  	v3 =	vadd.s32 v13, v3;
	v2 =	vadd.s32 v15, v2;
	v15 =	vld [tilespmem:$0x1FCB0]  }
0xc9c: {  	v3 =	vadd.s32 v18, v3;
	v18 =	vld [tilespmem:$0x1FBC0]  }
0xc9d: {  	v13 =	vld [tilespmem:$0x1F670]  }
0xc9e: {  	v8 =	vadd.s32 v37, v8;
	v0 =	vadd.s32 v20, v0;
	v7 =	vadd.s32 v52, v14;
	v20 =	vld [tilespmem:$0x1FA20]  }
0xc9f: {  	v8 =	vadd.s32 v34, v8;
	v52 =	vld [tilespmem:$0x1F9E0];
	v7 =	vadd.s32 v45, v7;
	v6 =	vadd.s32 v12, v6  }
0xca0: {  	v2 =	vadd.s32 v44, v2;
	v7 =	vadd.s32 v38, v7;
	v38 =	vld [tilespmem:$0x1F840];
	v6 =	vadd.s32 v15, v6  }
0xca1: {  	v0 =	vadd.s32 v48, v0;
	v5 =	vadd.s32 v5, v8;
	v44 =	vld [tilespmem:$0x1FBA0];
	v6 =	vadd.s32 v18, v6  }
0xca2: {  	v45 =	vld [tilespmem:$0x1FBF0];
	v3 =	vadd.s32 v47, v3;
	v5 =	vadd.s32 v41, v5;
	v6 =	vadd.s32 v19, v6  }
0xca3: {  	v48 =	vld [tilespmem:$0x1FB00];
	v2 =	vadd.s32 v54, v2;
	v3 =	vadd.s32 v55, v3;
	v6 =	vadd.s32 v20, v6  }
0xca4: {  	v47 =	vld [tilespmem:$0x1F690];
	v0 =	vadd.s32 v9, v0;
	v7 =	vadd.s32 v35, v7;
	v6 =	vadd.s32 v36, v6  }
0xca5: {  	v5 =	vadd.s32 v43, v5;
	v54 =	vld [tilespmem:$0x1FA00];
	v37 =	vadd.s32 v23, v7;
	v6 =	vadd.s32 v38, v6  }
0xca6: {  	v55 =	vld [tilespmem:$0x1F900];
	v0 =	vadd.s32 v13, v0;
	v4 =	vadd.s32 v39, v37;
	v6 =	vadd.s32 v40, v6  }
0xca7: {  	v4 =	vadd.s32 v42, v4;
	v0 =	vadd.s32 v61, v0;
	v61 =	vld [tilespmem:$0x1F950];
	v6 =	vadd.s32 v30, v6  }
0xca8: {  	v2 =	vadd.s32 v10, v2;
	v4 =	vadd.s32 v44, v4;
	v6 =	vadd.s32 v26, v6  }
0xca9: {  	v5 =	vadd.s32 v45, v5;
	v4 =	vadd.s32 v46, v4;
	v6 =	vadd.s32 v24, v6  }
0xcaa: {  	v3 =	vadd.s32 v11, v3;
	v5 =	vadd.s32 v48, v5;
	v4 =	vadd.s32 v52, v4;
	[tilespmem:s11+$0x200] =	vst v6  }
0xcab: {  	s10 =	sadd.s32 $0x1, s10;
	v3 =	vadd.s32 v53, v3;
	v5 =	vadd.s32 v54, v5;
	v4 =	vadd.s32 v55, v4;
	[tilespmem:s18+$0x200] =	vst v59  }
0xcac: {  	p0 =	sne.s32 s10, $0x4;
	v2 =	vadd.s32 v47, v2;
	v5 =	vadd.s32 v61, v5;
	v4 =	vadd.s32 v63, v4;
	[tilespmem:s16+$0x200] =	vst v17  }
.Ltmp1:
0xcad: {  	v2 =	vadd.s32 v60, v2;
	v5 =	vadd.s32 v62, v5;
	v4 =	vadd.s32 v29, v4;
	[tilespmem:s17+$0x200] =	vst v0;
	(pc) =	sbr.rel @p0 .LBB2_2-.Ltmp1, $4  }
0xcae: {  	v4 =	vadd.s32 v25, v4;
	v0 =	vadd.s32 v31, v3;
	v3 =	vadd.s32 v28, v5;
	[tilespmem:s15+$0x200] =	vst v2  }
0xcaf: {  	v2 =	vadd.s32 v27, v3;
	v3 =	vadd.s32 v22, v4;
	[tilespmem:s12+$0x200] =	vst v0  }
0xcb0: {  	v0 =	vadd.s32 v21, v2;
	[tilespmem:s14+$0x200] =	vst v3  }
0xcb1: {  	s9 =	sadd.s32 $0x80, s9;
	[tilespmem:s13+$0x200] =	vst v0  }
0xcb2: {  	s8 =	sadd.s32 $0x1, s8  }
0xcb3: {  	p0 =	sne.s32 s8, s5  }
.Ltmp2:
0xcb4: {  	_ = 	snop;
	(pc) =	sbr.rel @p0 .LBB2_1-.Ltmp2, $4  }
0xcb5: {  	[hbm4b:s4+s2] =	stream.linear.scatter [tilespmem:s7], [sflag:$0x1], $0x200, $0x38;
	[tilespmem:$0x400] =	vst v63  }
0xcb6: {  	_ =	swait.ge [sflag:s6], $0x200  }
0xcb7: {  	[sflag:s6] =	ssyncset.done $0x0  }
0xcb8: {  	[sflag:s6] =	ssyncadd.s32 $0xFFFFFE00  }
0xcb9: {  	_ =	sfence.sel $0x180000  }
0xcba: {  	[bflag:$0x0] =	sbarrier.arrive $0xFFFF  }
0xcbb: {  	p0 =	sne.s32 s1, $0x0;
	_ =	strace $0x90000047  }
0xcbc: {  	s0 =	sadd.s32 @!p0 $0x100000, s0;
	[bflag:$0x2] =	sbarrier.arrive $0xFFFF  }
0xcbd: {  	[sflag:s0] =	ssyncadd.tile.s32 @!p0 $0x1;
	_ =	shalt  }
.Lfunc_end2:
_tile_overlayer_lowered:
.L_overlay_start_2:
0xcbe: {  	(tag) =	ssettag $0x2  }
0xcbf: {  	s0 =	rddreg [dreg:$0x0];
	s2 =	stileid.u32  }
0xcc0: {  	s1 =	rddreg [dreg:$0x1];
	p0 =	sne.s32 s2, $0x0  }
0xcc1: {  	s3 =	rddreg [dreg:$0x2];
	[bflag:$0x3] =	sbarrier.arrive $0xFFFF;
	s2 =	simm.s32 @!p0 $0x1C01  }
0xcc2: {  	[timem:s3], [sflag:s2] =	dma.local @!p0 [hbm:s0], s1  }
0xcc3: {  	s0 =	simm.s32 @!p0 $0x1  }
0xcc4: {  	_ =	swait.ge @!p0 [sflag:s0], s1  }
0xcc5: {  	s1 =	ssub.s32 @!p0 $0x0, s1;
	[sflag:s0] =	ssyncset.done @!p0 $0x0  }
0xcc6: {  	[sflag:s0] =	ssyncadd.s32 @!p0 s1  }
0xcc7: {  	[bflag:$0x3] =	sbarrier.arrive $0xFFFF  }
0xcc8: {  	_ =	shalt  }

</sc_bundles>
